<compile_context>
chip_gen: v7x
topology: tpu7x:2x2x1
jax: 0.10.2.dev20260603
libtpu: 0.0.44.dev20260713+nightly
codegen_flags: <defaults>
</compile_context>

<pallas_src>
import functools

import jax
import jax.numpy as jnp
from jax import lax
from jax.experimental import pallas as pl
from jax.experimental.pallas import tpu as pltpu
from jax.experimental.pallas import tpu_sc as plsc

NC = 2
NS = 16


def _sc_mesh():
    return plsc.VectorSubcoreMesh(
        core_axis_name="c", subcore_axis_name="s", num_cores=NC, num_subcores=NS
    )


def _zero_phase(zeros_hbm, bounce, acc, s, rb, nblk, nrb):
    pltpu.sync_copy(zeros_hbm, bounce)
    for j in range(nrb):
        bid = s * nrb + j

        @pl.when(bid < nblk)
        def _():
            pltpu.sync_copy(bounce, acc.at[pl.ds(bid * rb, rb)])


def _copy_out_phase(acc, bounce, out_hbm, c, s, n, rb, nblk, nrb):
    for j in range(nrb):
        bid = s * nrb + j

        @pl.when(bid < nblk)
        def _():
            pltpu.sync_copy(acc.at[pl.ds(bid * rb, rb)], bounce)
            pltpu.sync_copy(bounce, out_hbm.at[pl.ds(c * n + bid * rb, rb)])


def _make_deg(n, e, w=128):
    ch = 128
    tot = (e // NC) // ch
    ncs = tot // NS
    rem = tot % NS
    assert ncs % 3 == 0
    rb = 80
    nblk = n // rb
    nrb = -(-nblk // NS)

    @functools.partial(
        pl.kernel,
        out_type=jax.ShapeDtypeStruct((NC * n, w), jnp.float32),
        mesh=_sc_mesh(),
        scratch_types=[
            [pltpu.VMEM((ch,), jnp.int32)] * 3,
            pltpu.VMEM((ch, w), jnp.float32),
            pltpu.VMEM((rb, w), jnp.float32),
            pltpu.VMEM_SHARED((n, w), jnp.float32),
            [pltpu.SemaphoreType.DMA] * 3,
        ],
    )
    def deg_kernel(dst_hbm, ones_hbm, zeros_hbm, out_hbm,
                   idxv, onesv, bounce, acc, sem):
        c = lax.axis_index("c")
        s = lax.axis_index("s")
        _zero_phase(zeros_hbm, bounce, acc, s, rb, nblk, nrb)
        pltpu.sync_copy(ones_hbm, onesv)
        plsc.subcore_barrier()
        e0 = c * (e // NC) + s * ncs * ch

        def triple(k, carry):
            for b in range(3):
                j = 3 * k + b

                @pl.when(k > 0)
                def _():
                    pltpu.make_async_copy(onesv, acc.at[idxv[b]], sem[b]).wait()

                pltpu.sync_copy(dst_hbm.at[pl.ds(e0 + j * ch, ch)], idxv[b])
                pltpu.async_copy(onesv, acc.at[idxv[b]], sem[b], add=True)
            return carry

        lax.fori_loop(0, ncs // 3, triple, 0)
        if rem:
            tbase = c * (e // NC) + (tot - rem) * ch

            @pl.when(s < rem)
            def _():
                pltpu.make_async_copy(onesv, acc.at[idxv[0]], sem[0]).wait()
                pltpu.sync_copy(dst_hbm.at[pl.ds(tbase + s * ch, ch)], idxv[0])
                pltpu.async_copy(onesv, acc.at[idxv[0]], sem[0], add=True)
        pltpu.make_async_copy(onesv, acc.at[idxv[0]], sem[0]).wait()
        pltpu.make_async_copy(onesv, acc.at[idxv[1]], sem[1]).wait()
        pltpu.make_async_copy(onesv, acc.at[idxv[2]], sem[2]).wait()
        plsc.subcore_barrier()
        _copy_out_phase(acc, bounce, out_hbm, c, s, n, rb, nblk, nrb)

    return deg_kernel


def _make_spmm_edge(n, e, f):
    ch = 128
    tot = (e // NC) // ch
    ncs = tot // NS
    rem = tot % NS
    assert ncs % 3 == 0
    rb = 80
    nblk = n // rb
    nrb = -(-nblk // NS)

    @functools.partial(
        pl.kernel,
        out_type=jax.ShapeDtypeStruct((NC * n, f), jnp.float32),
        mesh=_sc_mesh(),
        scratch_types=[
            [pltpu.VMEM((ch,), jnp.int32)] * 3,
            [pltpu.VMEM((ch,), jnp.int32)] * 3,
            [pltpu.VMEM((ch, f), jnp.float32)] * 3,
            pltpu.VMEM_SHARED((n, f), jnp.float32),
            [pltpu.SemaphoreType.DMA] * 3,
            [pltpu.SemaphoreType.DMA] * 3,
        ],
    )
    def spmm_kernel(src_hbm, dst_hbm, g_hbm, zeros_hbm, out_hbm,
                    srcv, dstv, rows, acc, gsem, ssem):
        c = lax.axis_index("c")
        s = lax.axis_index("s")
        bounce = rows[0].at[pl.ds(0, rb)]
        _zero_phase(zeros_hbm, bounce, acc, s, rb, nblk, nrb)
        plsc.subcore_barrier()
        e0 = c * (e // NC) + s * ncs * ch

        pltpu.sync_copy(src_hbm.at[pl.ds(e0, ch)], srcv[0])
        pltpu.async_copy(g_hbm.at[srcv[0]], rows[0], gsem[0])

        def triple(k, carry):
            for b in range(3):
                j = 3 * k + b
                bn = (b + 1) % 3
                base = e0 + j * ch
                pltpu.sync_copy(src_hbm.at[pl.ds(base + ch, ch)], srcv[bn])
                if b == 2:
                    pltpu.make_async_copy(rows[bn], acc.at[dstv[bn]],
                                          ssem[bn]).wait()
                else:
                    @pl.when(k > 0)
                    def _():
                        pltpu.make_async_copy(rows[bn], acc.at[dstv[bn]],
                                              ssem[bn]).wait()
                pltpu.async_copy(g_hbm.at[srcv[bn]], rows[bn], gsem[bn])
                pltpu.make_async_copy(g_hbm.at[srcv[b]], rows[b], gsem[b]).wait()
                pltpu.sync_copy(dst_hbm.at[pl.ds(base, ch)], dstv[b])
                pltpu.async_copy(rows[b], acc.at[dstv[b]], ssem[b], add=True)
            return carry

        lax.fori_loop(0, ncs // 3, triple, 0)
        pltpu.make_async_copy(g_hbm.at[srcv[0]], rows[0], gsem[0]).wait()
        pltpu.make_async_copy(rows[1], acc.at[dstv[1]], ssem[1]).wait()
        pltpu.make_async_copy(rows[2], acc.at[dstv[2]], ssem[2]).wait()
        if rem:
            tbase = c * (e // NC) + (tot - rem) * ch

            @pl.when(s < rem)
            def _():
                base = tbase + s * ch
                pltpu.sync_copy(src_hbm.at[pl.ds(base, ch)], srcv[0])
                pltpu.sync_copy(g_hbm.at[srcv[0]], rows[0])
                pltpu.sync_copy(dst_hbm.at[pl.ds(base, ch)], dstv[0])
                pltpu.sync_copy(rows[0], acc.at[dstv[0]], add=True)
        plsc.subcore_barrier()
        _copy_out_phase(acc, bounce, out_hbm, c, s, n, rb, nblk, nrb)

    return spmm_kernel


def _make_spmm_feat(n, e, fh):
    ch = 128
    tot = e // ch
    ncs = tot // NS
    rem = tot % NS
    assert ncs % 3 == 0
    rb = 80
    nblk = n // rb
    nrb = -(-nblk // NS)

    @functools.partial(
        pl.kernel,
        out_type=jax.ShapeDtypeStruct((NC * n, fh), jnp.float32),
        mesh=_sc_mesh(),
        scratch_types=[
            pltpu.VMEM((ch,), jnp.int32),
            [pltpu.VMEM((ch,), jnp.int32)] * 3,
            [pltpu.VMEM((ch,), jnp.int32)] * 3,
            [pltpu.VMEM((ch, fh), jnp.float32)] * 3,
            pltpu.VMEM_SHARED((n, fh), jnp.float32),
            [pltpu.SemaphoreType.DMA] * 3,
            [pltpu.SemaphoreType.DMA] * 3,
        ],
    )
    def spmm_kernel(src_hbm, dst_hbm, g_hbm, zeros_hbm, out_hbm,
                    srcv, idxg, dstv, rows, acc, gsem, ssem):
        c = lax.axis_index("c")
        s = lax.axis_index("s")
        bounce = rows[0].at[pl.ds(0, rb)]
        _zero_phase(zeros_hbm, bounce, acc, s, rb, nblk, nrb)
        plsc.subcore_barrier()
        e0 = s * ncs * ch

        def load_idx(base, buf):
            pltpu.sync_copy(src_hbm.at[pl.ds(base, ch)], srcv)
            for kk in range(ch // 16):
                sl = pl.ds(kk * 16, 16)
                idxg[buf][sl] = srcv[sl] * 2 + c

        load_idx(e0, 0)
        pltpu.async_copy(g_hbm.at[idxg[0]], rows[0], gsem[0])

        def triple(k, carry):
            for b in range(3):
                j = 3 * k + b
                bn = (b + 1) % 3
                base = e0 + j * ch
                load_idx(base + ch, bn)
                if b == 2:
                    pltpu.make_async_copy(rows[bn], acc.at[dstv[bn]],
                                          ssem[bn]).wait()
                else:
                    @pl.when(k > 0)
                    def _():
                        pltpu.make_async_copy(rows[bn], acc.at[dstv[bn]],
                                              ssem[bn]).wait()
                pltpu.async_copy(g_hbm.at[idxg[bn]], rows[bn], gsem[bn])
                pltpu.make_async_copy(g_hbm.at[idxg[b]], rows[b], gsem[b]).wait()
                pltpu.sync_copy(dst_hbm.at[pl.ds(base, ch)], dstv[b])
                pltpu.async_copy(rows[b], acc.at[dstv[b]], ssem[b], add=True)
            return carry

        lax.fori_loop(0, ncs // 3, triple, 0)
        pltpu.make_async_copy(g_hbm.at[idxg[0]], rows[0], gsem[0]).wait()
        pltpu.make_async_copy(rows[1], acc.at[dstv[1]], ssem[1]).wait()
        pltpu.make_async_copy(rows[2], acc.at[dstv[2]], ssem[2]).wait()
        if rem:
            tbase = (tot - rem) * ch

            @pl.when(s < rem)
            def _():
                base = tbase + s * ch
                load_idx(base, 0)
                pltpu.sync_copy(g_hbm.at[idxg[0]], rows[0])
                pltpu.sync_copy(dst_hbm.at[pl.ds(base, ch)], dstv[0])
                pltpu.sync_copy(rows[0], acc.at[dstv[0]], add=True)
        plsc.subcore_barrier()
        _copy_out_phase(acc, bounce, out_hbm, c, s, n, rb, nblk, nrb)

    return spmm_kernel


def _p1_kernel(dega_ref, degb_ref, x_ref, g1_ref, d16_ref):
    deg = dega_ref[...][:, :1] + degb_ref[...][:, :1] + 1.0
    d = lax.rsqrt(deg)
    g1_ref[...] = x_ref[...] * d
    d16_ref[...] = jnp.broadcast_to(d, d16_ref.shape)


def _p2_kernel(s1a_ref, s1b_ref, g1_ref, d16_ref, w1t_ref, b1_ref, g2_ref):
    d = d16_ref[...][:, :1]
    u = (s1a_ref[...] + s1b_ref[...] + g1_ref[...]) * d
    h = (jnp.dot(u, w1t_ref[...], preferred_element_type=jnp.float32)
         + b1_ref[...])
    g2_ref[...] = jnp.maximum(h, 0.0) * d


def _p3_kernel(s2a_ref, s2b_ref, g2_ref, d16_ref, w2at_ref, w2bt_ref, b2_ref,
               wf1t_ref, bf1_ref, wf2t_ref, bf2_ref, out_ref):
    d = d16_ref[...][:, :1]
    g2 = g2_ref[...]
    u = (s2a_ref[...] + g2[:, :128]) * d
    v = (s2b_ref[...] + g2[:, 128:]) * d
    h2 = jnp.maximum(
        jnp.dot(u, w2at_ref[...], preferred_element_type=jnp.float32)
        + jnp.dot(v, w2bt_ref[...], preferred_element_type=jnp.float32)
        + b2_ref[...], 0.0)
    h3 = jnp.maximum(
        jnp.dot(h2, wf1t_ref[...], preferred_element_type=jnp.float32)
        + bf1_ref[...], 0.0)
    out_ref[...] = (jnp.dot(h3, wf2t_ref[...], preferred_element_type=jnp.float32)
                    + bf2_ref[...])


def _row_spec(blk, width):
    return pl.BlockSpec((blk, width), lambda i: (i, 0))


def _full_spec(shape):
    return pl.BlockSpec(shape, lambda i: tuple(0 for _ in shape))


def kernel(x, edge_index, W1, b1, W2, b2, Wf1, bf1, Wf2, bf2):
    n, nfeat = x.shape
    e = edge_index.shape[1]
    nhid = W1.shape[0]
    blk = 1000
    grid = (n // blk,)

    src = edge_index[0]
    dst = edge_index[1]

    deg2 = _make_deg(n, e)(
        dst,
        jnp.ones((128, 128), jnp.float32),
        jnp.zeros((80, 128), jnp.float32),
    )

    g1, d16 = pl.pallas_call(
        _p1_kernel,
        grid=grid,
        in_specs=[_row_spec(blk, 128), _row_spec(blk, 128), _row_spec(blk, nfeat)],
        out_specs=[_row_spec(blk, nfeat), _row_spec(blk, 16)],
        out_shape=[
            jax.ShapeDtypeStruct((n, nfeat), jnp.float32),
            jax.ShapeDtypeStruct((n, 16), jnp.float32),
        ],
    )(deg2[:n], deg2[n:], x)

    zeros128a = jnp.zeros((80, nfeat), jnp.float32)
    s1 = _make_spmm_edge(n, e, nfeat)(src, dst, g1, zeros128a)

    g2 = pl.pallas_call(
        _p2_kernel,
        grid=grid,
        in_specs=[
            _row_spec(blk, nfeat), _row_spec(blk, nfeat), _row_spec(blk, nfeat),
            _row_spec(blk, 16),
            _full_spec((nfeat, nhid)), _full_spec((1, nhid)),
        ],
        out_specs=_row_spec(blk, nhid),
        out_shape=jax.ShapeDtypeStruct((n, nhid), jnp.float32),
    )(s1[:n], s1[n:], g1, d16, W1.T, b1.reshape(1, nhid))

    zeros128 = jnp.zeros((80, nhid // 2), jnp.float32)
    s2 = _make_spmm_feat(n, e, nhid // 2)(src, dst, g2.reshape(2 * n, nhid // 2),
                                          zeros128)

    out = pl.pallas_call(
        _p3_kernel,
        grid=grid,
        in_specs=[
            _row_spec(blk, 128), _row_spec(blk, 128), _row_spec(blk, nhid),
            _row_spec(blk, 16),
            _full_spec((128, nhid)), _full_spec((128, nhid)), _full_spec((1, nhid)),
            _full_spec((nhid, 128)), _full_spec((1, 128)),
            _full_spec((128, 16)), _full_spec((1, 16)),
        ],
        out_specs=_row_spec(blk, 16),
        out_shape=jax.ShapeDtypeStruct((n, 16), jnp.float32),
    )(s2[:n], s2[n:], g2, d16,
      W2[:, :128].T, W2[:, 128:].T, b2.reshape(1, nhid),
      Wf1.T, bf1.reshape(1, 128),
      Wf2.T, bf2.reshape(1, 16))
    return out

# --- scband reference (transcript-rebuilt; emitter-appended) ---
"""Pipeline reference for scband-gcn-17626545783544 (READ-ONLY COPY).

The authoritative reference and input builder live on the scoring server;
editing this copy changes nothing except your own understanding.
"""

import jax, jax.numpy as jnp
import numpy as np

N = 10000
E = 320000
NFEAT = 128
NHID = 256
NCLASS = 16


def gcn_conv(x, edge_index, W, b):
    # Faithful PyG GCNConv: linear transform, add self-loops, symmetric norm, scatter-add, bias
    n = x.shape[0]
    src = edge_index[0]
    dst = edge_index[1]
    loop = jnp.arange(n, dtype=src.dtype)
    src = jnp.concatenate([src, loop])
    dst = jnp.concatenate([dst, loop])
    h = x @ W.T
    deg = jnp.zeros((n,), dtype=h.dtype).at[dst].add(1.0)
    dis = jnp.where(deg > 0, 1.0 / jnp.sqrt(deg), 0.0)
    norm = dis[src] * dis[dst]
    msg = h[src] * norm[:, None]
    out = jnp.zeros((n, W.shape[0]), dtype=h.dtype).at[dst].add(msg)
    return out + b


def setup_inputs(seed: int = 0) -> dict:
    key = jax.random.key(seed)
    ks = jax.random.split(key, 12)
    x = jax.random.normal(ks[0], (N, NFEAT), dtype=jnp.float32)
    edge_index = jax.random.randint(ks[1], (2, E), 0, N)
    W1 = jax.random.normal(ks[2], (NHID, NFEAT), dtype=jnp.float32) * (1.0 / np.sqrt(NFEAT))
    b1 = jnp.zeros((NHID,), dtype=jnp.float32)
    W2 = jax.random.normal(ks[3], (NHID, NHID), dtype=jnp.float32) * (1.0 / np.sqrt(NHID))
    b2 = jnp.zeros((NHID,), dtype=jnp.float32)
    Wf1 = jax.random.normal(ks[4], (NHID // 2, NHID), dtype=jnp.float32) * (1.0 / np.sqrt(NHID))
    bf1 = jnp.zeros((NHID // 2,), dtype=jnp.float32)
    Wf2 = jax.random.normal(ks[5], (NCLASS, NHID // 2), dtype=jnp.float32) * (1.0 / np.sqrt(NHID // 2))
    bf2 = jnp.zeros((NCLASS,), dtype=jnp.float32)
    return {"x": x, "edge_index": edge_index, "W1": W1, "b1": b1, "W2": W2, "b2": b2,
            "Wf1": Wf1, "bf1": bf1, "Wf2": Wf2, "bf2": bf2}


def reference(x, edge_index, W1, b1, W2, b2, Wf1, bf1, Wf2, bf2):
    # GCN_Body
    h = gcn_conv(x, edge_index, W1, b1)
    h = jax.nn.relu(h)
    h = gcn_conv(h, edge_index, W2, b2)
    h = jax.nn.relu(h)
    # dropout is identity in eval mode (training=False)
    h = jax.nn.relu(h @ Wf1.T + bf1)
    out = h @ Wf2.T + bf2
    return out

if __name__ == "__main__":
    import jax
    _d = setup_inputs()
    print(jax.jit(kernel)(*tuple(_d.values())))

</pallas_src>

<mosaic_0001>
#map = affine_map<(d0, d1) -> (0)>
#map1 = affine_map<(d0, d1) -> (0, 0)>
module attributes {stable_mosaic.version = 14 : i64} {
  func.func @deg_kernel(%arg0: i32, %arg1: i32, %arg2: memref<320000xi32, #tpu.memory_space<hbm>>, %arg3: memref<128x128xf32, #tpu.memory_space<hbm>>, %arg4: memref<80x128xf32, #tpu.memory_space<hbm>>, %arg5: memref<20000x128xf32, #tpu.memory_space<hbm>>, %arg6: memref<128xi32, #tpu.memory_space<vmem>>, %arg7: memref<128xi32, #tpu.memory_space<vmem>>, %arg8: memref<128xi32, #tpu.memory_space<vmem>>, %arg9: memref<128x128xf32, #tpu.memory_space<vmem>>, %arg10: memref<80x128xf32, #tpu.memory_space<vmem>>, %arg11: memref<10000x128xf32, #tpu.memory_space<vmem_shared>>, %arg12: memref<!tpu.dma_semaphore, #tpu.memory_space<semaphore_mem>>, %arg13: memref<!tpu.dma_semaphore, #tpu.memory_space<semaphore_mem>>, %arg14: memref<!tpu.dma_semaphore, #tpu.memory_space<semaphore_mem>>) attributes {dimension_semantics = [#tpu.dimension_semantics<core_parallel>, #tpu.dimension_semantics<subcore_parallel>], iteration_bounds = array<i64: 2, 16>, scalar_prefetch = 0 : i64, scratch_operands = 9 : i64, tpu.core_type = #tpu.core_type<sc_vector_subcore>, window_params = [{transform_indices = #map}, {transform_indices = #map1}, {transform_indices = #map1}, {transform_indices = #map1}]} {
    "tpu.region"() ({
      %run_scoped3A = tpu.sem_alloc : memref<!tpu.dma_semaphore, #tpu.memory_space<semaphore_mem>>
      tpu.enqueue_dma source(%arg4 : memref<80x128xf32, #tpu.memory_space<hbm>>) target(%arg10 : memref<80x128xf32, #tpu.memory_space<vmem>>) target_semaphore(%run_scoped3A : memref<!tpu.dma_semaphore, #tpu.memory_space<semaphore_mem>>)
      tpu.wait_dma2 semaphore(%run_scoped3A : memref<!tpu.dma_semaphore, #tpu.memory_space<semaphore_mem>>) src(%arg4 : memref<80x128xf32, #tpu.memory_space<hbm>>) dst(%arg10 : memref<80x128xf32, #tpu.memory_space<vmem>>)
      tpu.yield
    }) : () -> ()
    %mul3A = arith.constant 8 : i32
    %mul3A_0 = arith.muli %arg1, %mul3A : i32
    %add3A = arith.constant 0 : i32
    %add3A_1 = arith.addi %mul3A_0, %add3A : i32
    %lt3A = arith.constant 125 : i32
    %lt3A_2 = arith.cmpi slt, %add3A_1, %lt3A : i32
    %convert_element_type3A = arith.extui %lt3A_2 : i1 to i32
    %cond3A = arith.constant 0 : i32
    %cond3A_3 = arith.cmpi ne, %convert_element_type3A, %cond3A : i32
    scf.if %cond3A_3 {
      %mul3A_169 = arith.constant 80 : i32
      %mul3A_170 = arith.muli %add3A_1, %mul3A_169 : i32
      "tpu.region"() ({
        %run_scoped3A = tpu.sem_alloc : memref<!tpu.dma_semaphore, #tpu.memory_space<semaphore_mem>>
        %dma_start3A = arith.constant 0 : i32
        %dma_start3A_171 = tpu.memref_slice %arg11[%mul3A_170, %dma_start3A] : memref<10000x128xf32, #tpu.memory_space<vmem_shared>> -> memref<80x128xf32, #tpu.memory_space<vmem_shared>>
        %dma_start3A_172 = arith.constant 0 : i32
        %dma_start3A_173 = tpu.memref_slice %arg11[%mul3A_170, %dma_start3A_172] : memref<10000x128xf32, #tpu.memory_space<vmem_shared>> -> memref<80x128xf32, #tpu.memory_space<vmem_shared>>
        tpu.enqueue_dma source(%arg10 : memref<80x128xf32, #tpu.memory_space<vmem>>) target(%dma_start3A_173 : memref<80x128xf32, #tpu.memory_space<vmem_shared>>) target_semaphore(%run_scoped3A : memref<!tpu.dma_semaphore, #tpu.memory_space<semaphore_mem>>)
        %dma_wait3A_174 = arith.constant 0 : i32
        %dma_wait3A_175 = tpu.memref_slice %arg11[%mul3A_170, %dma_wait3A_174] : memref<10000x128xf32, #tpu.memory_space<vmem_shared>> -> memref<80x128xf32, #tpu.memory_space<vmem_shared>>
        %dma_wait3A_176 = arith.constant 0 : i32
        %dma_wait3A_177 = tpu.memref_slice %arg11[%mul3A_170, %dma_wait3A_176] : memref<10000x128xf32, #tpu.memory_space<vmem_shared>> -> memref<80x128xf32, #tpu.memory_space<vmem_shared>>
        tpu.wait_dma2 semaphore(%run_scoped3A : memref<!tpu.dma_semaphore, #tpu.memory_space<semaphore_mem>>) src(%arg10 : memref<80x128xf32, #tpu.memory_space<vmem>>) dst(%dma_wait3A_177 : memref<80x128xf32, #tpu.memory_space<vmem_shared>>)
        tpu.yield
      }) : () -> ()
    } else {
    }
    %mul3A_4 = arith.constant 8 : i32
    %mul3A_5 = arith.muli %arg1, %mul3A_4 : i32
    %add3A_6 = arith.constant 1 : i32
    %add3A_7 = arith.addi %mul3A_5, %add3A_6 : i32
    %lt3A_8 = arith.constant 125 : i32
    %lt3A_9 = arith.cmpi slt, %add3A_7, %lt3A_8 : i32
    %convert_element_type3A_10 = arith.extui %lt3A_9 : i1 to i32
    %cond3A_11 = arith.constant 0 : i32
    %cond3A_12 = arith.cmpi ne, %convert_element_type3A_10, %cond3A_11 : i32
    scf.if %cond3A_12 {
      %mul3A_169 = arith.constant 80 : i32
      %mul3A_170 = arith.muli %add3A_7, %mul3A_169 : i32
      "tpu.region"() ({
        %run_scoped3A = tpu.sem_alloc : memref<!tpu.dma_semaphore, #tpu.memory_space<semaphore_mem>>
        %dma_start3A = arith.constant 0 : i32
        %dma_start3A_171 = tpu.memref_slice %arg11[%mul3A_170, %dma_start3A] : memref<10000x128xf32, #tpu.memory_space<vmem_shared>> -> memref<80x128xf32, #tpu.memory_space<vmem_shared>>
        %dma_start3A_172 = arith.constant 0 : i32
        %dma_start3A_173 = tpu.memref_slice %arg11[%mul3A_170, %dma_start3A_172] : memref<10000x128xf32, #tpu.memory_space<vmem_shared>> -> memref<80x128xf32, #tpu.memory_space<vmem_shared>>
        tpu.enqueue_dma source(%arg10 : memref<80x128xf32, #tpu.memory_space<vmem>>) target(%dma_start3A_173 : memref<80x128xf32, #tpu.memory_space<vmem_shared>>) target_semaphore(%run_scoped3A : memref<!tpu.dma_semaphore, #tpu.memory_space<semaphore_mem>>)
        %dma_wait3A_174 = arith.constant 0 : i32
        %dma_wait3A_175 = tpu.memref_slice %arg11[%mul3A_170, %dma_wait3A_174] : memref<10000x128xf32, #tpu.memory_space<vmem_shared>> -> memref<80x128xf32, #tpu.memory_space<vmem_shared>>
        %dma_wait3A_176 = arith.constant 0 : i32
        %dma_wait3A_177 = tpu.memref_slice %arg11[%mul3A_170, %dma_wait3A_176] : memref<10000x128xf32, #tpu.memory_space<vmem_shared>> -> memref<80x128xf32, #tpu.memory_space<vmem_shared>>
        tpu.wait_dma2 semaphore(%run_scoped3A : memref<!tpu.dma_semaphore, #tpu.memory_space<semaphore_mem>>) src(%arg10 : memref<80x128xf32, #tpu.memory_space<vmem>>) dst(%dma_wait3A_177 : memref<80x128xf32, #tpu.memory_space<vmem_shared>>)
        tpu.yield
      }) : () -> ()
    } else {
    }
    %mul3A_13 = arith.constant 8 : i32
    %mul3A_14 = arith.muli %arg1, %mul3A_13 : i32
    %add3A_15 = arith.constant 2 : i32
    %add3A_16 = arith.addi %mul3A_14, %add3A_15 : i32
    %lt3A_17 = arith.constant 125 : i32
    %lt3A_18 = arith.cmpi slt, %add3A_16, %lt3A_17 : i32
    %convert_element_type3A_19 = arith.extui %lt3A_18 : i1 to i32
    %cond3A_20 = arith.constant 0 : i32
    %cond3A_21 = arith.cmpi ne, %convert_element_type3A_19, %cond3A_20 : i32
    scf.if %cond3A_21 {
      %mul3A_169 = arith.constant 80 : i32
      %mul3A_170 = arith.muli %add3A_16, %mul3A_169 : i32
      "tpu.region"() ({
        %run_scoped3A = tpu.sem_alloc : memref<!tpu.dma_semaphore, #tpu.memory_space<semaphore_mem>>
        %dma_start3A = arith.constant 0 : i32
        %dma_start3A_171 = tpu.memref_slice %arg11[%mul3A_170, %dma_start3A] : memref<10000x128xf32, #tpu.memory_space<vmem_shared>> -> memref<80x128xf32, #tpu.memory_space<vmem_shared>>
        %dma_start3A_172 = arith.constant 0 : i32
        %dma_start3A_173 = tpu.memref_slice %arg11[%mul3A_170, %dma_start3A_172] : memref<10000x128xf32, #tpu.memory_space<vmem_shared>> -> memref<80x128xf32, #tpu.memory_space<vmem_shared>>
        tpu.enqueue_dma source(%arg10 : memref<80x128xf32, #tpu.memory_space<vmem>>) target(%dma_start3A_173 : memref<80x128xf32, #tpu.memory_space<vmem_shared>>) target_semaphore(%run_scoped3A : memref<!tpu.dma_semaphore, #tpu.memory_space<semaphore_mem>>)
        %dma_wait3A_174 = arith.constant 0 : i32
        %dma_wait3A_175 = tpu.memref_slice %arg11[%mul3A_170, %dma_wait3A_174] : memref<10000x128xf32, #tpu.memory_space<vmem_shared>> -> memref<80x128xf32, #tpu.memory_space<vmem_shared>>
        %dma_wait3A_176 = arith.constant 0 : i32
        %dma_wait3A_177 = tpu.memref_slice %arg11[%mul3A_170, %dma_wait3A_176] : memref<10000x128xf32, #tpu.memory_space<vmem_shared>> -> memref<80x128xf32, #tpu.memory_space<vmem_shared>>
        tpu.wait_dma2 semaphore(%run_scoped3A : memref<!tpu.dma_semaphore, #tpu.memory_space<semaphore_mem>>) src(%arg10 : memref<80x128xf32, #tpu.memory_space<vmem>>) dst(%dma_wait3A_177 : memref<80x128xf32, #tpu.memory_space<vmem_shared>>)
        tpu.yield
      }) : () -> ()
    } else {
    }
    %mul3A_22 = arith.constant 8 : i32
    %mul3A_23 = arith.muli %arg1, %mul3A_22 : i32
    %add3A_24 = arith.constant 3 : i32
    %add3A_25 = arith.addi %mul3A_23, %add3A_24 : i32
    %lt3A_26 = arith.constant 125 : i32
    %lt3A_27 = arith.cmpi slt, %add3A_25, %lt3A_26 : i32
    %convert_element_type3A_28 = arith.extui %lt3A_27 : i1 to i32
    %cond3A_29 = arith.constant 0 : i32
    %cond3A_30 = arith.cmpi ne, %convert_element_type3A_28, %cond3A_29 : i32
    scf.if %cond3A_30 {
      %mul3A_169 = arith.constant 80 : i32
      %mul3A_170 = arith.muli %add3A_25, %mul3A_169 : i32
      "tpu.region"() ({
        %run_scoped3A = tpu.sem_alloc : memref<!tpu.dma_semaphore, #tpu.memory_space<semaphore_mem>>
        %dma_start3A = arith.constant 0 : i32
        %dma_start3A_171 = tpu.memref_slice %arg11[%mul3A_170, %dma_start3A] : memref<10000x128xf32, #tpu.memory_space<vmem_shared>> -> memref<80x128xf32, #tpu.memory_space<vmem_shared>>
        %dma_start3A_172 = arith.constant 0 : i32
        %dma_start3A_173 = tpu.memref_slice %arg11[%mul3A_170, %dma_start3A_172] : memref<10000x128xf32, #tpu.memory_space<vmem_shared>> -> memref<80x128xf32, #tpu.memory_space<vmem_shared>>
        tpu.enqueue_dma source(%arg10 : memref<80x128xf32, #tpu.memory_space<vmem>>) target(%dma_start3A_173 : memref<80x128xf32, #tpu.memory_space<vmem_shared>>) target_semaphore(%run_scoped3A : memref<!tpu.dma_semaphore, #tpu.memory_space<semaphore_mem>>)
        %dma_wait3A_174 = arith.constant 0 : i32
        %dma_wait3A_175 = tpu.memref_slice %arg11[%mul3A_170, %dma_wait3A_174] : memref<10000x128xf32, #tpu.memory_space<vmem_shared>> -> memref<80x128xf32, #tpu.memory_space<vmem_shared>>
        %dma_wait3A_176 = arith.constant 0 : i32
        %dma_wait3A_177 = tpu.memref_slice %arg11[%mul3A_170, %dma_wait3A_176] : memref<10000x128xf32, #tpu.memory_space<vmem_shared>> -> memref<80x128xf32, #tpu.memory_space<vmem_shared>>
        tpu.wait_dma2 semaphore(%run_scoped3A : memref<!tpu.dma_semaphore, #tpu.memory_space<semaphore_mem>>) src(%arg10 : memref<80x128xf32, #tpu.memory_space<vmem>>) dst(%dma_wait3A_177 : memref<80x128xf32, #tpu.memory_space<vmem_shared>>)
        tpu.yield
      }) : () -> ()
    } else {
    }
    %mul3A_31 = arith.constant 8 : i32
    %mul3A_32 = arith.muli %arg1, %mul3A_31 : i32
    %add3A_33 = arith.constant 4 : i32
    %add3A_34 = arith.addi %mul3A_32, %add3A_33 : i32
    %lt3A_35 = arith.constant 125 : i32
    %lt3A_36 = arith.cmpi slt, %add3A_34, %lt3A_35 : i32
    %convert_element_type3A_37 = arith.extui %lt3A_36 : i1 to i32
    %cond3A_38 = arith.constant 0 : i32
    %cond3A_39 = arith.cmpi ne, %convert_element_type3A_37, %cond3A_38 : i32
    scf.if %cond3A_39 {
      %mul3A_169 = arith.constant 80 : i32
      %mul3A_170 = arith.muli %add3A_34, %mul3A_169 : i32
      "tpu.region"() ({
        %run_scoped3A = tpu.sem_alloc : memref<!tpu.dma_semaphore, #tpu.memory_space<semaphore_mem>>
        %dma_start3A = arith.constant 0 : i32
        %dma_start3A_171 = tpu.memref_slice %arg11[%mul3A_170, %dma_start3A] : memref<10000x128xf32, #tpu.memory_space<vmem_shared>> -> memref<80x128xf32, #tpu.memory_space<vmem_shared>>
        %dma_start3A_172 = arith.constant 0 : i32
        %dma_start3A_173 = tpu.memref_slice %arg11[%mul3A_170, %dma_start3A_172] : memref<10000x128xf32, #tpu.memory_space<vmem_shared>> -> memref<80x128xf32, #tpu.memory_space<vmem_shared>>
        tpu.enqueue_dma source(%arg10 : memref<80x128xf32, #tpu.memory_space<vmem>>) target(%dma_start3A_173 : memref<80x128xf32, #tpu.memory_space<vmem_shared>>) target_semaphore(%run_scoped3A : memref<!tpu.dma_semaphore, #tpu.memory_space<semaphore_mem>>)
        %dma_wait3A_174 = arith.constant 0 : i32
        %dma_wait3A_175 = tpu.memref_slice %arg11[%mul3A_170, %dma_wait3A_174] : memref<10000x128xf32, #tpu.memory_space<vmem_shared>> -> memref<80x128xf32, #tpu.memory_space<vmem_shared>>
        %dma_wait3A_176 = arith.constant 0 : i32
        %dma_wait3A_177 = tpu.memref_slice %arg11[%mul3A_170, %dma_wait3A_176] : memref<10000x128xf32, #tpu.memory_space<vmem_shared>> -> memref<80x128xf32, #tpu.memory_space<vmem_shared>>
        tpu.wait_dma2 semaphore(%run_scoped3A : memref<!tpu.dma_semaphore, #tpu.memory_space<semaphore_mem>>) src(%arg10 : memref<80x128xf32, #tpu.memory_space<vmem>>) dst(%dma_wait3A_177 : memref<80x128xf32, #tpu.memory_space<vmem_shared>>)
        tpu.yield
      }) : () -> ()
    } else {
    }
    %mul3A_40 = arith.constant 8 : i32
    %mul3A_41 = arith.muli %arg1, %mul3A_40 : i32
    %add3A_42 = arith.constant 5 : i32
    %add3A_43 = arith.addi %mul3A_41, %add3A_42 : i32
    %lt3A_44 = arith.constant 125 : i32
    %lt3A_45 = arith.cmpi slt, %add3A_43, %lt3A_44 : i32
    %convert_element_type3A_46 = arith.extui %lt3A_45 : i1 to i32
    %cond3A_47 = arith.constant 0 : i32
    %cond3A_48 = arith.cmpi ne, %convert_element_type3A_46, %cond3A_47 : i32
    scf.if %cond3A_48 {
      %mul3A_169 = arith.constant 80 : i32
      %mul3A_170 = arith.muli %add3A_43, %mul3A_169 : i32
      "tpu.region"() ({
        %run_scoped3A = tpu.sem_alloc : memref<!tpu.dma_semaphore, #tpu.memory_space<semaphore_mem>>
        %dma_start3A = arith.constant 0 : i32
        %dma_start3A_171 = tpu.memref_slice %arg11[%mul3A_170, %dma_start3A] : memref<10000x128xf32, #tpu.memory_space<vmem_shared>> -> memref<80x128xf32, #tpu.memory_space<vmem_shared>>
        %dma_start3A_172 = arith.constant 0 : i32
        %dma_start3A_173 = tpu.memref_slice %arg11[%mul3A_170, %dma_start3A_172] : memref<10000x128xf32, #tpu.memory_space<vmem_shared>> -> memref<80x128xf32, #tpu.memory_space<vmem_shared>>
        tpu.enqueue_dma source(%arg10 : memref<80x128xf32, #tpu.memory_space<vmem>>) target(%dma_start3A_173 : memref<80x128xf32, #tpu.memory_space<vmem_shared>>) target_semaphore(%run_scoped3A : memref<!tpu.dma_semaphore, #tpu.memory_space<semaphore_mem>>)
        %dma_wait3A_174 = arith.constant 0 : i32
        %dma_wait3A_175 = tpu.memref_slice %arg11[%mul3A_170, %dma_wait3A_174] : memref<10000x128xf32, #tpu.memory_space<vmem_shared>> -> memref<80x128xf32, #tpu.memory_space<vmem_shared>>
        %dma_wait3A_176 = arith.constant 0 : i32
        %dma_wait3A_177 = tpu.memref_slice %arg11[%mul3A_170, %dma_wait3A_176] : memref<10000x128xf32, #tpu.memory_space<vmem_shared>> -> memref<80x128xf32, #tpu.memory_space<vmem_shared>>
        tpu.wait_dma2 semaphore(%run_scoped3A : memref<!tpu.dma_semaphore, #tpu.memory_space<semaphore_mem>>) src(%arg10 : memref<80x128xf32, #tpu.memory_space<vmem>>) dst(%dma_wait3A_177 : memref<80x128xf32, #tpu.memory_space<vmem_shared>>)
        tpu.yield
      }) : () -> ()
    } else {
    }
    %mul3A_49 = arith.constant 8 : i32
    %mul3A_50 = arith.muli %arg1, %mul3A_49 : i32
    %add3A_51 = arith.constant 6 : i32
    %add3A_52 = arith.addi %mul3A_50, %add3A_51 : i32
    %lt3A_53 = arith.constant 125 : i32
    %lt3A_54 = arith.cmpi slt, %add3A_52, %lt3A_53 : i32
    %convert_element_type3A_55 = arith.extui %lt3A_54 : i1 to i32
    %cond3A_56 = arith.constant 0 : i32
    %cond3A_57 = arith.cmpi ne, %convert_element_type3A_55, %cond3A_56 : i32
    scf.if %cond3A_57 {
      %mul3A_169 = arith.constant 80 : i32
      %mul3A_170 = arith.muli %add3A_52, %mul3A_169 : i32
      "tpu.region"() ({
        %run_scoped3A = tpu.sem_alloc : memref<!tpu.dma_semaphore, #tpu.memory_space<semaphore_mem>>
        %dma_start3A = arith.constant 0 : i32
        %dma_start3A_171 = tpu.memref_slice %arg11[%mul3A_170, %dma_start3A] : memref<10000x128xf32, #tpu.memory_space<vmem_shared>> -> memref<80x128xf32, #tpu.memory_space<vmem_shared>>
        %dma_start3A_172 = arith.constant 0 : i32
        %dma_start3A_173 = tpu.memref_slice %arg11[%mul3A_170, %dma_start3A_172] : memref<10000x128xf32, #tpu.memory_space<vmem_shared>> -> memref<80x128xf32, #tpu.memory_space<vmem_shared>>
        tpu.enqueue_dma source(%arg10 : memref<80x128xf32, #tpu.memory_space<vmem>>) target(%dma_start3A_173 : memref<80x128xf32, #tpu.memory_space<vmem_shared>>) target_semaphore(%run_scoped3A : memref<!tpu.dma_semaphore, #tpu.memory_space<semaphore_mem>>)
        %dma_wait3A_174 = arith.constant 0 : i32
        %dma_wait3A_175 = tpu.memref_slice %arg11[%mul3A_170, %dma_wait3A_174] : memref<10000x128xf32, #tpu.memory_space<vmem_shared>> -> memref<80x128xf32, #tpu.memory_space<vmem_shared>>
        %dma_wait3A_176 = arith.constant 0 : i32
        %dma_wait3A_177 = tpu.memref_slice %arg11[%mul3A_170, %dma_wait3A_176] : memref<10000x128xf32, #tpu.memory_space<vmem_shared>> -> memref<80x128xf32, #tpu.memory_space<vmem_shared>>
        tpu.wait_dma2 semaphore(%run_scoped3A : memref<!tpu.dma_semaphore, #tpu.memory_space<semaphore_mem>>) src(%arg10 : memref<80x128xf32, #tpu.memory_space<vmem>>) dst(%dma_wait3A_177 : memref<80x128xf32, #tpu.memory_space<vmem_shared>>)
        tpu.yield
      }) : () -> ()
    } else {
    }
    %mul3A_58 = arith.constant 8 : i32
    %mul3A_59 = arith.muli %arg1, %mul3A_58 : i32
    %add3A_60 = arith.constant 7 : i32
    %add3A_61 = arith.addi %mul3A_59, %add3A_60 : i32
    %lt3A_62 = arith.constant 125 : i32
    %lt3A_63 = arith.cmpi slt, %add3A_61, %lt3A_62 : i32
    %convert_element_type3A_64 = arith.extui %lt3A_63 : i1 to i32
    %cond3A_65 = arith.constant 0 : i32
    %cond3A_66 = arith.cmpi ne, %convert_element_type3A_64, %cond3A_65 : i32
    scf.if %cond3A_66 {
      %mul3A_169 = arith.constant 80 : i32
      %mul3A_170 = arith.muli %add3A_61, %mul3A_169 : i32
      "tpu.region"() ({
        %run_scoped3A = tpu.sem_alloc : memref<!tpu.dma_semaphore, #tpu.memory_space<semaphore_mem>>
        %dma_start3A = arith.constant 0 : i32
        %dma_start3A_171 = tpu.memref_slice %arg11[%mul3A_170, %dma_start3A] : memref<10000x128xf32, #tpu.memory_space<vmem_shared>> -> memref<80x128xf32, #tpu.memory_space<vmem_shared>>
        %dma_start3A_172 = arith.constant 0 : i32
        %dma_start3A_173 = tpu.memref_slice %arg11[%mul3A_170, %dma_start3A_172] : memref<10000x128xf32, #tpu.memory_space<vmem_shared>> -> memref<80x128xf32, #tpu.memory_space<vmem_shared>>
        tpu.enqueue_dma source(%arg10 : memref<80x128xf32, #tpu.memory_space<vmem>>) target(%dma_start3A_173 : memref<80x128xf32, #tpu.memory_space<vmem_shared>>) target_semaphore(%run_scoped3A : memref<!tpu.dma_semaphore, #tpu.memory_space<semaphore_mem>>)
        %dma_wait3A_174 = arith.constant 0 : i32
        %dma_wait3A_175 = tpu.memref_slice %arg11[%mul3A_170, %dma_wait3A_174] : memref<10000x128xf32, #tpu.memory_space<vmem_shared>> -> memref<80x128xf32, #tpu.memory_space<vmem_shared>>
        %dma_wait3A_176 = arith.constant 0 : i32
        %dma_wait3A_177 = tpu.memref_slice %arg11[%mul3A_170, %dma_wait3A_176] : memref<10000x128xf32, #tpu.memory_space<vmem_shared>> -> memref<80x128xf32, #tpu.memory_space<vmem_shared>>
        tpu.wait_dma2 semaphore(%run_scoped3A : memref<!tpu.dma_semaphore, #tpu.memory_space<semaphore_mem>>) src(%arg10 : memref<80x128xf32, #tpu.memory_space<vmem>>) dst(%dma_wait3A_177 : memref<80x128xf32, #tpu.memory_space<vmem_shared>>)
        tpu.yield
      }) : () -> ()
    } else {
    }
    "tpu.region"() ({
      %run_scoped3A = tpu.sem_alloc : memref<!tpu.dma_semaphore, #tpu.memory_space<semaphore_mem>>
      tpu.enqueue_dma source(%arg3 : memref<128x128xf32, #tpu.memory_space<hbm>>) target(%arg9 : memref<128x128xf32, #tpu.memory_space<vmem>>) target_semaphore(%run_scoped3A : memref<!tpu.dma_semaphore, #tpu.memory_space<semaphore_mem>>)
      tpu.wait_dma2 semaphore(%run_scoped3A : memref<!tpu.dma_semaphore, #tpu.memory_space<semaphore_mem>>) src(%arg3 : memref<128x128xf32, #tpu.memory_space<hbm>>) dst(%arg9 : memref<128x128xf32, #tpu.memory_space<vmem>>)
      tpu.yield
    }) : () -> ()
    %barrier3A = arith.constant 0 : index
    tpu.barrier barrier_id(%barrier3A)
    %mul3A_67 = arith.constant 160000 : i32
    %mul3A_68 = arith.muli %arg0, %mul3A_67 : i32
    %mul3A_69 = arith.constant 78 : i32
    %mul3A_70 = arith.muli %arg1, %mul3A_69 : i32
    %mul3A_71 = arith.constant 128 : i32
    %mul3A_72 = arith.muli %mul3A_70, %mul3A_71 : i32
    %add3A_73 = arith.addi %mul3A_68, %mul3A_72 : i32
    %scan3A = arith.constant 0 : i32
    %scan3A_74 = arith.constant 0 : i32
    %scan3A_75 = arith.constant 26 : i32
    %scan3A_76 = arith.addi %scan3A_74, %scan3A_75 : i32
    %scan3A_77 = arith.constant 1 : i32
    scf.for %scan3A_169 = %scan3A_74 to %scan3A_76 step %scan3A_77  : i32 {
      %mul3A_170 = arith.constant 3 : i32
      %mul3A_171 = arith.muli %mul3A_170, %scan3A_169 : i32
      %add3A_172 = arith.constant 0 : i32
      %add3A_173 = arith.addi %mul3A_171, %add3A_172 : i32
      %gt3A = arith.constant 0 : i32
      %gt3A_174 = arith.cmpi sgt, %scan3A_169, %gt3A : i32
      %convert_element_type3A_175 = arith.extui %gt3A_174 : i1 to i32
      %cond3A_176 = arith.constant 0 : i32
      %cond3A_177 = arith.cmpi ne, %convert_element_type3A_175, %cond3A_176 : i32
      scf.if %cond3A_177 {
        %dma_wait3A_213 = arith.constant 0 : i32
        %dma_wait3A_214 = arith.constant 0 : i32
        %dma_wait3A_215 = tpu.memref_slice %arg11[%dma_wait3A_213, %dma_wait3A_214] : memref<10000x128xf32, #tpu.memory_space<vmem_shared>> -> memref<10000x128xf32, #tpu.memory_space<vmem_shared>>
        tpu.wait_indirect_dma semaphore(%arg12 : memref<!tpu.dma_semaphore, #tpu.memory_space<semaphore_mem>>) src(%arg9 : memref<128x128xf32, #tpu.memory_space<vmem>>) dst(%dma_wait3A_215 : memref<10000x128xf32, #tpu.memory_space<vmem_shared>>)
      } else {
      }
      %mul3A_178 = arith.constant 128 : i32
      %mul3A_179 = arith.muli %add3A_173, %mul3A_178 : i32
      %add3A_180 = arith.addi %add3A_73, %mul3A_179 : i32
      "tpu.region"() ({
        %run_scoped3A = tpu.sem_alloc : memref<!tpu.dma_semaphore, #tpu.memory_space<semaphore_mem>>
        %dma_start3A_213 = tpu.memref_slice %arg2[%add3A_180] : memref<320000xi32, #tpu.memory_space<hbm>> -> memref<128xi32, #tpu.memory_space<hbm>>
        %dma_start3A_214 = tpu.memref_slice %arg2[%add3A_180] : memref<320000xi32, #tpu.memory_space<hbm>> -> memref<128xi32, #tpu.memory_space<hbm>>
        tpu.enqueue_dma source(%dma_start3A_214 : memref<128xi32, #tpu.memory_space<hbm>>) target(%arg6 : memref<128xi32, #tpu.memory_space<vmem>>) target_semaphore(%run_scoped3A : memref<!tpu.dma_semaphore, #tpu.memory_space<semaphore_mem>>)
        %dma_wait3A_215 = tpu.memref_slice %arg2[%add3A_180] : memref<320000xi32, #tpu.memory_space<hbm>> -> memref<128xi32, #tpu.memory_space<hbm>>
        %dma_wait3A_216 = tpu.memref_slice %arg2[%add3A_180] : memref<320000xi32, #tpu.memory_space<hbm>> -> memref<128xi32, #tpu.memory_space<hbm>>
        tpu.wait_dma2 semaphore(%run_scoped3A : memref<!tpu.dma_semaphore, #tpu.memory_space<semaphore_mem>>) src(%dma_wait3A_216 : memref<128xi32, #tpu.memory_space<hbm>>) dst(%arg6 : memref<128xi32, #tpu.memory_space<vmem>>)
        tpu.yield
      }) : () -> ()
      %dma_start3A = arith.constant 0 : i32
      %dma_start3A_181 = arith.constant 0 : i32
      %dma_start3A_182 = tpu.memref_slice %arg11[%dma_start3A, %dma_start3A_181] : memref<10000x128xf32, #tpu.memory_space<vmem_shared>> -> memref<10000x128xf32, #tpu.memory_space<vmem_shared>>
      tpu.enqueue_indirect_dma source(%arg9 : memref<128x128xf32, #tpu.memory_space<vmem>>) target(%dma_start3A_182 : memref<10000x128xf32, #tpu.memory_space<vmem_shared>>) offsets(%arg6 : memref<128xi32, #tpu.memory_space<vmem>>) semaphore(%arg12 : memref<!tpu.dma_semaphore, #tpu.memory_space<semaphore_mem>>) {add = true}
      %mul3A_183 = arith.constant 3 : i32
      %mul3A_184 = arith.muli %mul3A_183, %scan3A_169 : i32
      %add3A_185 = arith.constant 1 : i32
      %add3A_186 = arith.addi %mul3A_184, %add3A_185 : i32
      %gt3A_187 = arith.constant 0 : i32
      %gt3A_188 = arith.cmpi sgt, %scan3A_169, %gt3A_187 : i32
      %convert_element_type3A_189 = arith.extui %gt3A_188 : i1 to i32
      %cond3A_190 = arith.constant 0 : i32
      %cond3A_191 = arith.cmpi ne, %convert_element_type3A_189, %cond3A_190 : i32
      scf.if %cond3A_191 {
        %dma_wait3A_213 = arith.constant 0 : i32
        %dma_wait3A_214 = arith.constant 0 : i32
        %dma_wait3A_215 = tpu.memref_slice %arg11[%dma_wait3A_213, %dma_wait3A_214] : memref<10000x128xf32, #tpu.memory_space<vmem_shared>> -> memref<10000x128xf32, #tpu.memory_space<vmem_shared>>
        tpu.wait_indirect_dma semaphore(%arg13 : memref<!tpu.dma_semaphore, #tpu.memory_space<semaphore_mem>>) src(%arg9 : memref<128x128xf32, #tpu.memory_space<vmem>>) dst(%dma_wait3A_215 : memref<10000x128xf32, #tpu.memory_space<vmem_shared>>)
      } else {
      }
      %mul3A_192 = arith.constant 128 : i32
      %mul3A_193 = arith.muli %add3A_186, %mul3A_192 : i32
      %add3A_194 = arith.addi %add3A_73, %mul3A_193 : i32
      "tpu.region"() ({
        %run_scoped3A = tpu.sem_alloc : memref<!tpu.dma_semaphore, #tpu.memory_space<semaphore_mem>>
        %dma_start3A_213 = tpu.memref_slice %arg2[%add3A_194] : memref<320000xi32, #tpu.memory_space<hbm>> -> memref<128xi32, #tpu.memory_space<hbm>>
        %dma_start3A_214 = tpu.memref_slice %arg2[%add3A_194] : memref<320000xi32, #tpu.memory_space<hbm>> -> memref<128xi32, #tpu.memory_space<hbm>>
        tpu.enqueue_dma source(%dma_start3A_214 : memref<128xi32, #tpu.memory_space<hbm>>) target(%arg7 : memref<128xi32, #tpu.memory_space<vmem>>) target_semaphore(%run_scoped3A : memref<!tpu.dma_semaphore, #tpu.memory_space<semaphore_mem>>)
        %dma_wait3A_215 = tpu.memref_slice %arg2[%add3A_194] : memref<320000xi32, #tpu.memory_space<hbm>> -> memref<128xi32, #tpu.memory_space<hbm>>
        %dma_wait3A_216 = tpu.memref_slice %arg2[%add3A_194] : memref<320000xi32, #tpu.memory_space<hbm>> -> memref<128xi32, #tpu.memory_space<hbm>>
        tpu.wait_dma2 semaphore(%run_scoped3A : memref<!tpu.dma_semaphore, #tpu.memory_space<semaphore_mem>>) src(%dma_wait3A_216 : memref<128xi32, #tpu.memory_space<hbm>>) dst(%arg7 : memref<128xi32, #tpu.memory_space<vmem>>)
        tpu.yield
      }) : () -> ()
      %dma_start3A_195 = arith.constant 0 : i32
      %dma_start3A_196 = arith.constant 0 : i32
      %dma_start3A_197 = tpu.memref_slice %arg11[%dma_start3A_195, %dma_start3A_196] : memref<10000x128xf32, #tpu.memory_space<vmem_shared>> -> memref<10000x128xf32, #tpu.memory_space<vmem_shared>>
      tpu.enqueue_indirect_dma source(%arg9 : memref<128x128xf32, #tpu.memory_space<vmem>>) target(%dma_start3A_197 : memref<10000x128xf32, #tpu.memory_space<vmem_shared>>) offsets(%arg7 : memref<128xi32, #tpu.memory_space<vmem>>) semaphore(%arg13 : memref<!tpu.dma_semaphore, #tpu.memory_space<semaphore_mem>>) {add = true}
      %mul3A_198 = arith.constant 3 : i32
      %mul3A_199 = arith.muli %mul3A_198, %scan3A_169 : i32
      %add3A_200 = arith.constant 2 : i32
      %add3A_201 = arith.addi %mul3A_199, %add3A_200 : i32
      %gt3A_202 = arith.constant 0 : i32
      %gt3A_203 = arith.cmpi sgt, %scan3A_169, %gt3A_202 : i32
      %convert_element_type3A_204 = arith.extui %gt3A_203 : i1 to i32
      %cond3A_205 = arith.constant 0 : i32
      %cond3A_206 = arith.cmpi ne, %convert_element_type3A_204, %cond3A_205 : i32
      scf.if %cond3A_206 {
        %dma_wait3A_213 = arith.constant 0 : i32
        %dma_wait3A_214 = arith.constant 0 : i32
        %dma_wait3A_215 = tpu.memref_slice %arg11[%dma_wait3A_213, %dma_wait3A_214] : memref<10000x128xf32, #tpu.memory_space<vmem_shared>> -> memref<10000x128xf32, #tpu.memory_space<vmem_shared>>
        tpu.wait_indirect_dma semaphore(%arg14 : memref<!tpu.dma_semaphore, #tpu.memory_space<semaphore_mem>>) src(%arg9 : memref<128x128xf32, #tpu.memory_space<vmem>>) dst(%dma_wait3A_215 : memref<10000x128xf32, #tpu.memory_space<vmem_shared>>)
      } else {
      }
      %mul3A_207 = arith.constant 128 : i32
      %mul3A_208 = arith.muli %add3A_201, %mul3A_207 : i32
      %add3A_209 = arith.addi %add3A_73, %mul3A_208 : i32
      "tpu.region"() ({
        %run_scoped3A = tpu.sem_alloc : memref<!tpu.dma_semaphore, #tpu.memory_space<semaphore_mem>>
        %dma_start3A_213 = tpu.memref_slice %arg2[%add3A_209] : memref<320000xi32, #tpu.memory_space<hbm>> -> memref<128xi32, #tpu.memory_space<hbm>>
        %dma_start3A_214 = tpu.memref_slice %arg2[%add3A_209] : memref<320000xi32, #tpu.memory_space<hbm>> -> memref<128xi32, #tpu.memory_space<hbm>>
        tpu.enqueue_dma source(%dma_start3A_214 : memref<128xi32, #tpu.memory_space<hbm>>) target(%arg8 : memref<128xi32, #tpu.memory_space<vmem>>) target_semaphore(%run_scoped3A : memref<!tpu.dma_semaphore, #tpu.memory_space<semaphore_mem>>)
        %dma_wait3A_215 = tpu.memref_slice %arg2[%add3A_209] : memref<320000xi32, #tpu.memory_space<hbm>> -> memref<128xi32, #tpu.memory_space<hbm>>
        %dma_wait3A_216 = tpu.memref_slice %arg2[%add3A_209] : memref<320000xi32, #tpu.memory_space<hbm>> -> memref<128xi32, #tpu.memory_space<hbm>>
        tpu.wait_dma2 semaphore(%run_scoped3A : memref<!tpu.dma_semaphore, #tpu.memory_space<semaphore_mem>>) src(%dma_wait3A_216 : memref<128xi32, #tpu.memory_space<hbm>>) dst(%arg8 : memref<128xi32, #tpu.memory_space<vmem>>)
        tpu.yield
      }) : () -> ()
      %dma_start3A_210 = arith.constant 0 : i32
      %dma_start3A_211 = arith.constant 0 : i32
      %dma_start3A_212 = tpu.memref_slice %arg11[%dma_start3A_210, %dma_start3A_211] : memref<10000x128xf32, #tpu.memory_space<vmem_shared>> -> memref<10000x128xf32, #tpu.memory_space<vmem_shared>>
      tpu.enqueue_indirect_dma source(%arg9 : memref<128x128xf32, #tpu.memory_space<vmem>>) target(%dma_start3A_212 : memref<10000x128xf32, #tpu.memory_space<vmem_shared>>) offsets(%arg8 : memref<128xi32, #tpu.memory_space<vmem>>) semaphore(%arg14 : memref<!tpu.dma_semaphore, #tpu.memory_space<semaphore_mem>>) {add = true}
    }
    %scan3A_78 = arith.constant 26 : i32
    %mul3A_79 = arith.constant 160000 : i32
    %mul3A_80 = arith.muli %arg0, %mul3A_79 : i32
    %add3A_81 = arith.constant 159744 : i32
    %add3A_82 = arith.addi %mul3A_80, %add3A_81 : i32
    %lt3A_83 = arith.constant 2 : i32
    %lt3A_84 = arith.cmpi slt, %arg1, %lt3A_83 : i32
    %convert_element_type3A_85 = arith.extui %lt3A_84 : i1 to i32
    %cond3A_86 = arith.constant 0 : i32
    %cond3A_87 = arith.cmpi ne, %convert_element_type3A_85, %cond3A_86 : i32
    scf.if %cond3A_87 {
      %dma_wait3A_169 = arith.constant 0 : i32
      %dma_wait3A_170 = arith.constant 0 : i32
      %dma_wait3A_171 = tpu.memref_slice %arg11[%dma_wait3A_169, %dma_wait3A_170] : memref<10000x128xf32, #tpu.memory_space<vmem_shared>> -> memref<10000x128xf32, #tpu.memory_space<vmem_shared>>
      tpu.wait_indirect_dma semaphore(%arg12 : memref<!tpu.dma_semaphore, #tpu.memory_space<semaphore_mem>>) src(%arg9 : memref<128x128xf32, #tpu.memory_space<vmem>>) dst(%dma_wait3A_171 : memref<10000x128xf32, #tpu.memory_space<vmem_shared>>)
      %mul3A_172 = arith.constant 128 : i32
      %mul3A_173 = arith.muli %arg1, %mul3A_172 : i32
      %add3A_174 = arith.addi %add3A_82, %mul3A_173 : i32
      "tpu.region"() ({
        %run_scoped3A = tpu.sem_alloc : memref<!tpu.dma_semaphore, #tpu.memory_space<semaphore_mem>>
        %dma_start3A_177 = tpu.memref_slice %arg2[%add3A_174] : memref<320000xi32, #tpu.memory_space<hbm>> -> memref<128xi32, #tpu.memory_space<hbm>>
        %dma_start3A_178 = tpu.memref_slice %arg2[%add3A_174] : memref<320000xi32, #tpu.memory_space<hbm>> -> memref<128xi32, #tpu.memory_space<hbm>>
        tpu.enqueue_dma source(%dma_start3A_178 : memref<128xi32, #tpu.memory_space<hbm>>) target(%arg6 : memref<128xi32, #tpu.memory_space<vmem>>) target_semaphore(%run_scoped3A : memref<!tpu.dma_semaphore, #tpu.memory_space<semaphore_mem>>)
        %dma_wait3A_179 = tpu.memref_slice %arg2[%add3A_174] : memref<320000xi32, #tpu.memory_space<hbm>> -> memref<128xi32, #tpu.memory_space<hbm>>
        %dma_wait3A_180 = tpu.memref_slice %arg2[%add3A_174] : memref<320000xi32, #tpu.memory_space<hbm>> -> memref<128xi32, #tpu.memory_space<hbm>>
        tpu.wait_dma2 semaphore(%run_scoped3A : memref<!tpu.dma_semaphore, #tpu.memory_space<semaphore_mem>>) src(%dma_wait3A_180 : memref<128xi32, #tpu.memory_space<hbm>>) dst(%arg6 : memref<128xi32, #tpu.memory_space<vmem>>)
        tpu.yield
      }) : () -> ()
      %dma_start3A = arith.constant 0 : i32
      %dma_start3A_175 = arith.constant 0 : i32
      %dma_start3A_176 = tpu.memref_slice %arg11[%dma_start3A, %dma_start3A_175] : memref<10000x128xf32, #tpu.memory_space<vmem_shared>> -> memref<10000x128xf32, #tpu.memory_space<vmem_shared>>
      tpu.enqueue_indirect_dma source(%arg9 : memref<128x128xf32, #tpu.memory_space<vmem>>) target(%dma_start3A_176 : memref<10000x128xf32, #tpu.memory_space<vmem_shared>>) offsets(%arg6 : memref<128xi32, #tpu.memory_space<vmem>>) semaphore(%arg12 : memref<!tpu.dma_semaphore, #tpu.memory_space<semaphore_mem>>) {add = true}
    } else {
    }
    %dma_wait3A = arith.constant 0 : i32
    %dma_wait3A_88 = arith.constant 0 : i32
    %dma_wait3A_89 = tpu.memref_slice %arg11[%dma_wait3A, %dma_wait3A_88] : memref<10000x128xf32, #tpu.memory_space<vmem_shared>> -> memref<10000x128xf32, #tpu.memory_space<vmem_shared>>
    tpu.wait_indirect_dma semaphore(%arg12 : memref<!tpu.dma_semaphore, #tpu.memory_space<semaphore_mem>>) src(%arg9 : memref<128x128xf32, #tpu.memory_space<vmem>>) dst(%dma_wait3A_89 : memref<10000x128xf32, #tpu.memory_space<vmem_shared>>)
    %dma_wait3A_90 = arith.constant 0 : i32
    %dma_wait3A_91 = arith.constant 0 : i32
    %dma_wait3A_92 = tpu.memref_slice %arg11[%dma_wait3A_90, %dma_wait3A_91] : memref<10000x128xf32, #tpu.memory_space<vmem_shared>> -> memref<10000x128xf32, #tpu.memory_space<vmem_shared>>
    tpu.wait_indirect_dma semaphore(%arg13 : memref<!tpu.dma_semaphore, #tpu.memory_space<semaphore_mem>>) src(%arg9 : memref<128x128xf32, #tpu.memory_space<vmem>>) dst(%dma_wait3A_92 : memref<10000x128xf32, #tpu.memory_space<vmem_shared>>)
    %dma_wait3A_93 = arith.constant 0 : i32
    %dma_wait3A_94 = arith.constant 0 : i32
    %dma_wait3A_95 = tpu.memref_slice %arg11[%dma_wait3A_93, %dma_wait3A_94] : memref<10000x128xf32, #tpu.memory_space<vmem_shared>> -> memref<10000x128xf32, #tpu.memory_space<vmem_shared>>
    tpu.wait_indirect_dma semaphore(%arg14 : memref<!tpu.dma_semaphore, #tpu.memory_space<semaphore_mem>>) src(%arg9 : memref<128x128xf32, #tpu.memory_space<vmem>>) dst(%dma_wait3A_95 : memref<10000x128xf32, #tpu.memory_space<vmem_shared>>)
    %barrier3A_96 = arith.constant 0 : index
    tpu.barrier barrier_id(%barrier3A_96)
    %mul3A_97 = arith.constant 8 : i32
    %mul3A_98 = arith.muli %arg1, %mul3A_97 : i32
    %add3A_99 = arith.constant 0 : i32
    %add3A_100 = arith.addi %mul3A_98, %add3A_99 : i32
    %lt3A_101 = arith.constant 125 : i32
    %lt3A_102 = arith.cmpi slt, %add3A_100, %lt3A_101 : i32
    %convert_element_type3A_103 = arith.extui %lt3A_102 : i1 to i32
    %cond3A_104 = arith.constant 0 : i32
    %cond3A_105 = arith.cmpi ne, %convert_element_type3A_103, %cond3A_104 : i32
    scf.if %cond3A_105 {
      %mul3A_169 = arith.constant 80 : i32
      %mul3A_170 = arith.muli %add3A_100, %mul3A_169 : i32
      "tpu.region"() ({
        %run_scoped3A = tpu.sem_alloc : memref<!tpu.dma_semaphore, #tpu.memory_space<semaphore_mem>>
        %dma_start3A = arith.constant 0 : i32
        %dma_start3A_176 = tpu.memref_slice %arg11[%mul3A_170, %dma_start3A] : memref<10000x128xf32, #tpu.memory_space<vmem_shared>> -> memref<80x128xf32, #tpu.memory_space<vmem_shared>>
        %dma_start3A_177 = arith.constant 0 : i32
        %dma_start3A_178 = tpu.memref_slice %arg11[%mul3A_170, %dma_start3A_177] : memref<10000x128xf32, #tpu.memory_space<vmem_shared>> -> memref<80x128xf32, #tpu.memory_space<vmem_shared>>
        tpu.enqueue_dma source(%dma_start3A_178 : memref<80x128xf32, #tpu.memory_space<vmem_shared>>) target(%arg10 : memref<80x128xf32, #tpu.memory_space<vmem>>) target_semaphore(%run_scoped3A : memref<!tpu.dma_semaphore, #tpu.memory_space<semaphore_mem>>)
        %dma_wait3A_179 = arith.constant 0 : i32
        %dma_wait3A_180 = tpu.memref_slice %arg11[%mul3A_170, %dma_wait3A_179] : memref<10000x128xf32, #tpu.memory_space<vmem_shared>> -> memref<80x128xf32, #tpu.memory_space<vmem_shared>>
        %dma_wait3A_181 = arith.constant 0 : i32
        %dma_wait3A_182 = tpu.memref_slice %arg11[%mul3A_170, %dma_wait3A_181] : memref<10000x128xf32, #tpu.memory_space<vmem_shared>> -> memref<80x128xf32, #tpu.memory_space<vmem_shared>>
        tpu.wait_dma2 semaphore(%run_scoped3A : memref<!tpu.dma_semaphore, #tpu.memory_space<semaphore_mem>>) src(%dma_wait3A_182 : memref<80x128xf32, #tpu.memory_space<vmem_shared>>) dst(%arg10 : memref<80x128xf32, #tpu.memory_space<vmem>>)
        tpu.yield
      }) : () -> ()
      %mul3A_171 = arith.constant 10000 : i32
      %mul3A_172 = arith.muli %arg0, %mul3A_171 : i32
      %mul3A_173 = arith.constant 80 : i32
      %mul3A_174 = arith.muli %add3A_100, %mul3A_173 : i32
      %add3A_175 = arith.addi %mul3A_172, %mul3A_174 : i32
      "tpu.region"() ({
        %run_scoped3A = tpu.sem_alloc : memref<!tpu.dma_semaphore, #tpu.memory_space<semaphore_mem>>
        %dma_start3A = arith.constant 0 : i32
        %dma_start3A_176 = tpu.memref_slice %arg5[%add3A_175, %dma_start3A] : memref<20000x128xf32, #tpu.memory_space<hbm>> -> memref<80x128xf32, #tpu.memory_space<hbm>>
        %dma_start3A_177 = arith.constant 0 : i32
        %dma_start3A_178 = tpu.memref_slice %arg5[%add3A_175, %dma_start3A_177] : memref<20000x128xf32, #tpu.memory_space<hbm>> -> memref<80x128xf32, #tpu.memory_space<hbm>>
        tpu.enqueue_dma source(%arg10 : memref<80x128xf32, #tpu.memory_space<vmem>>) target(%dma_start3A_178 : memref<80x128xf32, #tpu.memory_space<hbm>>) target_semaphore(%run_scoped3A : memref<!tpu.dma_semaphore, #tpu.memory_space<semaphore_mem>>)
        %dma_wait3A_179 = arith.constant 0 : i32
        %dma_wait3A_180 = tpu.memref_slice %arg5[%add3A_175, %dma_wait3A_179] : memref<20000x128xf32, #tpu.memory_space<hbm>> -> memref<80x128xf32, #tpu.memory_space<hbm>>
        %dma_wait3A_181 = arith.constant 0 : i32
        %dma_wait3A_182 = tpu.memref_slice %arg5[%add3A_175, %dma_wait3A_181] : memref<20000x128xf32, #tpu.memory_space<hbm>> -> memref<80x128xf32, #tpu.memory_space<hbm>>
        tpu.wait_dma2 semaphore(%run_scoped3A : memref<!tpu.dma_semaphore, #tpu.memory_space<semaphore_mem>>) src(%arg10 : memref<80x128xf32, #tpu.memory_space<vmem>>) dst(%dma_wait3A_182 : memref<80x128xf32, #tpu.memory_space<hbm>>)
        tpu.yield
      }) : () -> ()
    } else {
    }
    %mul3A_106 = arith.constant 8 : i32
    %mul3A_107 = arith.muli %arg1, %mul3A_106 : i32
    %add3A_108 = arith.constant 1 : i32
    %add3A_109 = arith.addi %mul3A_107, %add3A_108 : i32
    %lt3A_110 = arith.constant 125 : i32
    %lt3A_111 = arith.cmpi slt, %add3A_109, %lt3A_110 : i32
    %convert_element_type3A_112 = arith.extui %lt3A_111 : i1 to i32
    %cond3A_113 = arith.constant 0 : i32
    %cond3A_114 = arith.cmpi ne, %convert_element_type3A_112, %cond3A_113 : i32
    scf.if %cond3A_114 {
      %mul3A_169 = arith.constant 80 : i32
      %mul3A_170 = arith.muli %add3A_109, %mul3A_169 : i32
      "tpu.region"() ({
        %run_scoped3A = tpu.sem_alloc : memref<!tpu.dma_semaphore, #tpu.memory_space<semaphore_mem>>
        %dma_start3A = arith.constant 0 : i32
        %dma_start3A_176 = tpu.memref_slice %arg11[%mul3A_170, %dma_start3A] : memref<10000x128xf32, #tpu.memory_space<vmem_shared>> -> memref<80x128xf32, #tpu.memory_space<vmem_shared>>
        %dma_start3A_177 = arith.constant 0 : i32
        %dma_start3A_178 = tpu.memref_slice %arg11[%mul3A_170, %dma_start3A_177] : memref<10000x128xf32, #tpu.memory_space<vmem_shared>> -> memref<80x128xf32, #tpu.memory_space<vmem_shared>>
        tpu.enqueue_dma source(%dma_start3A_178 : memref<80x128xf32, #tpu.memory_space<vmem_shared>>) target(%arg10 : memref<80x128xf32, #tpu.memory_space<vmem>>) target_semaphore(%run_scoped3A : memref<!tpu.dma_semaphore, #tpu.memory_space<semaphore_mem>>)
        %dma_wait3A_179 = arith.constant 0 : i32
        %dma_wait3A_180 = tpu.memref_slice %arg11[%mul3A_170, %dma_wait3A_179] : memref<10000x128xf32, #tpu.memory_space<vmem_shared>> -> memref<80x128xf32, #tpu.memory_space<vmem_shared>>
        %dma_wait3A_181 = arith.constant 0 : i32
        %dma_wait3A_182 = tpu.memref_slice %arg11[%mul3A_170, %dma_wait3A_181] : memref<10000x128xf32, #tpu.memory_space<vmem_shared>> -> memref<80x128xf32, #tpu.memory_space<vmem_shared>>
        tpu.wait_dma2 semaphore(%run_scoped3A : memref<!tpu.dma_semaphore, #tpu.memory_space<semaphore_mem>>) src(%dma_wait3A_182 : memref<80x128xf32, #tpu.memory_space<vmem_shared>>) dst(%arg10 : memref<80x128xf32, #tpu.memory_space<vmem>>)
        tpu.yield
      }) : () -> ()
      %mul3A_171 = arith.constant 10000 : i32
      %mul3A_172 = arith.muli %arg0, %mul3A_171 : i32
      %mul3A_173 = arith.constant 80 : i32
      %mul3A_174 = arith.muli %add3A_109, %mul3A_173 : i32
      %add3A_175 = arith.addi %mul3A_172, %mul3A_174 : i32
      "tpu.region"() ({
        %run_scoped3A = tpu.sem_alloc : memref<!tpu.dma_semaphore, #tpu.memory_space<semaphore_mem>>
        %dma_start3A = arith.constant 0 : i32
        %dma_start3A_176 = tpu.memref_slice %arg5[%add3A_175, %dma_start3A] : memref<20000x128xf32, #tpu.memory_space<hbm>> -> memref<80x128xf32, #tpu.memory_space<hbm>>
        %dma_start3A_177 = arith.constant 0 : i32
        %dma_start3A_178 = tpu.memref_slice %arg5[%add3A_175, %dma_start3A_177] : memref<20000x128xf32, #tpu.memory_space<hbm>> -> memref<80x128xf32, #tpu.memory_space<hbm>>
        tpu.enqueue_dma source(%arg10 : memref<80x128xf32, #tpu.memory_space<vmem>>) target(%dma_start3A_178 : memref<80x128xf32, #tpu.memory_space<hbm>>) target_semaphore(%run_scoped3A : memref<!tpu.dma_semaphore, #tpu.memory_space<semaphore_mem>>)
        %dma_wait3A_179 = arith.constant 0 : i32
        %dma_wait3A_180 = tpu.memref_slice %arg5[%add3A_175, %dma_wait3A_179] : memref<20000x128xf32, #tpu.memory_space<hbm>> -> memref<80x128xf32, #tpu.memory_space<hbm>>
        %dma_wait3A_181 = arith.constant 0 : i32
        %dma_wait3A_182 = tpu.memref_slice %arg5[%add3A_175, %dma_wait3A_181] : memref<20000x128xf32, #tpu.memory_space<hbm>> -> memref<80x128xf32, #tpu.memory_space<hbm>>
        tpu.wait_dma2 semaphore(%run_scoped3A : memref<!tpu.dma_semaphore, #tpu.memory_space<semaphore_mem>>) src(%arg10 : memref<80x128xf32, #tpu.memory_space<vmem>>) dst(%dma_wait3A_182 : memref<80x128xf32, #tpu.memory_space<hbm>>)
        tpu.yield
      }) : () -> ()
    } else {
    }
    %mul3A_115 = arith.constant 8 : i32
    %mul3A_116 = arith.muli %arg1, %mul3A_115 : i32
    %add3A_117 = arith.constant 2 : i32
    %add3A_118 = arith.addi %mul3A_116, %add3A_117 : i32
    %lt3A_119 = arith.constant 125 : i32
    %lt3A_120 = arith.cmpi slt, %add3A_118, %lt3A_119 : i32
    %convert_element_type3A_121 = arith.extui %lt3A_120 : i1 to i32
    %cond3A_122 = arith.constant 0 : i32
    %cond3A_123 = arith.cmpi ne, %convert_element_type3A_121, %cond3A_122 : i32
    scf.if %cond3A_123 {
      %mul3A_169 = arith.constant 80 : i32
      %mul3A_170 = arith.muli %add3A_118, %mul3A_169 : i32
      "tpu.region"() ({
        %run_scoped3A = tpu.sem_alloc : memref<!tpu.dma_semaphore, #tpu.memory_space<semaphore_mem>>
        %dma_start3A = arith.constant 0 : i32
        %dma_start3A_176 = tpu.memref_slice %arg11[%mul3A_170, %dma_start3A] : memref<10000x128xf32, #tpu.memory_space<vmem_shared>> -> memref<80x128xf32, #tpu.memory_space<vmem_shared>>
        %dma_start3A_177 = arith.constant 0 : i32
        %dma_start3A_178 = tpu.memref_slice %arg11[%mul3A_170, %dma_start3A_177] : memref<10000x128xf32, #tpu.memory_space<vmem_shared>> -> memref<80x128xf32, #tpu.memory_space<vmem_shared>>
        tpu.enqueue_dma source(%dma_start3A_178 : memref<80x128xf32, #tpu.memory_space<vmem_shared>>) target(%arg10 : memref<80x128xf32, #tpu.memory_space<vmem>>) target_semaphore(%run_scoped3A : memref<!tpu.dma_semaphore, #tpu.memory_space<semaphore_mem>>)
        %dma_wait3A_179 = arith.constant 0 : i32
        %dma_wait3A_180 = tpu.memref_slice %arg11[%mul3A_170, %dma_wait3A_179] : memref<10000x128xf32, #tpu.memory_space<vmem_shared>> -> memref<80x128xf32, #tpu.memory_space<vmem_shared>>
        %dma_wait3A_181 = arith.constant 0 : i32
        %dma_wait3A_182 = tpu.memref_slice %arg11[%mul3A_170, %dma_wait3A_181] : memref<10000x128xf32, #tpu.memory_space<vmem_shared>> -> memref<80x128xf32, #tpu.memory_space<vmem_shared>>
        tpu.wait_dma2 semaphore(%run_scoped3A : memref<!tpu.dma_semaphore, #tpu.memory_space<semaphore_mem>>) src(%dma_wait3A_182 : memref<80x128xf32, #tpu.memory_space<vmem_shared>>) dst(%arg10 : memref<80x128xf32, #tpu.memory_space<vmem>>)
        tpu.yield
      }) : () -> ()
      %mul3A_171 = arith.constant 10000 : i32
      %mul3A_172 = arith.muli %arg0, %mul3A_171 : i32
      %mul3A_173 = arith.constant 80 : i32
      %mul3A_174 = arith.muli %add3A_118, %mul3A_173 : i32
      %add3A_175 = arith.addi %mul3A_172, %mul3A_174 : i32
      "tpu.region"() ({
        %run_scoped3A = tpu.sem_alloc : memref<!tpu.dma_semaphore, #tpu.memory_space<semaphore_mem>>
        %dma_start3A = arith.constant 0 : i32
        %dma_start3A_176 = tpu.memref_slice %arg5[%add3A_175, %dma_start3A] : memref<20000x128xf32, #tpu.memory_space<hbm>> -> memref<80x128xf32, #tpu.memory_space<hbm>>
        %dma_start3A_177 = arith.constant 0 : i32
        %dma_start3A_178 = tpu.memref_slice %arg5[%add3A_175, %dma_start3A_177] : memref<20000x128xf32, #tpu.memory_space<hbm>> -> memref<80x128xf32, #tpu.memory_space<hbm>>
        tpu.enqueue_dma source(%arg10 : memref<80x128xf32, #tpu.memory_space<vmem>>) target(%dma_start3A_178 : memref<80x128xf32, #tpu.memory_space<hbm>>) target_semaphore(%run_scoped3A : memref<!tpu.dma_semaphore, #tpu.memory_space<semaphore_mem>>)
        %dma_wait3A_179 = arith.constant 0 : i32
        %dma_wait3A_180 = tpu.memref_slice %arg5[%add3A_175, %dma_wait3A_179] : memref<20000x128xf32, #tpu.memory_space<hbm>> -> memref<80x128xf32, #tpu.memory_space<hbm>>
        %dma_wait3A_181 = arith.constant 0 : i32
        %dma_wait3A_182 = tpu.memref_slice %arg5[%add3A_175, %dma_wait3A_181] : memref<20000x128xf32, #tpu.memory_space<hbm>> -> memref<80x128xf32, #tpu.memory_space<hbm>>
        tpu.wait_dma2 semaphore(%run_scoped3A : memref<!tpu.dma_semaphore, #tpu.memory_space<semaphore_mem>>) src(%arg10 : memref<80x128xf32, #tpu.memory_space<vmem>>) dst(%dma_wait3A_182 : memref<80x128xf32, #tpu.memory_space<hbm>>)
        tpu.yield
      }) : () -> ()
    } else {
    }
    %mul3A_124 = arith.constant 8 : i32
    %mul3A_125 = arith.muli %arg1, %mul3A_124 : i32
    %add3A_126 = arith.constant 3 : i32
    %add3A_127 = arith.addi %mul3A_125, %add3A_126 : i32
    %lt3A_128 = arith.constant 125 : i32
    %lt3A_129 = arith.cmpi slt, %add3A_127, %lt3A_128 : i32
    %convert_element_type3A_130 = arith.extui %lt3A_129 : i1 to i32
    %cond3A_131 = arith.constant 0 : i32
    %cond3A_132 = arith.cmpi ne, %convert_element_type3A_130, %cond3A_131 : i32
    scf.if %cond3A_132 {
      %mul3A_169 = arith.constant 80 : i32
      %mul3A_170 = arith.muli %add3A_127, %mul3A_169 : i32
      "tpu.region"() ({
        %run_scoped3A = tpu.sem_alloc : memref<!tpu.dma_semaphore, #tpu.memory_space<semaphore_mem>>
        %dma_start3A = arith.constant 0 : i32
        %dma_start3A_176 = tpu.memref_slice %arg11[%mul3A_170, %dma_start3A] : memref<10000x128xf32, #tpu.memory_space<vmem_shared>> -> memref<80x128xf32, #tpu.memory_space<vmem_shared>>
        %dma_start3A_177 = arith.constant 0 : i32
        %dma_start3A_178 = tpu.memref_slice %arg11[%mul3A_170, %dma_start3A_177] : memref<10000x128xf32, #tpu.memory_space<vmem_shared>> -> memref<80x128xf32, #tpu.memory_space<vmem_shared>>
        tpu.enqueue_dma source(%dma_start3A_178 : memref<80x128xf32, #tpu.memory_space<vmem_shared>>) target(%arg10 : memref<80x128xf32, #tpu.memory_space<vmem>>) target_semaphore(%run_scoped3A : memref<!tpu.dma_semaphore, #tpu.memory_space<semaphore_mem>>)
        %dma_wait3A_179 = arith.constant 0 : i32
        %dma_wait3A_180 = tpu.memref_slice %arg11[%mul3A_170, %dma_wait3A_179] : memref<10000x128xf32, #tpu.memory_space<vmem_shared>> -> memref<80x128xf32, #tpu.memory_space<vmem_shared>>
        %dma_wait3A_181 = arith.constant 0 : i32
        %dma_wait3A_182 = tpu.memref_slice %arg11[%mul3A_170, %dma_wait3A_181] : memref<10000x128xf32, #tpu.memory_space<vmem_shared>> -> memref<80x128xf32, #tpu.memory_space<vmem_shared>>
        tpu.wait_dma2 semaphore(%run_scoped3A : memref<!tpu.dma_semaphore, #tpu.memory_space<semaphore_mem>>) src(%dma_wait3A_182 : memref<80x128xf32, #tpu.memory_space<vmem_shared>>) dst(%arg10 : memref<80x128xf32, #tpu.memory_space<vmem>>)
        tpu.yield
      }) : () -> ()
      %mul3A_171 = arith.constant 10000 : i32
      %mul3A_172 = arith.muli %arg0, %mul3A_171 : i32
      %mul3A_173 = arith.constant 80 : i32
      %mul3A_174 = arith.muli %add3A_127, %mul3A_173 : i32
      %add3A_175 = arith.addi %mul3A_172, %mul3A_174 : i32
      "tpu.region"() ({
        %run_scoped3A = tpu.sem_alloc : memref<!tpu.dma_semaphore, #tpu.memory_space<semaphore_mem>>
        %dma_start3A = arith.constant 0 : i32
        %dma_start3A_176 = tpu.memref_slice %arg5[%add3A_175, %dma_start3A] : memref<20000x128xf32, #tpu.memory_space<hbm>> -> memref<80x128xf32, #tpu.memory_space<hbm>>
        %dma_start3A_177 = arith.constant 0 : i32
        %dma_start3A_178 = tpu.memref_slice %arg5[%add3A_175, %dma_start3A_177] : memref<20000x128xf32, #tpu.memory_space<hbm>> -> memref<80x128xf32, #tpu.memory_space<hbm>>
        tpu.enqueue_dma source(%arg10 : memref<80x128xf32, #tpu.memory_space<vmem>>) target(%dma_start3A_178 : memref<80x128xf32, #tpu.memory_space<hbm>>) target_semaphore(%run_scoped3A : memref<!tpu.dma_semaphore, #tpu.memory_space<semaphore_mem>>)
        %dma_wait3A_179 = arith.constant 0 : i32
        %dma_wait3A_180 = tpu.memref_slice %arg5[%add3A_175, %dma_wait3A_179] : memref<20000x128xf32, #tpu.memory_space<hbm>> -> memref<80x128xf32, #tpu.memory_space<hbm>>
        %dma_wait3A_181 = arith.constant 0 : i32
        %dma_wait3A_182 = tpu.memref_slice %arg5[%add3A_175, %dma_wait3A_181] : memref<20000x128xf32, #tpu.memory_space<hbm>> -> memref<80x128xf32, #tpu.memory_space<hbm>>
        tpu.wait_dma2 semaphore(%run_scoped3A : memref<!tpu.dma_semaphore, #tpu.memory_space<semaphore_mem>>) src(%arg10 : memref<80x128xf32, #tpu.memory_space<vmem>>) dst(%dma_wait3A_182 : memref<80x128xf32, #tpu.memory_space<hbm>>)
        tpu.yield
      }) : () -> ()
    } else {
    }
    %mul3A_133 = arith.constant 8 : i32
    %mul3A_134 = arith.muli %arg1, %mul3A_133 : i32
    %add3A_135 = arith.constant 4 : i32
    %add3A_136 = arith.addi %mul3A_134, %add3A_135 : i32
    %lt3A_137 = arith.constant 125 : i32
    %lt3A_138 = arith.cmpi slt, %add3A_136, %lt3A_137 : i32
    %convert_element_type3A_139 = arith.extui %lt3A_138 : i1 to i32
    %cond3A_140 = arith.constant 0 : i32
    %cond3A_141 = arith.cmpi ne, %convert_element_type3A_139, %cond3A_140 : i32
    scf.if %cond3A_141 {
      %mul3A_169 = arith.constant 80 : i32
      %mul3A_170 = arith.muli %add3A_136, %mul3A_169 : i32
      "tpu.region"() ({
        %run_scoped3A = tpu.sem_alloc : memref<!tpu.dma_semaphore, #tpu.memory_space<semaphore_mem>>
        %dma_start3A = arith.constant 0 : i32
        %dma_start3A_176 = tpu.memref_slice %arg11[%mul3A_170, %dma_start3A] : memref<10000x128xf32, #tpu.memory_space<vmem_shared>> -> memref<80x128xf32, #tpu.memory_space<vmem_shared>>
        %dma_start3A_177 = arith.constant 0 : i32
        %dma_start3A_178 = tpu.memref_slice %arg11[%mul3A_170, %dma_start3A_177] : memref<10000x128xf32, #tpu.memory_space<vmem_shared>> -> memref<80x128xf32, #tpu.memory_space<vmem_shared>>
        tpu.enqueue_dma source(%dma_start3A_178 : memref<80x128xf32, #tpu.memory_space<vmem_shared>>) target(%arg10 : memref<80x128xf32, #tpu.memory_space<vmem>>) target_semaphore(%run_scoped3A : memref<!tpu.dma_semaphore, #tpu.memory_space<semaphore_mem>>)
        %dma_wait3A_179 = arith.constant 0 : i32
        %dma_wait3A_180 = tpu.memref_slice %arg11[%mul3A_170, %dma_wait3A_179] : memref<10000x128xf32, #tpu.memory_space<vmem_shared>> -> memref<80x128xf32, #tpu.memory_space<vmem_shared>>
        %dma_wait3A_181 = arith.constant 0 : i32
        %dma_wait3A_182 = tpu.memref_slice %arg11[%mul3A_170, %dma_wait3A_181] : memref<10000x128xf32, #tpu.memory_space<vmem_shared>> -> memref<80x128xf32, #tpu.memory_space<vmem_shared>>
        tpu.wait_dma2 semaphore(%run_scoped3A : memref<!tpu.dma_semaphore, #tpu.memory_space<semaphore_mem>>) src(%dma_wait3A_182 : memref<80x128xf32, #tpu.memory_space<vmem_shared>>) dst(%arg10 : memref<80x128xf32, #tpu.memory_space<vmem>>)
        tpu.yield
      }) : () -> ()
      %mul3A_171 = arith.constant 10000 : i32
      %mul3A_172 = arith.muli %arg0, %mul3A_171 : i32
      %mul3A_173 = arith.constant 80 : i32
      %mul3A_174 = arith.muli %add3A_136, %mul3A_173 : i32
      %add3A_175 = arith.addi %mul3A_172, %mul3A_174 : i32
      "tpu.region"() ({
        %run_scoped3A = tpu.sem_alloc : memref<!tpu.dma_semaphore, #tpu.memory_space<semaphore_mem>>
        %dma_start3A = arith.constant 0 : i32
        %dma_start3A_176 = tpu.memref_slice %arg5[%add3A_175, %dma_start3A] : memref<20000x128xf32, #tpu.memory_space<hbm>> -> memref<80x128xf32, #tpu.memory_space<hbm>>
        %dma_start3A_177 = arith.constant 0 : i32
        %dma_start3A_178 = tpu.memref_slice %arg5[%add3A_175, %dma_start3A_177] : memref<20000x128xf32, #tpu.memory_space<hbm>> -> memref<80x128xf32, #tpu.memory_space<hbm>>
        tpu.enqueue_dma source(%arg10 : memref<80x128xf32, #tpu.memory_space<vmem>>) target(%dma_start3A_178 : memref<80x128xf32, #tpu.memory_space<hbm>>) target_semaphore(%run_scoped3A : memref<!tpu.dma_semaphore, #tpu.memory_space<semaphore_mem>>)
        %dma_wait3A_179 = arith.constant 0 : i32
        %dma_wait3A_180 = tpu.memref_slice %arg5[%add3A_175, %dma_wait3A_179] : memref<20000x128xf32, #tpu.memory_space<hbm>> -> memref<80x128xf32, #tpu.memory_space<hbm>>
        %dma_wait3A_181 = arith.constant 0 : i32
        %dma_wait3A_182 = tpu.memref_slice %arg5[%add3A_175, %dma_wait3A_181] : memref<20000x128xf32, #tpu.memory_space<hbm>> -> memref<80x128xf32, #tpu.memory_space<hbm>>
        tpu.wait_dma2 semaphore(%run_scoped3A : memref<!tpu.dma_semaphore, #tpu.memory_space<semaphore_mem>>) src(%arg10 : memref<80x128xf32, #tpu.memory_space<vmem>>) dst(%dma_wait3A_182 : memref<80x128xf32, #tpu.memory_space<hbm>>)
        tpu.yield
      }) : () -> ()
    } else {
    }
    %mul3A_142 = arith.constant 8 : i32
    %mul3A_143 = arith.muli %arg1, %mul3A_142 : i32
    %add3A_144 = arith.constant 5 : i32
    %add3A_145 = arith.addi %mul3A_143, %add3A_144 : i32
    %lt3A_146 = arith.constant 125 : i32
    %lt3A_147 = arith.cmpi slt, %add3A_145, %lt3A_146 : i32
    %convert_element_type3A_148 = arith.extui %lt3A_147 : i1 to i32
    %cond3A_149 = arith.constant 0 : i32
    %cond3A_150 = arith.cmpi ne, %convert_element_type3A_148, %cond3A_149 : i32
    scf.if %cond3A_150 {
      %mul3A_169 = arith.constant 80 : i32
      %mul3A_170 = arith.muli %add3A_145, %mul3A_169 : i32
      "tpu.region"() ({
        %run_scoped3A = tpu.sem_alloc : memref<!tpu.dma_semaphore, #tpu.memory_space<semaphore_mem>>
        %dma_start3A = arith.constant 0 : i32
        %dma_start3A_176 = tpu.memref_slice %arg11[%mul3A_170, %dma_start3A] : memref<10000x128xf32, #tpu.memory_space<vmem_shared>> -> memref<80x128xf32, #tpu.memory_space<vmem_shared>>
        %dma_start3A_177 = arith.constant 0 : i32
        %dma_start3A_178 = tpu.memref_slice %arg11[%mul3A_170, %dma_start3A_177] : memref<10000x128xf32, #tpu.memory_space<vmem_shared>> -> memref<80x128xf32, #tpu.memory_space<vmem_shared>>
        tpu.enqueue_dma source(%dma_start3A_178 : memref<80x128xf32, #tpu.memory_space<vmem_shared>>) target(%arg10 : memref<80x128xf32, #tpu.memory_space<vmem>>) target_semaphore(%run_scoped3A : memref<!tpu.dma_semaphore, #tpu.memory_space<semaphore_mem>>)
        %dma_wait3A_179 = arith.constant 0 : i32
        %dma_wait3A_180 = tpu.memref_slice %arg11[%mul3A_170, %dma_wait3A_179] : memref<10000x128xf32, #tpu.memory_space<vmem_shared>> -> memref<80x128xf32, #tpu.memory_space<vmem_shared>>
        %dma_wait3A_181 = arith.constant 0 : i32
        %dma_wait3A_182 = tpu.memref_slice %arg11[%mul3A_170, %dma_wait3A_181] : memref<10000x128xf32, #tpu.memory_space<vmem_shared>> -> memref<80x128xf32, #tpu.memory_space<vmem_shared>>
        tpu.wait_dma2 semaphore(%run_scoped3A : memref<!tpu.dma_semaphore, #tpu.memory_space<semaphore_mem>>) src(%dma_wait3A_182 : memref<80x128xf32, #tpu.memory_space<vmem_shared>>) dst(%arg10 : memref<80x128xf32, #tpu.memory_space<vmem>>)
        tpu.yield
      }) : () -> ()
      %mul3A_171 = arith.constant 10000 : i32
      %mul3A_172 = arith.muli %arg0, %mul3A_171 : i32
      %mul3A_173 = arith.constant 80 : i32
      %mul3A_174 = arith.muli %add3A_145, %mul3A_173 : i32
      %add3A_175 = arith.addi %mul3A_172, %mul3A_174 : i32
      "tpu.region"() ({
        %run_scoped3A = tpu.sem_alloc : memref<!tpu.dma_semaphore, #tpu.memory_space<semaphore_mem>>
        %dma_start3A = arith.constant 0 : i32
        %dma_start3A_176 = tpu.memref_slice %arg5[%add3A_175, %dma_start3A] : memref<20000x128xf32, #tpu.memory_space<hbm>> -> memref<80x128xf32, #tpu.memory_space<hbm>>
        %dma_start3A_177 = arith.constant 0 : i32
        %dma_start3A_178 = tpu.memref_slice %arg5[%add3A_175, %dma_start3A_177] : memref<20000x128xf32, #tpu.memory_space<hbm>> -> memref<80x128xf32, #tpu.memory_space<hbm>>
        tpu.enqueue_dma source(%arg10 : memref<80x128xf32, #tpu.memory_space<vmem>>) target(%dma_start3A_178 : memref<80x128xf32, #tpu.memory_space<hbm>>) target_semaphore(%run_scoped3A : memref<!tpu.dma_semaphore, #tpu.memory_space<semaphore_mem>>)
        %dma_wait3A_179 = arith.constant 0 : i32
        %dma_wait3A_180 = tpu.memref_slice %arg5[%add3A_175, %dma_wait3A_179] : memref<20000x128xf32, #tpu.memory_space<hbm>> -> memref<80x128xf32, #tpu.memory_space<hbm>>
        %dma_wait3A_181 = arith.constant 0 : i32
        %dma_wait3A_182 = tpu.memref_slice %arg5[%add3A_175, %dma_wait3A_181] : memref<20000x128xf32, #tpu.memory_space<hbm>> -> memref<80x128xf32, #tpu.memory_space<hbm>>
        tpu.wait_dma2 semaphore(%run_scoped3A : memref<!tpu.dma_semaphore, #tpu.memory_space<semaphore_mem>>) src(%arg10 : memref<80x128xf32, #tpu.memory_space<vmem>>) dst(%dma_wait3A_182 : memref<80x128xf32, #tpu.memory_space<hbm>>)
        tpu.yield
      }) : () -> ()
    } else {
    }
    %mul3A_151 = arith.constant 8 : i32
    %mul3A_152 = arith.muli %arg1, %mul3A_151 : i32
    %add3A_153 = arith.constant 6 : i32
    %add3A_154 = arith.addi %mul3A_152, %add3A_153 : i32
    %lt3A_155 = arith.constant 125 : i32
    %lt3A_156 = arith.cmpi slt, %add3A_154, %lt3A_155 : i32
    %convert_element_type3A_157 = arith.extui %lt3A_156 : i1 to i32
    %cond3A_158 = arith.constant 0 : i32
    %cond3A_159 = arith.cmpi ne, %convert_element_type3A_157, %cond3A_158 : i32
    scf.if %cond3A_159 {
      %mul3A_169 = arith.constant 80 : i32
      %mul3A_170 = arith.muli %add3A_154, %mul3A_169 : i32
      "tpu.region"() ({
        %run_scoped3A = tpu.sem_alloc : memref<!tpu.dma_semaphore, #tpu.memory_space<semaphore_mem>>
        %dma_start3A = arith.constant 0 : i32
        %dma_start3A_176 = tpu.memref_slice %arg11[%mul3A_170, %dma_start3A] : memref<10000x128xf32, #tpu.memory_space<vmem_shared>> -> memref<80x128xf32, #tpu.memory_space<vmem_shared>>
        %dma_start3A_177 = arith.constant 0 : i32
        %dma_start3A_178 = tpu.memref_slice %arg11[%mul3A_170, %dma_start3A_177] : memref<10000x128xf32, #tpu.memory_space<vmem_shared>> -> memref<80x128xf32, #tpu.memory_space<vmem_shared>>
        tpu.enqueue_dma source(%dma_start3A_178 : memref<80x128xf32, #tpu.memory_space<vmem_shared>>) target(%arg10 : memref<80x128xf32, #tpu.memory_space<vmem>>) target_semaphore(%run_scoped3A : memref<!tpu.dma_semaphore, #tpu.memory_space<semaphore_mem>>)
        %dma_wait3A_179 = arith.constant 0 : i32
        %dma_wait3A_180 = tpu.memref_slice %arg11[%mul3A_170, %dma_wait3A_179] : memref<10000x128xf32, #tpu.memory_space<vmem_shared>> -> memref<80x128xf32, #tpu.memory_space<vmem_shared>>
        %dma_wait3A_181 = arith.constant 0 : i32
        %dma_wait3A_182 = tpu.memref_slice %arg11[%mul3A_170, %dma_wait3A_181] : memref<10000x128xf32, #tpu.memory_space<vmem_shared>> -> memref<80x128xf32, #tpu.memory_space<vmem_shared>>
        tpu.wait_dma2 semaphore(%run_scoped3A : memref<!tpu.dma_semaphore, #tpu.memory_space<semaphore_mem>>) src(%dma_wait3A_182 : memref<80x128xf32, #tpu.memory_space<vmem_shared>>) dst(%arg10 : memref<80x128xf32, #tpu.memory_space<vmem>>)
        tpu.yield
      }) : () -> ()
      %mul3A_171 = arith.constant 10000 : i32
      %mul3A_172 = arith.muli %arg0, %mul3A_171 : i32
      %mul3A_173 = arith.constant 80 : i32
      %mul3A_174 = arith.muli %add3A_154, %mul3A_173 : i32
      %add3A_175 = arith.addi %mul3A_172, %mul3A_174 : i32
      "tpu.region"() ({
        %run_scoped3A = tpu.sem_alloc : memref<!tpu.dma_semaphore, #tpu.memory_space<semaphore_mem>>
        %dma_start3A = arith.constant 0 : i32
        %dma_start3A_176 = tpu.memref_slice %arg5[%add3A_175, %dma_start3A] : memref<20000x128xf32, #tpu.memory_space<hbm>> -> memref<80x128xf32, #tpu.memory_space<hbm>>
        %dma_start3A_177 = arith.constant 0 : i32
        %dma_start3A_178 = tpu.memref_slice %arg5[%add3A_175, %dma_start3A_177] : memref<20000x128xf32, #tpu.memory_space<hbm>> -> memref<80x128xf32, #tpu.memory_space<hbm>>
        tpu.enqueue_dma source(%arg10 : memref<80x128xf32, #tpu.memory_space<vmem>>) target(%dma_start3A_178 : memref<80x128xf32, #tpu.memory_space<hbm>>) target_semaphore(%run_scoped3A : memref<!tpu.dma_semaphore, #tpu.memory_space<semaphore_mem>>)
        %dma_wait3A_179 = arith.constant 0 : i32
        %dma_wait3A_180 = tpu.memref_slice %arg5[%add3A_175, %dma_wait3A_179] : memref<20000x128xf32, #tpu.memory_space<hbm>> -> memref<80x128xf32, #tpu.memory_space<hbm>>
        %dma_wait3A_181 = arith.constant 0 : i32
        %dma_wait3A_182 = tpu.memref_slice %arg5[%add3A_175, %dma_wait3A_181] : memref<20000x128xf32, #tpu.memory_space<hbm>> -> memref<80x128xf32, #tpu.memory_space<hbm>>
        tpu.wait_dma2 semaphore(%run_scoped3A : memref<!tpu.dma_semaphore, #tpu.memory_space<semaphore_mem>>) src(%arg10 : memref<80x128xf32, #tpu.memory_space<vmem>>) dst(%dma_wait3A_182 : memref<80x128xf32, #tpu.memory_space<hbm>>)
        tpu.yield
      }) : () -> ()
    } else {
    }
    %mul3A_160 = arith.constant 8 : i32
    %mul3A_161 = arith.muli %arg1, %mul3A_160 : i32
    %add3A_162 = arith.constant 7 : i32
    %add3A_163 = arith.addi %mul3A_161, %add3A_162 : i32
    %lt3A_164 = arith.constant 125 : i32
    %lt3A_165 = arith.cmpi slt, %add3A_163, %lt3A_164 : i32
    %convert_element_type3A_166 = arith.extui %lt3A_165 : i1 to i32
    %cond3A_167 = arith.constant 0 : i32
    %cond3A_168 = arith.cmpi ne, %convert_element_type3A_166, %cond3A_167 : i32
    scf.if %cond3A_168 {
      %mul3A_169 = arith.constant 80 : i32
      %mul3A_170 = arith.muli %add3A_163, %mul3A_169 : i32
      "tpu.region"() ({
        %run_scoped3A = tpu.sem_alloc : memref<!tpu.dma_semaphore, #tpu.memory_space<semaphore_mem>>
        %dma_start3A = arith.constant 0 : i32
        %dma_start3A_176 = tpu.memref_slice %arg11[%mul3A_170, %dma_start3A] : memref<10000x128xf32, #tpu.memory_space<vmem_shared>> -> memref<80x128xf32, #tpu.memory_space<vmem_shared>>
        %dma_start3A_177 = arith.constant 0 : i32
        %dma_start3A_178 = tpu.memref_slice %arg11[%mul3A_170, %dma_start3A_177] : memref<10000x128xf32, #tpu.memory_space<vmem_shared>> -> memref<80x128xf32, #tpu.memory_space<vmem_shared>>
        tpu.enqueue_dma source(%dma_start3A_178 : memref<80x128xf32, #tpu.memory_space<vmem_shared>>) target(%arg10 : memref<80x128xf32, #tpu.memory_space<vmem>>) target_semaphore(%run_scoped3A : memref<!tpu.dma_semaphore, #tpu.memory_space<semaphore_mem>>)
        %dma_wait3A_179 = arith.constant 0 : i32
        %dma_wait3A_180 = tpu.memref_slice %arg11[%mul3A_170, %dma_wait3A_179] : memref<10000x128xf32, #tpu.memory_space<vmem_shared>> -> memref<80x128xf32, #tpu.memory_space<vmem_shared>>
        %dma_wait3A_181 = arith.constant 0 : i32
        %dma_wait3A_182 = tpu.memref_slice %arg11[%mul3A_170, %dma_wait3A_181] : memref<10000x128xf32, #tpu.memory_space<vmem_shared>> -> memref<80x128xf32, #tpu.memory_space<vmem_shared>>
        tpu.wait_dma2 semaphore(%run_scoped3A : memref<!tpu.dma_semaphore, #tpu.memory_space<semaphore_mem>>) src(%dma_wait3A_182 : memref<80x128xf32, #tpu.memory_space<vmem_shared>>) dst(%arg10 : memref<80x128xf32, #tpu.memory_space<vmem>>)
        tpu.yield
      }) : () -> ()
      %mul3A_171 = arith.constant 10000 : i32
      %mul3A_172 = arith.muli %arg0, %mul3A_171 : i32
      %mul3A_173 = arith.constant 80 : i32
      %mul3A_174 = arith.muli %add3A_163, %mul3A_173 : i32
      %add3A_175 = arith.addi %mul3A_172, %mul3A_174 : i32
      "tpu.region"() ({
        %run_scoped3A = tpu.sem_alloc : memref<!tpu.dma_semaphore, #tpu.memory_space<semaphore_mem>>
        %dma_start3A = arith.constant 0 : i32
        %dma_start3A_176 = tpu.memref_slice %arg5[%add3A_175, %dma_start3A] : memref<20000x128xf32, #tpu.memory_space<hbm>> -> memref<80x128xf32, #tpu.memory_space<hbm>>
        %dma_start3A_177 = arith.constant 0 : i32
        %dma_start3A_178 = tpu.memref_slice %arg5[%add3A_175, %dma_start3A_177] : memref<20000x128xf32, #tpu.memory_space<hbm>> -> memref<80x128xf32, #tpu.memory_space<hbm>>
        tpu.enqueue_dma source(%arg10 : memref<80x128xf32, #tpu.memory_space<vmem>>) target(%dma_start3A_178 : memref<80x128xf32, #tpu.memory_space<hbm>>) target_semaphore(%run_scoped3A : memref<!tpu.dma_semaphore, #tpu.memory_space<semaphore_mem>>)
        %dma_wait3A_179 = arith.constant 0 : i32
        %dma_wait3A_180 = tpu.memref_slice %arg5[%add3A_175, %dma_wait3A_179] : memref<20000x128xf32, #tpu.memory_space<hbm>> -> memref<80x128xf32, #tpu.memory_space<hbm>>
        %dma_wait3A_181 = arith.constant 0 : i32
        %dma_wait3A_182 = tpu.memref_slice %arg5[%add3A_175, %dma_wait3A_181] : memref<20000x128xf32, #tpu.memory_space<hbm>> -> memref<80x128xf32, #tpu.memory_space<hbm>>
        tpu.wait_dma2 semaphore(%run_scoped3A : memref<!tpu.dma_semaphore, #tpu.memory_space<semaphore_mem>>) src(%arg10 : memref<80x128xf32, #tpu.memory_space<vmem>>) dst(%dma_wait3A_182 : memref<80x128xf32, #tpu.memory_space<hbm>>)
        tpu.yield
      }) : () -> ()
    } else {
    }
    return
  }
}

#map = affine_map<(d0, d1) -> (0)>
#map1 = affine_map<(d0, d1) -> (0, 0)>
module attributes {stable_mosaic.version = 14 : i64} {
  func.func @spmm_kernel(%arg0: i32, %arg1: i32, %arg2: memref<320000xi32, #tpu.memory_space<hbm>>, %arg3: memref<320000xi32, #tpu.memory_space<hbm>>, %arg4: memref<10000x128xf32, #tpu.memory_space<hbm>>, %arg5: memref<80x128xf32, #tpu.memory_space<hbm>>, %arg6: memref<20000x128xf32, #tpu.memory_space<hbm>>, %arg7: memref<128xi32, #tpu.memory_space<vmem>>, %arg8: memref<128xi32, #tpu.memory_space<vmem>>, %arg9: memref<128xi32, #tpu.memory_space<vmem>>, %arg10: memref<128xi32, #tpu.memory_space<vmem>>, %arg11: memref<128xi32, #tpu.memory_space<vmem>>, %arg12: memref<128xi32, #tpu.memory_space<vmem>>, %arg13: memref<128x128xf32, #tpu.memory_space<vmem>>, %arg14: memref<128x128xf32, #tpu.memory_space<vmem>>, %arg15: memref<128x128xf32, #tpu.memory_space<vmem>>, %arg16: memref<10000x128xf32, #tpu.memory_space<vmem_shared>>, %arg17: memref<!tpu.dma_semaphore, #tpu.memory_space<semaphore_mem>>, %arg18: memref<!tpu.dma_semaphore, #tpu.memory_space<semaphore_mem>>, %arg19: memref<!tpu.dma_semaphore, #tpu.memory_space<semaphore_mem>>, %arg20: memref<!tpu.dma_semaphore, #tpu.memory_space<semaphore_mem>>, %arg21: memref<!tpu.dma_semaphore, #tpu.memory_space<semaphore_mem>>, %arg22: memref<!tpu.dma_semaphore, #tpu.memory_space<semaphore_mem>>) attributes {dimension_semantics = [#tpu.dimension_semantics<core_parallel>, #tpu.dimension_semantics<subcore_parallel>], iteration_bounds = array<i64: 2, 16>, scalar_prefetch = 0 : i64, scratch_operands = 16 : i64, tpu.core_type = #tpu.core_type<sc_vector_subcore>, window_params = [{transform_indices = #map}, {transform_indices = #map}, {transform_indices = #map1}, {transform_indices = #map1}, {transform_indices = #map1}]} {
    "tpu.region"() ({
      %run_scoped3A = tpu.sem_alloc : memref<!tpu.dma_semaphore, #tpu.memory_space<semaphore_mem>>
      %dma_start3A_171 = arith.constant 0 : i32
      %dma_start3A_172 = arith.constant 0 : i32
      %dma_start3A_173 = tpu.memref_slice %arg13[%dma_start3A_171, %dma_start3A_172] : memref<128x128xf32, #tpu.memory_space<vmem>> -> memref<80x128xf32, #tpu.memory_space<vmem>>
      %dma_start3A_174 = arith.constant 0 : i32
      %dma_start3A_175 = arith.constant 0 : i32
      %dma_start3A_176 = tpu.memref_slice %arg13[%dma_start3A_174, %dma_start3A_175] : memref<128x128xf32, #tpu.memory_space<vmem>> -> memref<80x128xf32, #tpu.memory_space<vmem>>
      tpu.enqueue_dma source(%arg5 : memref<80x128xf32, #tpu.memory_space<hbm>>) target(%dma_start3A_176 : memref<80x128xf32, #tpu.memory_space<vmem>>) target_semaphore(%run_scoped3A : memref<!tpu.dma_semaphore, #tpu.memory_space<semaphore_mem>>)
      %dma_wait3A_177 = arith.constant 0 : i32
      %dma_wait3A_178 = arith.constant 0 : i32
      %dma_wait3A_179 = tpu.memref_slice %arg13[%dma_wait3A_177, %dma_wait3A_178] : memref<128x128xf32, #tpu.memory_space<vmem>> -> memref<80x128xf32, #tpu.memory_space<vmem>>
      %dma_wait3A_180 = arith.constant 0 : i32
      %dma_wait3A_181 = arith.constant 0 : i32
      %dma_wait3A_182 = tpu.memref_slice %arg13[%dma_wait3A_180, %dma_wait3A_181] : memref<128x128xf32, #tpu.memory_space<vmem>> -> memref<80x128xf32, #tpu.memory_space<vmem>>
      tpu.wait_dma2 semaphore(%run_scoped3A : memref<!tpu.dma_semaphore, #tpu.memory_space<semaphore_mem>>) src(%arg5 : memref<80x128xf32, #tpu.memory_space<hbm>>) dst(%dma_wait3A_182 : memref<80x128xf32, #tpu.memory_space<vmem>>)
      tpu.yield
    }) : () -> ()
    %mul3A = arith.constant 8 : i32
    %mul3A_0 = arith.muli %arg1, %mul3A : i32
    %add3A = arith.constant 0 : i32
    %add3A_1 = arith.addi %mul3A_0, %add3A : i32
    %lt3A = arith.constant 125 : i32
    %lt3A_2 = arith.cmpi slt, %add3A_1, %lt3A : i32
    %convert_element_type3A = arith.extui %lt3A_2 : i1 to i32
    %cond3A = arith.constant 0 : i32
    %cond3A_3 = arith.cmpi ne, %convert_element_type3A, %cond3A : i32
    scf.if %cond3A_3 {
      %mul3A_171 = arith.constant 80 : i32
      %mul3A_172 = arith.muli %add3A_1, %mul3A_171 : i32
      "tpu.region"() ({
        %run_scoped3A = tpu.sem_alloc : memref<!tpu.dma_semaphore, #tpu.memory_space<semaphore_mem>>
        %dma_start3A_173 = arith.constant 0 : i32
        %dma_start3A_174 = arith.constant 0 : i32
        %dma_start3A_175 = tpu.memref_slice %arg13[%dma_start3A_173, %dma_start3A_174] : memref<128x128xf32, #tpu.memory_space<vmem>> -> memref<80x128xf32, #tpu.memory_space<vmem>>
        %dma_start3A_176 = arith.constant 0 : i32
        %dma_start3A_177 = tpu.memref_slice %arg16[%mul3A_172, %dma_start3A_176] : memref<10000x128xf32, #tpu.memory_space<vmem_shared>> -> memref<80x128xf32, #tpu.memory_space<vmem_shared>>
        %dma_start3A_178 = arith.constant 0 : i32
        %dma_start3A_179 = tpu.memref_slice %arg16[%mul3A_172, %dma_start3A_178] : memref<10000x128xf32, #tpu.memory_space<vmem_shared>> -> memref<80x128xf32, #tpu.memory_space<vmem_shared>>
        %dma_start3A_180 = arith.constant 0 : i32
        %dma_start3A_181 = arith.constant 0 : i32
        %dma_start3A_182 = tpu.memref_slice %arg13[%dma_start3A_180, %dma_start3A_181] : memref<128x128xf32, #tpu.memory_space<vmem>> -> memref<80x128xf32, #tpu.memory_space<vmem>>
        tpu.enqueue_dma source(%dma_start3A_182 : memref<80x128xf32, #tpu.memory_space<vmem>>) target(%dma_start3A_179 : memref<80x128xf32, #tpu.memory_space<vmem_shared>>) target_semaphore(%run_scoped3A : memref<!tpu.dma_semaphore, #tpu.memory_space<semaphore_mem>>)
        %dma_wait3A_183 = arith.constant 0 : i32
        %dma_wait3A_184 = arith.constant 0 : i32
        %dma_wait3A_185 = tpu.memref_slice %arg13[%dma_wait3A_183, %dma_wait3A_184] : memref<128x128xf32, #tpu.memory_space<vmem>> -> memref<80x128xf32, #tpu.memory_space<vmem>>
        %dma_wait3A_186 = arith.constant 0 : i32
        %dma_wait3A_187 = tpu.memref_slice %arg16[%mul3A_172, %dma_wait3A_186] : memref<10000x128xf32, #tpu.memory_space<vmem_shared>> -> memref<80x128xf32, #tpu.memory_space<vmem_shared>>
        %dma_wait3A_188 = arith.constant 0 : i32
        %dma_wait3A_189 = tpu.memref_slice %arg16[%mul3A_172, %dma_wait3A_188] : memref<10000x128xf32, #tpu.memory_space<vmem_shared>> -> memref<80x128xf32, #tpu.memory_space<vmem_shared>>
        %dma_wait3A_190 = arith.constant 0 : i32
        %dma_wait3A_191 = arith.constant 0 : i32
        %dma_wait3A_192 = tpu.memref_slice %arg13[%dma_wait3A_190, %dma_wait3A_191] : memref<128x128xf32, #tpu.memory_space<vmem>> -> memref<80x128xf32, #tpu.memory_space<vmem>>
        tpu.wait_dma2 semaphore(%run_scoped3A : memref<!tpu.dma_semaphore, #tpu.memory_space<semaphore_mem>>) src(%dma_wait3A_192 : memref<80x128xf32, #tpu.memory_space<vmem>>) dst(%dma_wait3A_189 : memref<80x128xf32, #tpu.memory_space<vmem_shared>>)
        tpu.yield
      }) : () -> ()
    } else {
    }
    %mul3A_4 = arith.constant 8 : i32
    %mul3A_5 = arith.muli %arg1, %mul3A_4 : i32
    %add3A_6 = arith.constant 1 : i32
    %add3A_7 = arith.addi %mul3A_5, %add3A_6 : i32
    %lt3A_8 = arith.constant 125 : i32
    %lt3A_9 = arith.cmpi slt, %add3A_7, %lt3A_8 : i32
    %convert_element_type3A_10 = arith.extui %lt3A_9 : i1 to i32
    %cond3A_11 = arith.constant 0 : i32
    %cond3A_12 = arith.cmpi ne, %convert_element_type3A_10, %cond3A_11 : i32
    scf.if %cond3A_12 {
      %mul3A_171 = arith.constant 80 : i32
      %mul3A_172 = arith.muli %add3A_7, %mul3A_171 : i32
      "tpu.region"() ({
        %run_scoped3A = tpu.sem_alloc : memref<!tpu.dma_semaphore, #tpu.memory_space<semaphore_mem>>
        %dma_start3A_173 = arith.constant 0 : i32
        %dma_start3A_174 = arith.constant 0 : i32
        %dma_start3A_175 = tpu.memref_slice %arg13[%dma_start3A_173, %dma_start3A_174] : memref<128x128xf32, #tpu.memory_space<vmem>> -> memref<80x128xf32, #tpu.memory_space<vmem>>
        %dma_start3A_176 = arith.constant 0 : i32
        %dma_start3A_177 = tpu.memref_slice %arg16[%mul3A_172, %dma_start3A_176] : memref<10000x128xf32, #tpu.memory_space<vmem_shared>> -> memref<80x128xf32, #tpu.memory_space<vmem_shared>>
        %dma_start3A_178 = arith.constant 0 : i32
        %dma_start3A_179 = tpu.memref_slice %arg16[%mul3A_172, %dma_start3A_178] : memref<10000x128xf32, #tpu.memory_space<vmem_shared>> -> memref<80x128xf32, #tpu.memory_space<vmem_shared>>
        %dma_start3A_180 = arith.constant 0 : i32
        %dma_start3A_181 = arith.constant 0 : i32
        %dma_start3A_182 = tpu.memref_slice %arg13[%dma_start3A_180, %dma_start3A_181] : memref<128x128xf32, #tpu.memory_space<vmem>> -> memref<80x128xf32, #tpu.memory_space<vmem>>
        tpu.enqueue_dma source(%dma_start3A_182 : memref<80x128xf32, #tpu.memory_space<vmem>>) target(%dma_start3A_179 : memref<80x128xf32, #tpu.memory_space<vmem_shared>>) target_semaphore(%run_scoped3A : memref<!tpu.dma_semaphore, #tpu.memory_space<semaphore_mem>>)
        %dma_wait3A_183 = arith.constant 0 : i32
        %dma_wait3A_184 = arith.constant 0 : i32
        %dma_wait3A_185 = tpu.memref_slice %arg13[%dma_wait3A_183, %dma_wait3A_184] : memref<128x128xf32, #tpu.memory_space<vmem>> -> memref<80x128xf32, #tpu.memory_space<vmem>>
        %dma_wait3A_186 = arith.constant 0 : i32
        %dma_wait3A_187 = tpu.memref_slice %arg16[%mul3A_172, %dma_wait3A_186] : memref<10000x128xf32, #tpu.memory_space<vmem_shared>> -> memref<80x128xf32, #tpu.memory_space<vmem_shared>>
        %dma_wait3A_188 = arith.constant 0 : i32
        %dma_wait3A_189 = tpu.memref_slice %arg16[%mul3A_172, %dma_wait3A_188] : memref<10000x128xf32, #tpu.memory_space<vmem_shared>> -> memref<80x128xf32, #tpu.memory_space<vmem_shared>>
        %dma_wait3A_190 = arith.constant 0 : i32
        %dma_wait3A_191 = arith.constant 0 : i32
        %dma_wait3A_192 = tpu.memref_slice %arg13[%dma_wait3A_190, %dma_wait3A_191] : memref<128x128xf32, #tpu.memory_space<vmem>> -> memref<80x128xf32, #tpu.memory_space<vmem>>
        tpu.wait_dma2 semaphore(%run_scoped3A : memref<!tpu.dma_semaphore, #tpu.memory_space<semaphore_mem>>) src(%dma_wait3A_192 : memref<80x128xf32, #tpu.memory_space<vmem>>) dst(%dma_wait3A_189 : memref<80x128xf32, #tpu.memory_space<vmem_shared>>)
        tpu.yield
      }) : () -> ()
    } else {
    }
    %mul3A_13 = arith.constant 8 : i32
    %mul3A_14 = arith.muli %arg1, %mul3A_13 : i32
    %add3A_15 = arith.constant 2 : i32
    %add3A_16 = arith.addi %mul3A_14, %add3A_15 : i32
    %lt3A_17 = arith.constant 125 : i32
    %lt3A_18 = arith.cmpi slt, %add3A_16, %lt3A_17 : i32
    %convert_element_type3A_19 = arith.extui %lt3A_18 : i1 to i32
    %cond3A_20 = arith.constant 0 : i32
    %cond3A_21 = arith.cmpi ne, %convert_element_type3A_19, %cond3A_20 : i32
    scf.if %cond3A_21 {
      %mul3A_171 = arith.constant 80 : i32
      %mul3A_172 = arith.muli %add3A_16, %mul3A_171 : i32
      "tpu.region"() ({
        %run_scoped3A = tpu.sem_alloc : memref<!tpu.dma_semaphore, #tpu.memory_space<semaphore_mem>>
        %dma_start3A_173 = arith.constant 0 : i32
        %dma_start3A_174 = arith.constant 0 : i32
        %dma_start3A_175 = tpu.memref_slice %arg13[%dma_start3A_173, %dma_start3A_174] : memref<128x128xf32, #tpu.memory_space<vmem>> -> memref<80x128xf32, #tpu.memory_space<vmem>>
        %dma_start3A_176 = arith.constant 0 : i32
        %dma_start3A_177 = tpu.memref_slice %arg16[%mul3A_172, %dma_start3A_176] : memref<10000x128xf32, #tpu.memory_space<vmem_shared>> -> memref<80x128xf32, #tpu.memory_space<vmem_shared>>
        %dma_start3A_178 = arith.constant 0 : i32
        %dma_start3A_179 = tpu.memref_slice %arg16[%mul3A_172, %dma_start3A_178] : memref<10000x128xf32, #tpu.memory_space<vmem_shared>> -> memref<80x128xf32, #tpu.memory_space<vmem_shared>>
        %dma_start3A_180 = arith.constant 0 : i32
        %dma_start3A_181 = arith.constant 0 : i32
        %dma_start3A_182 = tpu.memref_slice %arg13[%dma_start3A_180, %dma_start3A_181] : memref<128x128xf32, #tpu.memory_space<vmem>> -> memref<80x128xf32, #tpu.memory_space<vmem>>
        tpu.enqueue_dma source(%dma_start3A_182 : memref<80x128xf32, #tpu.memory_space<vmem>>) target(%dma_start3A_179 : memref<80x128xf32, #tpu.memory_space<vmem_shared>>) target_semaphore(%run_scoped3A : memref<!tpu.dma_semaphore, #tpu.memory_space<semaphore_mem>>)
        %dma_wait3A_183 = arith.constant 0 : i32
        %dma_wait3A_184 = arith.constant 0 : i32
        %dma_wait3A_185 = tpu.memref_slice %arg13[%dma_wait3A_183, %dma_wait3A_184] : memref<128x128xf32, #tpu.memory_space<vmem>> -> memref<80x128xf32, #tpu.memory_space<vmem>>
        %dma_wait3A_186 = arith.constant 0 : i32
        %dma_wait3A_187 = tpu.memref_slice %arg16[%mul3A_172, %dma_wait3A_186] : memref<10000x128xf32, #tpu.memory_space<vmem_shared>> -> memref<80x128xf32, #tpu.memory_space<vmem_shared>>
        %dma_wait3A_188 = arith.constant 0 : i32
        %dma_wait3A_189 = tpu.memref_slice %arg16[%mul3A_172, %dma_wait3A_188] : memref<10000x128xf32, #tpu.memory_space<vmem_shared>> -> memref<80x128xf32, #tpu.memory_space<vmem_shared>>
        %dma_wait3A_190 = arith.constant 0 : i32
        %dma_wait3A_191 = arith.constant 0 : i32
        %dma_wait3A_192 = tpu.memref_slice %arg13[%dma_wait3A_190, %dma_wait3A_191] : memref<128x128xf32, #tpu.memory_space<vmem>> -> memref<80x128xf32, #tpu.memory_space<vmem>>
        tpu.wait_dma2 semaphore(%run_scoped3A : memref<!tpu.dma_semaphore, #tpu.memory_space<semaphore_mem>>) src(%dma_wait3A_192 : memref<80x128xf32, #tpu.memory_space<vmem>>) dst(%dma_wait3A_189 : memref<80x128xf32, #tpu.memory_space<vmem_shared>>)
        tpu.yield
      }) : () -> ()
    } else {
    }
    %mul3A_22 = arith.constant 8 : i32
    %mul3A_23 = arith.muli %arg1, %mul3A_22 : i32
    %add3A_24 = arith.constant 3 : i32
    %add3A_25 = arith.addi %mul3A_23, %add3A_24 : i32
    %lt3A_26 = arith.constant 125 : i32
    %lt3A_27 = arith.cmpi slt, %add3A_25, %lt3A_26 : i32
    %convert_element_type3A_28 = arith.extui %lt3A_27 : i1 to i32
    %cond3A_29 = arith.constant 0 : i32
    %cond3A_30 = arith.cmpi ne, %convert_element_type3A_28, %cond3A_29 : i32
    scf.if %cond3A_30 {
      %mul3A_171 = arith.constant 80 : i32
      %mul3A_172 = arith.muli %add3A_25, %mul3A_171 : i32
      "tpu.region"() ({
        %run_scoped3A = tpu.sem_alloc : memref<!tpu.dma_semaphore, #tpu.memory_space<semaphore_mem>>
        %dma_start3A_173 = arith.constant 0 : i32
        %dma_start3A_174 = arith.constant 0 : i32
        %dma_start3A_175 = tpu.memref_slice %arg13[%dma_start3A_173, %dma_start3A_174] : memref<128x128xf32, #tpu.memory_space<vmem>> -> memref<80x128xf32, #tpu.memory_space<vmem>>
        %dma_start3A_176 = arith.constant 0 : i32
        %dma_start3A_177 = tpu.memref_slice %arg16[%mul3A_172, %dma_start3A_176] : memref<10000x128xf32, #tpu.memory_space<vmem_shared>> -> memref<80x128xf32, #tpu.memory_space<vmem_shared>>
        %dma_start3A_178 = arith.constant 0 : i32
        %dma_start3A_179 = tpu.memref_slice %arg16[%mul3A_172, %dma_start3A_178] : memref<10000x128xf32, #tpu.memory_space<vmem_shared>> -> memref<80x128xf32, #tpu.memory_space<vmem_shared>>
        %dma_start3A_180 = arith.constant 0 : i32
        %dma_start3A_181 = arith.constant 0 : i32
        %dma_start3A_182 = tpu.memref_slice %arg13[%dma_start3A_180, %dma_start3A_181] : memref<128x128xf32, #tpu.memory_space<vmem>> -> memref<80x128xf32, #tpu.memory_space<vmem>>
        tpu.enqueue_dma source(%dma_start3A_182 : memref<80x128xf32, #tpu.memory_space<vmem>>) target(%dma_start3A_179 : memref<80x128xf32, #tpu.memory_space<vmem_shared>>) target_semaphore(%run_scoped3A : memref<!tpu.dma_semaphore, #tpu.memory_space<semaphore_mem>>)
        %dma_wait3A_183 = arith.constant 0 : i32
        %dma_wait3A_184 = arith.constant 0 : i32
        %dma_wait3A_185 = tpu.memref_slice %arg13[%dma_wait3A_183, %dma_wait3A_184] : memref<128x128xf32, #tpu.memory_space<vmem>> -> memref<80x128xf32, #tpu.memory_space<vmem>>
        %dma_wait3A_186 = arith.constant 0 : i32
        %dma_wait3A_187 = tpu.memref_slice %arg16[%mul3A_172, %dma_wait3A_186] : memref<10000x128xf32, #tpu.memory_space<vmem_shared>> -> memref<80x128xf32, #tpu.memory_space<vmem_shared>>
        %dma_wait3A_188 = arith.constant 0 : i32
        %dma_wait3A_189 = tpu.memref_slice %arg16[%mul3A_172, %dma_wait3A_188] : memref<10000x128xf32, #tpu.memory_space<vmem_shared>> -> memref<80x128xf32, #tpu.memory_space<vmem_shared>>
        %dma_wait3A_190 = arith.constant 0 : i32
        %dma_wait3A_191 = arith.constant 0 : i32
        %dma_wait3A_192 = tpu.memref_slice %arg13[%dma_wait3A_190, %dma_wait3A_191] : memref<128x128xf32, #tpu.memory_space<vmem>> -> memref<80x128xf32, #tpu.memory_space<vmem>>
        tpu.wait_dma2 semaphore(%run_scoped3A : memref<!tpu.dma_semaphore, #tpu.memory_space<semaphore_mem>>) src(%dma_wait3A_192 : memref<80x128xf32, #tpu.memory_space<vmem>>) dst(%dma_wait3A_189 : memref<80x128xf32, #tpu.memory_space<vmem_shared>>)
        tpu.yield
      }) : () -> ()
    } else {
    }
    %mul3A_31 = arith.constant 8 : i32
    %mul3A_32 = arith.muli %arg1, %mul3A_31 : i32
    %add3A_33 = arith.constant 4 : i32
    %add3A_34 = arith.addi %mul3A_32, %add3A_33 : i32
    %lt3A_35 = arith.constant 125 : i32
    %lt3A_36 = arith.cmpi slt, %add3A_34, %lt3A_35 : i32
    %convert_element_type3A_37 = arith.extui %lt3A_36 : i1 to i32
    %cond3A_38 = arith.constant 0 : i32
    %cond3A_39 = arith.cmpi ne, %convert_element_type3A_37, %cond3A_38 : i32
    scf.if %cond3A_39 {
      %mul3A_171 = arith.constant 80 : i32
      %mul3A_172 = arith.muli %add3A_34, %mul3A_171 : i32
      "tpu.region"() ({
        %run_scoped3A = tpu.sem_alloc : memref<!tpu.dma_semaphore, #tpu.memory_space<semaphore_mem>>
        %dma_start3A_173 = arith.constant 0 : i32
        %dma_start3A_174 = arith.constant 0 : i32
        %dma_start3A_175 = tpu.memref_slice %arg13[%dma_start3A_173, %dma_start3A_174] : memref<128x128xf32, #tpu.memory_space<vmem>> -> memref<80x128xf32, #tpu.memory_space<vmem>>
        %dma_start3A_176 = arith.constant 0 : i32
        %dma_start3A_177 = tpu.memref_slice %arg16[%mul3A_172, %dma_start3A_176] : memref<10000x128xf32, #tpu.memory_space<vmem_shared>> -> memref<80x128xf32, #tpu.memory_space<vmem_shared>>
        %dma_start3A_178 = arith.constant 0 : i32
        %dma_start3A_179 = tpu.memref_slice %arg16[%mul3A_172, %dma_start3A_178] : memref<10000x128xf32, #tpu.memory_space<vmem_shared>> -> memref<80x128xf32, #tpu.memory_space<vmem_shared>>
        %dma_start3A_180 = arith.constant 0 : i32
        %dma_start3A_181 = arith.constant 0 : i32
        %dma_start3A_182 = tpu.memref_slice %arg13[%dma_start3A_180, %dma_start3A_181] : memref<128x128xf32, #tpu.memory_space<vmem>> -> memref<80x128xf32, #tpu.memory_space<vmem>>
        tpu.enqueue_dma source(%dma_start3A_182 : memref<80x128xf32, #tpu.memory_space<vmem>>) target(%dma_start3A_179 : memref<80x128xf32, #tpu.memory_space<vmem_shared>>) target_semaphore(%run_scoped3A : memref<!tpu.dma_semaphore, #tpu.memory_space<semaphore_mem>>)
        %dma_wait3A_183 = arith.constant 0 : i32
        %dma_wait3A_184 = arith.constant 0 : i32
        %dma_wait3A_185 = tpu.memref_slice %arg13[%dma_wait3A_183, %dma_wait3A_184] : memref<128x128xf32, #tpu.memory_space<vmem>> -> memref<80x128xf32, #tpu.memory_space<vmem>>
        %dma_wait3A_186 = arith.constant 0 : i32
        %dma_wait3A_187 = tpu.memref_slice %arg16[%mul3A_172, %dma_wait3A_186] : memref<10000x128xf32, #tpu.memory_space<vmem_shared>> -> memref<80x128xf32, #tpu.memory_space<vmem_shared>>
        %dma_wait3A_188 = arith.constant 0 : i32
        %dma_wait3A_189 = tpu.memref_slice %arg16[%mul3A_172, %dma_wait3A_188] : memref<10000x128xf32, #tpu.memory_space<vmem_shared>> -> memref<80x128xf32, #tpu.memory_space<vmem_shared>>
        %dma_wait3A_190 = arith.constant 0 : i32
        %dma_wait3A_191 = arith.constant 0 : i32
        %dma_wait3A_192 = tpu.memref_slice %arg13[%dma_wait3A_190, %dma_wait3A_191] : memref<128x128xf32, #tpu.memory_space<vmem>> -> memref<80x128xf32, #tpu.memory_space<vmem>>
        tpu.wait_dma2 semaphore(%run_scoped3A : memref<!tpu.dma_semaphore, #tpu.memory_space<semaphore_mem>>) src(%dma_wait3A_192 : memref<80x128xf32, #tpu.memory_space<vmem>>) dst(%dma_wait3A_189 : memref<80x128xf32, #tpu.memory_space<vmem_shared>>)
        tpu.yield
      }) : () -> ()
    } else {
    }
    %mul3A_40 = arith.constant 8 : i32
    %mul3A_41 = arith.muli %arg1, %mul3A_40 : i32
    %add3A_42 = arith.constant 5 : i32
    %add3A_43 = arith.addi %mul3A_41, %add3A_42 : i32
    %lt3A_44 = arith.constant 125 : i32
    %lt3A_45 = arith.cmpi slt, %add3A_43, %lt3A_44 : i32
    %convert_element_type3A_46 = arith.extui %lt3A_45 : i1 to i32
    %cond3A_47 = arith.constant 0 : i32
    %cond3A_48 = arith.cmpi ne, %convert_element_type3A_46, %cond3A_47 : i32
    scf.if %cond3A_48 {
      %mul3A_171 = arith.constant 80 : i32
      %mul3A_172 = arith.muli %add3A_43, %mul3A_171 : i32
      "tpu.region"() ({
        %run_scoped3A = tpu.sem_alloc : memref<!tpu.dma_semaphore, #tpu.memory_space<semaphore_mem>>
        %dma_start3A_173 = arith.constant 0 : i32
        %dma_start3A_174 = arith.constant 0 : i32
        %dma_start3A_175 = tpu.memref_slice %arg13[%dma_start3A_173, %dma_start3A_174] : memref<128x128xf32, #tpu.memory_space<vmem>> -> memref<80x128xf32, #tpu.memory_space<vmem>>
        %dma_start3A_176 = arith.constant 0 : i32
        %dma_start3A_177 = tpu.memref_slice %arg16[%mul3A_172, %dma_start3A_176] : memref<10000x128xf32, #tpu.memory_space<vmem_shared>> -> memref<80x128xf32, #tpu.memory_space<vmem_shared>>
        %dma_start3A_178 = arith.constant 0 : i32
        %dma_start3A_179 = tpu.memref_slice %arg16[%mul3A_172, %dma_start3A_178] : memref<10000x128xf32, #tpu.memory_space<vmem_shared>> -> memref<80x128xf32, #tpu.memory_space<vmem_shared>>
        %dma_start3A_180 = arith.constant 0 : i32
        %dma_start3A_181 = arith.constant 0 : i32
        %dma_start3A_182 = tpu.memref_slice %arg13[%dma_start3A_180, %dma_start3A_181] : memref<128x128xf32, #tpu.memory_space<vmem>> -> memref<80x128xf32, #tpu.memory_space<vmem>>
        tpu.enqueue_dma source(%dma_start3A_182 : memref<80x128xf32, #tpu.memory_space<vmem>>) target(%dma_start3A_179 : memref<80x128xf32, #tpu.memory_space<vmem_shared>>) target_semaphore(%run_scoped3A : memref<!tpu.dma_semaphore, #tpu.memory_space<semaphore_mem>>)
        %dma_wait3A_183 = arith.constant 0 : i32
        %dma_wait3A_184 = arith.constant 0 : i32
        %dma_wait3A_185 = tpu.memref_slice %arg13[%dma_wait3A_183, %dma_wait3A_184] : memref<128x128xf32, #tpu.memory_space<vmem>> -> memref<80x128xf32, #tpu.memory_space<vmem>>
        %dma_wait3A_186 = arith.constant 0 : i32
        %dma_wait3A_187 = tpu.memref_slice %arg16[%mul3A_172, %dma_wait3A_186] : memref<10000x128xf32, #tpu.memory_space<vmem_shared>> -> memref<80x128xf32, #tpu.memory_space<vmem_shared>>
        %dma_wait3A_188 = arith.constant 0 : i32
        %dma_wait3A_189 = tpu.memref_slice %arg16[%mul3A_172, %dma_wait3A_188] : memref<10000x128xf32, #tpu.memory_space<vmem_shared>> -> memref<80x128xf32, #tpu.memory_space<vmem_shared>>
        %dma_wait3A_190 = arith.constant 0 : i32
        %dma_wait3A_191 = arith.constant 0 : i32
        %dma_wait3A_192 = tpu.memref_slice %arg13[%dma_wait3A_190, %dma_wait3A_191] : memref<128x128xf32, #tpu.memory_space<vmem>> -> memref<80x128xf32, #tpu.memory_space<vmem>>
        tpu.wait_dma2 semaphore(%run_scoped3A : memref<!tpu.dma_semaphore, #tpu.memory_space<semaphore_mem>>) src(%dma_wait3A_192 : memref<80x128xf32, #tpu.memory_space<vmem>>) dst(%dma_wait3A_189 : memref<80x128xf32, #tpu.memory_space<vmem_shared>>)
        tpu.yield
      }) : () -> ()
    } else {
    }
    %mul3A_49 = arith.constant 8 : i32
    %mul3A_50 = arith.muli %arg1, %mul3A_49 : i32
    %add3A_51 = arith.constant 6 : i32
    %add3A_52 = arith.addi %mul3A_50, %add3A_51 : i32
    %lt3A_53 = arith.constant 125 : i32
    %lt3A_54 = arith.cmpi slt, %add3A_52, %lt3A_53 : i32
    %convert_element_type3A_55 = arith.extui %lt3A_54 : i1 to i32
    %cond3A_56 = arith.constant 0 : i32
    %cond3A_57 = arith.cmpi ne, %convert_element_type3A_55, %cond3A_56 : i32
    scf.if %cond3A_57 {
      %mul3A_171 = arith.constant 80 : i32
      %mul3A_172 = arith.muli %add3A_52, %mul3A_171 : i32
      "tpu.region"() ({
        %run_scoped3A = tpu.sem_alloc : memref<!tpu.dma_semaphore, #tpu.memory_space<semaphore_mem>>
        %dma_start3A_173 = arith.constant 0 : i32
        %dma_start3A_174 = arith.constant 0 : i32
        %dma_start3A_175 = tpu.memref_slice %arg13[%dma_start3A_173, %dma_start3A_174] : memref<128x128xf32, #tpu.memory_space<vmem>> -> memref<80x128xf32, #tpu.memory_space<vmem>>
        %dma_start3A_176 = arith.constant 0 : i32
        %dma_start3A_177 = tpu.memref_slice %arg16[%mul3A_172, %dma_start3A_176] : memref<10000x128xf32, #tpu.memory_space<vmem_shared>> -> memref<80x128xf32, #tpu.memory_space<vmem_shared>>
        %dma_start3A_178 = arith.constant 0 : i32
        %dma_start3A_179 = tpu.memref_slice %arg16[%mul3A_172, %dma_start3A_178] : memref<10000x128xf32, #tpu.memory_space<vmem_shared>> -> memref<80x128xf32, #tpu.memory_space<vmem_shared>>
        %dma_start3A_180 = arith.constant 0 : i32
        %dma_start3A_181 = arith.constant 0 : i32
        %dma_start3A_182 = tpu.memref_slice %arg13[%dma_start3A_180, %dma_start3A_181] : memref<128x128xf32, #tpu.memory_space<vmem>> -> memref<80x128xf32, #tpu.memory_space<vmem>>
        tpu.enqueue_dma source(%dma_start3A_182 : memref<80x128xf32, #tpu.memory_space<vmem>>) target(%dma_start3A_179 : memref<80x128xf32, #tpu.memory_space<vmem_shared>>) target_semaphore(%run_scoped3A : memref<!tpu.dma_semaphore, #tpu.memory_space<semaphore_mem>>)
        %dma_wait3A_183 = arith.constant 0 : i32
        %dma_wait3A_184 = arith.constant 0 : i32
        %dma_wait3A_185 = tpu.memref_slice %arg13[%dma_wait3A_183, %dma_wait3A_184] : memref<128x128xf32, #tpu.memory_space<vmem>> -> memref<80x128xf32, #tpu.memory_space<vmem>>
        %dma_wait3A_186 = arith.constant 0 : i32
        %dma_wait3A_187 = tpu.memref_slice %arg16[%mul3A_172, %dma_wait3A_186] : memref<10000x128xf32, #tpu.memory_space<vmem_shared>> -> memref<80x128xf32, #tpu.memory_space<vmem_shared>>
        %dma_wait3A_188 = arith.constant 0 : i32
        %dma_wait3A_189 = tpu.memref_slice %arg16[%mul3A_172, %dma_wait3A_188] : memref<10000x128xf32, #tpu.memory_space<vmem_shared>> -> memref<80x128xf32, #tpu.memory_space<vmem_shared>>
        %dma_wait3A_190 = arith.constant 0 : i32
        %dma_wait3A_191 = arith.constant 0 : i32
        %dma_wait3A_192 = tpu.memref_slice %arg13[%dma_wait3A_190, %dma_wait3A_191] : memref<128x128xf32, #tpu.memory_space<vmem>> -> memref<80x128xf32, #tpu.memory_space<vmem>>
        tpu.wait_dma2 semaphore(%run_scoped3A : memref<!tpu.dma_semaphore, #tpu.memory_space<semaphore_mem>>) src(%dma_wait3A_192 : memref<80x128xf32, #tpu.memory_space<vmem>>) dst(%dma_wait3A_189 : memref<80x128xf32, #tpu.memory_space<vmem_shared>>)
        tpu.yield
      }) : () -> ()
    } else {
    }
    %mul3A_58 = arith.constant 8 : i32
    %mul3A_59 = arith.muli %arg1, %mul3A_58 : i32
    %add3A_60 = arith.constant 7 : i32
    %add3A_61 = arith.addi %mul3A_59, %add3A_60 : i32
    %lt3A_62 = arith.constant 125 : i32
    %lt3A_63 = arith.cmpi slt, %add3A_61, %lt3A_62 : i32
    %convert_element_type3A_64 = arith.extui %lt3A_63 : i1 to i32
    %cond3A_65 = arith.constant 0 : i32
    %cond3A_66 = arith.cmpi ne, %convert_element_type3A_64, %cond3A_65 : i32
    scf.if %cond3A_66 {
      %mul3A_171 = arith.constant 80 : i32
      %mul3A_172 = arith.muli %add3A_61, %mul3A_171 : i32
      "tpu.region"() ({
        %run_scoped3A = tpu.sem_alloc : memref<!tpu.dma_semaphore, #tpu.memory_space<semaphore_mem>>
        %dma_start3A_173 = arith.constant 0 : i32
        %dma_start3A_174 = arith.constant 0 : i32
        %dma_start3A_175 = tpu.memref_slice %arg13[%dma_start3A_173, %dma_start3A_174] : memref<128x128xf32, #tpu.memory_space<vmem>> -> memref<80x128xf32, #tpu.memory_space<vmem>>
        %dma_start3A_176 = arith.constant 0 : i32
        %dma_start3A_177 = tpu.memref_slice %arg16[%mul3A_172, %dma_start3A_176] : memref<10000x128xf32, #tpu.memory_space<vmem_shared>> -> memref<80x128xf32, #tpu.memory_space<vmem_shared>>
        %dma_start3A_178 = arith.constant 0 : i32
        %dma_start3A_179 = tpu.memref_slice %arg16[%mul3A_172, %dma_start3A_178] : memref<10000x128xf32, #tpu.memory_space<vmem_shared>> -> memref<80x128xf32, #tpu.memory_space<vmem_shared>>
        %dma_start3A_180 = arith.constant 0 : i32
        %dma_start3A_181 = arith.constant 0 : i32
        %dma_start3A_182 = tpu.memref_slice %arg13[%dma_start3A_180, %dma_start3A_181] : memref<128x128xf32, #tpu.memory_space<vmem>> -> memref<80x128xf32, #tpu.memory_space<vmem>>
        tpu.enqueue_dma source(%dma_start3A_182 : memref<80x128xf32, #tpu.memory_space<vmem>>) target(%dma_start3A_179 : memref<80x128xf32, #tpu.memory_space<vmem_shared>>) target_semaphore(%run_scoped3A : memref<!tpu.dma_semaphore, #tpu.memory_space<semaphore_mem>>)
        %dma_wait3A_183 = arith.constant 0 : i32
        %dma_wait3A_184 = arith.constant 0 : i32
        %dma_wait3A_185 = tpu.memref_slice %arg13[%dma_wait3A_183, %dma_wait3A_184] : memref<128x128xf32, #tpu.memory_space<vmem>> -> memref<80x128xf32, #tpu.memory_space<vmem>>
        %dma_wait3A_186 = arith.constant 0 : i32
        %dma_wait3A_187 = tpu.memref_slice %arg16[%mul3A_172, %dma_wait3A_186] : memref<10000x128xf32, #tpu.memory_space<vmem_shared>> -> memref<80x128xf32, #tpu.memory_space<vmem_shared>>
        %dma_wait3A_188 = arith.constant 0 : i32
        %dma_wait3A_189 = tpu.memref_slice %arg16[%mul3A_172, %dma_wait3A_188] : memref<10000x128xf32, #tpu.memory_space<vmem_shared>> -> memref<80x128xf32, #tpu.memory_space<vmem_shared>>
        %dma_wait3A_190 = arith.constant 0 : i32
        %dma_wait3A_191 = arith.constant 0 : i32
        %dma_wait3A_192 = tpu.memref_slice %arg13[%dma_wait3A_190, %dma_wait3A_191] : memref<128x128xf32, #tpu.memory_space<vmem>> -> memref<80x128xf32, #tpu.memory_space<vmem>>
        tpu.wait_dma2 semaphore(%run_scoped3A : memref<!tpu.dma_semaphore, #tpu.memory_space<semaphore_mem>>) src(%dma_wait3A_192 : memref<80x128xf32, #tpu.memory_space<vmem>>) dst(%dma_wait3A_189 : memref<80x128xf32, #tpu.memory_space<vmem_shared>>)
        tpu.yield
      }) : () -> ()
    } else {
    }
    %barrier3A = arith.constant 0 : index
    tpu.barrier barrier_id(%barrier3A)
    %mul3A_67 = arith.constant 160000 : i32
    %mul3A_68 = arith.muli %arg0, %mul3A_67 : i32
    %mul3A_69 = arith.constant 78 : i32
    %mul3A_70 = arith.muli %arg1, %mul3A_69 : i32
    %mul3A_71 = arith.constant 128 : i32
    %mul3A_72 = arith.muli %mul3A_70, %mul3A_71 : i32
    %add3A_73 = arith.addi %mul3A_68, %mul3A_72 : i32
    "tpu.region"() ({
      %run_scoped3A = tpu.sem_alloc : memref<!tpu.dma_semaphore, #tpu.memory_space<semaphore_mem>>
      %dma_start3A_171 = tpu.memref_slice %arg2[%add3A_73] : memref<320000xi32, #tpu.memory_space<hbm>> -> memref<128xi32, #tpu.memory_space<hbm>>
      %dma_start3A_172 = tpu.memref_slice %arg2[%add3A_73] : memref<320000xi32, #tpu.memory_space<hbm>> -> memref<128xi32, #tpu.memory_space<hbm>>
      tpu.enqueue_dma source(%dma_start3A_172 : memref<128xi32, #tpu.memory_space<hbm>>) target(%arg7 : memref<128xi32, #tpu.memory_space<vmem>>) target_semaphore(%run_scoped3A : memref<!tpu.dma_semaphore, #tpu.memory_space<semaphore_mem>>)
      %dma_wait3A_173 = tpu.memref_slice %arg2[%add3A_73] : memref<320000xi32, #tpu.memory_space<hbm>> -> memref<128xi32, #tpu.memory_space<hbm>>
      %dma_wait3A_174 = tpu.memref_slice %arg2[%add3A_73] : memref<320000xi32, #tpu.memory_space<hbm>> -> memref<128xi32, #tpu.memory_space<hbm>>
      tpu.wait_dma2 semaphore(%run_scoped3A : memref<!tpu.dma_semaphore, #tpu.memory_space<semaphore_mem>>) src(%dma_wait3A_174 : memref<128xi32, #tpu.memory_space<hbm>>) dst(%arg7 : memref<128xi32, #tpu.memory_space<vmem>>)
      tpu.yield
    }) : () -> ()
    %dma_start3A = arith.constant 0 : i32
    %dma_start3A_74 = arith.constant 0 : i32
    %dma_start3A_75 = tpu.memref_slice %arg4[%dma_start3A, %dma_start3A_74] : memref<10000x128xf32, #tpu.memory_space<hbm>> -> memref<10000x128xf32, #tpu.memory_space<hbm>>
    tpu.enqueue_indirect_dma source(%dma_start3A_75 : memref<10000x128xf32, #tpu.memory_space<hbm>>) target(%arg13 : memref<128x128xf32, #tpu.memory_space<vmem>>) offsets(%arg7 : memref<128xi32, #tpu.memory_space<vmem>>) semaphore(%arg17 : memref<!tpu.dma_semaphore, #tpu.memory_space<semaphore_mem>>)
    %scan3A = arith.constant 0 : i32
    %scan3A_76 = arith.constant 0 : i32
    %scan3A_77 = arith.constant 26 : i32
    %scan3A_78 = arith.addi %scan3A_76, %scan3A_77 : i32
    %scan3A_79 = arith.constant 1 : i32
    scf.for %scan3A_171 = %scan3A_76 to %scan3A_78 step %scan3A_79  : i32 {
      %mul3A_172 = arith.constant 3 : i32
      %mul3A_173 = arith.muli %mul3A_172, %scan3A_171 : i32
      %add3A_174 = arith.constant 0 : i32
      %add3A_175 = arith.addi %mul3A_173, %add3A_174 : i32
      %mul3A_176 = arith.constant 128 : i32
      %mul3A_177 = arith.muli %add3A_175, %mul3A_176 : i32
      %add3A_178 = arith.addi %add3A_73, %mul3A_177 : i32
      %add3A_179 = arith.constant 128 : i32
      %add3A_180 = arith.addi %add3A_178, %add3A_179 : i32
      "tpu.region"() ({
        %run_scoped3A = tpu.sem_alloc : memref<!tpu.dma_semaphore, #tpu.memory_space<semaphore_mem>>
        %dma_start3A_238 = tpu.memref_slice %arg2[%add3A_180] : memref<320000xi32, #tpu.memory_space<hbm>> -> memref<128xi32, #tpu.memory_space<hbm>>
        %dma_start3A_239 = tpu.memref_slice %arg2[%add3A_180] : memref<320000xi32, #tpu.memory_space<hbm>> -> memref<128xi32, #tpu.memory_space<hbm>>
        tpu.enqueue_dma source(%dma_start3A_239 : memref<128xi32, #tpu.memory_space<hbm>>) target(%arg8 : memref<128xi32, #tpu.memory_space<vmem>>) target_semaphore(%run_scoped3A : memref<!tpu.dma_semaphore, #tpu.memory_space<semaphore_mem>>)
        %dma_wait3A_240 = tpu.memref_slice %arg2[%add3A_180] : memref<320000xi32, #tpu.memory_space<hbm>> -> memref<128xi32, #tpu.memory_space<hbm>>
        %dma_wait3A_241 = tpu.memref_slice %arg2[%add3A_180] : memref<320000xi32, #tpu.memory_space<hbm>> -> memref<128xi32, #tpu.memory_space<hbm>>
        tpu.wait_dma2 semaphore(%run_scoped3A : memref<!tpu.dma_semaphore, #tpu.memory_space<semaphore_mem>>) src(%dma_wait3A_241 : memref<128xi32, #tpu.memory_space<hbm>>) dst(%arg8 : memref<128xi32, #tpu.memory_space<vmem>>)
        tpu.yield
      }) : () -> ()
      %gt3A = arith.constant 0 : i32
      %gt3A_181 = arith.cmpi sgt, %scan3A_171, %gt3A : i32
      %convert_element_type3A_182 = arith.extui %gt3A_181 : i1 to i32
      %cond3A_183 = arith.constant 0 : i32
      %cond3A_184 = arith.cmpi ne, %convert_element_type3A_182, %cond3A_183 : i32
      scf.if %cond3A_184 {
        %dma_wait3A_238 = arith.constant 0 : i32
        %dma_wait3A_239 = arith.constant 0 : i32
        %dma_wait3A_240 = tpu.memref_slice %arg16[%dma_wait3A_238, %dma_wait3A_239] : memref<10000x128xf32, #tpu.memory_space<vmem_shared>> -> memref<10000x128xf32, #tpu.memory_space<vmem_shared>>
        tpu.wait_indirect_dma semaphore(%arg21 : memref<!tpu.dma_semaphore, #tpu.memory_space<semaphore_mem>>) src(%arg14 : memref<128x128xf32, #tpu.memory_space<vmem>>) dst(%dma_wait3A_240 : memref<10000x128xf32, #tpu.memory_space<vmem_shared>>)
      } else {
      }
      %dma_start3A_185 = arith.constant 0 : i32
      %dma_start3A_186 = arith.constant 0 : i32
      %dma_start3A_187 = tpu.memref_slice %arg4[%dma_start3A_185, %dma_start3A_186] : memref<10000x128xf32, #tpu.memory_space<hbm>> -> memref<10000x128xf32, #tpu.memory_space<hbm>>
      tpu.enqueue_indirect_dma source(%dma_start3A_187 : memref<10000x128xf32, #tpu.memory_space<hbm>>) target(%arg14 : memref<128x128xf32, #tpu.memory_space<vmem>>) offsets(%arg8 : memref<128xi32, #tpu.memory_space<vmem>>) semaphore(%arg18 : memref<!tpu.dma_semaphore, #tpu.memory_space<semaphore_mem>>)
      %dma_wait3A_188 = arith.constant 0 : i32
      %dma_wait3A_189 = arith.constant 0 : i32
      %dma_wait3A_190 = tpu.memref_slice %arg4[%dma_wait3A_188, %dma_wait3A_189] : memref<10000x128xf32, #tpu.memory_space<hbm>> -> memref<10000x128xf32, #tpu.memory_space<hbm>>
      tpu.wait_indirect_dma semaphore(%arg17 : memref<!tpu.dma_semaphore, #tpu.memory_space<semaphore_mem>>) src(%dma_wait3A_190 : memref<10000x128xf32, #tpu.memory_space<hbm>>) dst(%arg13 : memref<128x128xf32, #tpu.memory_space<vmem>>)
      "tpu.region"() ({
        %run_scoped3A = tpu.sem_alloc : memref<!tpu.dma_semaphore, #tpu.memory_space<semaphore_mem>>
        %dma_start3A_238 = tpu.memref_slice %arg3[%add3A_178] : memref<320000xi32, #tpu.memory_space<hbm>> -> memref<128xi32, #tpu.memory_space<hbm>>
        %dma_start3A_239 = tpu.memref_slice %arg3[%add3A_178] : memref<320000xi32, #tpu.memory_space<hbm>> -> memref<128xi32, #tpu.memory_space<hbm>>
        tpu.enqueue_dma source(%dma_start3A_239 : memref<128xi32, #tpu.memory_space<hbm>>) target(%arg10 : memref<128xi32, #tpu.memory_space<vmem>>) target_semaphore(%run_scoped3A : memref<!tpu.dma_semaphore, #tpu.memory_space<semaphore_mem>>)
        %dma_wait3A_240 = tpu.memref_slice %arg3[%add3A_178] : memref<320000xi32, #tpu.memory_space<hbm>> -> memref<128xi32, #tpu.memory_space<hbm>>
        %dma_wait3A_241 = tpu.memref_slice %arg3[%add3A_178] : memref<320000xi32, #tpu.memory_space<hbm>> -> memref<128xi32, #tpu.memory_space<hbm>>
        tpu.wait_dma2 semaphore(%run_scoped3A : memref<!tpu.dma_semaphore, #tpu.memory_space<semaphore_mem>>) src(%dma_wait3A_241 : memref<128xi32, #tpu.memory_space<hbm>>) dst(%arg10 : memref<128xi32, #tpu.memory_space<vmem>>)
        tpu.yield
      }) : () -> ()
      %dma_start3A_191 = arith.constant 0 : i32
      %dma_start3A_192 = arith.constant 0 : i32
      %dma_start3A_193 = tpu.memref_slice %arg16[%dma_start3A_191, %dma_start3A_192] : memref<10000x128xf32, #tpu.memory_space<vmem_shared>> -> memref<10000x128xf32, #tpu.memory_space<vmem_shared>>
      tpu.enqueue_indirect_dma source(%arg13 : memref<128x128xf32, #tpu.memory_space<vmem>>) target(%dma_start3A_193 : memref<10000x128xf32, #tpu.memory_space<vmem_shared>>) offsets(%arg10 : memref<128xi32, #tpu.memory_space<vmem>>) semaphore(%arg20 : memref<!tpu.dma_semaphore, #tpu.memory_space<semaphore_mem>>) {add = true}
      %mul3A_194 = arith.constant 3 : i32
      %mul3A_195 = arith.muli %mul3A_194, %scan3A_171 : i32
      %add3A_196 = arith.constant 1 : i32
      %add3A_197 = arith.addi %mul3A_195, %add3A_196 : i32
      %mul3A_198 = arith.constant 128 : i32
      %mul3A_199 = arith.muli %add3A_197, %mul3A_198 : i32
      %add3A_200 = arith.addi %add3A_73, %mul3A_199 : i32
      %add3A_201 = arith.constant 128 : i32
      %add3A_202 = arith.addi %add3A_200, %add3A_201 : i32
      "tpu.region"() ({
        %run_scoped3A = tpu.sem_alloc : memref<!tpu.dma_semaphore, #tpu.memory_space<semaphore_mem>>
        %dma_start3A_238 = tpu.memref_slice %arg2[%add3A_202] : memref<320000xi32, #tpu.memory_space<hbm>> -> memref<128xi32, #tpu.memory_space<hbm>>
        %dma_start3A_239 = tpu.memref_slice %arg2[%add3A_202] : memref<320000xi32, #tpu.memory_space<hbm>> -> memref<128xi32, #tpu.memory_space<hbm>>
        tpu.enqueue_dma source(%dma_start3A_239 : memref<128xi32, #tpu.memory_space<hbm>>) target(%arg9 : memref<128xi32, #tpu.memory_space<vmem>>) target_semaphore(%run_scoped3A : memref<!tpu.dma_semaphore, #tpu.memory_space<semaphore_mem>>)
        %dma_wait3A_240 = tpu.memref_slice %arg2[%add3A_202] : memref<320000xi32, #tpu.memory_space<hbm>> -> memref<128xi32, #tpu.memory_space<hbm>>
        %dma_wait3A_241 = tpu.memref_slice %arg2[%add3A_202] : memref<320000xi32, #tpu.memory_space<hbm>> -> memref<128xi32, #tpu.memory_space<hbm>>
        tpu.wait_dma2 semaphore(%run_scoped3A : memref<!tpu.dma_semaphore, #tpu.memory_space<semaphore_mem>>) src(%dma_wait3A_241 : memref<128xi32, #tpu.memory_space<hbm>>) dst(%arg9 : memref<128xi32, #tpu.memory_space<vmem>>)
        tpu.yield
      }) : () -> ()
      %gt3A_203 = arith.constant 0 : i32
      %gt3A_204 = arith.cmpi sgt, %scan3A_171, %gt3A_203 : i32
      %convert_element_type3A_205 = arith.extui %gt3A_204 : i1 to i32
      %cond3A_206 = arith.constant 0 : i32
      %cond3A_207 = arith.cmpi ne, %convert_element_type3A_205, %cond3A_206 : i32
      scf.if %cond3A_207 {
        %dma_wait3A_238 = arith.constant 0 : i32
        %dma_wait3A_239 = arith.constant 0 : i32
        %dma_wait3A_240 = tpu.memref_slice %arg16[%dma_wait3A_238, %dma_wait3A_239] : memref<10000x128xf32, #tpu.memory_space<vmem_shared>> -> memref<10000x128xf32, #tpu.memory_space<vmem_shared>>
        tpu.wait_indirect_dma semaphore(%arg22 : memref<!tpu.dma_semaphore, #tpu.memory_space<semaphore_mem>>) src(%arg15 : memref<128x128xf32, #tpu.memory_space<vmem>>) dst(%dma_wait3A_240 : memref<10000x128xf32, #tpu.memory_space<vmem_shared>>)
      } else {
      }
      %dma_start3A_208 = arith.constant 0 : i32
      %dma_start3A_209 = arith.constant 0 : i32
      %dma_start3A_210 = tpu.memref_slice %arg4[%dma_start3A_208, %dma_start3A_209] : memref<10000x128xf32, #tpu.memory_space<hbm>> -> memref<10000x128xf32, #tpu.memory_space<hbm>>
      tpu.enqueue_indirect_dma source(%dma_start3A_210 : memref<10000x128xf32, #tpu.memory_space<hbm>>) target(%arg15 : memref<128x128xf32, #tpu.memory_space<vmem>>) offsets(%arg9 : memref<128xi32, #tpu.memory_space<vmem>>) semaphore(%arg19 : memref<!tpu.dma_semaphore, #tpu.memory_space<semaphore_mem>>)
      %dma_wait3A_211 = arith.constant 0 : i32
      %dma_wait3A_212 = arith.constant 0 : i32
      %dma_wait3A_213 = tpu.memref_slice %arg4[%dma_wait3A_211, %dma_wait3A_212] : memref<10000x128xf32, #tpu.memory_space<hbm>> -> memref<10000x128xf32, #tpu.memory_space<hbm>>
      tpu.wait_indirect_dma semaphore(%arg18 : memref<!tpu.dma_semaphore, #tpu.memory_space<semaphore_mem>>) src(%dma_wait3A_213 : memref<10000x128xf32, #tpu.memory_space<hbm>>) dst(%arg14 : memref<128x128xf32, #tpu.memory_space<vmem>>)
      "tpu.region"() ({
        %run_scoped3A = tpu.sem_alloc : memref<!tpu.dma_semaphore, #tpu.memory_space<semaphore_mem>>
        %dma_start3A_238 = tpu.memref_slice %arg3[%add3A_200] : memref<320000xi32, #tpu.memory_space<hbm>> -> memref<128xi32, #tpu.memory_space<hbm>>
        %dma_start3A_239 = tpu.memref_slice %arg3[%add3A_200] : memref<320000xi32, #tpu.memory_space<hbm>> -> memref<128xi32, #tpu.memory_space<hbm>>
        tpu.enqueue_dma source(%dma_start3A_239 : memref<128xi32, #tpu.memory_space<hbm>>) target(%arg11 : memref<128xi32, #tpu.memory_space<vmem>>) target_semaphore(%run_scoped3A : memref<!tpu.dma_semaphore, #tpu.memory_space<semaphore_mem>>)
        %dma_wait3A_240 = tpu.memref_slice %arg3[%add3A_200] : memref<320000xi32, #tpu.memory_space<hbm>> -> memref<128xi32, #tpu.memory_space<hbm>>
        %dma_wait3A_241 = tpu.memref_slice %arg3[%add3A_200] : memref<320000xi32, #tpu.memory_space<hbm>> -> memref<128xi32, #tpu.memory_space<hbm>>
        tpu.wait_dma2 semaphore(%run_scoped3A : memref<!tpu.dma_semaphore, #tpu.memory_space<semaphore_mem>>) src(%dma_wait3A_241 : memref<128xi32, #tpu.memory_space<hbm>>) dst(%arg11 : memref<128xi32, #tpu.memory_space<vmem>>)
        tpu.yield
      }) : () -> ()
      %dma_start3A_214 = arith.constant 0 : i32
      %dma_start3A_215 = arith.constant 0 : i32
      %dma_start3A_216 = tpu.memref_slice %arg16[%dma_start3A_214, %dma_start3A_215] : memref<10000x128xf32, #tpu.memory_space<vmem_shared>> -> memref<10000x128xf32, #tpu.memory_space<vmem_shared>>
      tpu.enqueue_indirect_dma source(%arg14 : memref<128x128xf32, #tpu.memory_space<vmem>>) target(%dma_start3A_216 : memref<10000x128xf32, #tpu.memory_space<vmem_shared>>) offsets(%arg11 : memref<128xi32, #tpu.memory_space<vmem>>) semaphore(%arg21 : memref<!tpu.dma_semaphore, #tpu.memory_space<semaphore_mem>>) {add = true}
      %mul3A_217 = arith.constant 3 : i32
      %mul3A_218 = arith.muli %mul3A_217, %scan3A_171 : i32
      %add3A_219 = arith.constant 2 : i32
      %add3A_220 = arith.addi %mul3A_218, %add3A_219 : i32
      %mul3A_221 = arith.constant 128 : i32
      %mul3A_222 = arith.muli %add3A_220, %mul3A_221 : i32
      %add3A_223 = arith.addi %add3A_73, %mul3A_222 : i32
      %add3A_224 = arith.constant 128 : i32
      %add3A_225 = arith.addi %add3A_223, %add3A_224 : i32
      "tpu.region"() ({
        %run_scoped3A = tpu.sem_alloc : memref<!tpu.dma_semaphore, #tpu.memory_space<semaphore_mem>>
        %dma_start3A_238 = tpu.memref_slice %arg2[%add3A_225] : memref<320000xi32, #tpu.memory_space<hbm>> -> memref<128xi32, #tpu.memory_space<hbm>>
        %dma_start3A_239 = tpu.memref_slice %arg2[%add3A_225] : memref<320000xi32, #tpu.memory_space<hbm>> -> memref<128xi32, #tpu.memory_space<hbm>>
        tpu.enqueue_dma source(%dma_start3A_239 : memref<128xi32, #tpu.memory_space<hbm>>) target(%arg7 : memref<128xi32, #tpu.memory_space<vmem>>) target_semaphore(%run_scoped3A : memref<!tpu.dma_semaphore, #tpu.memory_space<semaphore_mem>>)
        %dma_wait3A_240 = tpu.memref_slice %arg2[%add3A_225] : memref<320000xi32, #tpu.memory_space<hbm>> -> memref<128xi32, #tpu.memory_space<hbm>>
        %dma_wait3A_241 = tpu.memref_slice %arg2[%add3A_225] : memref<320000xi32, #tpu.memory_space<hbm>> -> memref<128xi32, #tpu.memory_space<hbm>>
        tpu.wait_dma2 semaphore(%run_scoped3A : memref<!tpu.dma_semaphore, #tpu.memory_space<semaphore_mem>>) src(%dma_wait3A_241 : memref<128xi32, #tpu.memory_space<hbm>>) dst(%arg7 : memref<128xi32, #tpu.memory_space<vmem>>)
        tpu.yield
      }) : () -> ()
      %dma_wait3A_226 = arith.constant 0 : i32
      %dma_wait3A_227 = arith.constant 0 : i32
      %dma_wait3A_228 = tpu.memref_slice %arg16[%dma_wait3A_226, %dma_wait3A_227] : memref<10000x128xf32, #tpu.memory_space<vmem_shared>> -> memref<10000x128xf32, #tpu.memory_space<vmem_shared>>
      tpu.wait_indirect_dma semaphore(%arg20 : memref<!tpu.dma_semaphore, #tpu.memory_space<semaphore_mem>>) src(%arg13 : memref<128x128xf32, #tpu.memory_space<vmem>>) dst(%dma_wait3A_228 : memref<10000x128xf32, #tpu.memory_space<vmem_shared>>)
      %dma_start3A_229 = arith.constant 0 : i32
      %dma_start3A_230 = arith.constant 0 : i32
      %dma_start3A_231 = tpu.memref_slice %arg4[%dma_start3A_229, %dma_start3A_230] : memref<10000x128xf32, #tpu.memory_space<hbm>> -> memref<10000x128xf32, #tpu.memory_space<hbm>>
      tpu.enqueue_indirect_dma source(%dma_start3A_231 : memref<10000x128xf32, #tpu.memory_space<hbm>>) target(%arg13 : memref<128x128xf32, #tpu.memory_space<vmem>>) offsets(%arg7 : memref<128xi32, #tpu.memory_space<vmem>>) semaphore(%arg17 : memref<!tpu.dma_semaphore, #tpu.memory_space<semaphore_mem>>)
      %dma_wait3A_232 = arith.constant 0 : i32
      %dma_wait3A_233 = arith.constant 0 : i32
      %dma_wait3A_234 = tpu.memref_slice %arg4[%dma_wait3A_232, %dma_wait3A_233] : memref<10000x128xf32, #tpu.memory_space<hbm>> -> memref<10000x128xf32, #tpu.memory_space<hbm>>
      tpu.wait_indirect_dma semaphore(%arg19 : memref<!tpu.dma_semaphore, #tpu.memory_space<semaphore_mem>>) src(%dma_wait3A_234 : memref<10000x128xf32, #tpu.memory_space<hbm>>) dst(%arg15 : memref<128x128xf32, #tpu.memory_space<vmem>>)
      "tpu.region"() ({
        %run_scoped3A = tpu.sem_alloc : memref<!tpu.dma_semaphore, #tpu.memory_space<semaphore_mem>>
        %dma_start3A_238 = tpu.memref_slice %arg3[%add3A_223] : memref<320000xi32, #tpu.memory_space<hbm>> -> memref<128xi32, #tpu.memory_space<hbm>>
        %dma_start3A_239 = tpu.memref_slice %arg3[%add3A_223] : memref<320000xi32, #tpu.memory_space<hbm>> -> memref<128xi32, #tpu.memory_space<hbm>>
        tpu.enqueue_dma source(%dma_start3A_239 : memref<128xi32, #tpu.memory_space<hbm>>) target(%arg12 : memref<128xi32, #tpu.memory_space<vmem>>) target_semaphore(%run_scoped3A : memref<!tpu.dma_semaphore, #tpu.memory_space<semaphore_mem>>)
        %dma_wait3A_240 = tpu.memref_slice %arg3[%add3A_223] : memref<320000xi32, #tpu.memory_space<hbm>> -> memref<128xi32, #tpu.memory_space<hbm>>
        %dma_wait3A_241 = tpu.memref_slice %arg3[%add3A_223] : memref<320000xi32, #tpu.memory_space<hbm>> -> memref<128xi32, #tpu.memory_space<hbm>>
        tpu.wait_dma2 semaphore(%run_scoped3A : memref<!tpu.dma_semaphore, #tpu.memory_space<semaphore_mem>>) src(%dma_wait3A_241 : memref<128xi32, #tpu.memory_space<hbm>>) dst(%arg12 : memref<128xi32, #tpu.memory_space<vmem>>)
        tpu.yield
      }) : () -> ()
      %dma_start3A_235 = arith.constant 0 : i32
      %dma_start3A_236 = arith.constant 0 : i32
      %dma_start3A_237 = tpu.memref_slice %arg16[%dma_start3A_235, %dma_start3A_236] : memref<10000x128xf32, #tpu.memory_space<vmem_shared>> -> memref<10000x128xf32, #tpu.memory_space<vmem_shared>>
      tpu.enqueue_indirect_dma source(%arg15 : memref<128x128xf32, #tpu.memory_space<vmem>>) target(%dma_start3A_237 : memref<10000x128xf32, #tpu.memory_space<vmem_shared>>) offsets(%arg12 : memref<128xi32, #tpu.memory_space<vmem>>) semaphore(%arg22 : memref<!tpu.dma_semaphore, #tpu.memory_space<semaphore_mem>>) {add = true}
    }
    %scan3A_80 = arith.constant 26 : i32
    %dma_wait3A = arith.constant 0 : i32
    %dma_wait3A_81 = arith.constant 0 : i32
    %dma_wait3A_82 = tpu.memref_slice %arg4[%dma_wait3A, %dma_wait3A_81] : memref<10000x128xf32, #tpu.memory_space<hbm>> -> memref<10000x128xf32, #tpu.memory_space<hbm>>
    tpu.wait_indirect_dma semaphore(%arg17 : memref<!tpu.dma_semaphore, #tpu.memory_space<semaphore_mem>>) src(%dma_wait3A_82 : memref<10000x128xf32, #tpu.memory_space<hbm>>) dst(%arg13 : memref<128x128xf32, #tpu.memory_space<vmem>>)
    %dma_wait3A_83 = arith.constant 0 : i32
    %dma_wait3A_84 = arith.constant 0 : i32
    %dma_wait3A_85 = tpu.memref_slice %arg16[%dma_wait3A_83, %dma_wait3A_84] : memref<10000x128xf32, #tpu.memory_space<vmem_shared>> -> memref<10000x128xf32, #tpu.memory_space<vmem_shared>>
    tpu.wait_indirect_dma semaphore(%arg21 : memref<!tpu.dma_semaphore, #tpu.memory_space<semaphore_mem>>) src(%arg14 : memref<128x128xf32, #tpu.memory_space<vmem>>) dst(%dma_wait3A_85 : memref<10000x128xf32, #tpu.memory_space<vmem_shared>>)
    %dma_wait3A_86 = arith.constant 0 : i32
    %dma_wait3A_87 = arith.constant 0 : i32
    %dma_wait3A_88 = tpu.memref_slice %arg16[%dma_wait3A_86, %dma_wait3A_87] : memref<10000x128xf32, #tpu.memory_space<vmem_shared>> -> memref<10000x128xf32, #tpu.memory_space<vmem_shared>>
    tpu.wait_indirect_dma semaphore(%arg22 : memref<!tpu.dma_semaphore, #tpu.memory_space<semaphore_mem>>) src(%arg15 : memref<128x128xf32, #tpu.memory_space<vmem>>) dst(%dma_wait3A_88 : memref<10000x128xf32, #tpu.memory_space<vmem_shared>>)
    %mul3A_89 = arith.constant 160000 : i32
    %mul3A_90 = arith.muli %arg0, %mul3A_89 : i32
    %add3A_91 = arith.constant 159744 : i32
    %add3A_92 = arith.addi %mul3A_90, %add3A_91 : i32
    %lt3A_93 = arith.constant 2 : i32
    %lt3A_94 = arith.cmpi slt, %arg1, %lt3A_93 : i32
    %convert_element_type3A_95 = arith.extui %lt3A_94 : i1 to i32
    %cond3A_96 = arith.constant 0 : i32
    %cond3A_97 = arith.cmpi ne, %convert_element_type3A_95, %cond3A_96 : i32
    scf.if %cond3A_97 {
      %mul3A_171 = arith.constant 128 : i32
      %mul3A_172 = arith.muli %arg1, %mul3A_171 : i32
      %add3A_173 = arith.addi %add3A_92, %mul3A_172 : i32
      "tpu.region"() ({
        %run_scoped3A = tpu.sem_alloc : memref<!tpu.dma_semaphore, #tpu.memory_space<semaphore_mem>>
        %dma_start3A_174 = tpu.memref_slice %arg2[%add3A_173] : memref<320000xi32, #tpu.memory_space<hbm>> -> memref<128xi32, #tpu.memory_space<hbm>>
        %dma_start3A_175 = tpu.memref_slice %arg2[%add3A_173] : memref<320000xi32, #tpu.memory_space<hbm>> -> memref<128xi32, #tpu.memory_space<hbm>>
        tpu.enqueue_dma source(%dma_start3A_175 : memref<128xi32, #tpu.memory_space<hbm>>) target(%arg7 : memref<128xi32, #tpu.memory_space<vmem>>) target_semaphore(%run_scoped3A : memref<!tpu.dma_semaphore, #tpu.memory_space<semaphore_mem>>)
        %dma_wait3A_176 = tpu.memref_slice %arg2[%add3A_173] : memref<320000xi32, #tpu.memory_space<hbm>> -> memref<128xi32, #tpu.memory_space<hbm>>
        %dma_wait3A_177 = tpu.memref_slice %arg2[%add3A_173] : memref<320000xi32, #tpu.memory_space<hbm>> -> memref<128xi32, #tpu.memory_space<hbm>>
        tpu.wait_dma2 semaphore(%run_scoped3A : memref<!tpu.dma_semaphore, #tpu.memory_space<semaphore_mem>>) src(%dma_wait3A_177 : memref<128xi32, #tpu.memory_space<hbm>>) dst(%arg7 : memref<128xi32, #tpu.memory_space<vmem>>)
        tpu.yield
      }) : () -> ()
      "tpu.region"() ({
        %run_scoped3A = tpu.sem_alloc : memref<!tpu.dma_semaphore, #tpu.memory_space<semaphore_mem>>
        %dma_start3A_174 = arith.constant 0 : i32
        %dma_start3A_175 = arith.constant 0 : i32
        %dma_start3A_176 = tpu.memref_slice %arg4[%dma_start3A_174, %dma_start3A_175] : memref<10000x128xf32, #tpu.memory_space<hbm>> -> memref<10000x128xf32, #tpu.memory_space<hbm>>
        tpu.enqueue_indirect_dma source(%dma_start3A_176 : memref<10000x128xf32, #tpu.memory_space<hbm>>) target(%arg13 : memref<128x128xf32, #tpu.memory_space<vmem>>) offsets(%arg7 : memref<128xi32, #tpu.memory_space<vmem>>) semaphore(%run_scoped3A : memref<!tpu.dma_semaphore, #tpu.memory_space<semaphore_mem>>)
        %dma_wait3A_177 = arith.constant 0 : i32
        %dma_wait3A_178 = arith.constant 0 : i32
        %dma_wait3A_179 = tpu.memref_slice %arg4[%dma_wait3A_177, %dma_wait3A_178] : memref<10000x128xf32, #tpu.memory_space<hbm>> -> memref<10000x128xf32, #tpu.memory_space<hbm>>
        tpu.wait_indirect_dma semaphore(%run_scoped3A : memref<!tpu.dma_semaphore, #tpu.memory_space<semaphore_mem>>) src(%dma_wait3A_179 : memref<10000x128xf32, #tpu.memory_space<hbm>>) dst(%arg13 : memref<128x128xf32, #tpu.memory_space<vmem>>)
        tpu.yield
      }) : () -> ()
      "tpu.region"() ({
        %run_scoped3A = tpu.sem_alloc : memref<!tpu.dma_semaphore, #tpu.memory_space<semaphore_mem>>
        %dma_start3A_174 = tpu.memref_slice %arg3[%add3A_173] : memref<320000xi32, #tpu.memory_space<hbm>> -> memref<128xi32, #tpu.memory_space<hbm>>
        %dma_start3A_175 = tpu.memref_slice %arg3[%add3A_173] : memref<320000xi32, #tpu.memory_space<hbm>> -> memref<128xi32, #tpu.memory_space<hbm>>
        tpu.enqueue_dma source(%dma_start3A_175 : memref<128xi32, #tpu.memory_space<hbm>>) target(%arg10 : memref<128xi32, #tpu.memory_space<vmem>>) target_semaphore(%run_scoped3A : memref<!tpu.dma_semaphore, #tpu.memory_space<semaphore_mem>>)
        %dma_wait3A_176 = tpu.memref_slice %arg3[%add3A_173] : memref<320000xi32, #tpu.memory_space<hbm>> -> memref<128xi32, #tpu.memory_space<hbm>>
        %dma_wait3A_177 = tpu.memref_slice %arg3[%add3A_173] : memref<320000xi32, #tpu.memory_space<hbm>> -> memref<128xi32, #tpu.memory_space<hbm>>
        tpu.wait_dma2 semaphore(%run_scoped3A : memref<!tpu.dma_semaphore, #tpu.memory_space<semaphore_mem>>) src(%dma_wait3A_177 : memref<128xi32, #tpu.memory_space<hbm>>) dst(%arg10 : memref<128xi32, #tpu.memory_space<vmem>>)
        tpu.yield
      }) : () -> ()
      "tpu.region"() ({
        %run_scoped3A = tpu.sem_alloc : memref<!tpu.dma_semaphore, #tpu.memory_space<semaphore_mem>>
        %dma_start3A_174 = arith.constant 0 : i32
        %dma_start3A_175 = arith.constant 0 : i32
        %dma_start3A_176 = tpu.memref_slice %arg16[%dma_start3A_174, %dma_start3A_175] : memref<10000x128xf32, #tpu.memory_space<vmem_shared>> -> memref<10000x128xf32, #tpu.memory_space<vmem_shared>>
        tpu.enqueue_indirect_dma source(%arg13 : memref<128x128xf32, #tpu.memory_space<vmem>>) target(%dma_start3A_176 : memref<10000x128xf32, #tpu.memory_space<vmem_shared>>) offsets(%arg10 : memref<128xi32, #tpu.memory_space<vmem>>) semaphore(%run_scoped3A : memref<!tpu.dma_semaphore, #tpu.memory_space<semaphore_mem>>) {add = true}
        %dma_wait3A_177 = arith.constant 0 : i32
        %dma_wait3A_178 = arith.constant 0 : i32
        %dma_wait3A_179 = tpu.memref_slice %arg16[%dma_wait3A_177, %dma_wait3A_178] : memref<10000x128xf32, #tpu.memory_space<vmem_shared>> -> memref<10000x128xf32, #tpu.memory_space<vmem_shared>>
        tpu.wait_indirect_dma semaphore(%run_scoped3A : memref<!tpu.dma_semaphore, #tpu.memory_space<semaphore_mem>>) src(%arg13 : memref<128x128xf32, #tpu.memory_space<vmem>>) dst(%dma_wait3A_179 : memref<10000x128xf32, #tpu.memory_space<vmem_shared>>)
        tpu.yield
      }) : () -> ()
    } else {
    }
    %barrier3A_98 = arith.constant 0 : index
    tpu.barrier barrier_id(%barrier3A_98)
    %mul3A_99 = arith.constant 8 : i32
    %mul3A_100 = arith.muli %arg1, %mul3A_99 : i32
    %add3A_101 = arith.constant 0 : i32
    %add3A_102 = arith.addi %mul3A_100, %add3A_101 : i32
    %lt3A_103 = arith.constant 125 : i32
    %lt3A_104 = arith.cmpi slt, %add3A_102, %lt3A_103 : i32
    %convert_element_type3A_105 = arith.extui %lt3A_104 : i1 to i32
    %cond3A_106 = arith.constant 0 : i32
    %cond3A_107 = arith.cmpi ne, %convert_element_type3A_105, %cond3A_106 : i32
    scf.if %cond3A_107 {
      %mul3A_171 = arith.constant 80 : i32
      %mul3A_172 = arith.muli %add3A_102, %mul3A_171 : i32
      "tpu.region"() ({
        %run_scoped3A = tpu.sem_alloc : memref<!tpu.dma_semaphore, #tpu.memory_space<semaphore_mem>>
        %dma_start3A_178 = arith.constant 0 : i32
        %dma_start3A_179 = arith.constant 0 : i32
        %dma_start3A_180 = tpu.memref_slice %arg13[%dma_start3A_178, %dma_start3A_179] : memref<128x128xf32, #tpu.memory_space<vmem>> -> memref<80x128xf32, #tpu.memory_space<vmem>>
        %dma_start3A_181 = arith.constant 0 : i32
        %dma_start3A_182 = tpu.memref_slice %arg16[%mul3A_172, %dma_start3A_181] : memref<10000x128xf32, #tpu.memory_space<vmem_shared>> -> memref<80x128xf32, #tpu.memory_space<vmem_shared>>
        %dma_start3A_183 = arith.constant 0 : i32
        %dma_start3A_184 = arith.constant 0 : i32
        %dma_start3A_185 = tpu.memref_slice %arg13[%dma_start3A_183, %dma_start3A_184] : memref<128x128xf32, #tpu.memory_space<vmem>> -> memref<80x128xf32, #tpu.memory_space<vmem>>
        %dma_start3A_186 = arith.constant 0 : i32
        %dma_start3A_187 = tpu.memref_slice %arg16[%mul3A_172, %dma_start3A_186] : memref<10000x128xf32, #tpu.memory_space<vmem_shared>> -> memref<80x128xf32, #tpu.memory_space<vmem_shared>>
        tpu.enqueue_dma source(%dma_start3A_187 : memref<80x128xf32, #tpu.memory_space<vmem_shared>>) target(%dma_start3A_185 : memref<80x128xf32, #tpu.memory_space<vmem>>) target_semaphore(%run_scoped3A : memref<!tpu.dma_semaphore, #tpu.memory_space<semaphore_mem>>)
        %dma_wait3A_188 = arith.constant 0 : i32
        %dma_wait3A_189 = arith.constant 0 : i32
        %dma_wait3A_190 = tpu.memref_slice %arg13[%dma_wait3A_188, %dma_wait3A_189] : memref<128x128xf32, #tpu.memory_space<vmem>> -> memref<80x128xf32, #tpu.memory_space<vmem>>
        %dma_wait3A_191 = arith.constant 0 : i32
        %dma_wait3A_192 = tpu.memref_slice %arg16[%mul3A_172, %dma_wait3A_191] : memref<10000x128xf32, #tpu.memory_space<vmem_shared>> -> memref<80x128xf32, #tpu.memory_space<vmem_shared>>
        %dma_wait3A_193 = arith.constant 0 : i32
        %dma_wait3A_194 = arith.constant 0 : i32
        %dma_wait3A_195 = tpu.memref_slice %arg13[%dma_wait3A_193, %dma_wait3A_194] : memref<128x128xf32, #tpu.memory_space<vmem>> -> memref<80x128xf32, #tpu.memory_space<vmem>>
        %dma_wait3A_196 = arith.constant 0 : i32
        %dma_wait3A_197 = tpu.memref_slice %arg16[%mul3A_172, %dma_wait3A_196] : memref<10000x128xf32, #tpu.memory_space<vmem_shared>> -> memref<80x128xf32, #tpu.memory_space<vmem_shared>>
        tpu.wait_dma2 semaphore(%run_scoped3A : memref<!tpu.dma_semaphore, #tpu.memory_space<semaphore_mem>>) src(%dma_wait3A_197 : memref<80x128xf32, #tpu.memory_space<vmem_shared>>) dst(%dma_wait3A_195 : memref<80x128xf32, #tpu.memory_space<vmem>>)
        tpu.yield
      }) : () -> ()
      %mul3A_173 = arith.constant 10000 : i32
      %mul3A_174 = arith.muli %arg0, %mul3A_173 : i32
      %mul3A_175 = arith.constant 80 : i32
      %mul3A_176 = arith.muli %add3A_102, %mul3A_175 : i32
      %add3A_177 = arith.addi %mul3A_174, %mul3A_176 : i32
      "tpu.region"() ({
        %run_scoped3A = tpu.sem_alloc : memref<!tpu.dma_semaphore, #tpu.memory_space<semaphore_mem>>
        %dma_start3A_178 = arith.constant 0 : i32
        %dma_start3A_179 = arith.constant 0 : i32
        %dma_start3A_180 = tpu.memref_slice %arg13[%dma_start3A_178, %dma_start3A_179] : memref<128x128xf32, #tpu.memory_space<vmem>> -> memref<80x128xf32, #tpu.memory_space<vmem>>
        %dma_start3A_181 = arith.constant 0 : i32
        %dma_start3A_182 = tpu.memref_slice %arg6[%add3A_177, %dma_start3A_181] : memref<20000x128xf32, #tpu.memory_space<hbm>> -> memref<80x128xf32, #tpu.memory_space<hbm>>
        %dma_start3A_183 = arith.constant 0 : i32
        %dma_start3A_184 = tpu.memref_slice %arg6[%add3A_177, %dma_start3A_183] : memref<20000x128xf32, #tpu.memory_space<hbm>> -> memref<80x128xf32, #tpu.memory_space<hbm>>
        %dma_start3A_185 = arith.constant 0 : i32
        %dma_start3A_186 = arith.constant 0 : i32
        %dma_start3A_187 = tpu.memref_slice %arg13[%dma_start3A_185, %dma_start3A_186] : memref<128x128xf32, #tpu.memory_space<vmem>> -> memref<80x128xf32, #tpu.memory_space<vmem>>
        tpu.enqueue_dma source(%dma_start3A_187 : memref<80x128xf32, #tpu.memory_space<vmem>>) target(%dma_start3A_184 : memref<80x128xf32, #tpu.memory_space<hbm>>) target_semaphore(%run_scoped3A : memref<!tpu.dma_semaphore, #tpu.memory_space<semaphore_mem>>)
        %dma_wait3A_188 = arith.constant 0 : i32
        %dma_wait3A_189 = arith.constant 0 : i32
        %dma_wait3A_190 = tpu.memref_slice %arg13[%dma_wait3A_188, %dma_wait3A_189] : memref<128x128xf32, #tpu.memory_space<vmem>> -> memref<80x128xf32, #tpu.memory_space<vmem>>
        %dma_wait3A_191 = arith.constant 0 : i32
        %dma_wait3A_192 = tpu.memref_slice %arg6[%add3A_177, %dma_wait3A_191] : memref<20000x128xf32, #tpu.memory_space<hbm>> -> memref<80x128xf32, #tpu.memory_space<hbm>>
        %dma_wait3A_193 = arith.constant 0 : i32
        %dma_wait3A_194 = tpu.memref_slice %arg6[%add3A_177, %dma_wait3A_193] : memref<20000x128xf32, #tpu.memory_space<hbm>> -> memref<80x128xf32, #tpu.memory_space<hbm>>
        %dma_wait3A_195 = arith.constant 0 : i32
        %dma_wait3A_196 = arith.constant 0 : i32
        %dma_wait3A_197 = tpu.memref_slice %arg13[%dma_wait3A_195, %dma_wait3A_196] : memref<128x128xf32, #tpu.memory_space<vmem>> -> memref<80x128xf32, #tpu.memory_space<vmem>>
        tpu.wait_dma2 semaphore(%run_scoped3A : memref<!tpu.dma_semaphore, #tpu.memory_space<semaphore_mem>>) src(%dma_wait3A_197 : memref<80x128xf32, #tpu.memory_space<vmem>>) dst(%dma_wait3A_194 : memref<80x128xf32, #tpu.memory_space<hbm>>)
        tpu.yield
      }) : () -> ()
    } else {
    }
    %mul3A_108 = arith.constant 8 : i32
    %mul3A_109 = arith.muli %arg1, %mul3A_108 : i32
    %add3A_110 = arith.constant 1 : i32
    %add3A_111 = arith.addi %mul3A_109, %add3A_110 : i32
    %lt3A_112 = arith.constant 125 : i32
    %lt3A_113 = arith.cmpi slt, %add3A_111, %lt3A_112 : i32
    %convert_element_type3A_114 = arith.extui %lt3A_113 : i1 to i32
    %cond3A_115 = arith.constant 0 : i32
    %cond3A_116 = arith.cmpi ne, %convert_element_type3A_114, %cond3A_115 : i32
    scf.if %cond3A_116 {
      %mul3A_171 = arith.constant 80 : i32
      %mul3A_172 = arith.muli %add3A_111, %mul3A_171 : i32
      "tpu.region"() ({
        %run_scoped3A = tpu.sem_alloc : memref<!tpu.dma_semaphore, #tpu.memory_space<semaphore_mem>>
        %dma_start3A_178 = arith.constant 0 : i32
        %dma_start3A_179 = arith.constant 0 : i32
        %dma_start3A_180 = tpu.memref_slice %arg13[%dma_start3A_178, %dma_start3A_179] : memref<128x128xf32, #tpu.memory_space<vmem>> -> memref<80x128xf32, #tpu.memory_space<vmem>>
        %dma_start3A_181 = arith.constant 0 : i32
        %dma_start3A_182 = tpu.memref_slice %arg16[%mul3A_172, %dma_start3A_181] : memref<10000x128xf32, #tpu.memory_space<vmem_shared>> -> memref<80x128xf32, #tpu.memory_space<vmem_shared>>
        %dma_start3A_183 = arith.constant 0 : i32
        %dma_start3A_184 = arith.constant 0 : i32
        %dma_start3A_185 = tpu.memref_slice %arg13[%dma_start3A_183, %dma_start3A_184] : memref<128x128xf32, #tpu.memory_space<vmem>> -> memref<80x128xf32, #tpu.memory_space<vmem>>
        %dma_start3A_186 = arith.constant 0 : i32
        %dma_start3A_187 = tpu.memref_slice %arg16[%mul3A_172, %dma_start3A_186] : memref<10000x128xf32, #tpu.memory_space<vmem_shared>> -> memref<80x128xf32, #tpu.memory_space<vmem_shared>>
        tpu.enqueue_dma source(%dma_start3A_187 : memref<80x128xf32, #tpu.memory_space<vmem_shared>>) target(%dma_start3A_185 : memref<80x128xf32, #tpu.memory_space<vmem>>) target_semaphore(%run_scoped3A : memref<!tpu.dma_semaphore, #tpu.memory_space<semaphore_mem>>)
        %dma_wait3A_188 = arith.constant 0 : i32
        %dma_wait3A_189 = arith.constant 0 : i32
        %dma_wait3A_190 = tpu.memref_slice %arg13[%dma_wait3A_188, %dma_wait3A_189] : memref<128x128xf32, #tpu.memory_space<vmem>> -> memref<80x128xf32, #tpu.memory_space<vmem>>
        %dma_wait3A_191 = arith.constant 0 : i32
        %dma_wait3A_192 = tpu.memref_slice %arg16[%mul3A_172, %dma_wait3A_191] : memref<10000x128xf32, #tpu.memory_space<vmem_shared>> -> memref<80x128xf32, #tpu.memory_space<vmem_shared>>
        %dma_wait3A_193 = arith.constant 0 : i32
        %dma_wait3A_194 = arith.constant 0 : i32
        %dma_wait3A_195 = tpu.memref_slice %arg13[%dma_wait3A_193, %dma_wait3A_194] : memref<128x128xf32, #tpu.memory_space<vmem>> -> memref<80x128xf32, #tpu.memory_space<vmem>>
        %dma_wait3A_196 = arith.constant 0 : i32
        %dma_wait3A_197 = tpu.memref_slice %arg16[%mul3A_172, %dma_wait3A_196] : memref<10000x128xf32, #tpu.memory_space<vmem_shared>> -> memref<80x128xf32, #tpu.memory_space<vmem_shared>>
        tpu.wait_dma2 semaphore(%run_scoped3A : memref<!tpu.dma_semaphore, #tpu.memory_space<semaphore_mem>>) src(%dma_wait3A_197 : memref<80x128xf32, #tpu.memory_space<vmem_shared>>) dst(%dma_wait3A_195 : memref<80x128xf32, #tpu.memory_space<vmem>>)
        tpu.yield
      }) : () -> ()
      %mul3A_173 = arith.constant 10000 : i32
      %mul3A_174 = arith.muli %arg0, %mul3A_173 : i32
      %mul3A_175 = arith.constant 80 : i32
      %mul3A_176 = arith.muli %add3A_111, %mul3A_175 : i32
      %add3A_177 = arith.addi %mul3A_174, %mul3A_176 : i32
      "tpu.region"() ({
        %run_scoped3A = tpu.sem_alloc : memref<!tpu.dma_semaphore, #tpu.memory_space<semaphore_mem>>
        %dma_start3A_178 = arith.constant 0 : i32
        %dma_start3A_179 = arith.constant 0 : i32
        %dma_start3A_180 = tpu.memref_slice %arg13[%dma_start3A_178, %dma_start3A_179] : memref<128x128xf32, #tpu.memory_space<vmem>> -> memref<80x128xf32, #tpu.memory_space<vmem>>
        %dma_start3A_181 = arith.constant 0 : i32
        %dma_start3A_182 = tpu.memref_slice %arg6[%add3A_177, %dma_start3A_181] : memref<20000x128xf32, #tpu.memory_space<hbm>> -> memref<80x128xf32, #tpu.memory_space<hbm>>
        %dma_start3A_183 = arith.constant 0 : i32
        %dma_start3A_184 = tpu.memref_slice %arg6[%add3A_177, %dma_start3A_183] : memref<20000x128xf32, #tpu.memory_space<hbm>> -> memref<80x128xf32, #tpu.memory_space<hbm>>
        %dma_start3A_185 = arith.constant 0 : i32
        %dma_start3A_186 = arith.constant 0 : i32
        %dma_start3A_187 = tpu.memref_slice %arg13[%dma_start3A_185, %dma_start3A_186] : memref<128x128xf32, #tpu.memory_space<vmem>> -> memref<80x128xf32, #tpu.memory_space<vmem>>
        tpu.enqueue_dma source(%dma_start3A_187 : memref<80x128xf32, #tpu.memory_space<vmem>>) target(%dma_start3A_184 : memref<80x128xf32, #tpu.memory_space<hbm>>) target_semaphore(%run_scoped3A : memref<!tpu.dma_semaphore, #tpu.memory_space<semaphore_mem>>)
        %dma_wait3A_188 = arith.constant 0 : i32
        %dma_wait3A_189 = arith.constant 0 : i32
        %dma_wait3A_190 = tpu.memref_slice %arg13[%dma_wait3A_188, %dma_wait3A_189] : memref<128x128xf32, #tpu.memory_space<vmem>> -> memref<80x128xf32, #tpu.memory_space<vmem>>
        %dma_wait3A_191 = arith.constant 0 : i32
        %dma_wait3A_192 = tpu.memref_slice %arg6[%add3A_177, %dma_wait3A_191] : memref<20000x128xf32, #tpu.memory_space<hbm>> -> memref<80x128xf32, #tpu.memory_space<hbm>>
        %dma_wait3A_193 = arith.constant 0 : i32
        %dma_wait3A_194 = tpu.memref_slice %arg6[%add3A_177, %dma_wait3A_193] : memref<20000x128xf32, #tpu.memory_space<hbm>> -> memref<80x128xf32, #tpu.memory_space<hbm>>
        %dma_wait3A_195 = arith.constant 0 : i32
        %dma_wait3A_196 = arith.constant 0 : i32
        %dma_wait3A_197 = tpu.memref_slice %arg13[%dma_wait3A_195, %dma_wait3A_196] : memref<128x128xf32, #tpu.memory_space<vmem>> -> memref<80x128xf32, #tpu.memory_space<vmem>>
        tpu.wait_dma2 semaphore(%run_scoped3A : memref<!tpu.dma_semaphore, #tpu.memory_space<semaphore_mem>>) src(%dma_wait3A_197 : memref<80x128xf32, #tpu.memory_space<vmem>>) dst(%dma_wait3A_194 : memref<80x128xf32, #tpu.memory_space<hbm>>)
        tpu.yield
      }) : () -> ()
    } else {
    }
    %mul3A_117 = arith.constant 8 : i32
    %mul3A_118 = arith.muli %arg1, %mul3A_117 : i32
    %add3A_119 = arith.constant 2 : i32
    %add3A_120 = arith.addi %mul3A_118, %add3A_119 : i32
    %lt3A_121 = arith.constant 125 : i32
    %lt3A_122 = arith.cmpi slt, %add3A_120, %lt3A_121 : i32
    %convert_element_type3A_123 = arith.extui %lt3A_122 : i1 to i32
    %cond3A_124 = arith.constant 0 : i32
    %cond3A_125 = arith.cmpi ne, %convert_element_type3A_123, %cond3A_124 : i32
    scf.if %cond3A_125 {
      %mul3A_171 = arith.constant 80 : i32
      %mul3A_172 = arith.muli %add3A_120, %mul3A_171 : i32
      "tpu.region"() ({
        %run_scoped3A = tpu.sem_alloc : memref<!tpu.dma_semaphore, #tpu.memory_space<semaphore_mem>>
        %dma_start3A_178 = arith.constant 0 : i32
        %dma_start3A_179 = arith.constant 0 : i32
        %dma_start3A_180 = tpu.memref_slice %arg13[%dma_start3A_178, %dma_start3A_179] : memref<128x128xf32, #tpu.memory_space<vmem>> -> memref<80x128xf32, #tpu.memory_space<vmem>>
        %dma_start3A_181 = arith.constant 0 : i32
        %dma_start3A_182 = tpu.memref_slice %arg16[%mul3A_172, %dma_start3A_181] : memref<10000x128xf32, #tpu.memory_space<vmem_shared>> -> memref<80x128xf32, #tpu.memory_space<vmem_shared>>
        %dma_start3A_183 = arith.constant 0 : i32
        %dma_start3A_184 = arith.constant 0 : i32
        %dma_start3A_185 = tpu.memref_slice %arg13[%dma_start3A_183, %dma_start3A_184] : memref<128x128xf32, #tpu.memory_space<vmem>> -> memref<80x128xf32, #tpu.memory_space<vmem>>
        %dma_start3A_186 = arith.constant 0 : i32
        %dma_start3A_187 = tpu.memref_slice %arg16[%mul3A_172, %dma_start3A_186] : memref<10000x128xf32, #tpu.memory_space<vmem_shared>> -> memref<80x128xf32, #tpu.memory_space<vmem_shared>>
        tpu.enqueue_dma source(%dma_start3A_187 : memref<80x128xf32, #tpu.memory_space<vmem_shared>>) target(%dma_start3A_185 : memref<80x128xf32, #tpu.memory_space<vmem>>) target_semaphore(%run_scoped3A : memref<!tpu.dma_semaphore, #tpu.memory_space<semaphore_mem>>)
        %dma_wait3A_188 = arith.constant 0 : i32
        %dma_wait3A_189 = arith.constant 0 : i32
        %dma_wait3A_190 = tpu.memref_slice %arg13[%dma_wait3A_188, %dma_wait3A_189] : memref<128x128xf32, #tpu.memory_space<vmem>> -> memref<80x128xf32, #tpu.memory_space<vmem>>
        %dma_wait3A_191 = arith.constant 0 : i32
        %dma_wait3A_192 = tpu.memref_slice %arg16[%mul3A_172, %dma_wait3A_191] : memref<10000x128xf32, #tpu.memory_space<vmem_shared>> -> memref<80x128xf32, #tpu.memory_space<vmem_shared>>
        %dma_wait3A_193 = arith.constant 0 : i32
        %dma_wait3A_194 = arith.constant 0 : i32
        %dma_wait3A_195 = tpu.memref_slice %arg13[%dma_wait3A_193, %dma_wait3A_194] : memref<128x128xf32, #tpu.memory_space<vmem>> -> memref<80x128xf32, #tpu.memory_space<vmem>>
        %dma_wait3A_196 = arith.constant 0 : i32
        %dma_wait3A_197 = tpu.memref_slice %arg16[%mul3A_172, %dma_wait3A_196] : memref<10000x128xf32, #tpu.memory_space<vmem_shared>> -> memref<80x128xf32, #tpu.memory_space<vmem_shared>>
        tpu.wait_dma2 semaphore(%run_scoped3A : memref<!tpu.dma_semaphore, #tpu.memory_space<semaphore_mem>>) src(%dma_wait3A_197 : memref<80x128xf32, #tpu.memory_space<vmem_shared>>) dst(%dma_wait3A_195 : memref<80x128xf32, #tpu.memory_space<vmem>>)
        tpu.yield
      }) : () -> ()
      %mul3A_173 = arith.constant 10000 : i32
      %mul3A_174 = arith.muli %arg0, %mul3A_173 : i32
      %mul3A_175 = arith.constant 80 : i32
      %mul3A_176 = arith.muli %add3A_120, %mul3A_175 : i32
      %add3A_177 = arith.addi %mul3A_174, %mul3A_176 : i32
      "tpu.region"() ({
        %run_scoped3A = tpu.sem_alloc : memref<!tpu.dma_semaphore, #tpu.memory_space<semaphore_mem>>
        %dma_start3A_178 = arith.constant 0 : i32
        %dma_start3A_179 = arith.constant 0 : i32
        %dma_start3A_180 = tpu.memref_slice %arg13[%dma_start3A_178, %dma_start3A_179] : memref<128x128xf32, #tpu.memory_space<vmem>> -> memref<80x128xf32, #tpu.memory_space<vmem>>
        %dma_start3A_181 = arith.constant 0 : i32
        %dma_start3A_182 = tpu.memref_slice %arg6[%add3A_177, %dma_start3A_181] : memref<20000x128xf32, #tpu.memory_space<hbm>> -> memref<80x128xf32, #tpu.memory_space<hbm>>
        %dma_start3A_183 = arith.constant 0 : i32
        %dma_start3A_184 = tpu.memref_slice %arg6[%add3A_177, %dma_start3A_183] : memref<20000x128xf32, #tpu.memory_space<hbm>> -> memref<80x128xf32, #tpu.memory_space<hbm>>
        %dma_start3A_185 = arith.constant 0 : i32
        %dma_start3A_186 = arith.constant 0 : i32
        %dma_start3A_187 = tpu.memref_slice %arg13[%dma_start3A_185, %dma_start3A_186] : memref<128x128xf32, #tpu.memory_space<vmem>> -> memref<80x128xf32, #tpu.memory_space<vmem>>
        tpu.enqueue_dma source(%dma_start3A_187 : memref<80x128xf32, #tpu.memory_space<vmem>>) target(%dma_start3A_184 : memref<80x128xf32, #tpu.memory_space<hbm>>) target_semaphore(%run_scoped3A : memref<!tpu.dma_semaphore, #tpu.memory_space<semaphore_mem>>)
        %dma_wait3A_188 = arith.constant 0 : i32
        %dma_wait3A_189 = arith.constant 0 : i32
        %dma_wait3A_190 = tpu.memref_slice %arg13[%dma_wait3A_188, %dma_wait3A_189] : memref<128x128xf32, #tpu.memory_space<vmem>> -> memref<80x128xf32, #tpu.memory_space<vmem>>
        %dma_wait3A_191 = arith.constant 0 : i32
        %dma_wait3A_192 = tpu.memref_slice %arg6[%add3A_177, %dma_wait3A_191] : memref<20000x128xf32, #tpu.memory_space<hbm>> -> memref<80x128xf32, #tpu.memory_space<hbm>>
        %dma_wait3A_193 = arith.constant 0 : i32
        %dma_wait3A_194 = tpu.memref_slice %arg6[%add3A_177, %dma_wait3A_193] : memref<20000x128xf32, #tpu.memory_space<hbm>> -> memref<80x128xf32, #tpu.memory_space<hbm>>
        %dma_wait3A_195 = arith.constant 0 : i32
        %dma_wait3A_196 = arith.constant 0 : i32
        %dma_wait3A_197 = tpu.memref_slice %arg13[%dma_wait3A_195, %dma_wait3A_196] : memref<128x128xf32, #tpu.memory_space<vmem>> -> memref<80x128xf32, #tpu.memory_space<vmem>>
        tpu.wait_dma2 semaphore(%run_scoped3A : memref<!tpu.dma_semaphore, #tpu.memory_space<semaphore_mem>>) src(%dma_wait3A_197 : memref<80x128xf32, #tpu.memory_space<vmem>>) dst(%dma_wait3A_194 : memref<80x128xf32, #tpu.memory_space<hbm>>)
        tpu.yield
      }) : () -> ()
    } else {
    }
    %mul3A_126 = arith.constant 8 : i32
    %mul3A_127 = arith.muli %arg1, %mul3A_126 : i32
    %add3A_128 = arith.constant 3 : i32
    %add3A_129 = arith.addi %mul3A_127, %add3A_128 : i32
    %lt3A_130 = arith.constant 125 : i32
    %lt3A_131 = arith.cmpi slt, %add3A_129, %lt3A_130 : i32
    %convert_element_type3A_132 = arith.extui %lt3A_131 : i1 to i32
    %cond3A_133 = arith.constant 0 : i32
    %cond3A_134 = arith.cmpi ne, %convert_element_type3A_132, %cond3A_133 : i32
    scf.if %cond3A_134 {
      %mul3A_171 = arith.constant 80 : i32
      %mul3A_172 = arith.muli %add3A_129, %mul3A_171 : i32
      "tpu.region"() ({
        %run_scoped3A = tpu.sem_alloc : memref<!tpu.dma_semaphore, #tpu.memory_space<semaphore_mem>>
        %dma_start3A_178 = arith.constant 0 : i32
        %dma_start3A_179 = arith.constant 0 : i32
        %dma_start3A_180 = tpu.memref_slice %arg13[%dma_start3A_178, %dma_start3A_179] : memref<128x128xf32, #tpu.memory_space<vmem>> -> memref<80x128xf32, #tpu.memory_space<vmem>>
        %dma_start3A_181 = arith.constant 0 : i32
        %dma_start3A_182 = tpu.memref_slice %arg16[%mul3A_172, %dma_start3A_181] : memref<10000x128xf32, #tpu.memory_space<vmem_shared>> -> memref<80x128xf32, #tpu.memory_space<vmem_shared>>
        %dma_start3A_183 = arith.constant 0 : i32
        %dma_start3A_184 = arith.constant 0 : i32
        %dma_start3A_185 = tpu.memref_slice %arg13[%dma_start3A_183, %dma_start3A_184] : memref<128x128xf32, #tpu.memory_space<vmem>> -> memref<80x128xf32, #tpu.memory_space<vmem>>
        %dma_start3A_186 = arith.constant 0 : i32
        %dma_start3A_187 = tpu.memref_slice %arg16[%mul3A_172, %dma_start3A_186] : memref<10000x128xf32, #tpu.memory_space<vmem_shared>> -> memref<80x128xf32, #tpu.memory_space<vmem_shared>>
        tpu.enqueue_dma source(%dma_start3A_187 : memref<80x128xf32, #tpu.memory_space<vmem_shared>>) target(%dma_start3A_185 : memref<80x128xf32, #tpu.memory_space<vmem>>) target_semaphore(%run_scoped3A : memref<!tpu.dma_semaphore, #tpu.memory_space<semaphore_mem>>)
        %dma_wait3A_188 = arith.constant 0 : i32
        %dma_wait3A_189 = arith.constant 0 : i32
        %dma_wait3A_190 = tpu.memref_slice %arg13[%dma_wait3A_188, %dma_wait3A_189] : memref<128x128xf32, #tpu.memory_space<vmem>> -> memref<80x128xf32, #tpu.memory_space<vmem>>
        %dma_wait3A_191 = arith.constant 0 : i32
        %dma_wait3A_192 = tpu.memref_slice %arg16[%mul3A_172, %dma_wait3A_191] : memref<10000x128xf32, #tpu.memory_space<vmem_shared>> -> memref<80x128xf32, #tpu.memory_space<vmem_shared>>
        %dma_wait3A_193 = arith.constant 0 : i32
        %dma_wait3A_194 = arith.constant 0 : i32
        %dma_wait3A_195 = tpu.memref_slice %arg13[%dma_wait3A_193, %dma_wait3A_194] : memref<128x128xf32, #tpu.memory_space<vmem>> -> memref<80x128xf32, #tpu.memory_space<vmem>>
        %dma_wait3A_196 = arith.constant 0 : i32
        %dma_wait3A_197 = tpu.memref_slice %arg16[%mul3A_172, %dma_wait3A_196] : memref<10000x128xf32, #tpu.memory_space<vmem_shared>> -> memref<80x128xf32, #tpu.memory_space<vmem_shared>>
        tpu.wait_dma2 semaphore(%run_scoped3A : memref<!tpu.dma_semaphore, #tpu.memory_space<semaphore_mem>>) src(%dma_wait3A_197 : memref<80x128xf32, #tpu.memory_space<vmem_shared>>) dst(%dma_wait3A_195 : memref<80x128xf32, #tpu.memory_space<vmem>>)
        tpu.yield
      }) : () -> ()
      %mul3A_173 = arith.constant 10000 : i32
      %mul3A_174 = arith.muli %arg0, %mul3A_173 : i32
      %mul3A_175 = arith.constant 80 : i32
      %mul3A_176 = arith.muli %add3A_129, %mul3A_175 : i32
      %add3A_177 = arith.addi %mul3A_174, %mul3A_176 : i32
      "tpu.region"() ({
        %run_scoped3A = tpu.sem_alloc : memref<!tpu.dma_semaphore, #tpu.memory_space<semaphore_mem>>
        %dma_start3A_178 = arith.constant 0 : i32
        %dma_start3A_179 = arith.constant 0 : i32
        %dma_start3A_180 = tpu.memref_slice %arg13[%dma_start3A_178, %dma_start3A_179] : memref<128x128xf32, #tpu.memory_space<vmem>> -> memref<80x128xf32, #tpu.memory_space<vmem>>
        %dma_start3A_181 = arith.constant 0 : i32
        %dma_start3A_182 = tpu.memref_slice %arg6[%add3A_177, %dma_start3A_181] : memref<20000x128xf32, #tpu.memory_space<hbm>> -> memref<80x128xf32, #tpu.memory_space<hbm>>
        %dma_start3A_183 = arith.constant 0 : i32
        %dma_start3A_184 = tpu.memref_slice %arg6[%add3A_177, %dma_start3A_183] : memref<20000x128xf32, #tpu.memory_space<hbm>> -> memref<80x128xf32, #tpu.memory_space<hbm>>
        %dma_start3A_185 = arith.constant 0 : i32
        %dma_start3A_186 = arith.constant 0 : i32
        %dma_start3A_187 = tpu.memref_slice %arg13[%dma_start3A_185, %dma_start3A_186] : memref<128x128xf32, #tpu.memory_space<vmem>> -> memref<80x128xf32, #tpu.memory_space<vmem>>
        tpu.enqueue_dma source(%dma_start3A_187 : memref<80x128xf32, #tpu.memory_space<vmem>>) target(%dma_start3A_184 : memref<80x128xf32, #tpu.memory_space<hbm>>) target_semaphore(%run_scoped3A : memref<!tpu.dma_semaphore, #tpu.memory_space<semaphore_mem>>)
        %dma_wait3A_188 = arith.constant 0 : i32
        %dma_wait3A_189 = arith.constant 0 : i32
        %dma_wait3A_190 = tpu.memref_slice %arg13[%dma_wait3A_188, %dma_wait3A_189] : memref<128x128xf32, #tpu.memory_space<vmem>> -> memref<80x128xf32, #tpu.memory_space<vmem>>
        %dma_wait3A_191 = arith.constant 0 : i32
        %dma_wait3A_192 = tpu.memref_slice %arg6[%add3A_177, %dma_wait3A_191] : memref<20000x128xf32, #tpu.memory_space<hbm>> -> memref<80x128xf32, #tpu.memory_space<hbm>>
        %dma_wait3A_193 = arith.constant 0 : i32
        %dma_wait3A_194 = tpu.memref_slice %arg6[%add3A_177, %dma_wait3A_193] : memref<20000x128xf32, #tpu.memory_space<hbm>> -> memref<80x128xf32, #tpu.memory_space<hbm>>
        %dma_wait3A_195 = arith.constant 0 : i32
        %dma_wait3A_196 = arith.constant 0 : i32
        %dma_wait3A_197 = tpu.memref_slice %arg13[%dma_wait3A_195, %dma_wait3A_196] : memref<128x128xf32, #tpu.memory_space<vmem>> -> memref<80x128xf32, #tpu.memory_space<vmem>>
        tpu.wait_dma2 semaphore(%run_scoped3A : memref<!tpu.dma_semaphore, #tpu.memory_space<semaphore_mem>>) src(%dma_wait3A_197 : memref<80x128xf32, #tpu.memory_space<vmem>>) dst(%dma_wait3A_194 : memref<80x128xf32, #tpu.memory_space<hbm>>)
        tpu.yield
      }) : () -> ()
    } else {
    }
    %mul3A_135 = arith.constant 8 : i32
    %mul3A_136 = arith.muli %arg1, %mul3A_135 : i32
    %add3A_137 = arith.constant 4 : i32
    %add3A_138 = arith.addi %mul3A_136, %add3A_137 : i32
    %lt3A_139 = arith.constant 125 : i32
    %lt3A_140 = arith.cmpi slt, %add3A_138, %lt3A_139 : i32
    %convert_element_type3A_141 = arith.extui %lt3A_140 : i1 to i32
    %cond3A_142 = arith.constant 0 : i32
    %cond3A_143 = arith.cmpi ne, %convert_element_type3A_141, %cond3A_142 : i32
    scf.if %cond3A_143 {
      %mul3A_171 = arith.constant 80 : i32
      %mul3A_172 = arith.muli %add3A_138, %mul3A_171 : i32
      "tpu.region"() ({
        %run_scoped3A = tpu.sem_alloc : memref<!tpu.dma_semaphore, #tpu.memory_space<semaphore_mem>>
        %dma_start3A_178 = arith.constant 0 : i32
        %dma_start3A_179 = arith.constant 0 : i32
        %dma_start3A_180 = tpu.memref_slice %arg13[%dma_start3A_178, %dma_start3A_179] : memref<128x128xf32, #tpu.memory_space<vmem>> -> memref<80x128xf32, #tpu.memory_space<vmem>>
        %dma_start3A_181 = arith.constant 0 : i32
        %dma_start3A_182 = tpu.memref_slice %arg16[%mul3A_172, %dma_start3A_181] : memref<10000x128xf32, #tpu.memory_space<vmem_shared>> -> memref<80x128xf32, #tpu.memory_space<vmem_shared>>
        %dma_start3A_183 = arith.constant 0 : i32
        %dma_start3A_184 = arith.constant 0 : i32
        %dma_start3A_185 = tpu.memref_slice %arg13[%dma_start3A_183, %dma_start3A_184] : memref<128x128xf32, #tpu.memory_space<vmem>> -> memref<80x128xf32, #tpu.memory_space<vmem>>
        %dma_start3A_186 = arith.constant 0 : i32
        %dma_start3A_187 = tpu.memref_slice %arg16[%mul3A_172, %dma_start3A_186] : memref<10000x128xf32, #tpu.memory_space<vmem_shared>> -> memref<80x128xf32, #tpu.memory_space<vmem_shared>>
        tpu.enqueue_dma source(%dma_start3A_187 : memref<80x128xf32, #tpu.memory_space<vmem_shared>>) target(%dma_start3A_185 : memref<80x128xf32, #tpu.memory_space<vmem>>) target_semaphore(%run_scoped3A : memref<!tpu.dma_semaphore, #tpu.memory_space<semaphore_mem>>)
        %dma_wait3A_188 = arith.constant 0 : i32
        %dma_wait3A_189 = arith.constant 0 : i32
        %dma_wait3A_190 = tpu.memref_slice %arg13[%dma_wait3A_188, %dma_wait3A_189] : memref<128x128xf32, #tpu.memory_space<vmem>> -> memref<80x128xf32, #tpu.memory_space<vmem>>
        %dma_wait3A_191 = arith.constant 0 : i32
        %dma_wait3A_192 = tpu.memref_slice %arg16[%mul3A_172, %dma_wait3A_191] : memref<10000x128xf32, #tpu.memory_space<vmem_shared>> -> memref<80x128xf32, #tpu.memory_space<vmem_shared>>
        %dma_wait3A_193 = arith.constant 0 : i32
        %dma_wait3A_194 = arith.constant 0 : i32
        %dma_wait3A_195 = tpu.memref_slice %arg13[%dma_wait3A_193, %dma_wait3A_194] : memref<128x128xf32, #tpu.memory_space<vmem>> -> memref<80x128xf32, #tpu.memory_space<vmem>>
        %dma_wait3A_196 = arith.constant 0 : i32
        %dma_wait3A_197 = tpu.memref_slice %arg16[%mul3A_172, %dma_wait3A_196] : memref<10000x128xf32, #tpu.memory_space<vmem_shared>> -> memref<80x128xf32, #tpu.memory_space<vmem_shared>>
        tpu.wait_dma2 semaphore(%run_scoped3A : memref<!tpu.dma_semaphore, #tpu.memory_space<semaphore_mem>>) src(%dma_wait3A_197 : memref<80x128xf32, #tpu.memory_space<vmem_shared>>) dst(%dma_wait3A_195 : memref<80x128xf32, #tpu.memory_space<vmem>>)
        tpu.yield
      }) : () -> ()
      %mul3A_173 = arith.constant 10000 : i32
      %mul3A_174 = arith.muli %arg0, %mul3A_173 : i32
      %mul3A_175 = arith.constant 80 : i32
      %mul3A_176 = arith.muli %add3A_138, %mul3A_175 : i32
      %add3A_177 = arith.addi %mul3A_174, %mul3A_176 : i32
      "tpu.region"() ({
        %run_scoped3A = tpu.sem_alloc : memref<!tpu.dma_semaphore, #tpu.memory_space<semaphore_mem>>
        %dma_start3A_178 = arith.constant 0 : i32
        %dma_start3A_179 = arith.constant 0 : i32
        %dma_start3A_180 = tpu.memref_slice %arg13[%dma_start3A_178, %dma_start3A_179] : memref<128x128xf32, #tpu.memory_space<vmem>> -> memref<80x128xf32, #tpu.memory_space<vmem>>
        %dma_start3A_181 = arith.constant 0 : i32
        %dma_start3A_182 = tpu.memref_slice %arg6[%add3A_177, %dma_start3A_181] : memref<20000x128xf32, #tpu.memory_space<hbm>> -> memref<80x128xf32, #tpu.memory_space<hbm>>
        %dma_start3A_183 = arith.constant 0 : i32
        %dma_start3A_184 = tpu.memref_slice %arg6[%add3A_177, %dma_start3A_183] : memref<20000x128xf32, #tpu.memory_space<hbm>> -> memref<80x128xf32, #tpu.memory_space<hbm>>
        %dma_start3A_185 = arith.constant 0 : i32
        %dma_start3A_186 = arith.constant 0 : i32
        %dma_start3A_187 = tpu.memref_slice %arg13[%dma_start3A_185, %dma_start3A_186] : memref<128x128xf32, #tpu.memory_space<vmem>> -> memref<80x128xf32, #tpu.memory_space<vmem>>
        tpu.enqueue_dma source(%dma_start3A_187 : memref<80x128xf32, #tpu.memory_space<vmem>>) target(%dma_start3A_184 : memref<80x128xf32, #tpu.memory_space<hbm>>) target_semaphore(%run_scoped3A : memref<!tpu.dma_semaphore, #tpu.memory_space<semaphore_mem>>)
        %dma_wait3A_188 = arith.constant 0 : i32
        %dma_wait3A_189 = arith.constant 0 : i32
        %dma_wait3A_190 = tpu.memref_slice %arg13[%dma_wait3A_188, %dma_wait3A_189] : memref<128x128xf32, #tpu.memory_space<vmem>> -> memref<80x128xf32, #tpu.memory_space<vmem>>
        %dma_wait3A_191 = arith.constant 0 : i32
        %dma_wait3A_192 = tpu.memref_slice %arg6[%add3A_177, %dma_wait3A_191] : memref<20000x128xf32, #tpu.memory_space<hbm>> -> memref<80x128xf32, #tpu.memory_space<hbm>>
        %dma_wait3A_193 = arith.constant 0 : i32
        %dma_wait3A_194 = tpu.memref_slice %arg6[%add3A_177, %dma_wait3A_193] : memref<20000x128xf32, #tpu.memory_space<hbm>> -> memref<80x128xf32, #tpu.memory_space<hbm>>
        %dma_wait3A_195 = arith.constant 0 : i32
        %dma_wait3A_196 = arith.constant 0 : i32
        %dma_wait3A_197 = tpu.memref_slice %arg13[%dma_wait3A_195, %dma_wait3A_196] : memref<128x128xf32, #tpu.memory_space<vmem>> -> memref<80x128xf32, #tpu.memory_space<vmem>>
        tpu.wait_dma2 semaphore(%run_scoped3A : memref<!tpu.dma_semaphore, #tpu.memory_space<semaphore_mem>>) src(%dma_wait3A_197 : memref<80x128xf32, #tpu.memory_space<vmem>>) dst(%dma_wait3A_194 : memref<80x128xf32, #tpu.memory_space<hbm>>)
        tpu.yield
      }) : () -> ()
    } else {
    }
    %mul3A_144 = arith.constant 8 : i32
    %mul3A_145 = arith.muli %arg1, %mul3A_144 : i32
    %add3A_146 = arith.constant 5 : i32
    %add3A_147 = arith.addi %mul3A_145, %add3A_146 : i32
    %lt3A_148 = arith.constant 125 : i32
    %lt3A_149 = arith.cmpi slt, %add3A_147, %lt3A_148 : i32
    %convert_element_type3A_150 = arith.extui %lt3A_149 : i1 to i32
    %cond3A_151 = arith.constant 0 : i32
    %cond3A_152 = arith.cmpi ne, %convert_element_type3A_150, %cond3A_151 : i32
    scf.if %cond3A_152 {
      %mul3A_171 = arith.constant 80 : i32
      %mul3A_172 = arith.muli %add3A_147, %mul3A_171 : i32
      "tpu.region"() ({
        %run_scoped3A = tpu.sem_alloc : memref<!tpu.dma_semaphore, #tpu.memory_space<semaphore_mem>>
        %dma_start3A_178 = arith.constant 0 : i32
        %dma_start3A_179 = arith.constant 0 : i32
        %dma_start3A_180 = tpu.memref_slice %arg13[%dma_start3A_178, %dma_start3A_179] : memref<128x128xf32, #tpu.memory_space<vmem>> -> memref<80x128xf32, #tpu.memory_space<vmem>>
        %dma_start3A_181 = arith.constant 0 : i32
        %dma_start3A_182 = tpu.memref_slice %arg16[%mul3A_172, %dma_start3A_181] : memref<10000x128xf32, #tpu.memory_space<vmem_shared>> -> memref<80x128xf32, #tpu.memory_space<vmem_shared>>
        %dma_start3A_183 = arith.constant 0 : i32
        %dma_start3A_184 = arith.constant 0 : i32
        %dma_start3A_185 = tpu.memref_slice %arg13[%dma_start3A_183, %dma_start3A_184] : memref<128x128xf32, #tpu.memory_space<vmem>> -> memref<80x128xf32, #tpu.memory_space<vmem>>
        %dma_start3A_186 = arith.constant 0 : i32
        %dma_start3A_187 = tpu.memref_slice %arg16[%mul3A_172, %dma_start3A_186] : memref<10000x128xf32, #tpu.memory_space<vmem_shared>> -> memref<80x128xf32, #tpu.memory_space<vmem_shared>>
        tpu.enqueue_dma source(%dma_start3A_187 : memref<80x128xf32, #tpu.memory_space<vmem_shared>>) target(%dma_start3A_185 : memref<80x128xf32, #tpu.memory_space<vmem>>) target_semaphore(%run_scoped3A : memref<!tpu.dma_semaphore, #tpu.memory_space<semaphore_mem>>)
        %dma_wait3A_188 = arith.constant 0 : i32
        %dma_wait3A_189 = arith.constant 0 : i32
        %dma_wait3A_190 = tpu.memref_slice %arg13[%dma_wait3A_188, %dma_wait3A_189] : memref<128x128xf32, #tpu.memory_space<vmem>> -> memref<80x128xf32, #tpu.memory_space<vmem>>
        %dma_wait3A_191 = arith.constant 0 : i32
        %dma_wait3A_192 = tpu.memref_slice %arg16[%mul3A_172, %dma_wait3A_191] : memref<10000x128xf32, #tpu.memory_space<vmem_shared>> -> memref<80x128xf32, #tpu.memory_space<vmem_shared>>
        %dma_wait3A_193 = arith.constant 0 : i32
        %dma_wait3A_194 = arith.constant 0 : i32
        %dma_wait3A_195 = tpu.memref_slice %arg13[%dma_wait3A_193, %dma_wait3A_194] : memref<128x128xf32, #tpu.memory_space<vmem>> -> memref<80x128xf32, #tpu.memory_space<vmem>>
        %dma_wait3A_196 = arith.constant 0 : i32
        %dma_wait3A_197 = tpu.memref_slice %arg16[%mul3A_172, %dma_wait3A_196] : memref<10000x128xf32, #tpu.memory_space<vmem_shared>> -> memref<80x128xf32, #tpu.memory_space<vmem_shared>>
        tpu.wait_dma2 semaphore(%run_scoped3A : memref<!tpu.dma_semaphore, #tpu.memory_space<semaphore_mem>>) src(%dma_wait3A_197 : memref<80x128xf32, #tpu.memory_space<vmem_shared>>) dst(%dma_wait3A_195 : memref<80x128xf32, #tpu.memory_space<vmem>>)
        tpu.yield
      }) : () -> ()
      %mul3A_173 = arith.constant 10000 : i32
      %mul3A_174 = arith.muli %arg0, %mul3A_173 : i32
      %mul3A_175 = arith.constant 80 : i32
      %mul3A_176 = arith.muli %add3A_147, %mul3A_175 : i32
      %add3A_177 = arith.addi %mul3A_174, %mul3A_176 : i32
      "tpu.region"() ({
        %run_scoped3A = tpu.sem_alloc : memref<!tpu.dma_semaphore, #tpu.memory_space<semaphore_mem>>
        %dma_start3A_178 = arith.constant 0 : i32
        %dma_start3A_179 = arith.constant 0 : i32
        %dma_start3A_180 = tpu.memref_slice %arg13[%dma_start3A_178, %dma_start3A_179] : memref<128x128xf32, #tpu.memory_space<vmem>> -> memref<80x128xf32, #tpu.memory_space<vmem>>
        %dma_start3A_181 = arith.constant 0 : i32
        %dma_start3A_182 = tpu.memref_slice %arg6[%add3A_177, %dma_start3A_181] : memref<20000x128xf32, #tpu.memory_space<hbm>> -> memref<80x128xf32, #tpu.memory_space<hbm>>
        %dma_start3A_183 = arith.constant 0 : i32
        %dma_start3A_184 = tpu.memref_slice %arg6[%add3A_177, %dma_start3A_183] : memref<20000x128xf32, #tpu.memory_space<hbm>> -> memref<80x128xf32, #tpu.memory_space<hbm>>
        %dma_start3A_185 = arith.constant 0 : i32
        %dma_start3A_186 = arith.constant 0 : i32
        %dma_start3A_187 = tpu.memref_slice %arg13[%dma_start3A_185, %dma_start3A_186] : memref<128x128xf32, #tpu.memory_space<vmem>> -> memref<80x128xf32, #tpu.memory_space<vmem>>
        tpu.enqueue_dma source(%dma_start3A_187 : memref<80x128xf32, #tpu.memory_space<vmem>>) target(%dma_start3A_184 : memref<80x128xf32, #tpu.memory_space<hbm>>) target_semaphore(%run_scoped3A : memref<!tpu.dma_semaphore, #tpu.memory_space<semaphore_mem>>)
        %dma_wait3A_188 = arith.constant 0 : i32
        %dma_wait3A_189 = arith.constant 0 : i32
        %dma_wait3A_190 = tpu.memref_slice %arg13[%dma_wait3A_188, %dma_wait3A_189] : memref<128x128xf32, #tpu.memory_space<vmem>> -> memref<80x128xf32, #tpu.memory_space<vmem>>
        %dma_wait3A_191 = arith.constant 0 : i32
        %dma_wait3A_192 = tpu.memref_slice %arg6[%add3A_177, %dma_wait3A_191] : memref<20000x128xf32, #tpu.memory_space<hbm>> -> memref<80x128xf32, #tpu.memory_space<hbm>>
        %dma_wait3A_193 = arith.constant 0 : i32
        %dma_wait3A_194 = tpu.memref_slice %arg6[%add3A_177, %dma_wait3A_193] : memref<20000x128xf32, #tpu.memory_space<hbm>> -> memref<80x128xf32, #tpu.memory_space<hbm>>
        %dma_wait3A_195 = arith.constant 0 : i32
        %dma_wait3A_196 = arith.constant 0 : i32
        %dma_wait3A_197 = tpu.memref_slice %arg13[%dma_wait3A_195, %dma_wait3A_196] : memref<128x128xf32, #tpu.memory_space<vmem>> -> memref<80x128xf32, #tpu.memory_space<vmem>>
        tpu.wait_dma2 semaphore(%run_scoped3A : memref<!tpu.dma_semaphore, #tpu.memory_space<semaphore_mem>>) src(%dma_wait3A_197 : memref<80x128xf32, #tpu.memory_space<vmem>>) dst(%dma_wait3A_194 : memref<80x128xf32, #tpu.memory_space<hbm>>)
        tpu.yield
      }) : () -> ()
    } else {
    }
    %mul3A_153 = arith.constant 8 : i32
    %mul3A_154 = arith.muli %arg1, %mul3A_153 : i32
    %add3A_155 = arith.constant 6 : i32
    %add3A_156 = arith.addi %mul3A_154, %add3A_155 : i32
    %lt3A_157 = arith.constant 125 : i32
    %lt3A_158 = arith.cmpi slt, %add3A_156, %lt3A_157 : i32
    %convert_element_type3A_159 = arith.extui %lt3A_158 : i1 to i32
    %cond3A_160 = arith.constant 0 : i32
    %cond3A_161 = arith.cmpi ne, %convert_element_type3A_159, %cond3A_160 : i32
    scf.if %cond3A_161 {
      %mul3A_171 = arith.constant 80 : i32
      %mul3A_172 = arith.muli %add3A_156, %mul3A_171 : i32
      "tpu.region"() ({
        %run_scoped3A = tpu.sem_alloc : memref<!tpu.dma_semaphore, #tpu.memory_space<semaphore_mem>>
        %dma_start3A_178 = arith.constant 0 : i32
        %dma_start3A_179 = arith.constant 0 : i32
        %dma_start3A_180 = tpu.memref_slice %arg13[%dma_start3A_178, %dma_start3A_179] : memref<128x128xf32, #tpu.memory_space<vmem>> -> memref<80x128xf32, #tpu.memory_space<vmem>>
        %dma_start3A_181 = arith.constant 0 : i32
        %dma_start3A_182 = tpu.memref_slice %arg16[%mul3A_172, %dma_start3A_181] : memref<10000x128xf32, #tpu.memory_space<vmem_shared>> -> memref<80x128xf32, #tpu.memory_space<vmem_shared>>
        %dma_start3A_183 = arith.constant 0 : i32
        %dma_start3A_184 = arith.constant 0 : i32
        %dma_start3A_185 = tpu.memref_slice %arg13[%dma_start3A_183, %dma_start3A_184] : memref<128x128xf32, #tpu.memory_space<vmem>> -> memref<80x128xf32, #tpu.memory_space<vmem>>
        %dma_start3A_186 = arith.constant 0 : i32
        %dma_start3A_187 = tpu.memref_slice %arg16[%mul3A_172, %dma_start3A_186] : memref<10000x128xf32, #tpu.memory_space<vmem_shared>> -> memref<80x128xf32, #tpu.memory_space<vmem_shared>>
        tpu.enqueue_dma source(%dma_start3A_187 : memref<80x128xf32, #tpu.memory_space<vmem_shared>>) target(%dma_start3A_185 : memref<80x128xf32, #tpu.memory_space<vmem>>) target_semaphore(%run_scoped3A : memref<!tpu.dma_semaphore, #tpu.memory_space<semaphore_mem>>)
        %dma_wait3A_188 = arith.constant 0 : i32
        %dma_wait3A_189 = arith.constant 0 : i32
        %dma_wait3A_190 = tpu.memref_slice %arg13[%dma_wait3A_188, %dma_wait3A_189] : memref<128x128xf32, #tpu.memory_space<vmem>> -> memref<80x128xf32, #tpu.memory_space<vmem>>
        %dma_wait3A_191 = arith.constant 0 : i32
        %dma_wait3A_192 = tpu.memref_slice %arg16[%mul3A_172, %dma_wait3A_191] : memref<10000x128xf32, #tpu.memory_space<vmem_shared>> -> memref<80x128xf32, #tpu.memory_space<vmem_shared>>
        %dma_wait3A_193 = arith.constant 0 : i32
        %dma_wait3A_194 = arith.constant 0 : i32
        %dma_wait3A_195 = tpu.memref_slice %arg13[%dma_wait3A_193, %dma_wait3A_194] : memref<128x128xf32, #tpu.memory_space<vmem>> -> memref<80x128xf32, #tpu.memory_space<vmem>>
        %dma_wait3A_196 = arith.constant 0 : i32
        %dma_wait3A_197 = tpu.memref_slice %arg16[%mul3A_172, %dma_wait3A_196] : memref<10000x128xf32, #tpu.memory_space<vmem_shared>> -> memref<80x128xf32, #tpu.memory_space<vmem_shared>>
        tpu.wait_dma2 semaphore(%run_scoped3A : memref<!tpu.dma_semaphore, #tpu.memory_space<semaphore_mem>>) src(%dma_wait3A_197 : memref<80x128xf32, #tpu.memory_space<vmem_shared>>) dst(%dma_wait3A_195 : memref<80x128xf32, #tpu.memory_space<vmem>>)
        tpu.yield
      }) : () -> ()
      %mul3A_173 = arith.constant 10000 : i32
      %mul3A_174 = arith.muli %arg0, %mul3A_173 : i32
      %mul3A_175 = arith.constant 80 : i32
      %mul3A_176 = arith.muli %add3A_156, %mul3A_175 : i32
      %add3A_177 = arith.addi %mul3A_174, %mul3A_176 : i32
      "tpu.region"() ({
        %run_scoped3A = tpu.sem_alloc : memref<!tpu.dma_semaphore, #tpu.memory_space<semaphore_mem>>
        %dma_start3A_178 = arith.constant 0 : i32
        %dma_start3A_179 = arith.constant 0 : i32
        %dma_start3A_180 = tpu.memref_slice %arg13[%dma_start3A_178, %dma_start3A_179] : memref<128x128xf32, #tpu.memory_space<vmem>> -> memref<80x128xf32, #tpu.memory_space<vmem>>
        %dma_start3A_181 = arith.constant 0 : i32
        %dma_start3A_182 = tpu.memref_slice %arg6[%add3A_177, %dma_start3A_181] : memref<20000x128xf32, #tpu.memory_space<hbm>> -> memref<80x128xf32, #tpu.memory_space<hbm>>
        %dma_start3A_183 = arith.constant 0 : i32
        %dma_start3A_184 = tpu.memref_slice %arg6[%add3A_177, %dma_start3A_183] : memref<20000x128xf32, #tpu.memory_space<hbm>> -> memref<80x128xf32, #tpu.memory_space<hbm>>
        %dma_start3A_185 = arith.constant 0 : i32
        %dma_start3A_186 = arith.constant 0 : i32
        %dma_start3A_187 = tpu.memref_slice %arg13[%dma_start3A_185, %dma_start3A_186] : memref<128x128xf32, #tpu.memory_space<vmem>> -> memref<80x128xf32, #tpu.memory_space<vmem>>
        tpu.enqueue_dma source(%dma_start3A_187 : memref<80x128xf32, #tpu.memory_space<vmem>>) target(%dma_start3A_184 : memref<80x128xf32, #tpu.memory_space<hbm>>) target_semaphore(%run_scoped3A : memref<!tpu.dma_semaphore, #tpu.memory_space<semaphore_mem>>)
        %dma_wait3A_188 = arith.constant 0 : i32
        %dma_wait3A_189 = arith.constant 0 : i32
        %dma_wait3A_190 = tpu.memref_slice %arg13[%dma_wait3A_188, %dma_wait3A_189] : memref<128x128xf32, #tpu.memory_space<vmem>> -> memref<80x128xf32, #tpu.memory_space<vmem>>
        %dma_wait3A_191 = arith.constant 0 : i32
        %dma_wait3A_192 = tpu.memref_slice %arg6[%add3A_177, %dma_wait3A_191] : memref<20000x128xf32, #tpu.memory_space<hbm>> -> memref<80x128xf32, #tpu.memory_space<hbm>>
        %dma_wait3A_193 = arith.constant 0 : i32
        %dma_wait3A_194 = tpu.memref_slice %arg6[%add3A_177, %dma_wait3A_193] : memref<20000x128xf32, #tpu.memory_space<hbm>> -> memref<80x128xf32, #tpu.memory_space<hbm>>
        %dma_wait3A_195 = arith.constant 0 : i32
        %dma_wait3A_196 = arith.constant 0 : i32
        %dma_wait3A_197 = tpu.memref_slice %arg13[%dma_wait3A_195, %dma_wait3A_196] : memref<128x128xf32, #tpu.memory_space<vmem>> -> memref<80x128xf32, #tpu.memory_space<vmem>>
        tpu.wait_dma2 semaphore(%run_scoped3A : memref<!tpu.dma_semaphore, #tpu.memory_space<semaphore_mem>>) src(%dma_wait3A_197 : memref<80x128xf32, #tpu.memory_space<vmem>>) dst(%dma_wait3A_194 : memref<80x128xf32, #tpu.memory_space<hbm>>)
        tpu.yield
      }) : () -> ()
    } else {
    }
    %mul3A_162 = arith.constant 8 : i32
    %mul3A_163 = arith.muli %arg1, %mul3A_162 : i32
    %add3A_164 = arith.constant 7 : i32
    %add3A_165 = arith.addi %mul3A_163, %add3A_164 : i32
    %lt3A_166 = arith.constant 125 : i32
    %lt3A_167 = arith.cmpi slt, %add3A_165, %lt3A_166 : i32
    %convert_element_type3A_168 = arith.extui %lt3A_167 : i1 to i32
    %cond3A_169 = arith.constant 0 : i32
    %cond3A_170 = arith.cmpi ne, %convert_element_type3A_168, %cond3A_169 : i32
    scf.if %cond3A_170 {
      %mul3A_171 = arith.constant 80 : i32
      %mul3A_172 = arith.muli %add3A_165, %mul3A_171 : i32
      "tpu.region"() ({
        %run_scoped3A = tpu.sem_alloc : memref<!tpu.dma_semaphore, #tpu.memory_space<semaphore_mem>>
        %dma_start3A_178 = arith.constant 0 : i32
        %dma_start3A_179 = arith.constant 0 : i32
        %dma_start3A_180 = tpu.memref_slice %arg13[%dma_start3A_178, %dma_start3A_179] : memref<128x128xf32, #tpu.memory_space<vmem>> -> memref<80x128xf32, #tpu.memory_space<vmem>>
        %dma_start3A_181 = arith.constant 0 : i32
        %dma_start3A_182 = tpu.memref_slice %arg16[%mul3A_172, %dma_start3A_181] : memref<10000x128xf32, #tpu.memory_space<vmem_shared>> -> memref<80x128xf32, #tpu.memory_space<vmem_shared>>
        %dma_start3A_183 = arith.constant 0 : i32
        %dma_start3A_184 = arith.constant 0 : i32
        %dma_start3A_185 = tpu.memref_slice %arg13[%dma_start3A_183, %dma_start3A_184] : memref<128x128xf32, #tpu.memory_space<vmem>> -> memref<80x128xf32, #tpu.memory_space<vmem>>
        %dma_start3A_186 = arith.constant 0 : i32
        %dma_start3A_187 = tpu.memref_slice %arg16[%mul3A_172, %dma_start3A_186] : memref<10000x128xf32, #tpu.memory_space<vmem_shared>> -> memref<80x128xf32, #tpu.memory_space<vmem_shared>>
        tpu.enqueue_dma source(%dma_start3A_187 : memref<80x128xf32, #tpu.memory_space<vmem_shared>>) target(%dma_start3A_185 : memref<80x128xf32, #tpu.memory_space<vmem>>) target_semaphore(%run_scoped3A : memref<!tpu.dma_semaphore, #tpu.memory_space<semaphore_mem>>)
        %dma_wait3A_188 = arith.constant 0 : i32
        %dma_wait3A_189 = arith.constant 0 : i32
        %dma_wait3A_190 = tpu.memref_slice %arg13[%dma_wait3A_188, %dma_wait3A_189] : memref<128x128xf32, #tpu.memory_space<vmem>> -> memref<80x128xf32, #tpu.memory_space<vmem>>
        %dma_wait3A_191 = arith.constant 0 : i32
        %dma_wait3A_192 = tpu.memref_slice %arg16[%mul3A_172, %dma_wait3A_191] : memref<10000x128xf32, #tpu.memory_space<vmem_shared>> -> memref<80x128xf32, #tpu.memory_space<vmem_shared>>
        %dma_wait3A_193 = arith.constant 0 : i32
        %dma_wait3A_194 = arith.constant 0 : i32
        %dma_wait3A_195 = tpu.memref_slice %arg13[%dma_wait3A_193, %dma_wait3A_194] : memref<128x128xf32, #tpu.memory_space<vmem>> -> memref<80x128xf32, #tpu.memory_space<vmem>>
        %dma_wait3A_196 = arith.constant 0 : i32
        %dma_wait3A_197 = tpu.memref_slice %arg16[%mul3A_172, %dma_wait3A_196] : memref<10000x128xf32, #tpu.memory_space<vmem_shared>> -> memref<80x128xf32, #tpu.memory_space<vmem_shared>>
        tpu.wait_dma2 semaphore(%run_scoped3A : memref<!tpu.dma_semaphore, #tpu.memory_space<semaphore_mem>>) src(%dma_wait3A_197 : memref<80x128xf32, #tpu.memory_space<vmem_shared>>) dst(%dma_wait3A_195 : memref<80x128xf32, #tpu.memory_space<vmem>>)
        tpu.yield
      }) : () -> ()
      %mul3A_173 = arith.constant 10000 : i32
      %mul3A_174 = arith.muli %arg0, %mul3A_173 : i32
      %mul3A_175 = arith.constant 80 : i32
      %mul3A_176 = arith.muli %add3A_165, %mul3A_175 : i32
      %add3A_177 = arith.addi %mul3A_174, %mul3A_176 : i32
      "tpu.region"() ({
        %run_scoped3A = tpu.sem_alloc : memref<!tpu.dma_semaphore, #tpu.memory_space<semaphore_mem>>
        %dma_start3A_178 = arith.constant 0 : i32
        %dma_start3A_179 = arith.constant 0 : i32
        %dma_start3A_180 = tpu.memref_slice %arg13[%dma_start3A_178, %dma_start3A_179] : memref<128x128xf32, #tpu.memory_space<vmem>> -> memref<80x128xf32, #tpu.memory_space<vmem>>
        %dma_start3A_181 = arith.constant 0 : i32
        %dma_start3A_182 = tpu.memref_slice %arg6[%add3A_177, %dma_start3A_181] : memref<20000x128xf32, #tpu.memory_space<hbm>> -> memref<80x128xf32, #tpu.memory_space<hbm>>
        %dma_start3A_183 = arith.constant 0 : i32
        %dma_start3A_184 = tpu.memref_slice %arg6[%add3A_177, %dma_start3A_183] : memref<20000x128xf32, #tpu.memory_space<hbm>> -> memref<80x128xf32, #tpu.memory_space<hbm>>
        %dma_start3A_185 = arith.constant 0 : i32
        %dma_start3A_186 = arith.constant 0 : i32
        %dma_start3A_187 = tpu.memref_slice %arg13[%dma_start3A_185, %dma_start3A_186] : memref<128x128xf32, #tpu.memory_space<vmem>> -> memref<80x128xf32, #tpu.memory_space<vmem>>
        tpu.enqueue_dma source(%dma_start3A_187 : memref<80x128xf32, #tpu.memory_space<vmem>>) target(%dma_start3A_184 : memref<80x128xf32, #tpu.memory_space<hbm>>) target_semaphore(%run_scoped3A : memref<!tpu.dma_semaphore, #tpu.memory_space<semaphore_mem>>)
        %dma_wait3A_188 = arith.constant 0 : i32
        %dma_wait3A_189 = arith.constant 0 : i32
        %dma_wait3A_190 = tpu.memref_slice %arg13[%dma_wait3A_188, %dma_wait3A_189] : memref<128x128xf32, #tpu.memory_space<vmem>> -> memref<80x128xf32, #tpu.memory_space<vmem>>
        %dma_wait3A_191 = arith.constant 0 : i32
        %dma_wait3A_192 = tpu.memref_slice %arg6[%add3A_177, %dma_wait3A_191] : memref<20000x128xf32, #tpu.memory_space<hbm>> -> memref<80x128xf32, #tpu.memory_space<hbm>>
        %dma_wait3A_193 = arith.constant 0 : i32
        %dma_wait3A_194 = tpu.memref_slice %arg6[%add3A_177, %dma_wait3A_193] : memref<20000x128xf32, #tpu.memory_space<hbm>> -> memref<80x128xf32, #tpu.memory_space<hbm>>
        %dma_wait3A_195 = arith.constant 0 : i32
        %dma_wait3A_196 = arith.constant 0 : i32
        %dma_wait3A_197 = tpu.memref_slice %arg13[%dma_wait3A_195, %dma_wait3A_196] : memref<128x128xf32, #tpu.memory_space<vmem>> -> memref<80x128xf32, #tpu.memory_space<vmem>>
        tpu.wait_dma2 semaphore(%run_scoped3A : memref<!tpu.dma_semaphore, #tpu.memory_space<semaphore_mem>>) src(%dma_wait3A_197 : memref<80x128xf32, #tpu.memory_space<vmem>>) dst(%dma_wait3A_194 : memref<80x128xf32, #tpu.memory_space<hbm>>)
        tpu.yield
      }) : () -> ()
    } else {
    }
    return
  }
}

#map = affine_map<(d0, d1) -> (0)>
#map1 = affine_map<(d0, d1) -> (0, 0)>
module attributes {stable_mosaic.version = 14 : i64} {
  func.func @spmm_kernel(%arg0: i32, %arg1: i32, %arg2: memref<320000xi32, #tpu.memory_space<hbm>>, %arg3: memref<320000xi32, #tpu.memory_space<hbm>>, %arg4: memref<20000x128xf32, #tpu.memory_space<hbm>>, %arg5: memref<80x128xf32, #tpu.memory_space<hbm>>, %arg6: memref<20000x128xf32, #tpu.memory_space<hbm>>, %arg7: memref<128xi32, #tpu.memory_space<vmem>>, %arg8: memref<128xi32, #tpu.memory_space<vmem>>, %arg9: memref<128xi32, #tpu.memory_space<vmem>>, %arg10: memref<128xi32, #tpu.memory_space<vmem>>, %arg11: memref<128xi32, #tpu.memory_space<vmem>>, %arg12: memref<128xi32, #tpu.memory_space<vmem>>, %arg13: memref<128xi32, #tpu.memory_space<vmem>>, %arg14: memref<128x128xf32, #tpu.memory_space<vmem>>, %arg15: memref<128x128xf32, #tpu.memory_space<vmem>>, %arg16: memref<128x128xf32, #tpu.memory_space<vmem>>, %arg17: memref<10000x128xf32, #tpu.memory_space<vmem_shared>>, %arg18: memref<!tpu.dma_semaphore, #tpu.memory_space<semaphore_mem>>, %arg19: memref<!tpu.dma_semaphore, #tpu.memory_space<semaphore_mem>>, %arg20: memref<!tpu.dma_semaphore, #tpu.memory_space<semaphore_mem>>, %arg21: memref<!tpu.dma_semaphore, #tpu.memory_space<semaphore_mem>>, %arg22: memref<!tpu.dma_semaphore, #tpu.memory_space<semaphore_mem>>, %arg23: memref<!tpu.dma_semaphore, #tpu.memory_space<semaphore_mem>>) attributes {dimension_semantics = [#tpu.dimension_semantics<core_parallel>, #tpu.dimension_semantics<subcore_parallel>], iteration_bounds = array<i64: 2, 16>, scalar_prefetch = 0 : i64, scratch_operands = 17 : i64, tpu.core_type = #tpu.core_type<sc_vector_subcore>, window_params = [{transform_indices = #map}, {transform_indices = #map}, {transform_indices = #map1}, {transform_indices = #map1}, {transform_indices = #map1}]} {
    "tpu.region"() ({
      %run_scoped3A = tpu.sem_alloc : memref<!tpu.dma_semaphore, #tpu.memory_space<semaphore_mem>>
      %dma_start3A_258 = arith.constant 0 : i32
      %dma_start3A_259 = arith.constant 0 : i32
      %dma_start3A_260 = tpu.memref_slice %arg14[%dma_start3A_258, %dma_start3A_259] : memref<128x128xf32, #tpu.memory_space<vmem>> -> memref<80x128xf32, #tpu.memory_space<vmem>>
      %dma_start3A_261 = arith.constant 0 : i32
      %dma_start3A_262 = arith.constant 0 : i32
      %dma_start3A_263 = tpu.memref_slice %arg14[%dma_start3A_261, %dma_start3A_262] : memref<128x128xf32, #tpu.memory_space<vmem>> -> memref<80x128xf32, #tpu.memory_space<vmem>>
      tpu.enqueue_dma source(%arg5 : memref<80x128xf32, #tpu.memory_space<hbm>>) target(%dma_start3A_263 : memref<80x128xf32, #tpu.memory_space<vmem>>) target_semaphore(%run_scoped3A : memref<!tpu.dma_semaphore, #tpu.memory_space<semaphore_mem>>)
      %dma_wait3A_264 = arith.constant 0 : i32
      %dma_wait3A_265 = arith.constant 0 : i32
      %dma_wait3A_266 = tpu.memref_slice %arg14[%dma_wait3A_264, %dma_wait3A_265] : memref<128x128xf32, #tpu.memory_space<vmem>> -> memref<80x128xf32, #tpu.memory_space<vmem>>
      %dma_wait3A_267 = arith.constant 0 : i32
      %dma_wait3A_268 = arith.constant 0 : i32
      %dma_wait3A_269 = tpu.memref_slice %arg14[%dma_wait3A_267, %dma_wait3A_268] : memref<128x128xf32, #tpu.memory_space<vmem>> -> memref<80x128xf32, #tpu.memory_space<vmem>>
      tpu.wait_dma2 semaphore(%run_scoped3A : memref<!tpu.dma_semaphore, #tpu.memory_space<semaphore_mem>>) src(%arg5 : memref<80x128xf32, #tpu.memory_space<hbm>>) dst(%dma_wait3A_269 : memref<80x128xf32, #tpu.memory_space<vmem>>)
      tpu.yield
    }) : () -> ()
    %mul3A = arith.constant 8 : i32
    %mul3A_0 = arith.muli %arg1, %mul3A : i32
    %add3A = arith.constant 0 : i32
    %add3A_1 = arith.addi %mul3A_0, %add3A : i32
    %lt3A = arith.constant 125 : i32
    %lt3A_2 = arith.cmpi slt, %add3A_1, %lt3A : i32
    %convert_element_type3A = arith.extui %lt3A_2 : i1 to i32
    %cond3A = arith.constant 0 : i32
    %cond3A_3 = arith.cmpi ne, %convert_element_type3A, %cond3A : i32
    scf.if %cond3A_3 {
      %mul3A_258 = arith.constant 80 : i32
      %mul3A_259 = arith.muli %add3A_1, %mul3A_258 : i32
      "tpu.region"() ({
        %run_scoped3A = tpu.sem_alloc : memref<!tpu.dma_semaphore, #tpu.memory_space<semaphore_mem>>
        %dma_start3A_260 = arith.constant 0 : i32
        %dma_start3A_261 = arith.constant 0 : i32
        %dma_start3A_262 = tpu.memref_slice %arg14[%dma_start3A_260, %dma_start3A_261] : memref<128x128xf32, #tpu.memory_space<vmem>> -> memref<80x128xf32, #tpu.memory_space<vmem>>
        %dma_start3A_263 = arith.constant 0 : i32
        %dma_start3A_264 = tpu.memref_slice %arg17[%mul3A_259, %dma_start3A_263] : memref<10000x128xf32, #tpu.memory_space<vmem_shared>> -> memref<80x128xf32, #tpu.memory_space<vmem_shared>>
        %dma_start3A_265 = arith.constant 0 : i32
        %dma_start3A_266 = tpu.memref_slice %arg17[%mul3A_259, %dma_start3A_265] : memref<10000x128xf32, #tpu.memory_space<vmem_shared>> -> memref<80x128xf32, #tpu.memory_space<vmem_shared>>
        %dma_start3A_267 = arith.constant 0 : i32
        %dma_start3A_268 = arith.constant 0 : i32
        %dma_start3A_269 = tpu.memref_slice %arg14[%dma_start3A_267, %dma_start3A_268] : memref<128x128xf32, #tpu.memory_space<vmem>> -> memref<80x128xf32, #tpu.memory_space<vmem>>
        tpu.enqueue_dma source(%dma_start3A_269 : memref<80x128xf32, #tpu.memory_space<vmem>>) target(%dma_start3A_266 : memref<80x128xf32, #tpu.memory_space<vmem_shared>>) target_semaphore(%run_scoped3A : memref<!tpu.dma_semaphore, #tpu.memory_space<semaphore_mem>>)
        %dma_wait3A_270 = arith.constant 0 : i32
        %dma_wait3A_271 = arith.constant 0 : i32
        %dma_wait3A_272 = tpu.memref_slice %arg14[%dma_wait3A_270, %dma_wait3A_271] : memref<128x128xf32, #tpu.memory_space<vmem>> -> memref<80x128xf32, #tpu.memory_space<vmem>>
        %dma_wait3A_273 = arith.constant 0 : i32
        %dma_wait3A_274 = tpu.memref_slice %arg17[%mul3A_259, %dma_wait3A_273] : memref<10000x128xf32, #tpu.memory_space<vmem_shared>> -> memref<80x128xf32, #tpu.memory_space<vmem_shared>>
        %dma_wait3A_275 = arith.constant 0 : i32
        %dma_wait3A_276 = tpu.memref_slice %arg17[%mul3A_259, %dma_wait3A_275] : memref<10000x128xf32, #tpu.memory_space<vmem_shared>> -> memref<80x128xf32, #tpu.memory_space<vmem_shared>>
        %dma_wait3A_277 = arith.constant 0 : i32
        %dma_wait3A_278 = arith.constant 0 : i32
        %dma_wait3A_279 = tpu.memref_slice %arg14[%dma_wait3A_277, %dma_wait3A_278] : memref<128x128xf32, #tpu.memory_space<vmem>> -> memref<80x128xf32, #tpu.memory_space<vmem>>
        tpu.wait_dma2 semaphore(%run_scoped3A : memref<!tpu.dma_semaphore, #tpu.memory_space<semaphore_mem>>) src(%dma_wait3A_279 : memref<80x128xf32, #tpu.memory_space<vmem>>) dst(%dma_wait3A_276 : memref<80x128xf32, #tpu.memory_space<vmem_shared>>)
        tpu.yield
      }) : () -> ()
    } else {
    }
    %mul3A_4 = arith.constant 8 : i32
    %mul3A_5 = arith.muli %arg1, %mul3A_4 : i32
    %add3A_6 = arith.constant 1 : i32
    %add3A_7 = arith.addi %mul3A_5, %add3A_6 : i32
    %lt3A_8 = arith.constant 125 : i32
    %lt3A_9 = arith.cmpi slt, %add3A_7, %lt3A_8 : i32
    %convert_element_type3A_10 = arith.extui %lt3A_9 : i1 to i32
    %cond3A_11 = arith.constant 0 : i32
    %cond3A_12 = arith.cmpi ne, %convert_element_type3A_10, %cond3A_11 : i32
    scf.if %cond3A_12 {
      %mul3A_258 = arith.constant 80 : i32
      %mul3A_259 = arith.muli %add3A_7, %mul3A_258 : i32
      "tpu.region"() ({
        %run_scoped3A = tpu.sem_alloc : memref<!tpu.dma_semaphore, #tpu.memory_space<semaphore_mem>>
        %dma_start3A_260 = arith.constant 0 : i32
        %dma_start3A_261 = arith.constant 0 : i32
        %dma_start3A_262 = tpu.memref_slice %arg14[%dma_start3A_260, %dma_start3A_261] : memref<128x128xf32, #tpu.memory_space<vmem>> -> memref<80x128xf32, #tpu.memory_space<vmem>>
        %dma_start3A_263 = arith.constant 0 : i32
        %dma_start3A_264 = tpu.memref_slice %arg17[%mul3A_259, %dma_start3A_263] : memref<10000x128xf32, #tpu.memory_space<vmem_shared>> -> memref<80x128xf32, #tpu.memory_space<vmem_shared>>
        %dma_start3A_265 = arith.constant 0 : i32
        %dma_start3A_266 = tpu.memref_slice %arg17[%mul3A_259, %dma_start3A_265] : memref<10000x128xf32, #tpu.memory_space<vmem_shared>> -> memref<80x128xf32, #tpu.memory_space<vmem_shared>>
        %dma_start3A_267 = arith.constant 0 : i32
        %dma_start3A_268 = arith.constant 0 : i32
        %dma_start3A_269 = tpu.memref_slice %arg14[%dma_start3A_267, %dma_start3A_268] : memref<128x128xf32, #tpu.memory_space<vmem>> -> memref<80x128xf32, #tpu.memory_space<vmem>>
        tpu.enqueue_dma source(%dma_start3A_269 : memref<80x128xf32, #tpu.memory_space<vmem>>) target(%dma_start3A_266 : memref<80x128xf32, #tpu.memory_space<vmem_shared>>) target_semaphore(%run_scoped3A : memref<!tpu.dma_semaphore, #tpu.memory_space<semaphore_mem>>)
        %dma_wait3A_270 = arith.constant 0 : i32
        %dma_wait3A_271 = arith.constant 0 : i32
        %dma_wait3A_272 = tpu.memref_slice %arg14[%dma_wait3A_270, %dma_wait3A_271] : memref<128x128xf32, #tpu.memory_space<vmem>> -> memref<80x128xf32, #tpu.memory_space<vmem>>
        %dma_wait3A_273 = arith.constant 0 : i32
        %dma_wait3A_274 = tpu.memref_slice %arg17[%mul3A_259, %dma_wait3A_273] : memref<10000x128xf32, #tpu.memory_space<vmem_shared>> -> memref<80x128xf32, #tpu.memory_space<vmem_shared>>
        %dma_wait3A_275 = arith.constant 0 : i32
        %dma_wait3A_276 = tpu.memref_slice %arg17[%mul3A_259, %dma_wait3A_275] : memref<10000x128xf32, #tpu.memory_space<vmem_shared>> -> memref<80x128xf32, #tpu.memory_space<vmem_shared>>
        %dma_wait3A_277 = arith.constant 0 : i32
        %dma_wait3A_278 = arith.constant 0 : i32
        %dma_wait3A_279 = tpu.memref_slice %arg14[%dma_wait3A_277, %dma_wait3A_278] : memref<128x128xf32, #tpu.memory_space<vmem>> -> memref<80x128xf32, #tpu.memory_space<vmem>>
        tpu.wait_dma2 semaphore(%run_scoped3A : memref<!tpu.dma_semaphore, #tpu.memory_space<semaphore_mem>>) src(%dma_wait3A_279 : memref<80x128xf32, #tpu.memory_space<vmem>>) dst(%dma_wait3A_276 : memref<80x128xf32, #tpu.memory_space<vmem_shared>>)
        tpu.yield
      }) : () -> ()
    } else {
    }
    %mul3A_13 = arith.constant 8 : i32
    %mul3A_14 = arith.muli %arg1, %mul3A_13 : i32
    %add3A_15 = arith.constant 2 : i32
    %add3A_16 = arith.addi %mul3A_14, %add3A_15 : i32
    %lt3A_17 = arith.constant 125 : i32
    %lt3A_18 = arith.cmpi slt, %add3A_16, %lt3A_17 : i32
    %convert_element_type3A_19 = arith.extui %lt3A_18 : i1 to i32
    %cond3A_20 = arith.constant 0 : i32
    %cond3A_21 = arith.cmpi ne, %convert_element_type3A_19, %cond3A_20 : i32
    scf.if %cond3A_21 {
      %mul3A_258 = arith.constant 80 : i32
      %mul3A_259 = arith.muli %add3A_16, %mul3A_258 : i32
      "tpu.region"() ({
        %run_scoped3A = tpu.sem_alloc : memref<!tpu.dma_semaphore, #tpu.memory_space<semaphore_mem>>
        %dma_start3A_260 = arith.constant 0 : i32
        %dma_start3A_261 = arith.constant 0 : i32
        %dma_start3A_262 = tpu.memref_slice %arg14[%dma_start3A_260, %dma_start3A_261] : memref<128x128xf32, #tpu.memory_space<vmem>> -> memref<80x128xf32, #tpu.memory_space<vmem>>
        %dma_start3A_263 = arith.constant 0 : i32
        %dma_start3A_264 = tpu.memref_slice %arg17[%mul3A_259, %dma_start3A_263] : memref<10000x128xf32, #tpu.memory_space<vmem_shared>> -> memref<80x128xf32, #tpu.memory_space<vmem_shared>>
        %dma_start3A_265 = arith.constant 0 : i32
        %dma_start3A_266 = tpu.memref_slice %arg17[%mul3A_259, %dma_start3A_265] : memref<10000x128xf32, #tpu.memory_space<vmem_shared>> -> memref<80x128xf32, #tpu.memory_space<vmem_shared>>
        %dma_start3A_267 = arith.constant 0 : i32
        %dma_start3A_268 = arith.constant 0 : i32
        %dma_start3A_269 = tpu.memref_slice %arg14[%dma_start3A_267, %dma_start3A_268] : memref<128x128xf32, #tpu.memory_space<vmem>> -> memref<80x128xf32, #tpu.memory_space<vmem>>
        tpu.enqueue_dma source(%dma_start3A_269 : memref<80x128xf32, #tpu.memory_space<vmem>>) target(%dma_start3A_266 : memref<80x128xf32, #tpu.memory_space<vmem_shared>>) target_semaphore(%run_scoped3A : memref<!tpu.dma_semaphore, #tpu.memory_space<semaphore_mem>>)
        %dma_wait3A_270 = arith.constant 0 : i32
        %dma_wait3A_271 = arith.constant 0 : i32
        %dma_wait3A_272 = tpu.memref_slice %arg14[%dma_wait3A_270, %dma_wait3A_271] : memref<128x128xf32, #tpu.memory_space<vmem>> -> memref<80x128xf32, #tpu.memory_space<vmem>>
        %dma_wait3A_273 = arith.constant 0 : i32
        %dma_wait3A_274 = tpu.memref_slice %arg17[%mul3A_259, %dma_wait3A_273] : memref<10000x128xf32, #tpu.memory_space<vmem_shared>> -> memref<80x128xf32, #tpu.memory_space<vmem_shared>>
        %dma_wait3A_275 = arith.constant 0 : i32
        %dma_wait3A_276 = tpu.memref_slice %arg17[%mul3A_259, %dma_wait3A_275] : memref<10000x128xf32, #tpu.memory_space<vmem_shared>> -> memref<80x128xf32, #tpu.memory_space<vmem_shared>>
        %dma_wait3A_277 = arith.constant 0 : i32
        %dma_wait3A_278 = arith.constant 0 : i32
        %dma_wait3A_279 = tpu.memref_slice %arg14[%dma_wait3A_277, %dma_wait3A_278] : memref<128x128xf32, #tpu.memory_space<vmem>> -> memref<80x128xf32, #tpu.memory_space<vmem>>
        tpu.wait_dma2 semaphore(%run_scoped3A : memref<!tpu.dma_semaphore, #tpu.memory_space<semaphore_mem>>) src(%dma_wait3A_279 : memref<80x128xf32, #tpu.memory_space<vmem>>) dst(%dma_wait3A_276 : memref<80x128xf32, #tpu.memory_space<vmem_shared>>)
        tpu.yield
      }) : () -> ()
    } else {
    }
    %mul3A_22 = arith.constant 8 : i32
    %mul3A_23 = arith.muli %arg1, %mul3A_22 : i32
    %add3A_24 = arith.constant 3 : i32
    %add3A_25 = arith.addi %mul3A_23, %add3A_24 : i32
    %lt3A_26 = arith.constant 125 : i32
    %lt3A_27 = arith.cmpi slt, %add3A_25, %lt3A_26 : i32
    %convert_element_type3A_28 = arith.extui %lt3A_27 : i1 to i32
    %cond3A_29 = arith.constant 0 : i32
    %cond3A_30 = arith.cmpi ne, %convert_element_type3A_28, %cond3A_29 : i32
    scf.if %cond3A_30 {
      %mul3A_258 = arith.constant 80 : i32
      %mul3A_259 = arith.muli %add3A_25, %mul3A_258 : i32
      "tpu.region"() ({
        %run_scoped3A = tpu.sem_alloc : memref<!tpu.dma_semaphore, #tpu.memory_space<semaphore_mem>>
        %dma_start3A_260 = arith.constant 0 : i32
        %dma_start3A_261 = arith.constant 0 : i32
        %dma_start3A_262 = tpu.memref_slice %arg14[%dma_start3A_260, %dma_start3A_261] : memref<128x128xf32, #tpu.memory_space<vmem>> -> memref<80x128xf32, #tpu.memory_space<vmem>>
        %dma_start3A_263 = arith.constant 0 : i32
        %dma_start3A_264 = tpu.memref_slice %arg17[%mul3A_259, %dma_start3A_263] : memref<10000x128xf32, #tpu.memory_space<vmem_shared>> -> memref<80x128xf32, #tpu.memory_space<vmem_shared>>
        %dma_start3A_265 = arith.constant 0 : i32
        %dma_start3A_266 = tpu.memref_slice %arg17[%mul3A_259, %dma_start3A_265] : memref<10000x128xf32, #tpu.memory_space<vmem_shared>> -> memref<80x128xf32, #tpu.memory_space<vmem_shared>>
        %dma_start3A_267 = arith.constant 0 : i32
        %dma_start3A_268 = arith.constant 0 : i32
        %dma_start3A_269 = tpu.memref_slice %arg14[%dma_start3A_267, %dma_start3A_268] : memref<128x128xf32, #tpu.memory_space<vmem>> -> memref<80x128xf32, #tpu.memory_space<vmem>>
        tpu.enqueue_dma source(%dma_start3A_269 : memref<80x128xf32, #tpu.memory_space<vmem>>) target(%dma_start3A_266 : memref<80x128xf32, #tpu.memory_space<vmem_shared>>) target_semaphore(%run_scoped3A : memref<!tpu.dma_semaphore, #tpu.memory_space<semaphore_mem>>)
        %dma_wait3A_270 = arith.constant 0 : i32
        %dma_wait3A_271 = arith.constant 0 : i32
        %dma_wait3A_272 = tpu.memref_slice %arg14[%dma_wait3A_270, %dma_wait3A_271] : memref<128x128xf32, #tpu.memory_space<vmem>> -> memref<80x128xf32, #tpu.memory_space<vmem>>
        %dma_wait3A_273 = arith.constant 0 : i32
        %dma_wait3A_274 = tpu.memref_slice %arg17[%mul3A_259, %dma_wait3A_273] : memref<10000x128xf32, #tpu.memory_space<vmem_shared>> -> memref<80x128xf32, #tpu.memory_space<vmem_shared>>
        %dma_wait3A_275 = arith.constant 0 : i32
        %dma_wait3A_276 = tpu.memref_slice %arg17[%mul3A_259, %dma_wait3A_275] : memref<10000x128xf32, #tpu.memory_space<vmem_shared>> -> memref<80x128xf32, #tpu.memory_space<vmem_shared>>
        %dma_wait3A_277 = arith.constant 0 : i32
        %dma_wait3A_278 = arith.constant 0 : i32
        %dma_wait3A_279 = tpu.memref_slice %arg14[%dma_wait3A_277, %dma_wait3A_278] : memref<128x128xf32, #tpu.memory_space<vmem>> -> memref<80x128xf32, #tpu.memory_space<vmem>>
        tpu.wait_dma2 semaphore(%run_scoped3A : memref<!tpu.dma_semaphore, #tpu.memory_space<semaphore_mem>>) src(%dma_wait3A_279 : memref<80x128xf32, #tpu.memory_space<vmem>>) dst(%dma_wait3A_276 : memref<80x128xf32, #tpu.memory_space<vmem_shared>>)
        tpu.yield
      }) : () -> ()
    } else {
    }
    %mul3A_31 = arith.constant 8 : i32
    %mul3A_32 = arith.muli %arg1, %mul3A_31 : i32
    %add3A_33 = arith.constant 4 : i32
    %add3A_34 = arith.addi %mul3A_32, %add3A_33 : i32
    %lt3A_35 = arith.constant 125 : i32
    %lt3A_36 = arith.cmpi slt, %add3A_34, %lt3A_35 : i32
    %convert_element_type3A_37 = arith.extui %lt3A_36 : i1 to i32
    %cond3A_38 = arith.constant 0 : i32
    %cond3A_39 = arith.cmpi ne, %convert_element_type3A_37, %cond3A_38 : i32
    scf.if %cond3A_39 {
      %mul3A_258 = arith.constant 80 : i32
      %mul3A_259 = arith.muli %add3A_34, %mul3A_258 : i32
      "tpu.region"() ({
        %run_scoped3A = tpu.sem_alloc : memref<!tpu.dma_semaphore, #tpu.memory_space<semaphore_mem>>
        %dma_start3A_260 = arith.constant 0 : i32
        %dma_start3A_261 = arith.constant 0 : i32
        %dma_start3A_262 = tpu.memref_slice %arg14[%dma_start3A_260, %dma_start3A_261] : memref<128x128xf32, #tpu.memory_space<vmem>> -> memref<80x128xf32, #tpu.memory_space<vmem>>
        %dma_start3A_263 = arith.constant 0 : i32
        %dma_start3A_264 = tpu.memref_slice %arg17[%mul3A_259, %dma_start3A_263] : memref<10000x128xf32, #tpu.memory_space<vmem_shared>> -> memref<80x128xf32, #tpu.memory_space<vmem_shared>>
        %dma_start3A_265 = arith.constant 0 : i32
        %dma_start3A_266 = tpu.memref_slice %arg17[%mul3A_259, %dma_start3A_265] : memref<10000x128xf32, #tpu.memory_space<vmem_shared>> -> memref<80x128xf32, #tpu.memory_space<vmem_shared>>
        %dma_start3A_267 = arith.constant 0 : i32
        %dma_start3A_268 = arith.constant 0 : i32
        %dma_start3A_269 = tpu.memref_slice %arg14[%dma_start3A_267, %dma_start3A_268] : memref<128x128xf32, #tpu.memory_space<vmem>> -> memref<80x128xf32, #tpu.memory_space<vmem>>
        tpu.enqueue_dma source(%dma_start3A_269 : memref<80x128xf32, #tpu.memory_space<vmem>>) target(%dma_start3A_266 : memref<80x128xf32, #tpu.memory_space<vmem_shared>>) target_semaphore(%run_scoped3A : memref<!tpu.dma_semaphore, #tpu.memory_space<semaphore_mem>>)
        %dma_wait3A_270 = arith.constant 0 : i32
        %dma_wait3A_271 = arith.constant 0 : i32
        %dma_wait3A_272 = tpu.memref_slice %arg14[%dma_wait3A_270, %dma_wait3A_271] : memref<128x128xf32, #tpu.memory_space<vmem>> -> memref<80x128xf32, #tpu.memory_space<vmem>>
        %dma_wait3A_273 = arith.constant 0 : i32
        %dma_wait3A_274 = tpu.memref_slice %arg17[%mul3A_259, %dma_wait3A_273] : memref<10000x128xf32, #tpu.memory_space<vmem_shared>> -> memref<80x128xf32, #tpu.memory_space<vmem_shared>>
        %dma_wait3A_275 = arith.constant 0 : i32
        %dma_wait3A_276 = tpu.memref_slice %arg17[%mul3A_259, %dma_wait3A_275] : memref<10000x128xf32, #tpu.memory_space<vmem_shared>> -> memref<80x128xf32, #tpu.memory_space<vmem_shared>>
        %dma_wait3A_277 = arith.constant 0 : i32
        %dma_wait3A_278 = arith.constant 0 : i32
        %dma_wait3A_279 = tpu.memref_slice %arg14[%dma_wait3A_277, %dma_wait3A_278] : memref<128x128xf32, #tpu.memory_space<vmem>> -> memref<80x128xf32, #tpu.memory_space<vmem>>
        tpu.wait_dma2 semaphore(%run_scoped3A : memref<!tpu.dma_semaphore, #tpu.memory_space<semaphore_mem>>) src(%dma_wait3A_279 : memref<80x128xf32, #tpu.memory_space<vmem>>) dst(%dma_wait3A_276 : memref<80x128xf32, #tpu.memory_space<vmem_shared>>)
        tpu.yield
      }) : () -> ()
    } else {
    }
    %mul3A_40 = arith.constant 8 : i32
    %mul3A_41 = arith.muli %arg1, %mul3A_40 : i32
    %add3A_42 = arith.constant 5 : i32
    %add3A_43 = arith.addi %mul3A_41, %add3A_42 : i32
    %lt3A_44 = arith.constant 125 : i32
    %lt3A_45 = arith.cmpi slt, %add3A_43, %lt3A_44 : i32
    %convert_element_type3A_46 = arith.extui %lt3A_45 : i1 to i32
    %cond3A_47 = arith.constant 0 : i32
    %cond3A_48 = arith.cmpi ne, %convert_element_type3A_46, %cond3A_47 : i32
    scf.if %cond3A_48 {
      %mul3A_258 = arith.constant 80 : i32
      %mul3A_259 = arith.muli %add3A_43, %mul3A_258 : i32
      "tpu.region"() ({
        %run_scoped3A = tpu.sem_alloc : memref<!tpu.dma_semaphore, #tpu.memory_space<semaphore_mem>>
        %dma_start3A_260 = arith.constant 0 : i32
        %dma_start3A_261 = arith.constant 0 : i32
        %dma_start3A_262 = tpu.memref_slice %arg14[%dma_start3A_260, %dma_start3A_261] : memref<128x128xf32, #tpu.memory_space<vmem>> -> memref<80x128xf32, #tpu.memory_space<vmem>>
        %dma_start3A_263 = arith.constant 0 : i32
        %dma_start3A_264 = tpu.memref_slice %arg17[%mul3A_259, %dma_start3A_263] : memref<10000x128xf32, #tpu.memory_space<vmem_shared>> -> memref<80x128xf32, #tpu.memory_space<vmem_shared>>
        %dma_start3A_265 = arith.constant 0 : i32
        %dma_start3A_266 = tpu.memref_slice %arg17[%mul3A_259, %dma_start3A_265] : memref<10000x128xf32, #tpu.memory_space<vmem_shared>> -> memref<80x128xf32, #tpu.memory_space<vmem_shared>>
        %dma_start3A_267 = arith.constant 0 : i32
        %dma_start3A_268 = arith.constant 0 : i32
        %dma_start3A_269 = tpu.memref_slice %arg14[%dma_start3A_267, %dma_start3A_268] : memref<128x128xf32, #tpu.memory_space<vmem>> -> memref<80x128xf32, #tpu.memory_space<vmem>>
        tpu.enqueue_dma source(%dma_start3A_269 : memref<80x128xf32, #tpu.memory_space<vmem>>) target(%dma_start3A_266 : memref<80x128xf32, #tpu.memory_space<vmem_shared>>) target_semaphore(%run_scoped3A : memref<!tpu.dma_semaphore, #tpu.memory_space<semaphore_mem>>)
        %dma_wait3A_270 = arith.constant 0 : i32
        %dma_wait3A_271 = arith.constant 0 : i32
        %dma_wait3A_272 = tpu.memref_slice %arg14[%dma_wait3A_270, %dma_wait3A_271] : memref<128x128xf32, #tpu.memory_space<vmem>> -> memref<80x128xf32, #tpu.memory_space<vmem>>
        %dma_wait3A_273 = arith.constant 0 : i32
        %dma_wait3A_274 = tpu.memref_slice %arg17[%mul3A_259, %dma_wait3A_273] : memref<10000x128xf32, #tpu.memory_space<vmem_shared>> -> memref<80x128xf32, #tpu.memory_space<vmem_shared>>
        %dma_wait3A_275 = arith.constant 0 : i32
        %dma_wait3A_276 = tpu.memref_slice %arg17[%mul3A_259, %dma_wait3A_275] : memref<10000x128xf32, #tpu.memory_space<vmem_shared>> -> memref<80x128xf32, #tpu.memory_space<vmem_shared>>
        %dma_wait3A_277 = arith.constant 0 : i32
        %dma_wait3A_278 = arith.constant 0 : i32
        %dma_wait3A_279 = tpu.memref_slice %arg14[%dma_wait3A_277, %dma_wait3A_278] : memref<128x128xf32, #tpu.memory_space<vmem>> -> memref<80x128xf32, #tpu.memory_space<vmem>>
        tpu.wait_dma2 semaphore(%run_scoped3A : memref<!tpu.dma_semaphore, #tpu.memory_space<semaphore_mem>>) src(%dma_wait3A_279 : memref<80x128xf32, #tpu.memory_space<vmem>>) dst(%dma_wait3A_276 : memref<80x128xf32, #tpu.memory_space<vmem_shared>>)
        tpu.yield
      }) : () -> ()
    } else {
    }
    %mul3A_49 = arith.constant 8 : i32
    %mul3A_50 = arith.muli %arg1, %mul3A_49 : i32
    %add3A_51 = arith.constant 6 : i32
    %add3A_52 = arith.addi %mul3A_50, %add3A_51 : i32
    %lt3A_53 = arith.constant 125 : i32
    %lt3A_54 = arith.cmpi slt, %add3A_52, %lt3A_53 : i32
    %convert_element_type3A_55 = arith.extui %lt3A_54 : i1 to i32
    %cond3A_56 = arith.constant 0 : i32
    %cond3A_57 = arith.cmpi ne, %convert_element_type3A_55, %cond3A_56 : i32
    scf.if %cond3A_57 {
      %mul3A_258 = arith.constant 80 : i32
      %mul3A_259 = arith.muli %add3A_52, %mul3A_258 : i32
      "tpu.region"() ({
        %run_scoped3A = tpu.sem_alloc : memref<!tpu.dma_semaphore, #tpu.memory_space<semaphore_mem>>
        %dma_start3A_260 = arith.constant 0 : i32
        %dma_start3A_261 = arith.constant 0 : i32
        %dma_start3A_262 = tpu.memref_slice %arg14[%dma_start3A_260, %dma_start3A_261] : memref<128x128xf32, #tpu.memory_space<vmem>> -> memref<80x128xf32, #tpu.memory_space<vmem>>
        %dma_start3A_263 = arith.constant 0 : i32
        %dma_start3A_264 = tpu.memref_slice %arg17[%mul3A_259, %dma_start3A_263] : memref<10000x128xf32, #tpu.memory_space<vmem_shared>> -> memref<80x128xf32, #tpu.memory_space<vmem_shared>>
        %dma_start3A_265 = arith.constant 0 : i32
        %dma_start3A_266 = tpu.memref_slice %arg17[%mul3A_259, %dma_start3A_265] : memref<10000x128xf32, #tpu.memory_space<vmem_shared>> -> memref<80x128xf32, #tpu.memory_space<vmem_shared>>
        %dma_start3A_267 = arith.constant 0 : i32
        %dma_start3A_268 = arith.constant 0 : i32
        %dma_start3A_269 = tpu.memref_slice %arg14[%dma_start3A_267, %dma_start3A_268] : memref<128x128xf32, #tpu.memory_space<vmem>> -> memref<80x128xf32, #tpu.memory_space<vmem>>
        tpu.enqueue_dma source(%dma_start3A_269 : memref<80x128xf32, #tpu.memory_space<vmem>>) target(%dma_start3A_266 : memref<80x128xf32, #tpu.memory_space<vmem_shared>>) target_semaphore(%run_scoped3A : memref<!tpu.dma_semaphore, #tpu.memory_space<semaphore_mem>>)
        %dma_wait3A_270 = arith.constant 0 : i32
        %dma_wait3A_271 = arith.constant 0 : i32
        %dma_wait3A_272 = tpu.memref_slice %arg14[%dma_wait3A_270, %dma_wait3A_271] : memref<128x128xf32, #tpu.memory_space<vmem>> -> memref<80x128xf32, #tpu.memory_space<vmem>>
        %dma_wait3A_273 = arith.constant 0 : i32
        %dma_wait3A_274 = tpu.memref_slice %arg17[%mul3A_259, %dma_wait3A_273] : memref<10000x128xf32, #tpu.memory_space<vmem_shared>> -> memref<80x128xf32, #tpu.memory_space<vmem_shared>>
        %dma_wait3A_275 = arith.constant 0 : i32
        %dma_wait3A_276 = tpu.memref_slice %arg17[%mul3A_259, %dma_wait3A_275] : memref<10000x128xf32, #tpu.memory_space<vmem_shared>> -> memref<80x128xf32, #tpu.memory_space<vmem_shared>>
        %dma_wait3A_277 = arith.constant 0 : i32
        %dma_wait3A_278 = arith.constant 0 : i32
        %dma_wait3A_279 = tpu.memref_slice %arg14[%dma_wait3A_277, %dma_wait3A_278] : memref<128x128xf32, #tpu.memory_space<vmem>> -> memref<80x128xf32, #tpu.memory_space<vmem>>
        tpu.wait_dma2 semaphore(%run_scoped3A : memref<!tpu.dma_semaphore, #tpu.memory_space<semaphore_mem>>) src(%dma_wait3A_279 : memref<80x128xf32, #tpu.memory_space<vmem>>) dst(%dma_wait3A_276 : memref<80x128xf32, #tpu.memory_space<vmem_shared>>)
        tpu.yield
      }) : () -> ()
    } else {
    }
    %mul3A_58 = arith.constant 8 : i32
    %mul3A_59 = arith.muli %arg1, %mul3A_58 : i32
    %add3A_60 = arith.constant 7 : i32
    %add3A_61 = arith.addi %mul3A_59, %add3A_60 : i32
    %lt3A_62 = arith.constant 125 : i32
    %lt3A_63 = arith.cmpi slt, %add3A_61, %lt3A_62 : i32
    %convert_element_type3A_64 = arith.extui %lt3A_63 : i1 to i32
    %cond3A_65 = arith.constant 0 : i32
    %cond3A_66 = arith.cmpi ne, %convert_element_type3A_64, %cond3A_65 : i32
    scf.if %cond3A_66 {
      %mul3A_258 = arith.constant 80 : i32
      %mul3A_259 = arith.muli %add3A_61, %mul3A_258 : i32
      "tpu.region"() ({
        %run_scoped3A = tpu.sem_alloc : memref<!tpu.dma_semaphore, #tpu.memory_space<semaphore_mem>>
        %dma_start3A_260 = arith.constant 0 : i32
        %dma_start3A_261 = arith.constant 0 : i32
        %dma_start3A_262 = tpu.memref_slice %arg14[%dma_start3A_260, %dma_start3A_261] : memref<128x128xf32, #tpu.memory_space<vmem>> -> memref<80x128xf32, #tpu.memory_space<vmem>>
        %dma_start3A_263 = arith.constant 0 : i32
        %dma_start3A_264 = tpu.memref_slice %arg17[%mul3A_259, %dma_start3A_263] : memref<10000x128xf32, #tpu.memory_space<vmem_shared>> -> memref<80x128xf32, #tpu.memory_space<vmem_shared>>
        %dma_start3A_265 = arith.constant 0 : i32
        %dma_start3A_266 = tpu.memref_slice %arg17[%mul3A_259, %dma_start3A_265] : memref<10000x128xf32, #tpu.memory_space<vmem_shared>> -> memref<80x128xf32, #tpu.memory_space<vmem_shared>>
        %dma_start3A_267 = arith.constant 0 : i32
        %dma_start3A_268 = arith.constant 0 : i32
        %dma_start3A_269 = tpu.memref_slice %arg14[%dma_start3A_267, %dma_start3A_268] : memref<128x128xf32, #tpu.memory_space<vmem>> -> memref<80x128xf32, #tpu.memory_space<vmem>>
        tpu.enqueue_dma source(%dma_start3A_269 : memref<80x128xf32, #tpu.memory_space<vmem>>) target(%dma_start3A_266 : memref<80x128xf32, #tpu.memory_space<vmem_shared>>) target_semaphore(%run_scoped3A : memref<!tpu.dma_semaphore, #tpu.memory_space<semaphore_mem>>)
        %dma_wait3A_270 = arith.constant 0 : i32
        %dma_wait3A_271 = arith.constant 0 : i32
        %dma_wait3A_272 = tpu.memref_slice %arg14[%dma_wait3A_270, %dma_wait3A_271] : memref<128x128xf32, #tpu.memory_space<vmem>> -> memref<80x128xf32, #tpu.memory_space<vmem>>
        %dma_wait3A_273 = arith.constant 0 : i32
        %dma_wait3A_274 = tpu.memref_slice %arg17[%mul3A_259, %dma_wait3A_273] : memref<10000x128xf32, #tpu.memory_space<vmem_shared>> -> memref<80x128xf32, #tpu.memory_space<vmem_shared>>
        %dma_wait3A_275 = arith.constant 0 : i32
        %dma_wait3A_276 = tpu.memref_slice %arg17[%mul3A_259, %dma_wait3A_275] : memref<10000x128xf32, #tpu.memory_space<vmem_shared>> -> memref<80x128xf32, #tpu.memory_space<vmem_shared>>
        %dma_wait3A_277 = arith.constant 0 : i32
        %dma_wait3A_278 = arith.constant 0 : i32
        %dma_wait3A_279 = tpu.memref_slice %arg14[%dma_wait3A_277, %dma_wait3A_278] : memref<128x128xf32, #tpu.memory_space<vmem>> -> memref<80x128xf32, #tpu.memory_space<vmem>>
        tpu.wait_dma2 semaphore(%run_scoped3A : memref<!tpu.dma_semaphore, #tpu.memory_space<semaphore_mem>>) src(%dma_wait3A_279 : memref<80x128xf32, #tpu.memory_space<vmem>>) dst(%dma_wait3A_276 : memref<80x128xf32, #tpu.memory_space<vmem_shared>>)
        tpu.yield
      }) : () -> ()
    } else {
    }
    %barrier3A = arith.constant 0 : index
    tpu.barrier barrier_id(%barrier3A)
    %mul3A_67 = arith.constant 156 : i32
    %mul3A_68 = arith.muli %arg1, %mul3A_67 : i32
    %mul3A_69 = arith.constant 128 : i32
    %mul3A_70 = arith.muli %mul3A_68, %mul3A_69 : i32
    "tpu.region"() ({
      %run_scoped3A = tpu.sem_alloc : memref<!tpu.dma_semaphore, #tpu.memory_space<semaphore_mem>>
      %dma_start3A_258 = tpu.memref_slice %arg2[%mul3A_70] : memref<320000xi32, #tpu.memory_space<hbm>> -> memref<128xi32, #tpu.memory_space<hbm>>
      %dma_start3A_259 = tpu.memref_slice %arg2[%mul3A_70] : memref<320000xi32, #tpu.memory_space<hbm>> -> memref<128xi32, #tpu.memory_space<hbm>>
      tpu.enqueue_dma source(%dma_start3A_259 : memref<128xi32, #tpu.memory_space<hbm>>) target(%arg7 : memref<128xi32, #tpu.memory_space<vmem>>) target_semaphore(%run_scoped3A : memref<!tpu.dma_semaphore, #tpu.memory_space<semaphore_mem>>)
      %dma_wait3A_260 = tpu.memref_slice %arg2[%mul3A_70] : memref<320000xi32, #tpu.memory_space<hbm>> -> memref<128xi32, #tpu.memory_space<hbm>>
      %dma_wait3A_261 = tpu.memref_slice %arg2[%mul3A_70] : memref<320000xi32, #tpu.memory_space<hbm>> -> memref<128xi32, #tpu.memory_space<hbm>>
      tpu.wait_dma2 semaphore(%run_scoped3A : memref<!tpu.dma_semaphore, #tpu.memory_space<semaphore_mem>>) src(%dma_wait3A_261 : memref<128xi32, #tpu.memory_space<hbm>>) dst(%arg7 : memref<128xi32, #tpu.memory_space<vmem>>)
      tpu.yield
    }) : () -> ()
    %get3A = arith.constant 0 : index
    %get3A_71 = tpu.vector_load %arg7[%get3A] {strides = array<i32>} : memref<128xi32, #tpu.memory_space<vmem>>, vector<16xi32>,
    %get3A_72 = vector.shape_cast %get3A_71 : vector<16xi32> to vector<16xi32>
    %mul3A_73 = arith.constant 2 : i32
    %mul3A_74 = vector.broadcast %mul3A_73 : i32 to vector<16xi32>
    %mul3A_75 = arith.muli %get3A_72, %mul3A_74 : vector<16xi32>
    %add3A_76 = vector.broadcast %arg0 : i32 to vector<16xi32>
    %add3A_77 = arith.addi %mul3A_75, %add3A_76 : vector<16xi32>
    %swap3A = arith.constant 0 : index
    %swap3A_78 = tpu.vector_load %arg8[%swap3A] {strides = array<i32>} : memref<128xi32, #tpu.memory_space<vmem>>, vector<16xi32>,
    %swap3A_79 = vector.shape_cast %swap3A_78 : vector<16xi32> to vector<16xi32>
    %swap3A_80 = vector.shape_cast %add3A_77 : vector<16xi32> to vector<16xi32>
    tpu.vector_store %arg8[%swap3A], %swap3A_80 {strides = array<i32>} : memref<128xi32, #tpu.memory_space<vmem>>, vector<16xi32>,
    %get3A_81 = arith.constant 16 : index
    %get3A_82 = tpu.vector_load %arg7[%get3A_81] {strides = array<i32>} : memref<128xi32, #tpu.memory_space<vmem>>, vector<16xi32>,
    %get3A_83 = vector.shape_cast %get3A_82 : vector<16xi32> to vector<16xi32>
    %mul3A_84 = arith.constant 2 : i32
    %mul3A_85 = vector.broadcast %mul3A_84 : i32 to vector<16xi32>
    %mul3A_86 = arith.muli %get3A_83, %mul3A_85 : vector<16xi32>
    %add3A_87 = vector.broadcast %arg0 : i32 to vector<16xi32>
    %add3A_88 = arith.addi %mul3A_86, %add3A_87 : vector<16xi32>
    %swap3A_89 = arith.constant 16 : index
    %swap3A_90 = tpu.vector_load %arg8[%swap3A_89] {strides = array<i32>} : memref<128xi32, #tpu.memory_space<vmem>>, vector<16xi32>,
    %swap3A_91 = vector.shape_cast %swap3A_90 : vector<16xi32> to vector<16xi32>
    %swap3A_92 = vector.shape_cast %add3A_88 : vector<16xi32> to vector<16xi32>
    tpu.vector_store %arg8[%swap3A_89], %swap3A_92 {strides = array<i32>} : memref<128xi32, #tpu.memory_space<vmem>>, vector<16xi32>,
    %get3A_93 = arith.constant 32 : index
    %get3A_94 = tpu.vector_load %arg7[%get3A_93] {strides = array<i32>} : memref<128xi32, #tpu.memory_space<vmem>>, vector<16xi32>,
    %get3A_95 = vector.shape_cast %get3A_94 : vector<16xi32> to vector<16xi32>
    %mul3A_96 = arith.constant 2 : i32
    %mul3A_97 = vector.broadcast %mul3A_96 : i32 to vector<16xi32>
    %mul3A_98 = arith.muli %get3A_95, %mul3A_97 : vector<16xi32>
    %add3A_99 = vector.broadcast %arg0 : i32 to vector<16xi32>
    %add3A_100 = arith.addi %mul3A_98, %add3A_99 : vector<16xi32>
    %swap3A_101 = arith.constant 32 : index
    %swap3A_102 = tpu.vector_load %arg8[%swap3A_101] {strides = array<i32>} : memref<128xi32, #tpu.memory_space<vmem>>, vector<16xi32>,
    %swap3A_103 = vector.shape_cast %swap3A_102 : vector<16xi32> to vector<16xi32>
    %swap3A_104 = vector.shape_cast %add3A_100 : vector<16xi32> to vector<16xi32>
    tpu.vector_store %arg8[%swap3A_101], %swap3A_104 {strides = array<i32>} : memref<128xi32, #tpu.memory_space<vmem>>, vector<16xi32>,
    %get3A_105 = arith.constant 48 : index
    %get3A_106 = tpu.vector_load %arg7[%get3A_105] {strides = array<i32>} : memref<128xi32, #tpu.memory_space<vmem>>, vector<16xi32>,
    %get3A_107 = vector.shape_cast %get3A_106 : vector<16xi32> to vector<16xi32>
    %mul3A_108 = arith.constant 2 : i32
    %mul3A_109 = vector.broadcast %mul3A_108 : i32 to vector<16xi32>
    %mul3A_110 = arith.muli %get3A_107, %mul3A_109 : vector<16xi32>
    %add3A_111 = vector.broadcast %arg0 : i32 to vector<16xi32>
    %add3A_112 = arith.addi %mul3A_110, %add3A_111 : vector<16xi32>
    %swap3A_113 = arith.constant 48 : index
    %swap3A_114 = tpu.vector_load %arg8[%swap3A_113] {strides = array<i32>} : memref<128xi32, #tpu.memory_space<vmem>>, vector<16xi32>,
    %swap3A_115 = vector.shape_cast %swap3A_114 : vector<16xi32> to vector<16xi32>
    %swap3A_116 = vector.shape_cast %add3A_112 : vector<16xi32> to vector<16xi32>
    tpu.vector_store %arg8[%swap3A_113], %swap3A_116 {strides = array<i32>} : memref<128xi32, #tpu.memory_space<vmem>>, vector<16xi32>,
    %get3A_117 = arith.constant 64 : index
    %get3A_118 = tpu.vector_load %arg7[%get3A_117] {strides = array<i32>} : memref<128xi32, #tpu.memory_space<vmem>>, vector<16xi32>,
    %get3A_119 = vector.shape_cast %get3A_118 : vector<16xi32> to vector<16xi32>
    %mul3A_120 = arith.constant 2 : i32
    %mul3A_121 = vector.broadcast %mul3A_120 : i32 to vector<16xi32>
    %mul3A_122 = arith.muli %get3A_119, %mul3A_121 : vector<16xi32>
    %add3A_123 = vector.broadcast %arg0 : i32 to vector<16xi32>
    %add3A_124 = arith.addi %mul3A_122, %add3A_123 : vector<16xi32>
    %swap3A_125 = arith.constant 64 : index
    %swap3A_126 = tpu.vector_load %arg8[%swap3A_125] {strides = array<i32>} : memref<128xi32, #tpu.memory_space<vmem>>, vector<16xi32>,
    %swap3A_127 = vector.shape_cast %swap3A_126 : vector<16xi32> to vector<16xi32>
    %swap3A_128 = vector.shape_cast %add3A_124 : vector<16xi32> to vector<16xi32>
    tpu.vector_store %arg8[%swap3A_125], %swap3A_128 {strides = array<i32>} : memref<128xi32, #tpu.memory_space<vmem>>, vector<16xi32>,
    %get3A_129 = arith.constant 80 : index
    %get3A_130 = tpu.vector_load %arg7[%get3A_129] {strides = array<i32>} : memref<128xi32, #tpu.memory_space<vmem>>, vector<16xi32>,
    %get3A_131 = vector.shape_cast %get3A_130 : vector<16xi32> to vector<16xi32>
    %mul3A_132 = arith.constant 2 : i32
    %mul3A_133 = vector.broadcast %mul3A_132 : i32 to vector<16xi32>
    %mul3A_134 = arith.muli %get3A_131, %mul3A_133 : vector<16xi32>
    %add3A_135 = vector.broadcast %arg0 : i32 to vector<16xi32>
    %add3A_136 = arith.addi %mul3A_134, %add3A_135 : vector<16xi32>
    %swap3A_137 = arith.constant 80 : index
    %swap3A_138 = tpu.vector_load %arg8[%swap3A_137] {strides = array<i32>} : memref<128xi32, #tpu.memory_space<vmem>>, vector<16xi32>,
    %swap3A_139 = vector.shape_cast %swap3A_138 : vector<16xi32> to vector<16xi32>
    %swap3A_140 = vector.shape_cast %add3A_136 : vector<16xi32> to vector<16xi32>
    tpu.vector_store %arg8[%swap3A_137], %swap3A_140 {strides = array<i32>} : memref<128xi32, #tpu.memory_space<vmem>>, vector<16xi32>,
    %get3A_141 = arith.constant 96 : index
    %get3A_142 = tpu.vector_load %arg7[%get3A_141] {strides = array<i32>} : memref<128xi32, #tpu.memory_space<vmem>>, vector<16xi32>,
    %get3A_143 = vector.shape_cast %get3A_142 : vector<16xi32> to vector<16xi32>
    %mul3A_144 = arith.constant 2 : i32
    %mul3A_145 = vector.broadcast %mul3A_144 : i32 to vector<16xi32>
    %mul3A_146 = arith.muli %get3A_143, %mul3A_145 : vector<16xi32>
    %add3A_147 = vector.broadcast %arg0 : i32 to vector<16xi32>
    %add3A_148 = arith.addi %mul3A_146, %add3A_147 : vector<16xi32>
    %swap3A_149 = arith.constant 96 : index
    %swap3A_150 = tpu.vector_load %arg8[%swap3A_149] {strides = array<i32>} : memref<128xi32, #tpu.memory_space<vmem>>, vector<16xi32>,
    %swap3A_151 = vector.shape_cast %swap3A_150 : vector<16xi32> to vector<16xi32>
    %swap3A_152 = vector.shape_cast %add3A_148 : vector<16xi32> to vector<16xi32>
    tpu.vector_store %arg8[%swap3A_149], %swap3A_152 {strides = array<i32>} : memref<128xi32, #tpu.memory_space<vmem>>, vector<16xi32>,
    %get3A_153 = arith.constant 112 : index
    %get3A_154 = tpu.vector_load %arg7[%get3A_153] {strides = array<i32>} : memref<128xi32, #tpu.memory_space<vmem>>, vector<16xi32>,
    %get3A_155 = vector.shape_cast %get3A_154 : vector<16xi32> to vector<16xi32>
    %mul3A_156 = arith.constant 2 : i32
    %mul3A_157 = vector.broadcast %mul3A_156 : i32 to vector<16xi32>
    %mul3A_158 = arith.muli %get3A_155, %mul3A_157 : vector<16xi32>
    %add3A_159 = vector.broadcast %arg0 : i32 to vector<16xi32>
    %add3A_160 = arith.addi %mul3A_158, %add3A_159 : vector<16xi32>
    %swap3A_161 = arith.constant 112 : index
    %swap3A_162 = tpu.vector_load %arg8[%swap3A_161] {strides = array<i32>} : memref<128xi32, #tpu.memory_space<vmem>>, vector<16xi32>,
    %swap3A_163 = vector.shape_cast %swap3A_162 : vector<16xi32> to vector<16xi32>
    %swap3A_164 = vector.shape_cast %add3A_160 : vector<16xi32> to vector<16xi32>
    tpu.vector_store %arg8[%swap3A_161], %swap3A_164 {strides = array<i32>} : memref<128xi32, #tpu.memory_space<vmem>>, vector<16xi32>,
    %dma_start3A = arith.constant 0 : i32
    %dma_start3A_165 = arith.constant 0 : i32
    %dma_start3A_166 = tpu.memref_slice %arg4[%dma_start3A, %dma_start3A_165] : memref<20000x128xf32, #tpu.memory_space<hbm>> -> memref<20000x128xf32, #tpu.memory_space<hbm>>
    tpu.enqueue_indirect_dma source(%dma_start3A_166 : memref<20000x128xf32, #tpu.memory_space<hbm>>) target(%arg14 : memref<128x128xf32, #tpu.memory_space<vmem>>) offsets(%arg8 : memref<128xi32, #tpu.memory_space<vmem>>) semaphore(%arg18 : memref<!tpu.dma_semaphore, #tpu.memory_space<semaphore_mem>>)
    %scan3A = arith.constant 0 : i32
    %scan3A_167 = arith.constant 0 : i32
    %scan3A_168 = arith.constant 52 : i32
    %scan3A_169 = arith.addi %scan3A_167, %scan3A_168 : i32
    %scan3A_170 = arith.constant 1 : i32
    scf.for %scan3A_258 = %scan3A_167 to %scan3A_169 step %scan3A_170  : i32 {
      %mul3A_259 = arith.constant 3 : i32
      %mul3A_260 = arith.muli %mul3A_259, %scan3A_258 : i32
      %add3A_261 = arith.constant 0 : i32
      %add3A_262 = arith.addi %mul3A_260, %add3A_261 : i32
      %mul3A_263 = arith.constant 128 : i32
      %mul3A_264 = arith.muli %add3A_262, %mul3A_263 : i32
      %add3A_265 = arith.addi %mul3A_70, %mul3A_264 : i32
      %add3A_266 = arith.constant 128 : i32
      %add3A_267 = arith.addi %add3A_265, %add3A_266 : i32
      "tpu.region"() ({
        %run_scoped3A = tpu.sem_alloc : memref<!tpu.dma_semaphore, #tpu.memory_space<semaphore_mem>>
        %dma_start3A_613 = tpu.memref_slice %arg2[%add3A_267] : memref<320000xi32, #tpu.memory_space<hbm>> -> memref<128xi32, #tpu.memory_space<hbm>>
        %dma_start3A_614 = tpu.memref_slice %arg2[%add3A_267] : memref<320000xi32, #tpu.memory_space<hbm>> -> memref<128xi32, #tpu.memory_space<hbm>>
        tpu.enqueue_dma source(%dma_start3A_614 : memref<128xi32, #tpu.memory_space<hbm>>) target(%arg7 : memref<128xi32, #tpu.memory_space<vmem>>) target_semaphore(%run_scoped3A : memref<!tpu.dma_semaphore, #tpu.memory_space<semaphore_mem>>)
        %dma_wait3A_615 = tpu.memref_slice %arg2[%add3A_267] : memref<320000xi32, #tpu.memory_space<hbm>> -> memref<128xi32, #tpu.memory_space<hbm>>
        %dma_wait3A_616 = tpu.memref_slice %arg2[%add3A_267] : memref<320000xi32, #tpu.memory_space<hbm>> -> memref<128xi32, #tpu.memory_space<hbm>>
        tpu.wait_dma2 semaphore(%run_scoped3A : memref<!tpu.dma_semaphore, #tpu.memory_space<semaphore_mem>>) src(%dma_wait3A_616 : memref<128xi32, #tpu.memory_space<hbm>>) dst(%arg7 : memref<128xi32, #tpu.memory_space<vmem>>)
        tpu.yield
      }) : () -> ()
      %get3A_268 = arith.constant 0 : index
      %get3A_269 = tpu.vector_load %arg7[%get3A_268] {strides = array<i32>} : memref<128xi32, #tpu.memory_space<vmem>>, vector<16xi32>,
      %get3A_270 = vector.shape_cast %get3A_269 : vector<16xi32> to vector<16xi32>
      %mul3A_271 = arith.constant 2 : i32
      %mul3A_272 = vector.broadcast %mul3A_271 : i32 to vector<16xi32>
      %mul3A_273 = arith.muli %get3A_270, %mul3A_272 : vector<16xi32>
      %add3A_274 = vector.broadcast %arg0 : i32 to vector<16xi32>
      %add3A_275 = arith.addi %mul3A_273, %add3A_274 : vector<16xi32>
      %swap3A_276 = arith.constant 0 : index
      %swap3A_277 = tpu.vector_load %arg9[%swap3A_276] {strides = array<i32>} : memref<128xi32, #tpu.memory_space<vmem>>, vector<16xi32>,
      %swap3A_278 = vector.shape_cast %swap3A_277 : vector<16xi32> to vector<16xi32>
      %swap3A_279 = vector.shape_cast %add3A_275 : vector<16xi32> to vector<16xi32>
      tpu.vector_store %arg9[%swap3A_276], %swap3A_279 {strides = array<i32>} : memref<128xi32, #tpu.memory_space<vmem>>, vector<16xi32>,
      %get3A_280 = arith.constant 16 : index
      %get3A_281 = tpu.vector_load %arg7[%get3A_280] {strides = array<i32>} : memref<128xi32, #tpu.memory_space<vmem>>, vector<16xi32>,
      %get3A_282 = vector.shape_cast %get3A_281 : vector<16xi32> to vector<16xi32>
      %mul3A_283 = arith.constant 2 : i32
      %mul3A_284 = vector.broadcast %mul3A_283 : i32 to vector<16xi32>
      %mul3A_285 = arith.muli %get3A_282, %mul3A_284 : vector<16xi32>
      %add3A_286 = vector.broadcast %arg0 : i32 to vector<16xi32>
      %add3A_287 = arith.addi %mul3A_285, %add3A_286 : vector<16xi32>
      %swap3A_288 = arith.constant 16 : index
      %swap3A_289 = tpu.vector_load %arg9[%swap3A_288] {strides = array<i32>} : memref<128xi32, #tpu.memory_space<vmem>>, vector<16xi32>,
      %swap3A_290 = vector.shape_cast %swap3A_289 : vector<16xi32> to vector<16xi32>
      %swap3A_291 = vector.shape_cast %add3A_287 : vector<16xi32> to vector<16xi32>
      tpu.vector_store %arg9[%swap3A_288], %swap3A_291 {strides = array<i32>} : memref<128xi32, #tpu.memory_space<vmem>>, vector<16xi32>,
      %get3A_292 = arith.constant 32 : index
      %get3A_293 = tpu.vector_load %arg7[%get3A_292] {strides = array<i32>} : memref<128xi32, #tpu.memory_space<vmem>>, vector<16xi32>,
      %get3A_294 = vector.shape_cast %get3A_293 : vector<16xi32> to vector<16xi32>
      %mul3A_295 = arith.constant 2 : i32
      %mul3A_296 = vector.broadcast %mul3A_295 : i32 to vector<16xi32>
      %mul3A_297 = arith.muli %get3A_294, %mul3A_296 : vector<16xi32>
      %add3A_298 = vector.broadcast %arg0 : i32 to vector<16xi32>
      %add3A_299 = arith.addi %mul3A_297, %add3A_298 : vector<16xi32>
      %swap3A_300 = arith.constant 32 : index
      %swap3A_301 = tpu.vector_load %arg9[%swap3A_300] {strides = array<i32>} : memref<128xi32, #tpu.memory_space<vmem>>, vector<16xi32>,
      %swap3A_302 = vector.shape_cast %swap3A_301 : vector<16xi32> to vector<16xi32>
      %swap3A_303 = vector.shape_cast %add3A_299 : vector<16xi32> to vector<16xi32>
      tpu.vector_store %arg9[%swap3A_300], %swap3A_303 {strides = array<i32>} : memref<128xi32, #tpu.memory_space<vmem>>, vector<16xi32>,
      %get3A_304 = arith.constant 48 : index
      %get3A_305 = tpu.vector_load %arg7[%get3A_304] {strides = array<i32>} : memref<128xi32, #tpu.memory_space<vmem>>, vector<16xi32>,
      %get3A_306 = vector.shape_cast %get3A_305 : vector<16xi32> to vector<16xi32>
      %mul3A_307 = arith.constant 2 : i32
      %mul3A_308 = vector.broadcast %mul3A_307 : i32 to vector<16xi32>
      %mul3A_309 = arith.muli %get3A_306, %mul3A_308 : vector<16xi32>
      %add3A_310 = vector.broadcast %arg0 : i32 to vector<16xi32>
      %add3A_311 = arith.addi %mul3A_309, %add3A_310 : vector<16xi32>
      %swap3A_312 = arith.constant 48 : index
      %swap3A_313 = tpu.vector_load %arg9[%swap3A_312] {strides = array<i32>} : memref<128xi32, #tpu.memory_space<vmem>>, vector<16xi32>,
      %swap3A_314 = vector.shape_cast %swap3A_313 : vector<16xi32> to vector<16xi32>
      %swap3A_315 = vector.shape_cast %add3A_311 : vector<16xi32> to vector<16xi32>
      tpu.vector_store %arg9[%swap3A_312], %swap3A_315 {strides = array<i32>} : memref<128xi32, #tpu.memory_space<vmem>>, vector<16xi32>,
      %get3A_316 = arith.constant 64 : index
      %get3A_317 = tpu.vector_load %arg7[%get3A_316] {strides = array<i32>} : memref<128xi32, #tpu.memory_space<vmem>>, vector<16xi32>,
      %get3A_318 = vector.shape_cast %get3A_317 : vector<16xi32> to vector<16xi32>
      %mul3A_319 = arith.constant 2 : i32
      %mul3A_320 = vector.broadcast %mul3A_319 : i32 to vector<16xi32>
      %mul3A_321 = arith.muli %get3A_318, %mul3A_320 : vector<16xi32>
      %add3A_322 = vector.broadcast %arg0 : i32 to vector<16xi32>
      %add3A_323 = arith.addi %mul3A_321, %add3A_322 : vector<16xi32>
      %swap3A_324 = arith.constant 64 : index
      %swap3A_325 = tpu.vector_load %arg9[%swap3A_324] {strides = array<i32>} : memref<128xi32, #tpu.memory_space<vmem>>, vector<16xi32>,
      %swap3A_326 = vector.shape_cast %swap3A_325 : vector<16xi32> to vector<16xi32>
      %swap3A_327 = vector.shape_cast %add3A_323 : vector<16xi32> to vector<16xi32>
      tpu.vector_store %arg9[%swap3A_324], %swap3A_327 {strides = array<i32>} : memref<128xi32, #tpu.memory_space<vmem>>, vector<16xi32>,
      %get3A_328 = arith.constant 80 : index
      %get3A_329 = tpu.vector_load %arg7[%get3A_328] {strides = array<i32>} : memref<128xi32, #tpu.memory_space<vmem>>, vector<16xi32>,
      %get3A_330 = vector.shape_cast %get3A_329 : vector<16xi32> to vector<16xi32>
      %mul3A_331 = arith.constant 2 : i32
      %mul3A_332 = vector.broadcast %mul3A_331 : i32 to vector<16xi32>
      %mul3A_333 = arith.muli %get3A_330, %mul3A_332 : vector<16xi32>
      %add3A_334 = vector.broadcast %arg0 : i32 to vector<16xi32>
      %add3A_335 = arith.addi %mul3A_333, %add3A_334 : vector<16xi32>
      %swap3A_336 = arith.constant 80 : index
      %swap3A_337 = tpu.vector_load %arg9[%swap3A_336] {strides = array<i32>} : memref<128xi32, #tpu.memory_space<vmem>>, vector<16xi32>,
      %swap3A_338 = vector.shape_cast %swap3A_337 : vector<16xi32> to vector<16xi32>
      %swap3A_339 = vector.shape_cast %add3A_335 : vector<16xi32> to vector<16xi32>
      tpu.vector_store %arg9[%swap3A_336], %swap3A_339 {strides = array<i32>} : memref<128xi32, #tpu.memory_space<vmem>>, vector<16xi32>,
      %get3A_340 = arith.constant 96 : index
      %get3A_341 = tpu.vector_load %arg7[%get3A_340] {strides = array<i32>} : memref<128xi32, #tpu.memory_space<vmem>>, vector<16xi32>,
      %get3A_342 = vector.shape_cast %get3A_341 : vector<16xi32> to vector<16xi32>
      %mul3A_343 = arith.constant 2 : i32
      %mul3A_344 = vector.broadcast %mul3A_343 : i32 to vector<16xi32>
      %mul3A_345 = arith.muli %get3A_342, %mul3A_344 : vector<16xi32>
      %add3A_346 = vector.broadcast %arg0 : i32 to vector<16xi32>
      %add3A_347 = arith.addi %mul3A_345, %add3A_346 : vector<16xi32>
      %swap3A_348 = arith.constant 96 : index
      %swap3A_349 = tpu.vector_load %arg9[%swap3A_348] {strides = array<i32>} : memref<128xi32, #tpu.memory_space<vmem>>, vector<16xi32>,
      %swap3A_350 = vector.shape_cast %swap3A_349 : vector<16xi32> to vector<16xi32>
      %swap3A_351 = vector.shape_cast %add3A_347 : vector<16xi32> to vector<16xi32>
      tpu.vector_store %arg9[%swap3A_348], %swap3A_351 {strides = array<i32>} : memref<128xi32, #tpu.memory_space<vmem>>, vector<16xi32>,
      %get3A_352 = arith.constant 112 : index
      %get3A_353 = tpu.vector_load %arg7[%get3A_352] {strides = array<i32>} : memref<128xi32, #tpu.memory_space<vmem>>, vector<16xi32>,
      %get3A_354 = vector.shape_cast %get3A_353 : vector<16xi32> to vector<16xi32>
      %mul3A_355 = arith.constant 2 : i32
      %mul3A_356 = vector.broadcast %mul3A_355 : i32 to vector<16xi32>
      %mul3A_357 = arith.muli %get3A_354, %mul3A_356 : vector<16xi32>
      %add3A_358 = vector.broadcast %arg0 : i32 to vector<16xi32>
      %add3A_359 = arith.addi %mul3A_357, %add3A_358 : vector<16xi32>
      %swap3A_360 = arith.constant 112 : index
      %swap3A_361 = tpu.vector_load %arg9[%swap3A_360] {strides = array<i32>} : memref<128xi32, #tpu.memory_space<vmem>>, vector<16xi32>,
      %swap3A_362 = vector.shape_cast %swap3A_361 : vector<16xi32> to vector<16xi32>
      %swap3A_363 = vector.shape_cast %add3A_359 : vector<16xi32> to vector<16xi32>
      tpu.vector_store %arg9[%swap3A_360], %swap3A_363 {strides = array<i32>} : memref<128xi32, #tpu.memory_space<vmem>>, vector<16xi32>,
      %gt3A = arith.constant 0 : i32
      %gt3A_364 = arith.cmpi sgt, %scan3A_258, %gt3A : i32
      %convert_element_type3A_365 = arith.extui %gt3A_364 : i1 to i32
      %cond3A_366 = arith.constant 0 : i32
      %cond3A_367 = arith.cmpi ne, %convert_element_type3A_365, %cond3A_366 : i32
      scf.if %cond3A_367 {
        %dma_wait3A_613 = arith.constant 0 : i32
        %dma_wait3A_614 = arith.constant 0 : i32
        %dma_wait3A_615 = tpu.memref_slice %arg17[%dma_wait3A_613, %dma_wait3A_614] : memref<10000x128xf32, #tpu.memory_space<vmem_shared>> -> memref<10000x128xf32, #tpu.memory_space<vmem_shared>>
        tpu.wait_indirect_dma semaphore(%arg22 : memref<!tpu.dma_semaphore, #tpu.memory_space<semaphore_mem>>) src(%arg15 : memref<128x128xf32, #tpu.memory_space<vmem>>) dst(%dma_wait3A_615 : memref<10000x128xf32, #tpu.memory_space<vmem_shared>>)
      } else {
      }
      %dma_start3A_368 = arith.constant 0 : i32
      %dma_start3A_369 = arith.constant 0 : i32
      %dma_start3A_370 = tpu.memref_slice %arg4[%dma_start3A_368, %dma_start3A_369] : memref<20000x128xf32, #tpu.memory_space<hbm>> -> memref<20000x128xf32, #tpu.memory_space<hbm>>
      tpu.enqueue_indirect_dma source(%dma_start3A_370 : memref<20000x128xf32, #tpu.memory_space<hbm>>) target(%arg15 : memref<128x128xf32, #tpu.memory_space<vmem>>) offsets(%arg9 : memref<128xi32, #tpu.memory_space<vmem>>) semaphore(%arg19 : memref<!tpu.dma_semaphore, #tpu.memory_space<semaphore_mem>>)
      %dma_wait3A_371 = arith.constant 0 : i32
      %dma_wait3A_372 = arith.constant 0 : i32
      %dma_wait3A_373 = tpu.memref_slice %arg4[%dma_wait3A_371, %dma_wait3A_372] : memref<20000x128xf32, #tpu.memory_space<hbm>> -> memref<20000x128xf32, #tpu.memory_space<hbm>>
      tpu.wait_indirect_dma semaphore(%arg18 : memref<!tpu.dma_semaphore, #tpu.memory_space<semaphore_mem>>) src(%dma_wait3A_373 : memref<20000x128xf32, #tpu.memory_space<hbm>>) dst(%arg14 : memref<128x128xf32, #tpu.memory_space<vmem>>)
      "tpu.region"() ({
        %run_scoped3A = tpu.sem_alloc : memref<!tpu.dma_semaphore, #tpu.memory_space<semaphore_mem>>
        %dma_start3A_613 = tpu.memref_slice %arg3[%add3A_265] : memref<320000xi32, #tpu.memory_space<hbm>> -> memref<128xi32, #tpu.memory_space<hbm>>
        %dma_start3A_614 = tpu.memref_slice %arg3[%add3A_265] : memref<320000xi32, #tpu.memory_space<hbm>> -> memref<128xi32, #tpu.memory_space<hbm>>
        tpu.enqueue_dma source(%dma_start3A_614 : memref<128xi32, #tpu.memory_space<hbm>>) target(%arg11 : memref<128xi32, #tpu.memory_space<vmem>>) target_semaphore(%run_scoped3A : memref<!tpu.dma_semaphore, #tpu.memory_space<semaphore_mem>>)
        %dma_wait3A_615 = tpu.memref_slice %arg3[%add3A_265] : memref<320000xi32, #tpu.memory_space<hbm>> -> memref<128xi32, #tpu.memory_space<hbm>>
        %dma_wait3A_616 = tpu.memref_slice %arg3[%add3A_265] : memref<320000xi32, #tpu.memory_space<hbm>> -> memref<128xi32, #tpu.memory_space<hbm>>
        tpu.wait_dma2 semaphore(%run_scoped3A : memref<!tpu.dma_semaphore, #tpu.memory_space<semaphore_mem>>) src(%dma_wait3A_616 : memref<128xi32, #tpu.memory_space<hbm>>) dst(%arg11 : memref<128xi32, #tpu.memory_space<vmem>>)
        tpu.yield
      }) : () -> ()
      %dma_start3A_374 = arith.constant 0 : i32
      %dma_start3A_375 = arith.constant 0 : i32
      %dma_start3A_376 = tpu.memref_slice %arg17[%dma_start3A_374, %dma_start3A_375] : memref<10000x128xf32, #tpu.memory_space<vmem_shared>> -> memref<10000x128xf32, #tpu.memory_space<vmem_shared>>
      tpu.enqueue_indirect_dma source(%arg14 : memref<128x128xf32, #tpu.memory_space<vmem>>) target(%dma_start3A_376 : memref<10000x128xf32, #tpu.memory_space<vmem_shared>>) offsets(%arg11 : memref<128xi32, #tpu.memory_space<vmem>>) semaphore(%arg21 : memref<!tpu.dma_semaphore, #tpu.memory_space<semaphore_mem>>) {add = true}
      %mul3A_377 = arith.constant 3 : i32
      %mul3A_378 = arith.muli %mul3A_377, %scan3A_258 : i32
      %add3A_379 = arith.constant 1 : i32
      %add3A_380 = arith.addi %mul3A_378, %add3A_379 : i32
      %mul3A_381 = arith.constant 128 : i32
      %mul3A_382 = arith.muli %add3A_380, %mul3A_381 : i32
      %add3A_383 = arith.addi %mul3A_70, %mul3A_382 : i32
      %add3A_384 = arith.constant 128 : i32
      %add3A_385 = arith.addi %add3A_383, %add3A_384 : i32
      "tpu.region"() ({
        %run_scoped3A = tpu.sem_alloc : memref<!tpu.dma_semaphore, #tpu.memory_space<semaphore_mem>>
        %dma_start3A_613 = tpu.memref_slice %arg2[%add3A_385] : memref<320000xi32, #tpu.memory_space<hbm>> -> memref<128xi32, #tpu.memory_space<hbm>>
        %dma_start3A_614 = tpu.memref_slice %arg2[%add3A_385] : memref<320000xi32, #tpu.memory_space<hbm>> -> memref<128xi32, #tpu.memory_space<hbm>>
        tpu.enqueue_dma source(%dma_start3A_614 : memref<128xi32, #tpu.memory_space<hbm>>) target(%arg7 : memref<128xi32, #tpu.memory_space<vmem>>) target_semaphore(%run_scoped3A : memref<!tpu.dma_semaphore, #tpu.memory_space<semaphore_mem>>)
        %dma_wait3A_615 = tpu.memref_slice %arg2[%add3A_385] : memref<320000xi32, #tpu.memory_space<hbm>> -> memref<128xi32, #tpu.memory_space<hbm>>
        %dma_wait3A_616 = tpu.memref_slice %arg2[%add3A_385] : memref<320000xi32, #tpu.memory_space<hbm>> -> memref<128xi32, #tpu.memory_space<hbm>>
        tpu.wait_dma2 semaphore(%run_scoped3A : memref<!tpu.dma_semaphore, #tpu.memory_space<semaphore_mem>>) src(%dma_wait3A_616 : memref<128xi32, #tpu.memory_space<hbm>>) dst(%arg7 : memref<128xi32, #tpu.memory_space<vmem>>)
        tpu.yield
      }) : () -> ()
      %get3A_386 = arith.constant 0 : index
      %get3A_387 = tpu.vector_load %arg7[%get3A_386] {strides = array<i32>} : memref<128xi32, #tpu.memory_space<vmem>>, vector<16xi32>,
      %get3A_388 = vector.shape_cast %get3A_387 : vector<16xi32> to vector<16xi32>
      %mul3A_389 = arith.constant 2 : i32
      %mul3A_390 = vector.broadcast %mul3A_389 : i32 to vector<16xi32>
      %mul3A_391 = arith.muli %get3A_388, %mul3A_390 : vector<16xi32>
      %add3A_392 = vector.broadcast %arg0 : i32 to vector<16xi32>
      %add3A_393 = arith.addi %mul3A_391, %add3A_392 : vector<16xi32>
      %swap3A_394 = arith.constant 0 : index
      %swap3A_395 = tpu.vector_load %arg10[%swap3A_394] {strides = array<i32>} : memref<128xi32, #tpu.memory_space<vmem>>, vector<16xi32>,
      %swap3A_396 = vector.shape_cast %swap3A_395 : vector<16xi32> to vector<16xi32>
      %swap3A_397 = vector.shape_cast %add3A_393 : vector<16xi32> to vector<16xi32>
      tpu.vector_store %arg10[%swap3A_394], %swap3A_397 {strides = array<i32>} : memref<128xi32, #tpu.memory_space<vmem>>, vector<16xi32>,
      %get3A_398 = arith.constant 16 : index
      %get3A_399 = tpu.vector_load %arg7[%get3A_398] {strides = array<i32>} : memref<128xi32, #tpu.memory_space<vmem>>, vector<16xi32>,
      %get3A_400 = vector.shape_cast %get3A_399 : vector<16xi32> to vector<16xi32>
      %mul3A_401 = arith.constant 2 : i32
      %mul3A_402 = vector.broadcast %mul3A_401 : i32 to vector<16xi32>
      %mul3A_403 = arith.muli %get3A_400, %mul3A_402 : vector<16xi32>
      %add3A_404 = vector.broadcast %arg0 : i32 to vector<16xi32>
      %add3A_405 = arith.addi %mul3A_403, %add3A_404 : vector<16xi32>
      %swap3A_406 = arith.constant 16 : index
      %swap3A_407 = tpu.vector_load %arg10[%swap3A_406] {strides = array<i32>} : memref<128xi32, #tpu.memory_space<vmem>>, vector<16xi32>,
      %swap3A_408 = vector.shape_cast %swap3A_407 : vector<16xi32> to vector<16xi32>
      %swap3A_409 = vector.shape_cast %add3A_405 : vector<16xi32> to vector<16xi32>
      tpu.vector_store %arg10[%swap3A_406], %swap3A_409 {strides = array<i32>} : memref<128xi32, #tpu.memory_space<vmem>>, vector<16xi32>,
      %get3A_410 = arith.constant 32 : index
      %get3A_411 = tpu.vector_load %arg7[%get3A_410] {strides = array<i32>} : memref<128xi32, #tpu.memory_space<vmem>>, vector<16xi32>,
      %get3A_412 = vector.shape_cast %get3A_411 : vector<16xi32> to vector<16xi32>
      %mul3A_413 = arith.constant 2 : i32
      %mul3A_414 = vector.broadcast %mul3A_413 : i32 to vector<16xi32>
      %mul3A_415 = arith.muli %get3A_412, %mul3A_414 : vector<16xi32>
      %add3A_416 = vector.broadcast %arg0 : i32 to vector<16xi32>
      %add3A_417 = arith.addi %mul3A_415, %add3A_416 : vector<16xi32>
      %swap3A_418 = arith.constant 32 : index
      %swap3A_419 = tpu.vector_load %arg10[%swap3A_418] {strides = array<i32>} : memref<128xi32, #tpu.memory_space<vmem>>, vector<16xi32>,
      %swap3A_420 = vector.shape_cast %swap3A_419 : vector<16xi32> to vector<16xi32>
      %swap3A_421 = vector.shape_cast %add3A_417 : vector<16xi32> to vector<16xi32>
      tpu.vector_store %arg10[%swap3A_418], %swap3A_421 {strides = array<i32>} : memref<128xi32, #tpu.memory_space<vmem>>, vector<16xi32>,
      %get3A_422 = arith.constant 48 : index
      %get3A_423 = tpu.vector_load %arg7[%get3A_422] {strides = array<i32>} : memref<128xi32, #tpu.memory_space<vmem>>, vector<16xi32>,
      %get3A_424 = vector.shape_cast %get3A_423 : vector<16xi32> to vector<16xi32>
      %mul3A_425 = arith.constant 2 : i32
      %mul3A_426 = vector.broadcast %mul3A_425 : i32 to vector<16xi32>
      %mul3A_427 = arith.muli %get3A_424, %mul3A_426 : vector<16xi32>
      %add3A_428 = vector.broadcast %arg0 : i32 to vector<16xi32>
      %add3A_429 = arith.addi %mul3A_427, %add3A_428 : vector<16xi32>
      %swap3A_430 = arith.constant 48 : index
      %swap3A_431 = tpu.vector_load %arg10[%swap3A_430] {strides = array<i32>} : memref<128xi32, #tpu.memory_space<vmem>>, vector<16xi32>,
      %swap3A_432 = vector.shape_cast %swap3A_431 : vector<16xi32> to vector<16xi32>
      %swap3A_433 = vector.shape_cast %add3A_429 : vector<16xi32> to vector<16xi32>
      tpu.vector_store %arg10[%swap3A_430], %swap3A_433 {strides = array<i32>} : memref<128xi32, #tpu.memory_space<vmem>>, vector<16xi32>,
      %get3A_434 = arith.constant 64 : index
      %get3A_435 = tpu.vector_load %arg7[%get3A_434] {strides = array<i32>} : memref<128xi32, #tpu.memory_space<vmem>>, vector<16xi32>,
      %get3A_436 = vector.shape_cast %get3A_435 : vector<16xi32> to vector<16xi32>
      %mul3A_437 = arith.constant 2 : i32
      %mul3A_438 = vector.broadcast %mul3A_437 : i32 to vector<16xi32>
      %mul3A_439 = arith.muli %get3A_436, %mul3A_438 : vector<16xi32>
      %add3A_440 = vector.broadcast %arg0 : i32 to vector<16xi32>
      %add3A_441 = arith.addi %mul3A_439, %add3A_440 : vector<16xi32>
      %swap3A_442 = arith.constant 64 : index
      %swap3A_443 = tpu.vector_load %arg10[%swap3A_442] {strides = array<i32>} : memref<128xi32, #tpu.memory_space<vmem>>, vector<16xi32>,
      %swap3A_444 = vector.shape_cast %swap3A_443 : vector<16xi32> to vector<16xi32>
      %swap3A_445 = vector.shape_cast %add3A_441 : vector<16xi32> to vector<16xi32>
      tpu.vector_store %arg10[%swap3A_442], %swap3A_445 {strides = array<i32>} : memref<128xi32, #tpu.memory_space<vmem>>, vector<16xi32>,
      %get3A_446 = arith.constant 80 : index
      %get3A_447 = tpu.vector_load %arg7[%get3A_446] {strides = array<i32>} : memref<128xi32, #tpu.memory_space<vmem>>, vector<16xi32>,
      %get3A_448 = vector.shape_cast %get3A_447 : vector<16xi32> to vector<16xi32>
      %mul3A_449 = arith.constant 2 : i32
      %mul3A_450 = vector.broadcast %mul3A_449 : i32 to vector<16xi32>
      %mul3A_451 = arith.muli %get3A_448, %mul3A_450 : vector<16xi32>
      %add3A_452 = vector.broadcast %arg0 : i32 to vector<16xi32>
      %add3A_453 = arith.addi %mul3A_451, %add3A_452 : vector<16xi32>
      %swap3A_454 = arith.constant 80 : index
      %swap3A_455 = tpu.vector_load %arg10[%swap3A_454] {strides = array<i32>} : memref<128xi32, #tpu.memory_space<vmem>>, vector<16xi32>,
      %swap3A_456 = vector.shape_cast %swap3A_455 : vector<16xi32> to vector<16xi32>
      %swap3A_457 = vector.shape_cast %add3A_453 : vector<16xi32> to vector<16xi32>
      tpu.vector_store %arg10[%swap3A_454], %swap3A_457 {strides = array<i32>} : memref<128xi32, #tpu.memory_space<vmem>>, vector<16xi32>,
      %get3A_458 = arith.constant 96 : index
      %get3A_459 = tpu.vector_load %arg7[%get3A_458] {strides = array<i32>} : memref<128xi32, #tpu.memory_space<vmem>>, vector<16xi32>,
      %get3A_460 = vector.shape_cast %get3A_459 : vector<16xi32> to vector<16xi32>
      %mul3A_461 = arith.constant 2 : i32
      %mul3A_462 = vector.broadcast %mul3A_461 : i32 to vector<16xi32>
      %mul3A_463 = arith.muli %get3A_460, %mul3A_462 : vector<16xi32>
      %add3A_464 = vector.broadcast %arg0 : i32 to vector<16xi32>
      %add3A_465 = arith.addi %mul3A_463, %add3A_464 : vector<16xi32>
      %swap3A_466 = arith.constant 96 : index
      %swap3A_467 = tpu.vector_load %arg10[%swap3A_466] {strides = array<i32>} : memref<128xi32, #tpu.memory_space<vmem>>, vector<16xi32>,
      %swap3A_468 = vector.shape_cast %swap3A_467 : vector<16xi32> to vector<16xi32>
      %swap3A_469 = vector.shape_cast %add3A_465 : vector<16xi32> to vector<16xi32>
      tpu.vector_store %arg10[%swap3A_466], %swap3A_469 {strides = array<i32>} : memref<128xi32, #tpu.memory_space<vmem>>, vector<16xi32>,
      %get3A_470 = arith.constant 112 : index
      %get3A_471 = tpu.vector_load %arg7[%get3A_470] {strides = array<i32>} : memref<128xi32, #tpu.memory_space<vmem>>, vector<16xi32>,
      %get3A_472 = vector.shape_cast %get3A_471 : vector<16xi32> to vector<16xi32>
      %mul3A_473 = arith.constant 2 : i32
      %mul3A_474 = vector.broadcast %mul3A_473 : i32 to vector<16xi32>
      %mul3A_475 = arith.muli %get3A_472, %mul3A_474 : vector<16xi32>
      %add3A_476 = vector.broadcast %arg0 : i32 to vector<16xi32>
      %add3A_477 = arith.addi %mul3A_475, %add3A_476 : vector<16xi32>
      %swap3A_478 = arith.constant 112 : index
      %swap3A_479 = tpu.vector_load %arg10[%swap3A_478] {strides = array<i32>} : memref<128xi32, #tpu.memory_space<vmem>>, vector<16xi32>,
      %swap3A_480 = vector.shape_cast %swap3A_479 : vector<16xi32> to vector<16xi32>
      %swap3A_481 = vector.shape_cast %add3A_477 : vector<16xi32> to vector<16xi32>
      tpu.vector_store %arg10[%swap3A_478], %swap3A_481 {strides = array<i32>} : memref<128xi32, #tpu.memory_space<vmem>>, vector<16xi32>,
      %gt3A_482 = arith.constant 0 : i32
      %gt3A_483 = arith.cmpi sgt, %scan3A_258, %gt3A_482 : i32
      %convert_element_type3A_484 = arith.extui %gt3A_483 : i1 to i32
      %cond3A_485 = arith.constant 0 : i32
      %cond3A_486 = arith.cmpi ne, %convert_element_type3A_484, %cond3A_485 : i32
      scf.if %cond3A_486 {
        %dma_wait3A_613 = arith.constant 0 : i32
        %dma_wait3A_614 = arith.constant 0 : i32
        %dma_wait3A_615 = tpu.memref_slice %arg17[%dma_wait3A_613, %dma_wait3A_614] : memref<10000x128xf32, #tpu.memory_space<vmem_shared>> -> memref<10000x128xf32, #tpu.memory_space<vmem_shared>>
        tpu.wait_indirect_dma semaphore(%arg23 : memref<!tpu.dma_semaphore, #tpu.memory_space<semaphore_mem>>) src(%arg16 : memref<128x128xf32, #tpu.memory_space<vmem>>) dst(%dma_wait3A_615 : memref<10000x128xf32, #tpu.memory_space<vmem_shared>>)
      } else {
      }
      %dma_start3A_487 = arith.constant 0 : i32
      %dma_start3A_488 = arith.constant 0 : i32
      %dma_start3A_489 = tpu.memref_slice %arg4[%dma_start3A_487, %dma_start3A_488] : memref<20000x128xf32, #tpu.memory_space<hbm>> -> memref<20000x128xf32, #tpu.memory_space<hbm>>
      tpu.enqueue_indirect_dma source(%dma_start3A_489 : memref<20000x128xf32, #tpu.memory_space<hbm>>) target(%arg16 : memref<128x128xf32, #tpu.memory_space<vmem>>) offsets(%arg10 : memref<128xi32, #tpu.memory_space<vmem>>) semaphore(%arg20 : memref<!tpu.dma_semaphore, #tpu.memory_space<semaphore_mem>>)
      %dma_wait3A_490 = arith.constant 0 : i32
      %dma_wait3A_491 = arith.constant 0 : i32
      %dma_wait3A_492 = tpu.memref_slice %arg4[%dma_wait3A_490, %dma_wait3A_491] : memref<20000x128xf32, #tpu.memory_space<hbm>> -> memref<20000x128xf32, #tpu.memory_space<hbm>>
      tpu.wait_indirect_dma semaphore(%arg19 : memref<!tpu.dma_semaphore, #tpu.memory_space<semaphore_mem>>) src(%dma_wait3A_492 : memref<20000x128xf32, #tpu.memory_space<hbm>>) dst(%arg15 : memref<128x128xf32, #tpu.memory_space<vmem>>)
      "tpu.region"() ({
        %run_scoped3A = tpu.sem_alloc : memref<!tpu.dma_semaphore, #tpu.memory_space<semaphore_mem>>
        %dma_start3A_613 = tpu.memref_slice %arg3[%add3A_383] : memref<320000xi32, #tpu.memory_space<hbm>> -> memref<128xi32, #tpu.memory_space<hbm>>
        %dma_start3A_614 = tpu.memref_slice %arg3[%add3A_383] : memref<320000xi32, #tpu.memory_space<hbm>> -> memref<128xi32, #tpu.memory_space<hbm>>
        tpu.enqueue_dma source(%dma_start3A_614 : memref<128xi32, #tpu.memory_space<hbm>>) target(%arg12 : memref<128xi32, #tpu.memory_space<vmem>>) target_semaphore(%run_scoped3A : memref<!tpu.dma_semaphore, #tpu.memory_space<semaphore_mem>>)
        %dma_wait3A_615 = tpu.memref_slice %arg3[%add3A_383] : memref<320000xi32, #tpu.memory_space<hbm>> -> memref<128xi32, #tpu.memory_space<hbm>>
        %dma_wait3A_616 = tpu.memref_slice %arg3[%add3A_383] : memref<320000xi32, #tpu.memory_space<hbm>> -> memref<128xi32, #tpu.memory_space<hbm>>
        tpu.wait_dma2 semaphore(%run_scoped3A : memref<!tpu.dma_semaphore, #tpu.memory_space<semaphore_mem>>) src(%dma_wait3A_616 : memref<128xi32, #tpu.memory_space<hbm>>) dst(%arg12 : memref<128xi32, #tpu.memory_space<vmem>>)
        tpu.yield
      }) : () -> ()
      %dma_start3A_493 = arith.constant 0 : i32
      %dma_start3A_494 = arith.constant 0 : i32
      %dma_start3A_495 = tpu.memref_slice %arg17[%dma_start3A_493, %dma_start3A_494] : memref<10000x128xf32, #tpu.memory_space<vmem_shared>> -> memref<10000x128xf32, #tpu.memory_space<vmem_shared>>
      tpu.enqueue_indirect_dma source(%arg15 : memref<128x128xf32, #tpu.memory_space<vmem>>) target(%dma_start3A_495 : memref<10000x128xf32, #tpu.memory_space<vmem_shared>>) offsets(%arg12 : memref<128xi32, #tpu.memory_space<vmem>>) semaphore(%arg22 : memref<!tpu.dma_semaphore, #tpu.memory_space<semaphore_mem>>) {add = true}
      %mul3A_496 = arith.constant 3 : i32
      %mul3A_497 = arith.muli %mul3A_496, %scan3A_258 : i32
      %add3A_498 = arith.constant 2 : i32
      %add3A_499 = arith.addi %mul3A_497, %add3A_498 : i32
      %mul3A_500 = arith.constant 128 : i32
      %mul3A_501 = arith.muli %add3A_499, %mul3A_500 : i32
      %add3A_502 = arith.addi %mul3A_70, %mul3A_501 : i32
      %add3A_503 = arith.constant 128 : i32
      %add3A_504 = arith.addi %add3A_502, %add3A_503 : i32
      "tpu.region"() ({
        %run_scoped3A = tpu.sem_alloc : memref<!tpu.dma_semaphore, #tpu.memory_space<semaphore_mem>>
        %dma_start3A_613 = tpu.memref_slice %arg2[%add3A_504] : memref<320000xi32, #tpu.memory_space<hbm>> -> memref<128xi32, #tpu.memory_space<hbm>>
        %dma_start3A_614 = tpu.memref_slice %arg2[%add3A_504] : memref<320000xi32, #tpu.memory_space<hbm>> -> memref<128xi32, #tpu.memory_space<hbm>>
        tpu.enqueue_dma source(%dma_start3A_614 : memref<128xi32, #tpu.memory_space<hbm>>) target(%arg7 : memref<128xi32, #tpu.memory_space<vmem>>) target_semaphore(%run_scoped3A : memref<!tpu.dma_semaphore, #tpu.memory_space<semaphore_mem>>)
        %dma_wait3A_615 = tpu.memref_slice %arg2[%add3A_504] : memref<320000xi32, #tpu.memory_space<hbm>> -> memref<128xi32, #tpu.memory_space<hbm>>
        %dma_wait3A_616 = tpu.memref_slice %arg2[%add3A_504] : memref<320000xi32, #tpu.memory_space<hbm>> -> memref<128xi32, #tpu.memory_space<hbm>>
        tpu.wait_dma2 semaphore(%run_scoped3A : memref<!tpu.dma_semaphore, #tpu.memory_space<semaphore_mem>>) src(%dma_wait3A_616 : memref<128xi32, #tpu.memory_space<hbm>>) dst(%arg7 : memref<128xi32, #tpu.memory_space<vmem>>)
        tpu.yield
      }) : () -> ()
      %get3A_505 = arith.constant 0 : index
      %get3A_506 = tpu.vector_load %arg7[%get3A_505] {strides = array<i32>} : memref<128xi32, #tpu.memory_space<vmem>>, vector<16xi32>,
      %get3A_507 = vector.shape_cast %get3A_506 : vector<16xi32> to vector<16xi32>
      %mul3A_508 = arith.constant 2 : i32
      %mul3A_509 = vector.broadcast %mul3A_508 : i32 to vector<16xi32>
      %mul3A_510 = arith.muli %get3A_507, %mul3A_509 : vector<16xi32>
      %add3A_511 = vector.broadcast %arg0 : i32 to vector<16xi32>
      %add3A_512 = arith.addi %mul3A_510, %add3A_511 : vector<16xi32>
      %swap3A_513 = arith.constant 0 : index
      %swap3A_514 = tpu.vector_load %arg8[%swap3A_513] {strides = array<i32>} : memref<128xi32, #tpu.memory_space<vmem>>, vector<16xi32>,
      %swap3A_515 = vector.shape_cast %swap3A_514 : vector<16xi32> to vector<16xi32>
      %swap3A_516 = vector.shape_cast %add3A_512 : vector<16xi32> to vector<16xi32>
      tpu.vector_store %arg8[%swap3A_513], %swap3A_516 {strides = array<i32>} : memref<128xi32, #tpu.memory_space<vmem>>, vector<16xi32>,
      %get3A_517 = arith.constant 16 : index
      %get3A_518 = tpu.vector_load %arg7[%get3A_517] {strides = array<i32>} : memref<128xi32, #tpu.memory_space<vmem>>, vector<16xi32>,
      %get3A_519 = vector.shape_cast %get3A_518 : vector<16xi32> to vector<16xi32>
      %mul3A_520 = arith.constant 2 : i32
      %mul3A_521 = vector.broadcast %mul3A_520 : i32 to vector<16xi32>
      %mul3A_522 = arith.muli %get3A_519, %mul3A_521 : vector<16xi32>
      %add3A_523 = vector.broadcast %arg0 : i32 to vector<16xi32>
      %add3A_524 = arith.addi %mul3A_522, %add3A_523 : vector<16xi32>
      %swap3A_525 = arith.constant 16 : index
      %swap3A_526 = tpu.vector_load %arg8[%swap3A_525] {strides = array<i32>} : memref<128xi32, #tpu.memory_space<vmem>>, vector<16xi32>,
      %swap3A_527 = vector.shape_cast %swap3A_526 : vector<16xi32> to vector<16xi32>
      %swap3A_528 = vector.shape_cast %add3A_524 : vector<16xi32> to vector<16xi32>
      tpu.vector_store %arg8[%swap3A_525], %swap3A_528 {strides = array<i32>} : memref<128xi32, #tpu.memory_space<vmem>>, vector<16xi32>,
      %get3A_529 = arith.constant 32 : index
      %get3A_530 = tpu.vector_load %arg7[%get3A_529] {strides = array<i32>} : memref<128xi32, #tpu.memory_space<vmem>>, vector<16xi32>,
      %get3A_531 = vector.shape_cast %get3A_530 : vector<16xi32> to vector<16xi32>
      %mul3A_532 = arith.constant 2 : i32
      %mul3A_533 = vector.broadcast %mul3A_532 : i32 to vector<16xi32>
      %mul3A_534 = arith.muli %get3A_531, %mul3A_533 : vector<16xi32>
      %add3A_535 = vector.broadcast %arg0 : i32 to vector<16xi32>
      %add3A_536 = arith.addi %mul3A_534, %add3A_535 : vector<16xi32>
      %swap3A_537 = arith.constant 32 : index
      %swap3A_538 = tpu.vector_load %arg8[%swap3A_537] {strides = array<i32>} : memref<128xi32, #tpu.memory_space<vmem>>, vector<16xi32>,
      %swap3A_539 = vector.shape_cast %swap3A_538 : vector<16xi32> to vector<16xi32>
      %swap3A_540 = vector.shape_cast %add3A_536 : vector<16xi32> to vector<16xi32>
      tpu.vector_store %arg8[%swap3A_537], %swap3A_540 {strides = array<i32>} : memref<128xi32, #tpu.memory_space<vmem>>, vector<16xi32>,
      %get3A_541 = arith.constant 48 : index
      %get3A_542 = tpu.vector_load %arg7[%get3A_541] {strides = array<i32>} : memref<128xi32, #tpu.memory_space<vmem>>, vector<16xi32>,
      %get3A_543 = vector.shape_cast %get3A_542 : vector<16xi32> to vector<16xi32>
      %mul3A_544 = arith.constant 2 : i32
      %mul3A_545 = vector.broadcast %mul3A_544 : i32 to vector<16xi32>
      %mul3A_546 = arith.muli %get3A_543, %mul3A_545 : vector<16xi32>
      %add3A_547 = vector.broadcast %arg0 : i32 to vector<16xi32>
      %add3A_548 = arith.addi %mul3A_546, %add3A_547 : vector<16xi32>
      %swap3A_549 = arith.constant 48 : index
      %swap3A_550 = tpu.vector_load %arg8[%swap3A_549] {strides = array<i32>} : memref<128xi32, #tpu.memory_space<vmem>>, vector<16xi32>,
      %swap3A_551 = vector.shape_cast %swap3A_550 : vector<16xi32> to vector<16xi32>
      %swap3A_552 = vector.shape_cast %add3A_548 : vector<16xi32> to vector<16xi32>
      tpu.vector_store %arg8[%swap3A_549], %swap3A_552 {strides = array<i32>} : memref<128xi32, #tpu.memory_space<vmem>>, vector<16xi32>,
      %get3A_553 = arith.constant 64 : index
      %get3A_554 = tpu.vector_load %arg7[%get3A_553] {strides = array<i32>} : memref<128xi32, #tpu.memory_space<vmem>>, vector<16xi32>,
      %get3A_555 = vector.shape_cast %get3A_554 : vector<16xi32> to vector<16xi32>
      %mul3A_556 = arith.constant 2 : i32
      %mul3A_557 = vector.broadcast %mul3A_556 : i32 to vector<16xi32>
      %mul3A_558 = arith.muli %get3A_555, %mul3A_557 : vector<16xi32>
      %add3A_559 = vector.broadcast %arg0 : i32 to vector<16xi32>
      %add3A_560 = arith.addi %mul3A_558, %add3A_559 : vector<16xi32>
      %swap3A_561 = arith.constant 64 : index
      %swap3A_562 = tpu.vector_load %arg8[%swap3A_561] {strides = array<i32>} : memref<128xi32, #tpu.memory_space<vmem>>, vector<16xi32>,
      %swap3A_563 = vector.shape_cast %swap3A_562 : vector<16xi32> to vector<16xi32>
      %swap3A_564 = vector.shape_cast %add3A_560 : vector<16xi32> to vector<16xi32>
      tpu.vector_store %arg8[%swap3A_561], %swap3A_564 {strides = array<i32>} : memref<128xi32, #tpu.memory_space<vmem>>, vector<16xi32>,
      %get3A_565 = arith.constant 80 : index
      %get3A_566 = tpu.vector_load %arg7[%get3A_565] {strides = array<i32>} : memref<128xi32, #tpu.memory_space<vmem>>, vector<16xi32>,
      %get3A_567 = vector.shape_cast %get3A_566 : vector<16xi32> to vector<16xi32>
      %mul3A_568 = arith.constant 2 : i32
      %mul3A_569 = vector.broadcast %mul3A_568 : i32 to vector<16xi32>
      %mul3A_570 = arith.muli %get3A_567, %mul3A_569 : vector<16xi32>
      %add3A_571 = vector.broadcast %arg0 : i32 to vector<16xi32>
      %add3A_572 = arith.addi %mul3A_570, %add3A_571 : vector<16xi32>
      %swap3A_573 = arith.constant 80 : index
      %swap3A_574 = tpu.vector_load %arg8[%swap3A_573] {strides = array<i32>} : memref<128xi32, #tpu.memory_space<vmem>>, vector<16xi32>,
      %swap3A_575 = vector.shape_cast %swap3A_574 : vector<16xi32> to vector<16xi32>
      %swap3A_576 = vector.shape_cast %add3A_572 : vector<16xi32> to vector<16xi32>
      tpu.vector_store %arg8[%swap3A_573], %swap3A_576 {strides = array<i32>} : memref<128xi32, #tpu.memory_space<vmem>>, vector<16xi32>,
      %get3A_577 = arith.constant 96 : index
      %get3A_578 = tpu.vector_load %arg7[%get3A_577] {strides = array<i32>} : memref<128xi32, #tpu.memory_space<vmem>>, vector<16xi32>,
      %get3A_579 = vector.shape_cast %get3A_578 : vector<16xi32> to vector<16xi32>
      %mul3A_580 = arith.constant 2 : i32
      %mul3A_581 = vector.broadcast %mul3A_580 : i32 to vector<16xi32>
      %mul3A_582 = arith.muli %get3A_579, %mul3A_581 : vector<16xi32>
      %add3A_583 = vector.broadcast %arg0 : i32 to vector<16xi32>
      %add3A_584 = arith.addi %mul3A_582, %add3A_583 : vector<16xi32>
      %swap3A_585 = arith.constant 96 : index
      %swap3A_586 = tpu.vector_load %arg8[%swap3A_585] {strides = array<i32>} : memref<128xi32, #tpu.memory_space<vmem>>, vector<16xi32>,
      %swap3A_587 = vector.shape_cast %swap3A_586 : vector<16xi32> to vector<16xi32>
      %swap3A_588 = vector.shape_cast %add3A_584 : vector<16xi32> to vector<16xi32>
      tpu.vector_store %arg8[%swap3A_585], %swap3A_588 {strides = array<i32>} : memref<128xi32, #tpu.memory_space<vmem>>, vector<16xi32>,
      %get3A_589 = arith.constant 112 : index
      %get3A_590 = tpu.vector_load %arg7[%get3A_589] {strides = array<i32>} : memref<128xi32, #tpu.memory_space<vmem>>, vector<16xi32>,
      %get3A_591 = vector.shape_cast %get3A_590 : vector<16xi32> to vector<16xi32>
      %mul3A_592 = arith.constant 2 : i32
      %mul3A_593 = vector.broadcast %mul3A_592 : i32 to vector<16xi32>
      %mul3A_594 = arith.muli %get3A_591, %mul3A_593 : vector<16xi32>
      %add3A_595 = vector.broadcast %arg0 : i32 to vector<16xi32>
      %add3A_596 = arith.addi %mul3A_594, %add3A_595 : vector<16xi32>
      %swap3A_597 = arith.constant 112 : index
      %swap3A_598 = tpu.vector_load %arg8[%swap3A_597] {strides = array<i32>} : memref<128xi32, #tpu.memory_space<vmem>>, vector<16xi32>,
      %swap3A_599 = vector.shape_cast %swap3A_598 : vector<16xi32> to vector<16xi32>
      %swap3A_600 = vector.shape_cast %add3A_596 : vector<16xi32> to vector<16xi32>
      tpu.vector_store %arg8[%swap3A_597], %swap3A_600 {strides = array<i32>} : memref<128xi32, #tpu.memory_space<vmem>>, vector<16xi32>,
      %dma_wait3A_601 = arith.constant 0 : i32
      %dma_wait3A_602 = arith.constant 0 : i32
      %dma_wait3A_603 = tpu.memref_slice %arg17[%dma_wait3A_601, %dma_wait3A_602] : memref<10000x128xf32, #tpu.memory_space<vmem_shared>> -> memref<10000x128xf32, #tpu.memory_space<vmem_shared>>
      tpu.wait_indirect_dma semaphore(%arg21 : memref<!tpu.dma_semaphore, #tpu.memory_space<semaphore_mem>>) src(%arg14 : memref<128x128xf32, #tpu.memory_space<vmem>>) dst(%dma_wait3A_603 : memref<10000x128xf32, #tpu.memory_space<vmem_shared>>)
      %dma_start3A_604 = arith.constant 0 : i32
      %dma_start3A_605 = arith.constant 0 : i32
      %dma_start3A_606 = tpu.memref_slice %arg4[%dma_start3A_604, %dma_start3A_605] : memref<20000x128xf32, #tpu.memory_space<hbm>> -> memref<20000x128xf32, #tpu.memory_space<hbm>>
      tpu.enqueue_indirect_dma source(%dma_start3A_606 : memref<20000x128xf32, #tpu.memory_space<hbm>>) target(%arg14 : memref<128x128xf32, #tpu.memory_space<vmem>>) offsets(%arg8 : memref<128xi32, #tpu.memory_space<vmem>>) semaphore(%arg18 : memref<!tpu.dma_semaphore, #tpu.memory_space<semaphore_mem>>)
      %dma_wait3A_607 = arith.constant 0 : i32
      %dma_wait3A_608 = arith.constant 0 : i32
      %dma_wait3A_609 = tpu.memref_slice %arg4[%dma_wait3A_607, %dma_wait3A_608] : memref<20000x128xf32, #tpu.memory_space<hbm>> -> memref<20000x128xf32, #tpu.memory_space<hbm>>
      tpu.wait_indirect_dma semaphore(%arg20 : memref<!tpu.dma_semaphore, #tpu.memory_space<semaphore_mem>>) src(%dma_wait3A_609 : memref<20000x128xf32, #tpu.memory_space<hbm>>) dst(%arg16 : memref<128x128xf32, #tpu.memory_space<vmem>>)
      "tpu.region"() ({
        %run_scoped3A = tpu.sem_alloc : memref<!tpu.dma_semaphore, #tpu.memory_space<semaphore_mem>>
        %dma_start3A_613 = tpu.memref_slice %arg3[%add3A_502] : memref<320000xi32, #tpu.memory_space<hbm>> -> memref<128xi32, #tpu.memory_space<hbm>>
        %dma_start3A_614 = tpu.memref_slice %arg3[%add3A_502] : memref<320000xi32, #tpu.memory_space<hbm>> -> memref<128xi32, #tpu.memory_space<hbm>>
        tpu.enqueue_dma source(%dma_start3A_614 : memref<128xi32, #tpu.memory_space<hbm>>) target(%arg13 : memref<128xi32, #tpu.memory_space<vmem>>) target_semaphore(%run_scoped3A : memref<!tpu.dma_semaphore, #tpu.memory_space<semaphore_mem>>)
        %dma_wait3A_615 = tpu.memref_slice %arg3[%add3A_502] : memref<320000xi32, #tpu.memory_space<hbm>> -> memref<128xi32, #tpu.memory_space<hbm>>
        %dma_wait3A_616 = tpu.memref_slice %arg3[%add3A_502] : memref<320000xi32, #tpu.memory_space<hbm>> -> memref<128xi32, #tpu.memory_space<hbm>>
        tpu.wait_dma2 semaphore(%run_scoped3A : memref<!tpu.dma_semaphore, #tpu.memory_space<semaphore_mem>>) src(%dma_wait3A_616 : memref<128xi32, #tpu.memory_space<hbm>>) dst(%arg13 : memref<128xi32, #tpu.memory_space<vmem>>)
        tpu.yield
      }) : () -> ()
      %dma_start3A_610 = arith.constant 0 : i32
      %dma_start3A_611 = arith.constant 0 : i32
      %dma_start3A_612 = tpu.memref_slice %arg17[%dma_start3A_610, %dma_start3A_611] : memref<10000x128xf32, #tpu.memory_space<vmem_shared>> -> memref<10000x128xf32, #tpu.memory_space<vmem_shared>>
      tpu.enqueue_indirect_dma source(%arg16 : memref<128x128xf32, #tpu.memory_space<vmem>>) target(%dma_start3A_612 : memref<10000x128xf32, #tpu.memory_space<vmem_shared>>) offsets(%arg13 : memref<128xi32, #tpu.memory_space<vmem>>) semaphore(%arg23 : memref<!tpu.dma_semaphore, #tpu.memory_space<semaphore_mem>>) {add = true}
    }
    %scan3A_171 = arith.constant 52 : i32
    %dma_wait3A = arith.constant 0 : i32
    %dma_wait3A_172 = arith.constant 0 : i32
    %dma_wait3A_173 = tpu.memref_slice %arg4[%dma_wait3A, %dma_wait3A_172] : memref<20000x128xf32, #tpu.memory_space<hbm>> -> memref<20000x128xf32, #tpu.memory_space<hbm>>
    tpu.wait_indirect_dma semaphore(%arg18 : memref<!tpu.dma_semaphore, #tpu.memory_space<semaphore_mem>>) src(%dma_wait3A_173 : memref<20000x128xf32, #tpu.memory_space<hbm>>) dst(%arg14 : memref<128x128xf32, #tpu.memory_space<vmem>>)
    %dma_wait3A_174 = arith.constant 0 : i32
    %dma_wait3A_175 = arith.constant 0 : i32
    %dma_wait3A_176 = tpu.memref_slice %arg17[%dma_wait3A_174, %dma_wait3A_175] : memref<10000x128xf32, #tpu.memory_space<vmem_shared>> -> memref<10000x128xf32, #tpu.memory_space<vmem_shared>>
    tpu.wait_indirect_dma semaphore(%arg22 : memref<!tpu.dma_semaphore, #tpu.memory_space<semaphore_mem>>) src(%arg15 : memref<128x128xf32, #tpu.memory_space<vmem>>) dst(%dma_wait3A_176 : memref<10000x128xf32, #tpu.memory_space<vmem_shared>>)
    %dma_wait3A_177 = arith.constant 0 : i32
    %dma_wait3A_178 = arith.constant 0 : i32
    %dma_wait3A_179 = tpu.memref_slice %arg17[%dma_wait3A_177, %dma_wait3A_178] : memref<10000x128xf32, #tpu.memory_space<vmem_shared>> -> memref<10000x128xf32, #tpu.memory_space<vmem_shared>>
    tpu.wait_indirect_dma semaphore(%arg23 : memref<!tpu.dma_semaphore, #tpu.memory_space<semaphore_mem>>) src(%arg16 : memref<128x128xf32, #tpu.memory_space<vmem>>) dst(%dma_wait3A_179 : memref<10000x128xf32, #tpu.memory_space<vmem_shared>>)
    %lt3A_180 = arith.constant 4 : i32
    %lt3A_181 = arith.cmpi slt, %arg1, %lt3A_180 : i32
    %convert_element_type3A_182 = arith.extui %lt3A_181 : i1 to i32
    %cond3A_183 = arith.constant 0 : i32
    %cond3A_184 = arith.cmpi ne, %convert_element_type3A_182, %cond3A_183 : i32
    scf.if %cond3A_184 {
      %mul3A_258 = arith.constant 128 : i32
      %mul3A_259 = arith.muli %arg1, %mul3A_258 : i32
      %add3A_260 = arith.constant 319488 : i32
      %add3A_261 = arith.addi %add3A_260, %mul3A_259 : i32
      "tpu.region"() ({
        %run_scoped3A = tpu.sem_alloc : memref<!tpu.dma_semaphore, #tpu.memory_space<semaphore_mem>>
        %dma_start3A_358 = tpu.memref_slice %arg2[%add3A_261] : memref<320000xi32, #tpu.memory_space<hbm>> -> memref<128xi32, #tpu.memory_space<hbm>>
        %dma_start3A_359 = tpu.memref_slice %arg2[%add3A_261] : memref<320000xi32, #tpu.memory_space<hbm>> -> memref<128xi32, #tpu.memory_space<hbm>>
        tpu.enqueue_dma source(%dma_start3A_359 : memref<128xi32, #tpu.memory_space<hbm>>) target(%arg7 : memref<128xi32, #tpu.memory_space<vmem>>) target_semaphore(%run_scoped3A : memref<!tpu.dma_semaphore, #tpu.memory_space<semaphore_mem>>)
        %dma_wait3A_360 = tpu.memref_slice %arg2[%add3A_261] : memref<320000xi32, #tpu.memory_space<hbm>> -> memref<128xi32, #tpu.memory_space<hbm>>
        %dma_wait3A_361 = tpu.memref_slice %arg2[%add3A_261] : memref<320000xi32, #tpu.memory_space<hbm>> -> memref<128xi32, #tpu.memory_space<hbm>>
        tpu.wait_dma2 semaphore(%run_scoped3A : memref<!tpu.dma_semaphore, #tpu.memory_space<semaphore_mem>>) src(%dma_wait3A_361 : memref<128xi32, #tpu.memory_space<hbm>>) dst(%arg7 : memref<128xi32, #tpu.memory_space<vmem>>)
        tpu.yield
      }) : () -> ()
      %get3A_262 = arith.constant 0 : index
      %get3A_263 = tpu.vector_load %arg7[%get3A_262] {strides = array<i32>} : memref<128xi32, #tpu.memory_space<vmem>>, vector<16xi32>,
      %get3A_264 = vector.shape_cast %get3A_263 : vector<16xi32> to vector<16xi32>
      %mul3A_265 = arith.constant 2 : i32
      %mul3A_266 = vector.broadcast %mul3A_265 : i32 to vector<16xi32>
      %mul3A_267 = arith.muli %get3A_264, %mul3A_266 : vector<16xi32>
      %add3A_268 = vector.broadcast %arg0 : i32 to vector<16xi32>
      %add3A_269 = arith.addi %mul3A_267, %add3A_268 : vector<16xi32>
      %swap3A_270 = arith.constant 0 : index
      %swap3A_271 = tpu.vector_load %arg8[%swap3A_270] {strides = array<i32>} : memref<128xi32, #tpu.memory_space<vmem>>, vector<16xi32>,
      %swap3A_272 = vector.shape_cast %swap3A_271 : vector<16xi32> to vector<16xi32>
      %swap3A_273 = vector.shape_cast %add3A_269 : vector<16xi32> to vector<16xi32>
      tpu.vector_store %arg8[%swap3A_270], %swap3A_273 {strides = array<i32>} : memref<128xi32, #tpu.memory_space<vmem>>, vector<16xi32>,
      %get3A_274 = arith.constant 16 : index
      %get3A_275 = tpu.vector_load %arg7[%get3A_274] {strides = array<i32>} : memref<128xi32, #tpu.memory_space<vmem>>, vector<16xi32>,
      %get3A_276 = vector.shape_cast %get3A_275 : vector<16xi32> to vector<16xi32>
      %mul3A_277 = arith.constant 2 : i32
      %mul3A_278 = vector.broadcast %mul3A_277 : i32 to vector<16xi32>
      %mul3A_279 = arith.muli %get3A_276, %mul3A_278 : vector<16xi32>
      %add3A_280 = vector.broadcast %arg0 : i32 to vector<16xi32>
      %add3A_281 = arith.addi %mul3A_279, %add3A_280 : vector<16xi32>
      %swap3A_282 = arith.constant 16 : index
      %swap3A_283 = tpu.vector_load %arg8[%swap3A_282] {strides = array<i32>} : memref<128xi32, #tpu.memory_space<vmem>>, vector<16xi32>,
      %swap3A_284 = vector.shape_cast %swap3A_283 : vector<16xi32> to vector<16xi32>
      %swap3A_285 = vector.shape_cast %add3A_281 : vector<16xi32> to vector<16xi32>
      tpu.vector_store %arg8[%swap3A_282], %swap3A_285 {strides = array<i32>} : memref<128xi32, #tpu.memory_space<vmem>>, vector<16xi32>,
      %get3A_286 = arith.constant 32 : index
      %get3A_287 = tpu.vector_load %arg7[%get3A_286] {strides = array<i32>} : memref<128xi32, #tpu.memory_space<vmem>>, vector<16xi32>,
      %get3A_288 = vector.shape_cast %get3A_287 : vector<16xi32> to vector<16xi32>
      %mul3A_289 = arith.constant 2 : i32
      %mul3A_290 = vector.broadcast %mul3A_289 : i32 to vector<16xi32>
      %mul3A_291 = arith.muli %get3A_288, %mul3A_290 : vector<16xi32>
      %add3A_292 = vector.broadcast %arg0 : i32 to vector<16xi32>
      %add3A_293 = arith.addi %mul3A_291, %add3A_292 : vector<16xi32>
      %swap3A_294 = arith.constant 32 : index
      %swap3A_295 = tpu.vector_load %arg8[%swap3A_294] {strides = array<i32>} : memref<128xi32, #tpu.memory_space<vmem>>, vector<16xi32>,
      %swap3A_296 = vector.shape_cast %swap3A_295 : vector<16xi32> to vector<16xi32>
      %swap3A_297 = vector.shape_cast %add3A_293 : vector<16xi32> to vector<16xi32>
      tpu.vector_store %arg8[%swap3A_294], %swap3A_297 {strides = array<i32>} : memref<128xi32, #tpu.memory_space<vmem>>, vector<16xi32>,
      %get3A_298 = arith.constant 48 : index
      %get3A_299 = tpu.vector_load %arg7[%get3A_298] {strides = array<i32>} : memref<128xi32, #tpu.memory_space<vmem>>, vector<16xi32>,
      %get3A_300 = vector.shape_cast %get3A_299 : vector<16xi32> to vector<16xi32>
      %mul3A_301 = arith.constant 2 : i32
      %mul3A_302 = vector.broadcast %mul3A_301 : i32 to vector<16xi32>
      %mul3A_303 = arith.muli %get3A_300, %mul3A_302 : vector<16xi32>
      %add3A_304 = vector.broadcast %arg0 : i32 to vector<16xi32>
      %add3A_305 = arith.addi %mul3A_303, %add3A_304 : vector<16xi32>
      %swap3A_306 = arith.constant 48 : index
      %swap3A_307 = tpu.vector_load %arg8[%swap3A_306] {strides = array<i32>} : memref<128xi32, #tpu.memory_space<vmem>>, vector<16xi32>,
      %swap3A_308 = vector.shape_cast %swap3A_307 : vector<16xi32> to vector<16xi32>
      %swap3A_309 = vector.shape_cast %add3A_305 : vector<16xi32> to vector<16xi32>
      tpu.vector_store %arg8[%swap3A_306], %swap3A_309 {strides = array<i32>} : memref<128xi32, #tpu.memory_space<vmem>>, vector<16xi32>,
      %get3A_310 = arith.constant 64 : index
      %get3A_311 = tpu.vector_load %arg7[%get3A_310] {strides = array<i32>} : memref<128xi32, #tpu.memory_space<vmem>>, vector<16xi32>,
      %get3A_312 = vector.shape_cast %get3A_311 : vector<16xi32> to vector<16xi32>
      %mul3A_313 = arith.constant 2 : i32
      %mul3A_314 = vector.broadcast %mul3A_313 : i32 to vector<16xi32>
      %mul3A_315 = arith.muli %get3A_312, %mul3A_314 : vector<16xi32>
      %add3A_316 = vector.broadcast %arg0 : i32 to vector<16xi32>
      %add3A_317 = arith.addi %mul3A_315, %add3A_316 : vector<16xi32>
      %swap3A_318 = arith.constant 64 : index
      %swap3A_319 = tpu.vector_load %arg8[%swap3A_318] {strides = array<i32>} : memref<128xi32, #tpu.memory_space<vmem>>, vector<16xi32>,
      %swap3A_320 = vector.shape_cast %swap3A_319 : vector<16xi32> to vector<16xi32>
      %swap3A_321 = vector.shape_cast %add3A_317 : vector<16xi32> to vector<16xi32>
      tpu.vector_store %arg8[%swap3A_318], %swap3A_321 {strides = array<i32>} : memref<128xi32, #tpu.memory_space<vmem>>, vector<16xi32>,
      %get3A_322 = arith.constant 80 : index
      %get3A_323 = tpu.vector_load %arg7[%get3A_322] {strides = array<i32>} : memref<128xi32, #tpu.memory_space<vmem>>, vector<16xi32>,
      %get3A_324 = vector.shape_cast %get3A_323 : vector<16xi32> to vector<16xi32>
      %mul3A_325 = arith.constant 2 : i32
      %mul3A_326 = vector.broadcast %mul3A_325 : i32 to vector<16xi32>
      %mul3A_327 = arith.muli %get3A_324, %mul3A_326 : vector<16xi32>
      %add3A_328 = vector.broadcast %arg0 : i32 to vector<16xi32>
      %add3A_329 = arith.addi %mul3A_327, %add3A_328 : vector<16xi32>
      %swap3A_330 = arith.constant 80 : index
      %swap3A_331 = tpu.vector_load %arg8[%swap3A_330] {strides = array<i32>} : memref<128xi32, #tpu.memory_space<vmem>>, vector<16xi32>,
      %swap3A_332 = vector.shape_cast %swap3A_331 : vector<16xi32> to vector<16xi32>
      %swap3A_333 = vector.shape_cast %add3A_329 : vector<16xi32> to vector<16xi32>
      tpu.vector_store %arg8[%swap3A_330], %swap3A_333 {strides = array<i32>} : memref<128xi32, #tpu.memory_space<vmem>>, vector<16xi32>,
      %get3A_334 = arith.constant 96 : index
      %get3A_335 = tpu.vector_load %arg7[%get3A_334] {strides = array<i32>} : memref<128xi32, #tpu.memory_space<vmem>>, vector<16xi32>,
      %get3A_336 = vector.shape_cast %get3A_335 : vector<16xi32> to vector<16xi32>
      %mul3A_337 = arith.constant 2 : i32
      %mul3A_338 = vector.broadcast %mul3A_337 : i32 to vector<16xi32>
      %mul3A_339 = arith.muli %get3A_336, %mul3A_338 : vector<16xi32>
      %add3A_340 = vector.broadcast %arg0 : i32 to vector<16xi32>
      %add3A_341 = arith.addi %mul3A_339, %add3A_340 : vector<16xi32>
      %swap3A_342 = arith.constant 96 : index
      %swap3A_343 = tpu.vector_load %arg8[%swap3A_342] {strides = array<i32>} : memref<128xi32, #tpu.memory_space<vmem>>, vector<16xi32>,
      %swap3A_344 = vector.shape_cast %swap3A_343 : vector<16xi32> to vector<16xi32>
      %swap3A_345 = vector.shape_cast %add3A_341 : vector<16xi32> to vector<16xi32>
      tpu.vector_store %arg8[%swap3A_342], %swap3A_345 {strides = array<i32>} : memref<128xi32, #tpu.memory_space<vmem>>, vector<16xi32>,
      %get3A_346 = arith.constant 112 : index
      %get3A_347 = tpu.vector_load %arg7[%get3A_346] {strides = array<i32>} : memref<128xi32, #tpu.memory_space<vmem>>, vector<16xi32>,
      %get3A_348 = vector.shape_cast %get3A_347 : vector<16xi32> to vector<16xi32>
      %mul3A_349 = arith.constant 2 : i32
      %mul3A_350 = vector.broadcast %mul3A_349 : i32 to vector<16xi32>
      %mul3A_351 = arith.muli %get3A_348, %mul3A_350 : vector<16xi32>
      %add3A_352 = vector.broadcast %arg0 : i32 to vector<16xi32>
      %add3A_353 = arith.addi %mul3A_351, %add3A_352 : vector<16xi32>
      %swap3A_354 = arith.constant 112 : index
      %swap3A_355 = tpu.vector_load %arg8[%swap3A_354] {strides = array<i32>} : memref<128xi32, #tpu.memory_space<vmem>>, vector<16xi32>,
      %swap3A_356 = vector.shape_cast %swap3A_355 : vector<16xi32> to vector<16xi32>
      %swap3A_357 = vector.shape_cast %add3A_353 : vector<16xi32> to vector<16xi32>
      tpu.vector_store %arg8[%swap3A_354], %swap3A_357 {strides = array<i32>} : memref<128xi32, #tpu.memory_space<vmem>>, vector<16xi32>,
      "tpu.region"() ({
        %run_scoped3A = tpu.sem_alloc : memref<!tpu.dma_semaphore, #tpu.memory_space<semaphore_mem>>
        %dma_start3A_358 = arith.constant 0 : i32
        %dma_start3A_359 = arith.constant 0 : i32
        %dma_start3A_360 = tpu.memref_slice %arg4[%dma_start3A_358, %dma_start3A_359] : memref<20000x128xf32, #tpu.memory_space<hbm>> -> memref<20000x128xf32, #tpu.memory_space<hbm>>
        tpu.enqueue_indirect_dma source(%dma_start3A_360 : memref<20000x128xf32, #tpu.memory_space<hbm>>) target(%arg14 : memref<128x128xf32, #tpu.memory_space<vmem>>) offsets(%arg8 : memref<128xi32, #tpu.memory_space<vmem>>) semaphore(%run_scoped3A : memref<!tpu.dma_semaphore, #tpu.memory_space<semaphore_mem>>)
        %dma_wait3A_361 = arith.constant 0 : i32
        %dma_wait3A_362 = arith.constant 0 : i32
        %dma_wait3A_363 = tpu.memref_slice %arg4[%dma_wait3A_361, %dma_wait3A_362] : memref<20000x128xf32, #tpu.memory_space<hbm>> -> memref<20000x128xf32, #tpu.memory_space<hbm>>
        tpu.wait_indirect_dma semaphore(%run_scoped3A : memref<!tpu.dma_semaphore, #tpu.memory_space<semaphore_mem>>) src(%dma_wait3A_363 : memref<20000x128xf32, #tpu.memory_space<hbm>>) dst(%arg14 : memref<128x128xf32, #tpu.memory_space<vmem>>)
        tpu.yield
      }) : () -> ()
      "tpu.region"() ({
        %run_scoped3A = tpu.sem_alloc : memref<!tpu.dma_semaphore, #tpu.memory_space<semaphore_mem>>
        %dma_start3A_358 = tpu.memref_slice %arg3[%add3A_261] : memref<320000xi32, #tpu.memory_space<hbm>> -> memref<128xi32, #tpu.memory_space<hbm>>
        %dma_start3A_359 = tpu.memref_slice %arg3[%add3A_261] : memref<320000xi32, #tpu.memory_space<hbm>> -> memref<128xi32, #tpu.memory_space<hbm>>
        tpu.enqueue_dma source(%dma_start3A_359 : memref<128xi32, #tpu.memory_space<hbm>>) target(%arg11 : memref<128xi32, #tpu.memory_space<vmem>>) target_semaphore(%run_scoped3A : memref<!tpu.dma_semaphore, #tpu.memory_space<semaphore_mem>>)
        %dma_wait3A_360 = tpu.memref_slice %arg3[%add3A_261] : memref<320000xi32, #tpu.memory_space<hbm>> -> memref<128xi32, #tpu.memory_space<hbm>>
        %dma_wait3A_361 = tpu.memref_slice %arg3[%add3A_261] : memref<320000xi32, #tpu.memory_space<hbm>> -> memref<128xi32, #tpu.memory_space<hbm>>
        tpu.wait_dma2 semaphore(%run_scoped3A : memref<!tpu.dma_semaphore, #tpu.memory_space<semaphore_mem>>) src(%dma_wait3A_361 : memref<128xi32, #tpu.memory_space<hbm>>) dst(%arg11 : memref<128xi32, #tpu.memory_space<vmem>>)
        tpu.yield
      }) : () -> ()
      "tpu.region"() ({
        %run_scoped3A = tpu.sem_alloc : memref<!tpu.dma_semaphore, #tpu.memory_space<semaphore_mem>>
        %dma_start3A_358 = arith.constant 0 : i32
        %dma_start3A_359 = arith.constant 0 : i32
        %dma_start3A_360 = tpu.memref_slice %arg17[%dma_start3A_358, %dma_start3A_359] : memref<10000x128xf32, #tpu.memory_space<vmem_shared>> -> memref<10000x128xf32, #tpu.memory_space<vmem_shared>>
        tpu.enqueue_indirect_dma source(%arg14 : memref<128x128xf32, #tpu.memory_space<vmem>>) target(%dma_start3A_360 : memref<10000x128xf32, #tpu.memory_space<vmem_shared>>) offsets(%arg11 : memref<128xi32, #tpu.memory_space<vmem>>) semaphore(%run_scoped3A : memref<!tpu.dma_semaphore, #tpu.memory_space<semaphore_mem>>) {add = true}
        %dma_wait3A_361 = arith.constant 0 : i32
        %dma_wait3A_362 = arith.constant 0 : i32
        %dma_wait3A_363 = tpu.memref_slice %arg17[%dma_wait3A_361, %dma_wait3A_362] : memref<10000x128xf32, #tpu.memory_space<vmem_shared>> -> memref<10000x128xf32, #tpu.memory_space<vmem_shared>>
        tpu.wait_indirect_dma semaphore(%run_scoped3A : memref<!tpu.dma_semaphore, #tpu.memory_space<semaphore_mem>>) src(%arg14 : memref<128x128xf32, #tpu.memory_space<vmem>>) dst(%dma_wait3A_363 : memref<10000x128xf32, #tpu.memory_space<vmem_shared>>)
        tpu.yield
      }) : () -> ()
    } else {
    }
    %barrier3A_185 = arith.constant 0 : index
    tpu.barrier barrier_id(%barrier3A_185)
    %mul3A_186 = arith.constant 8 : i32
    %mul3A_187 = arith.muli %arg1, %mul3A_186 : i32
    %add3A_188 = arith.constant 0 : i32
    %add3A_189 = arith.addi %mul3A_187, %add3A_188 : i32
    %lt3A_190 = arith.constant 125 : i32
    %lt3A_191 = arith.cmpi slt, %add3A_189, %lt3A_190 : i32
    %convert_element_type3A_192 = arith.extui %lt3A_191 : i1 to i32
    %cond3A_193 = arith.constant 0 : i32
    %cond3A_194 = arith.cmpi ne, %convert_element_type3A_192, %cond3A_193 : i32
    scf.if %cond3A_194 {
      %mul3A_258 = arith.constant 80 : i32
      %mul3A_259 = arith.muli %add3A_189, %mul3A_258 : i32
      "tpu.region"() ({
        %run_scoped3A = tpu.sem_alloc : memref<!tpu.dma_semaphore, #tpu.memory_space<semaphore_mem>>
        %dma_start3A_265 = arith.constant 0 : i32
        %dma_start3A_266 = arith.constant 0 : i32
        %dma_start3A_267 = tpu.memref_slice %arg14[%dma_start3A_265, %dma_start3A_266] : memref<128x128xf32, #tpu.memory_space<vmem>> -> memref<80x128xf32, #tpu.memory_space<vmem>>
        %dma_start3A_268 = arith.constant 0 : i32
        %dma_start3A_269 = tpu.memref_slice %arg17[%mul3A_259, %dma_start3A_268] : memref<10000x128xf32, #tpu.memory_space<vmem_shared>> -> memref<80x128xf32, #tpu.memory_space<vmem_shared>>
        %dma_start3A_270 = arith.constant 0 : i32
        %dma_start3A_271 = arith.constant 0 : i32
        %dma_start3A_272 = tpu.memref_slice %arg14[%dma_start3A_270, %dma_start3A_271] : memref<128x128xf32, #tpu.memory_space<vmem>> -> memref<80x128xf32, #tpu.memory_space<vmem>>
        %dma_start3A_273 = arith.constant 0 : i32
        %dma_start3A_274 = tpu.memref_slice %arg17[%mul3A_259, %dma_start3A_273] : memref<10000x128xf32, #tpu.memory_space<vmem_shared>> -> memref<80x128xf32, #tpu.memory_space<vmem_shared>>
        tpu.enqueue_dma source(%dma_start3A_274 : memref<80x128xf32, #tpu.memory_space<vmem_shared>>) target(%dma_start3A_272 : memref<80x128xf32, #tpu.memory_space<vmem>>) target_semaphore(%run_scoped3A : memref<!tpu.dma_semaphore, #tpu.memory_space<semaphore_mem>>)
        %dma_wait3A_275 = arith.constant 0 : i32
        %dma_wait3A_276 = arith.constant 0 : i32
        %dma_wait3A_277 = tpu.memref_slice %arg14[%dma_wait3A_275, %dma_wait3A_276] : memref<128x128xf32, #tpu.memory_space<vmem>> -> memref<80x128xf32, #tpu.memory_space<vmem>>
        %dma_wait3A_278 = arith.constant 0 : i32
        %dma_wait3A_279 = tpu.memref_slice %arg17[%mul3A_259, %dma_wait3A_278] : memref<10000x128xf32, #tpu.memory_space<vmem_shared>> -> memref<80x128xf32, #tpu.memory_space<vmem_shared>>
        %dma_wait3A_280 = arith.constant 0 : i32
        %dma_wait3A_281 = arith.constant 0 : i32
        %dma_wait3A_282 = tpu.memref_slice %arg14[%dma_wait3A_280, %dma_wait3A_281] : memref<128x128xf32, #tpu.memory_space<vmem>> -> memref<80x128xf32, #tpu.memory_space<vmem>>
        %dma_wait3A_283 = arith.constant 0 : i32
        %dma_wait3A_284 = tpu.memref_slice %arg17[%mul3A_259, %dma_wait3A_283] : memref<10000x128xf32, #tpu.memory_space<vmem_shared>> -> memref<80x128xf32, #tpu.memory_space<vmem_shared>>
        tpu.wait_dma2 semaphore(%run_scoped3A : memref<!tpu.dma_semaphore, #tpu.memory_space<semaphore_mem>>) src(%dma_wait3A_284 : memref<80x128xf32, #tpu.memory_space<vmem_shared>>) dst(%dma_wait3A_282 : memref<80x128xf32, #tpu.memory_space<vmem>>)
        tpu.yield
      }) : () -> ()
      %mul3A_260 = arith.constant 10000 : i32
      %mul3A_261 = arith.muli %arg0, %mul3A_260 : i32
      %mul3A_262 = arith.constant 80 : i32
      %mul3A_263 = arith.muli %add3A_189, %mul3A_262 : i32
      %add3A_264 = arith.addi %mul3A_261, %mul3A_263 : i32
      "tpu.region"() ({
        %run_scoped3A = tpu.sem_alloc : memref<!tpu.dma_semaphore, #tpu.memory_space<semaphore_mem>>
        %dma_start3A_265 = arith.constant 0 : i32
        %dma_start3A_266 = arith.constant 0 : i32
        %dma_start3A_267 = tpu.memref_slice %arg14[%dma_start3A_265, %dma_start3A_266] : memref<128x128xf32, #tpu.memory_space<vmem>> -> memref<80x128xf32, #tpu.memory_space<vmem>>
        %dma_start3A_268 = arith.constant 0 : i32
        %dma_start3A_269 = tpu.memref_slice %arg6[%add3A_264, %dma_start3A_268] : memref<20000x128xf32, #tpu.memory_space<hbm>> -> memref<80x128xf32, #tpu.memory_space<hbm>>
        %dma_start3A_270 = arith.constant 0 : i32
        %dma_start3A_271 = tpu.memref_slice %arg6[%add3A_264, %dma_start3A_270] : memref<20000x128xf32, #tpu.memory_space<hbm>> -> memref<80x128xf32, #tpu.memory_space<hbm>>
        %dma_start3A_272 = arith.constant 0 : i32
        %dma_start3A_273 = arith.constant 0 : i32
        %dma_start3A_274 = tpu.memref_slice %arg14[%dma_start3A_272, %dma_start3A_273] : memref<128x128xf32, #tpu.memory_space<vmem>> -> memref<80x128xf32, #tpu.memory_space<vmem>>
        tpu.enqueue_dma source(%dma_start3A_274 : memref<80x128xf32, #tpu.memory_space<vmem>>) target(%dma_start3A_271 : memref<80x128xf32, #tpu.memory_space<hbm>>) target_semaphore(%run_scoped3A : memref<!tpu.dma_semaphore, #tpu.memory_space<semaphore_mem>>)
        %dma_wait3A_275 = arith.constant 0 : i32
        %dma_wait3A_276 = arith.constant 0 : i32
        %dma_wait3A_277 = tpu.memref_slice %arg14[%dma_wait3A_275, %dma_wait3A_276] : memref<128x128xf32, #tpu.memory_space<vmem>> -> memref<80x128xf32, #tpu.memory_space<vmem>>
        %dma_wait3A_278 = arith.constant 0 : i32
        %dma_wait3A_279 = tpu.memref_slice %arg6[%add3A_264, %dma_wait3A_278] : memref<20000x128xf32, #tpu.memory_space<hbm>> -> memref<80x128xf32, #tpu.memory_space<hbm>>
        %dma_wait3A_280 = arith.constant 0 : i32
        %dma_wait3A_281 = tpu.memref_slice %arg6[%add3A_264, %dma_wait3A_280] : memref<20000x128xf32, #tpu.memory_space<hbm>> -> memref<80x128xf32, #tpu.memory_space<hbm>>
        %dma_wait3A_282 = arith.constant 0 : i32
        %dma_wait3A_283 = arith.constant 0 : i32
        %dma_wait3A_284 = tpu.memref_slice %arg14[%dma_wait3A_282, %dma_wait3A_283] : memref<128x128xf32, #tpu.memory_space<vmem>> -> memref<80x128xf32, #tpu.memory_space<vmem>>
        tpu.wait_dma2 semaphore(%run_scoped3A : memref<!tpu.dma_semaphore, #tpu.memory_space<semaphore_mem>>) src(%dma_wait3A_284 : memref<80x128xf32, #tpu.memory_space<vmem>>) dst(%dma_wait3A_281 : memref<80x128xf32, #tpu.memory_space<hbm>>)
        tpu.yield
      }) : () -> ()
    } else {
    }
    %mul3A_195 = arith.constant 8 : i32
    %mul3A_196 = arith.muli %arg1, %mul3A_195 : i32
    %add3A_197 = arith.constant 1 : i32
    %add3A_198 = arith.addi %mul3A_196, %add3A_197 : i32
    %lt3A_199 = arith.constant 125 : i32
    %lt3A_200 = arith.cmpi slt, %add3A_198, %lt3A_199 : i32
    %convert_element_type3A_201 = arith.extui %lt3A_200 : i1 to i32
    %cond3A_202 = arith.constant 0 : i32
    %cond3A_203 = arith.cmpi ne, %convert_element_type3A_201, %cond3A_202 : i32
    scf.if %cond3A_203 {
      %mul3A_258 = arith.constant 80 : i32
      %mul3A_259 = arith.muli %add3A_198, %mul3A_258 : i32
      "tpu.region"() ({
        %run_scoped3A = tpu.sem_alloc : memref<!tpu.dma_semaphore, #tpu.memory_space<semaphore_mem>>
        %dma_start3A_265 = arith.constant 0 : i32
        %dma_start3A_266 = arith.constant 0 : i32
        %dma_start3A_267 = tpu.memref_slice %arg14[%dma_start3A_265, %dma_start3A_266] : memref<128x128xf32, #tpu.memory_space<vmem>> -> memref<80x128xf32, #tpu.memory_space<vmem>>
        %dma_start3A_268 = arith.constant 0 : i32
        %dma_start3A_269 = tpu.memref_slice %arg17[%mul3A_259, %dma_start3A_268] : memref<10000x128xf32, #tpu.memory_space<vmem_shared>> -> memref<80x128xf32, #tpu.memory_space<vmem_shared>>
        %dma_start3A_270 = arith.constant 0 : i32
        %dma_start3A_271 = arith.constant 0 : i32
        %dma_start3A_272 = tpu.memref_slice %arg14[%dma_start3A_270, %dma_start3A_271] : memref<128x128xf32, #tpu.memory_space<vmem>> -> memref<80x128xf32, #tpu.memory_space<vmem>>
        %dma_start3A_273 = arith.constant 0 : i32
        %dma_start3A_274 = tpu.memref_slice %arg17[%mul3A_259, %dma_start3A_273] : memref<10000x128xf32, #tpu.memory_space<vmem_shared>> -> memref<80x128xf32, #tpu.memory_space<vmem_shared>>
        tpu.enqueue_dma source(%dma_start3A_274 : memref<80x128xf32, #tpu.memory_space<vmem_shared>>) target(%dma_start3A_272 : memref<80x128xf32, #tpu.memory_space<vmem>>) target_semaphore(%run_scoped3A : memref<!tpu.dma_semaphore, #tpu.memory_space<semaphore_mem>>)
        %dma_wait3A_275 = arith.constant 0 : i32
        %dma_wait3A_276 = arith.constant 0 : i32
        %dma_wait3A_277 = tpu.memref_slice %arg14[%dma_wait3A_275, %dma_wait3A_276] : memref<128x128xf32, #tpu.memory_space<vmem>> -> memref<80x128xf32, #tpu.memory_space<vmem>>
        %dma_wait3A_278 = arith.constant 0 : i32
        %dma_wait3A_279 = tpu.memref_slice %arg17[%mul3A_259, %dma_wait3A_278] : memref<10000x128xf32, #tpu.memory_space<vmem_shared>> -> memref<80x128xf32, #tpu.memory_space<vmem_shared>>
        %dma_wait3A_280 = arith.constant 0 : i32
        %dma_wait3A_281 = arith.constant 0 : i32
        %dma_wait3A_282 = tpu.memref_slice %arg14[%dma_wait3A_280, %dma_wait3A_281] : memref<128x128xf32, #tpu.memory_space<vmem>> -> memref<80x128xf32, #tpu.memory_space<vmem>>
        %dma_wait3A_283 = arith.constant 0 : i32
        %dma_wait3A_284 = tpu.memref_slice %arg17[%mul3A_259, %dma_wait3A_283] : memref<10000x128xf32, #tpu.memory_space<vmem_shared>> -> memref<80x128xf32, #tpu.memory_space<vmem_shared>>
        tpu.wait_dma2 semaphore(%run_scoped3A : memref<!tpu.dma_semaphore, #tpu.memory_space<semaphore_mem>>) src(%dma_wait3A_284 : memref<80x128xf32, #tpu.memory_space<vmem_shared>>) dst(%dma_wait3A_282 : memref<80x128xf32, #tpu.memory_space<vmem>>)
        tpu.yield
      }) : () -> ()
      %mul3A_260 = arith.constant 10000 : i32
      %mul3A_261 = arith.muli %arg0, %mul3A_260 : i32
      %mul3A_262 = arith.constant 80 : i32
      %mul3A_263 = arith.muli %add3A_198, %mul3A_262 : i32
      %add3A_264 = arith.addi %mul3A_261, %mul3A_263 : i32
      "tpu.region"() ({
        %run_scoped3A = tpu.sem_alloc : memref<!tpu.dma_semaphore, #tpu.memory_space<semaphore_mem>>
        %dma_start3A_265 = arith.constant 0 : i32
        %dma_start3A_266 = arith.constant 0 : i32
        %dma_start3A_267 = tpu.memref_slice %arg14[%dma_start3A_265, %dma_start3A_266] : memref<128x128xf32, #tpu.memory_space<vmem>> -> memref<80x128xf32, #tpu.memory_space<vmem>>
        %dma_start3A_268 = arith.constant 0 : i32
        %dma_start3A_269 = tpu.memref_slice %arg6[%add3A_264, %dma_start3A_268] : memref<20000x128xf32, #tpu.memory_space<hbm>> -> memref<80x128xf32, #tpu.memory_space<hbm>>
        %dma_start3A_270 = arith.constant 0 : i32
        %dma_start3A_271 = tpu.memref_slice %arg6[%add3A_264, %dma_start3A_270] : memref<20000x128xf32, #tpu.memory_space<hbm>> -> memref<80x128xf32, #tpu.memory_space<hbm>>
        %dma_start3A_272 = arith.constant 0 : i32
        %dma_start3A_273 = arith.constant 0 : i32
        %dma_start3A_274 = tpu.memref_slice %arg14[%dma_start3A_272, %dma_start3A_273] : memref<128x128xf32, #tpu.memory_space<vmem>> -> memref<80x128xf32, #tpu.memory_space<vmem>>
        tpu.enqueue_dma source(%dma_start3A_274 : memref<80x128xf32, #tpu.memory_space<vmem>>) target(%dma_start3A_271 : memref<80x128xf32, #tpu.memory_space<hbm>>) target_semaphore(%run_scoped3A : memref<!tpu.dma_semaphore, #tpu.memory_space<semaphore_mem>>)
        %dma_wait3A_275 = arith.constant 0 : i32
        %dma_wait3A_276 = arith.constant 0 : i32
        %dma_wait3A_277 = tpu.memref_slice %arg14[%dma_wait3A_275, %dma_wait3A_276] : memref<128x128xf32, #tpu.memory_space<vmem>> -> memref<80x128xf32, #tpu.memory_space<vmem>>
        %dma_wait3A_278 = arith.constant 0 : i32
        %dma_wait3A_279 = tpu.memref_slice %arg6[%add3A_264, %dma_wait3A_278] : memref<20000x128xf32, #tpu.memory_space<hbm>> -> memref<80x128xf32, #tpu.memory_space<hbm>>
        %dma_wait3A_280 = arith.constant 0 : i32
        %dma_wait3A_281 = tpu.memref_slice %arg6[%add3A_264, %dma_wait3A_280] : memref<20000x128xf32, #tpu.memory_space<hbm>> -> memref<80x128xf32, #tpu.memory_space<hbm>>
        %dma_wait3A_282 = arith.constant 0 : i32
        %dma_wait3A_283 = arith.constant 0 : i32
        %dma_wait3A_284 = tpu.memref_slice %arg14[%dma_wait3A_282, %dma_wait3A_283] : memref<128x128xf32, #tpu.memory_space<vmem>> -> memref<80x128xf32, #tpu.memory_space<vmem>>
        tpu.wait_dma2 semaphore(%run_scoped3A : memref<!tpu.dma_semaphore, #tpu.memory_space<semaphore_mem>>) src(%dma_wait3A_284 : memref<80x128xf32, #tpu.memory_space<vmem>>) dst(%dma_wait3A_281 : memref<80x128xf32, #tpu.memory_space<hbm>>)
        tpu.yield
      }) : () -> ()
    } else {
    }
    %mul3A_204 = arith.constant 8 : i32
    %mul3A_205 = arith.muli %arg1, %mul3A_204 : i32
    %add3A_206 = arith.constant 2 : i32
    %add3A_207 = arith.addi %mul3A_205, %add3A_206 : i32
    %lt3A_208 = arith.constant 125 : i32
    %lt3A_209 = arith.cmpi slt, %add3A_207, %lt3A_208 : i32
    %convert_element_type3A_210 = arith.extui %lt3A_209 : i1 to i32
    %cond3A_211 = arith.constant 0 : i32
    %cond3A_212 = arith.cmpi ne, %convert_element_type3A_210, %cond3A_211 : i32
    scf.if %cond3A_212 {
      %mul3A_258 = arith.constant 80 : i32
      %mul3A_259 = arith.muli %add3A_207, %mul3A_258 : i32
      "tpu.region"() ({
        %run_scoped3A = tpu.sem_alloc : memref<!tpu.dma_semaphore, #tpu.memory_space<semaphore_mem>>
        %dma_start3A_265 = arith.constant 0 : i32
        %dma_start3A_266 = arith.constant 0 : i32
        %dma_start3A_267 = tpu.memref_slice %arg14[%dma_start3A_265, %dma_start3A_266] : memref<128x128xf32, #tpu.memory_space<vmem>> -> memref<80x128xf32, #tpu.memory_space<vmem>>
        %dma_start3A_268 = arith.constant 0 : i32
        %dma_start3A_269 = tpu.memref_slice %arg17[%mul3A_259, %dma_start3A_268] : memref<10000x128xf32, #tpu.memory_space<vmem_shared>> -> memref<80x128xf32, #tpu.memory_space<vmem_shared>>
        %dma_start3A_270 = arith.constant 0 : i32
        %dma_start3A_271 = arith.constant 0 : i32
        %dma_start3A_272 = tpu.memref_slice %arg14[%dma_start3A_270, %dma_start3A_271] : memref<128x128xf32, #tpu.memory_space<vmem>> -> memref<80x128xf32, #tpu.memory_space<vmem>>
        %dma_start3A_273 = arith.constant 0 : i32
        %dma_start3A_274 = tpu.memref_slice %arg17[%mul3A_259, %dma_start3A_273] : memref<10000x128xf32, #tpu.memory_space<vmem_shared>> -> memref<80x128xf32, #tpu.memory_space<vmem_shared>>
        tpu.enqueue_dma source(%dma_start3A_274 : memref<80x128xf32, #tpu.memory_space<vmem_shared>>) target(%dma_start3A_272 : memref<80x128xf32, #tpu.memory_space<vmem>>) target_semaphore(%run_scoped3A : memref<!tpu.dma_semaphore, #tpu.memory_space<semaphore_mem>>)
        %dma_wait3A_275 = arith.constant 0 : i32
        %dma_wait3A_276 = arith.constant 0 : i32
        %dma_wait3A_277 = tpu.memref_slice %arg14[%dma_wait3A_275, %dma_wait3A_276] : memref<128x128xf32, #tpu.memory_space<vmem>> -> memref<80x128xf32, #tpu.memory_space<vmem>>
        %dma_wait3A_278 = arith.constant 0 : i32
        %dma_wait3A_279 = tpu.memref_slice %arg17[%mul3A_259, %dma_wait3A_278] : memref<10000x128xf32, #tpu.memory_space<vmem_shared>> -> memref<80x128xf32, #tpu.memory_space<vmem_shared>>
        %dma_wait3A_280 = arith.constant 0 : i32
        %dma_wait3A_281 = arith.constant 0 : i32
        %dma_wait3A_282 = tpu.memref_slice %arg14[%dma_wait3A_280, %dma_wait3A_281] : memref<128x128xf32, #tpu.memory_space<vmem>> -> memref<80x128xf32, #tpu.memory_space<vmem>>
        %dma_wait3A_283 = arith.constant 0 : i32
        %dma_wait3A_284 = tpu.memref_slice %arg17[%mul3A_259, %dma_wait3A_283] : memref<10000x128xf32, #tpu.memory_space<vmem_shared>> -> memref<80x128xf32, #tpu.memory_space<vmem_shared>>
        tpu.wait_dma2 semaphore(%run_scoped3A : memref<!tpu.dma_semaphore, #tpu.memory_space<semaphore_mem>>) src(%dma_wait3A_284 : memref<80x128xf32, #tpu.memory_space<vmem_shared>>) dst(%dma_wait3A_282 : memref<80x128xf32, #tpu.memory_space<vmem>>)
        tpu.yield
      }) : () -> ()
      %mul3A_260 = arith.constant 10000 : i32
      %mul3A_261 = arith.muli %arg0, %mul3A_260 : i32
      %mul3A_262 = arith.constant 80 : i32
      %mul3A_263 = arith.muli %add3A_207, %mul3A_262 : i32
      %add3A_264 = arith.addi %mul3A_261, %mul3A_263 : i32
      "tpu.region"() ({
        %run_scoped3A = tpu.sem_alloc : memref<!tpu.dma_semaphore, #tpu.memory_space<semaphore_mem>>
        %dma_start3A_265 = arith.constant 0 : i32
        %dma_start3A_266 = arith.constant 0 : i32
        %dma_start3A_267 = tpu.memref_slice %arg14[%dma_start3A_265, %dma_start3A_266] : memref<128x128xf32, #tpu.memory_space<vmem>> -> memref<80x128xf32, #tpu.memory_space<vmem>>
        %dma_start3A_268 = arith.constant 0 : i32
        %dma_start3A_269 = tpu.memref_slice %arg6[%add3A_264, %dma_start3A_268] : memref<20000x128xf32, #tpu.memory_space<hbm>> -> memref<80x128xf32, #tpu.memory_space<hbm>>
        %dma_start3A_270 = arith.constant 0 : i32
        %dma_start3A_271 = tpu.memref_slice %arg6[%add3A_264, %dma_start3A_270] : memref<20000x128xf32, #tpu.memory_space<hbm>> -> memref<80x128xf32, #tpu.memory_space<hbm>>
        %dma_start3A_272 = arith.constant 0 : i32
        %dma_start3A_273 = arith.constant 0 : i32
        %dma_start3A_274 = tpu.memref_slice %arg14[%dma_start3A_272, %dma_start3A_273] : memref<128x128xf32, #tpu.memory_space<vmem>> -> memref<80x128xf32, #tpu.memory_space<vmem>>
        tpu.enqueue_dma source(%dma_start3A_274 : memref<80x128xf32, #tpu.memory_space<vmem>>) target(%dma_start3A_271 : memref<80x128xf32, #tpu.memory_space<hbm>>) target_semaphore(%run_scoped3A : memref<!tpu.dma_semaphore, #tpu.memory_space<semaphore_mem>>)
        %dma_wait3A_275 = arith.constant 0 : i32
        %dma_wait3A_276 = arith.constant 0 : i32
        %dma_wait3A_277 = tpu.memref_slice %arg14[%dma_wait3A_275, %dma_wait3A_276] : memref<128x128xf32, #tpu.memory_space<vmem>> -> memref<80x128xf32, #tpu.memory_space<vmem>>
        %dma_wait3A_278 = arith.constant 0 : i32
        %dma_wait3A_279 = tpu.memref_slice %arg6[%add3A_264, %dma_wait3A_278] : memref<20000x128xf32, #tpu.memory_space<hbm>> -> memref<80x128xf32, #tpu.memory_space<hbm>>
        %dma_wait3A_280 = arith.constant 0 : i32
        %dma_wait3A_281 = tpu.memref_slice %arg6[%add3A_264, %dma_wait3A_280] : memref<20000x128xf32, #tpu.memory_space<hbm>> -> memref<80x128xf32, #tpu.memory_space<hbm>>
        %dma_wait3A_282 = arith.constant 0 : i32
        %dma_wait3A_283 = arith.constant 0 : i32
        %dma_wait3A_284 = tpu.memref_slice %arg14[%dma_wait3A_282, %dma_wait3A_283] : memref<128x128xf32, #tpu.memory_space<vmem>> -> memref<80x128xf32, #tpu.memory_space<vmem>>
        tpu.wait_dma2 semaphore(%run_scoped3A : memref<!tpu.dma_semaphore, #tpu.memory_space<semaphore_mem>>) src(%dma_wait3A_284 : memref<80x128xf32, #tpu.memory_space<vmem>>) dst(%dma_wait3A_281 : memref<80x128xf32, #tpu.memory_space<hbm>>)
        tpu.yield
      }) : () -> ()
    } else {
    }
    %mul3A_213 = arith.constant 8 : i32
    %mul3A_214 = arith.muli %arg1, %mul3A_213 : i32
    %add3A_215 = arith.constant 3 : i32
    %add3A_216 = arith.addi %mul3A_214, %add3A_215 : i32
    %lt3A_217 = arith.constant 125 : i32
    %lt3A_218 = arith.cmpi slt, %add3A_216, %lt3A_217 : i32
    %convert_element_type3A_219 = arith.extui %lt3A_218 : i1 to i32
    %cond3A_220 = arith.constant 0 : i32
    %cond3A_221 = arith.cmpi ne, %convert_element_type3A_219, %cond3A_220 : i32
    scf.if %cond3A_221 {
      %mul3A_258 = arith.constant 80 : i32
      %mul3A_259 = arith.muli %add3A_216, %mul3A_258 : i32
      "tpu.region"() ({
        %run_scoped3A = tpu.sem_alloc : memref<!tpu.dma_semaphore, #tpu.memory_space<semaphore_mem>>
        %dma_start3A_265 = arith.constant 0 : i32
        %dma_start3A_266 = arith.constant 0 : i32
        %dma_start3A_267 = tpu.memref_slice %arg14[%dma_start3A_265, %dma_start3A_266] : memref<128x128xf32, #tpu.memory_space<vmem>> -> memref<80x128xf32, #tpu.memory_space<vmem>>
        %dma_start3A_268 = arith.constant 0 : i32
        %dma_start3A_269 = tpu.memref_slice %arg17[%mul3A_259, %dma_start3A_268] : memref<10000x128xf32, #tpu.memory_space<vmem_shared>> -> memref<80x128xf32, #tpu.memory_space<vmem_shared>>
        %dma_start3A_270 = arith.constant 0 : i32
        %dma_start3A_271 = arith.constant 0 : i32
        %dma_start3A_272 = tpu.memref_slice %arg14[%dma_start3A_270, %dma_start3A_271] : memref<128x128xf32, #tpu.memory_space<vmem>> -> memref<80x128xf32, #tpu.memory_space<vmem>>
        %dma_start3A_273 = arith.constant 0 : i32
        %dma_start3A_274 = tpu.memref_slice %arg17[%mul3A_259, %dma_start3A_273] : memref<10000x128xf32, #tpu.memory_space<vmem_shared>> -> memref<80x128xf32, #tpu.memory_space<vmem_shared>>
        tpu.enqueue_dma source(%dma_start3A_274 : memref<80x128xf32, #tpu.memory_space<vmem_shared>>) target(%dma_start3A_272 : memref<80x128xf32, #tpu.memory_space<vmem>>) target_semaphore(%run_scoped3A : memref<!tpu.dma_semaphore, #tpu.memory_space<semaphore_mem>>)
        %dma_wait3A_275 = arith.constant 0 : i32
        %dma_wait3A_276 = arith.constant 0 : i32
        %dma_wait3A_277 = tpu.memref_slice %arg14[%dma_wait3A_275, %dma_wait3A_276] : memref<128x128xf32, #tpu.memory_space<vmem>> -> memref<80x128xf32, #tpu.memory_space<vmem>>
        %dma_wait3A_278 = arith.constant 0 : i32
        %dma_wait3A_279 = tpu.memref_slice %arg17[%mul3A_259, %dma_wait3A_278] : memref<10000x128xf32, #tpu.memory_space<vmem_shared>> -> memref<80x128xf32, #tpu.memory_space<vmem_shared>>
        %dma_wait3A_280 = arith.constant 0 : i32
        %dma_wait3A_281 = arith.constant 0 : i32
        %dma_wait3A_282 = tpu.memref_slice %arg14[%dma_wait3A_280, %dma_wait3A_281] : memref<128x128xf32, #tpu.memory_space<vmem>> -> memref<80x128xf32, #tpu.memory_space<vmem>>
        %dma_wait3A_283 = arith.constant 0 : i32
        %dma_wait3A_284 = tpu.memref_slice %arg17[%mul3A_259, %dma_wait3A_283] : memref<10000x128xf32, #tpu.memory_space<vmem_shared>> -> memref<80x128xf32, #tpu.memory_space<vmem_shared>>
        tpu.wait_dma2 semaphore(%run_scoped3A : memref<!tpu.dma_semaphore, #tpu.memory_space<semaphore_mem>>) src(%dma_wait3A_284 : memref<80x128xf32, #tpu.memory_space<vmem_shared>>) dst(%dma_wait3A_282 : memref<80x128xf32, #tpu.memory_space<vmem>>)
        tpu.yield
      }) : () -> ()
      %mul3A_260 = arith.constant 10000 : i32
      %mul3A_261 = arith.muli %arg0, %mul3A_260 : i32
      %mul3A_262 = arith.constant 80 : i32
      %mul3A_263 = arith.muli %add3A_216, %mul3A_262 : i32
      %add3A_264 = arith.addi %mul3A_261, %mul3A_263 : i32
      "tpu.region"() ({
        %run_scoped3A = tpu.sem_alloc : memref<!tpu.dma_semaphore, #tpu.memory_space<semaphore_mem>>
        %dma_start3A_265 = arith.constant 0 : i32
        %dma_start3A_266 = arith.constant 0 : i32
        %dma_start3A_267 = tpu.memref_slice %arg14[%dma_start3A_265, %dma_start3A_266] : memref<128x128xf32, #tpu.memory_space<vmem>> -> memref<80x128xf32, #tpu.memory_space<vmem>>
        %dma_start3A_268 = arith.constant 0 : i32
        %dma_start3A_269 = tpu.memref_slice %arg6[%add3A_264, %dma_start3A_268] : memref<20000x128xf32, #tpu.memory_space<hbm>> -> memref<80x128xf32, #tpu.memory_space<hbm>>
        %dma_start3A_270 = arith.constant 0 : i32
        %dma_start3A_271 = tpu.memref_slice %arg6[%add3A_264, %dma_start3A_270] : memref<20000x128xf32, #tpu.memory_space<hbm>> -> memref<80x128xf32, #tpu.memory_space<hbm>>
        %dma_start3A_272 = arith.constant 0 : i32
        %dma_start3A_273 = arith.constant 0 : i32
        %dma_start3A_274 = tpu.memref_slice %arg14[%dma_start3A_272, %dma_start3A_273] : memref<128x128xf32, #tpu.memory_space<vmem>> -> memref<80x128xf32, #tpu.memory_space<vmem>>
        tpu.enqueue_dma source(%dma_start3A_274 : memref<80x128xf32, #tpu.memory_space<vmem>>) target(%dma_start3A_271 : memref<80x128xf32, #tpu.memory_space<hbm>>) target_semaphore(%run_scoped3A : memref<!tpu.dma_semaphore, #tpu.memory_space<semaphore_mem>>)
        %dma_wait3A_275 = arith.constant 0 : i32
        %dma_wait3A_276 = arith.constant 0 : i32
        %dma_wait3A_277 = tpu.memref_slice %arg14[%dma_wait3A_275, %dma_wait3A_276] : memref<128x128xf32, #tpu.memory_space<vmem>> -> memref<80x128xf32, #tpu.memory_space<vmem>>
        %dma_wait3A_278 = arith.constant 0 : i32
        %dma_wait3A_279 = tpu.memref_slice %arg6[%add3A_264, %dma_wait3A_278] : memref<20000x128xf32, #tpu.memory_space<hbm>> -> memref<80x128xf32, #tpu.memory_space<hbm>>
        %dma_wait3A_280 = arith.constant 0 : i32
        %dma_wait3A_281 = tpu.memref_slice %arg6[%add3A_264, %dma_wait3A_280] : memref<20000x128xf32, #tpu.memory_space<hbm>> -> memref<80x128xf32, #tpu.memory_space<hbm>>
        %dma_wait3A_282 = arith.constant 0 : i32
        %dma_wait3A_283 = arith.constant 0 : i32
        %dma_wait3A_284 = tpu.memref_slice %arg14[%dma_wait3A_282, %dma_wait3A_283] : memref<128x128xf32, #tpu.memory_space<vmem>> -> memref<80x128xf32, #tpu.memory_space<vmem>>
        tpu.wait_dma2 semaphore(%run_scoped3A : memref<!tpu.dma_semaphore, #tpu.memory_space<semaphore_mem>>) src(%dma_wait3A_284 : memref<80x128xf32, #tpu.memory_space<vmem>>) dst(%dma_wait3A_281 : memref<80x128xf32, #tpu.memory_space<hbm>>)
        tpu.yield
      }) : () -> ()
    } else {
    }
    %mul3A_222 = arith.constant 8 : i32
    %mul3A_223 = arith.muli %arg1, %mul3A_222 : i32
    %add3A_224 = arith.constant 4 : i32
    %add3A_225 = arith.addi %mul3A_223, %add3A_224 : i32
    %lt3A_226 = arith.constant 125 : i32
    %lt3A_227 = arith.cmpi slt, %add3A_225, %lt3A_226 : i32
    %convert_element_type3A_228 = arith.extui %lt3A_227 : i1 to i32
    %cond3A_229 = arith.constant 0 : i32
    %cond3A_230 = arith.cmpi ne, %convert_element_type3A_228, %cond3A_229 : i32
    scf.if %cond3A_230 {
      %mul3A_258 = arith.constant 80 : i32
      %mul3A_259 = arith.muli %add3A_225, %mul3A_258 : i32
      "tpu.region"() ({
        %run_scoped3A = tpu.sem_alloc : memref<!tpu.dma_semaphore, #tpu.memory_space<semaphore_mem>>
        %dma_start3A_265 = arith.constant 0 : i32
        %dma_start3A_266 = arith.constant 0 : i32
        %dma_start3A_267 = tpu.memref_slice %arg14[%dma_start3A_265, %dma_start3A_266] : memref<128x128xf32, #tpu.memory_space<vmem>> -> memref<80x128xf32, #tpu.memory_space<vmem>>
        %dma_start3A_268 = arith.constant 0 : i32
        %dma_start3A_269 = tpu.memref_slice %arg17[%mul3A_259, %dma_start3A_268] : memref<10000x128xf32, #tpu.memory_space<vmem_shared>> -> memref<80x128xf32, #tpu.memory_space<vmem_shared>>
        %dma_start3A_270 = arith.constant 0 : i32
        %dma_start3A_271 = arith.constant 0 : i32
        %dma_start3A_272 = tpu.memref_slice %arg14[%dma_start3A_270, %dma_start3A_271] : memref<128x128xf32, #tpu.memory_space<vmem>> -> memref<80x128xf32, #tpu.memory_space<vmem>>
        %dma_start3A_273 = arith.constant 0 : i32
        %dma_start3A_274 = tpu.memref_slice %arg17[%mul3A_259, %dma_start3A_273] : memref<10000x128xf32, #tpu.memory_space<vmem_shared>> -> memref<80x128xf32, #tpu.memory_space<vmem_shared>>
        tpu.enqueue_dma source(%dma_start3A_274 : memref<80x128xf32, #tpu.memory_space<vmem_shared>>) target(%dma_start3A_272 : memref<80x128xf32, #tpu.memory_space<vmem>>) target_semaphore(%run_scoped3A : memref<!tpu.dma_semaphore, #tpu.memory_space<semaphore_mem>>)
        %dma_wait3A_275 = arith.constant 0 : i32
        %dma_wait3A_276 = arith.constant 0 : i32
        %dma_wait3A_277 = tpu.memref_slice %arg14[%dma_wait3A_275, %dma_wait3A_276] : memref<128x128xf32, #tpu.memory_space<vmem>> -> memref<80x128xf32, #tpu.memory_space<vmem>>
        %dma_wait3A_278 = arith.constant 0 : i32
        %dma_wait3A_279 = tpu.memref_slice %arg17[%mul3A_259, %dma_wait3A_278] : memref<10000x128xf32, #tpu.memory_space<vmem_shared>> -> memref<80x128xf32, #tpu.memory_space<vmem_shared>>
        %dma_wait3A_280 = arith.constant 0 : i32
        %dma_wait3A_281 = arith.constant 0 : i32
        %dma_wait3A_282 = tpu.memref_slice %arg14[%dma_wait3A_280, %dma_wait3A_281] : memref<128x128xf32, #tpu.memory_space<vmem>> -> memref<80x128xf32, #tpu.memory_space<vmem>>
        %dma_wait3A_283 = arith.constant 0 : i32
        %dma_wait3A_284 = tpu.memref_slice %arg17[%mul3A_259, %dma_wait3A_283] : memref<10000x128xf32, #tpu.memory_space<vmem_shared>> -> memref<80x128xf32, #tpu.memory_space<vmem_shared>>
        tpu.wait_dma2 semaphore(%run_scoped3A : memref<!tpu.dma_semaphore, #tpu.memory_space<semaphore_mem>>) src(%dma_wait3A_284 : memref<80x128xf32, #tpu.memory_space<vmem_shared>>) dst(%dma_wait3A_282 : memref<80x128xf32, #tpu.memory_space<vmem>>)
        tpu.yield
      }) : () -> ()
      %mul3A_260 = arith.constant 10000 : i32
      %mul3A_261 = arith.muli %arg0, %mul3A_260 : i32
      %mul3A_262 = arith.constant 80 : i32
      %mul3A_263 = arith.muli %add3A_225, %mul3A_262 : i32
      %add3A_264 = arith.addi %mul3A_261, %mul3A_263 : i32
      "tpu.region"() ({
        %run_scoped3A = tpu.sem_alloc : memref<!tpu.dma_semaphore, #tpu.memory_space<semaphore_mem>>
        %dma_start3A_265 = arith.constant 0 : i32
        %dma_start3A_266 = arith.constant 0 : i32
        %dma_start3A_267 = tpu.memref_slice %arg14[%dma_start3A_265, %dma_start3A_266] : memref<128x128xf32, #tpu.memory_space<vmem>> -> memref<80x128xf32, #tpu.memory_space<vmem>>
        %dma_start3A_268 = arith.constant 0 : i32
        %dma_start3A_269 = tpu.memref_slice %arg6[%add3A_264, %dma_start3A_268] : memref<20000x128xf32, #tpu.memory_space<hbm>> -> memref<80x128xf32, #tpu.memory_space<hbm>>
        %dma_start3A_270 = arith.constant 0 : i32
        %dma_start3A_271 = tpu.memref_slice %arg6[%add3A_264, %dma_start3A_270] : memref<20000x128xf32, #tpu.memory_space<hbm>> -> memref<80x128xf32, #tpu.memory_space<hbm>>
        %dma_start3A_272 = arith.constant 0 : i32
        %dma_start3A_273 = arith.constant 0 : i32
        %dma_start3A_274 = tpu.memref_slice %arg14[%dma_start3A_272, %dma_start3A_273] : memref<128x128xf32, #tpu.memory_space<vmem>> -> memref<80x128xf32, #tpu.memory_space<vmem>>
        tpu.enqueue_dma source(%dma_start3A_274 : memref<80x128xf32, #tpu.memory_space<vmem>>) target(%dma_start3A_271 : memref<80x128xf32, #tpu.memory_space<hbm>>) target_semaphore(%run_scoped3A : memref<!tpu.dma_semaphore, #tpu.memory_space<semaphore_mem>>)
        %dma_wait3A_275 = arith.constant 0 : i32
        %dma_wait3A_276 = arith.constant 0 : i32
        %dma_wait3A_277 = tpu.memref_slice %arg14[%dma_wait3A_275, %dma_wait3A_276] : memref<128x128xf32, #tpu.memory_space<vmem>> -> memref<80x128xf32, #tpu.memory_space<vmem>>
        %dma_wait3A_278 = arith.constant 0 : i32
        %dma_wait3A_279 = tpu.memref_slice %arg6[%add3A_264, %dma_wait3A_278] : memref<20000x128xf32, #tpu.memory_space<hbm>> -> memref<80x128xf32, #tpu.memory_space<hbm>>
        %dma_wait3A_280 = arith.constant 0 : i32
        %dma_wait3A_281 = tpu.memref_slice %arg6[%add3A_264, %dma_wait3A_280] : memref<20000x128xf32, #tpu.memory_space<hbm>> -> memref<80x128xf32, #tpu.memory_space<hbm>>
        %dma_wait3A_282 = arith.constant 0 : i32
        %dma_wait3A_283 = arith.constant 0 : i32
        %dma_wait3A_284 = tpu.memref_slice %arg14[%dma_wait3A_282, %dma_wait3A_283] : memref<128x128xf32, #tpu.memory_space<vmem>> -> memref<80x128xf32, #tpu.memory_space<vmem>>
        tpu.wait_dma2 semaphore(%run_scoped3A : memref<!tpu.dma_semaphore, #tpu.memory_space<semaphore_mem>>) src(%dma_wait3A_284 : memref<80x128xf32, #tpu.memory_space<vmem>>) dst(%dma_wait3A_281 : memref<80x128xf32, #tpu.memory_space<hbm>>)
        tpu.yield
      }) : () -> ()
    } else {
    }
    %mul3A_231 = arith.constant 8 : i32
    %mul3A_232 = arith.muli %arg1, %mul3A_231 : i32
    %add3A_233 = arith.constant 5 : i32
    %add3A_234 = arith.addi %mul3A_232, %add3A_233 : i32
    %lt3A_235 = arith.constant 125 : i32
    %lt3A_236 = arith.cmpi slt, %add3A_234, %lt3A_235 : i32
    %convert_element_type3A_237 = arith.extui %lt3A_236 : i1 to i32
    %cond3A_238 = arith.constant 0 : i32
    %cond3A_239 = arith.cmpi ne, %convert_element_type3A_237, %cond3A_238 : i32
    scf.if %cond3A_239 {
      %mul3A_258 = arith.constant 80 : i32
      %mul3A_259 = arith.muli %add3A_234, %mul3A_258 : i32
      "tpu.region"() ({
        %run_scoped3A = tpu.sem_alloc : memref<!tpu.dma_semaphore, #tpu.memory_space<semaphore_mem>>
        %dma_start3A_265 = arith.constant 0 : i32
        %dma_start3A_266 = arith.constant 0 : i32
        %dma_start3A_267 = tpu.memref_slice %arg14[%dma_start3A_265, %dma_start3A_266] : memref<128x128xf32, #tpu.memory_space<vmem>> -> memref<80x128xf32, #tpu.memory_space<vmem>>
        %dma_start3A_268 = arith.constant 0 : i32
        %dma_start3A_269 = tpu.memref_slice %arg17[%mul3A_259, %dma_start3A_268] : memref<10000x128xf32, #tpu.memory_space<vmem_shared>> -> memref<80x128xf32, #tpu.memory_space<vmem_shared>>
        %dma_start3A_270 = arith.constant 0 : i32
        %dma_start3A_271 = arith.constant 0 : i32
        %dma_start3A_272 = tpu.memref_slice %arg14[%dma_start3A_270, %dma_start3A_271] : memref<128x128xf32, #tpu.memory_space<vmem>> -> memref<80x128xf32, #tpu.memory_space<vmem>>
        %dma_start3A_273 = arith.constant 0 : i32
        %dma_start3A_274 = tpu.memref_slice %arg17[%mul3A_259, %dma_start3A_273] : memref<10000x128xf32, #tpu.memory_space<vmem_shared>> -> memref<80x128xf32, #tpu.memory_space<vmem_shared>>
        tpu.enqueue_dma source(%dma_start3A_274 : memref<80x128xf32, #tpu.memory_space<vmem_shared>>) target(%dma_start3A_272 : memref<80x128xf32, #tpu.memory_space<vmem>>) target_semaphore(%run_scoped3A : memref<!tpu.dma_semaphore, #tpu.memory_space<semaphore_mem>>)
        %dma_wait3A_275 = arith.constant 0 : i32
        %dma_wait3A_276 = arith.constant 0 : i32
        %dma_wait3A_277 = tpu.memref_slice %arg14[%dma_wait3A_275, %dma_wait3A_276] : memref<128x128xf32, #tpu.memory_space<vmem>> -> memref<80x128xf32, #tpu.memory_space<vmem>>
        %dma_wait3A_278 = arith.constant 0 : i32
        %dma_wait3A_279 = tpu.memref_slice %arg17[%mul3A_259, %dma_wait3A_278] : memref<10000x128xf32, #tpu.memory_space<vmem_shared>> -> memref<80x128xf32, #tpu.memory_space<vmem_shared>>
        %dma_wait3A_280 = arith.constant 0 : i32
        %dma_wait3A_281 = arith.constant 0 : i32
        %dma_wait3A_282 = tpu.memref_slice %arg14[%dma_wait3A_280, %dma_wait3A_281] : memref<128x128xf32, #tpu.memory_space<vmem>> -> memref<80x128xf32, #tpu.memory_space<vmem>>
        %dma_wait3A_283 = arith.constant 0 : i32
        %dma_wait3A_284 = tpu.memref_slice %arg17[%mul3A_259, %dma_wait3A_283] : memref<10000x128xf32, #tpu.memory_space<vmem_shared>> -> memref<80x128xf32, #tpu.memory_space<vmem_shared>>
        tpu.wait_dma2 semaphore(%run_scoped3A : memref<!tpu.dma_semaphore, #tpu.memory_space<semaphore_mem>>) src(%dma_wait3A_284 : memref<80x128xf32, #tpu.memory_space<vmem_shared>>) dst(%dma_wait3A_282 : memref<80x128xf32, #tpu.memory_space<vmem>>)
        tpu.yield
      }) : () -> ()
      %mul3A_260 = arith.constant 10000 : i32
      %mul3A_261 = arith.muli %arg0, %mul3A_260 : i32
      %mul3A_262 = arith.constant 80 : i32
      %mul3A_263 = arith.muli %add3A_234, %mul3A_262 : i32
      %add3A_264 = arith.addi %mul3A_261, %mul3A_263 : i32
      "tpu.region"() ({
        %run_scoped3A = tpu.sem_alloc : memref<!tpu.dma_semaphore, #tpu.memory_space<semaphore_mem>>
        %dma_start3A_265 = arith.constant 0 : i32
        %dma_start3A_266 = arith.constant 0 : i32
        %dma_start3A_267 = tpu.memref_slice %arg14[%dma_start3A_265, %dma_start3A_266] : memref<128x128xf32, #tpu.memory_space<vmem>> -> memref<80x128xf32, #tpu.memory_space<vmem>>
        %dma_start3A_268 = arith.constant 0 : i32
        %dma_start3A_269 = tpu.memref_slice %arg6[%add3A_264, %dma_start3A_268] : memref<20000x128xf32, #tpu.memory_space<hbm>> -> memref<80x128xf32, #tpu.memory_space<hbm>>
        %dma_start3A_270 = arith.constant 0 : i32
        %dma_start3A_271 = tpu.memref_slice %arg6[%add3A_264, %dma_start3A_270] : memref<20000x128xf32, #tpu.memory_space<hbm>> -> memref<80x128xf32, #tpu.memory_space<hbm>>
        %dma_start3A_272 = arith.constant 0 : i32
        %dma_start3A_273 = arith.constant 0 : i32
        %dma_start3A_274 = tpu.memref_slice %arg14[%dma_start3A_272, %dma_start3A_273] : memref<128x128xf32, #tpu.memory_space<vmem>> -> memref<80x128xf32, #tpu.memory_space<vmem>>
        tpu.enqueue_dma source(%dma_start3A_274 : memref<80x128xf32, #tpu.memory_space<vmem>>) target(%dma_start3A_271 : memref<80x128xf32, #tpu.memory_space<hbm>>) target_semaphore(%run_scoped3A : memref<!tpu.dma_semaphore, #tpu.memory_space<semaphore_mem>>)
        %dma_wait3A_275 = arith.constant 0 : i32
        %dma_wait3A_276 = arith.constant 0 : i32
        %dma_wait3A_277 = tpu.memref_slice %arg14[%dma_wait3A_275, %dma_wait3A_276] : memref<128x128xf32, #tpu.memory_space<vmem>> -> memref<80x128xf32, #tpu.memory_space<vmem>>
        %dma_wait3A_278 = arith.constant 0 : i32
        %dma_wait3A_279 = tpu.memref_slice %arg6[%add3A_264, %dma_wait3A_278] : memref<20000x128xf32, #tpu.memory_space<hbm>> -> memref<80x128xf32, #tpu.memory_space<hbm>>
        %dma_wait3A_280 = arith.constant 0 : i32
        %dma_wait3A_281 = tpu.memref_slice %arg6[%add3A_264, %dma_wait3A_280] : memref<20000x128xf32, #tpu.memory_space<hbm>> -> memref<80x128xf32, #tpu.memory_space<hbm>>
        %dma_wait3A_282 = arith.constant 0 : i32
        %dma_wait3A_283 = arith.constant 0 : i32
        %dma_wait3A_284 = tpu.memref_slice %arg14[%dma_wait3A_282, %dma_wait3A_283] : memref<128x128xf32, #tpu.memory_space<vmem>> -> memref<80x128xf32, #tpu.memory_space<vmem>>
        tpu.wait_dma2 semaphore(%run_scoped3A : memref<!tpu.dma_semaphore, #tpu.memory_space<semaphore_mem>>) src(%dma_wait3A_284 : memref<80x128xf32, #tpu.memory_space<vmem>>) dst(%dma_wait3A_281 : memref<80x128xf32, #tpu.memory_space<hbm>>)
        tpu.yield
      }) : () -> ()
    } else {
    }
    %mul3A_240 = arith.constant 8 : i32
    %mul3A_241 = arith.muli %arg1, %mul3A_240 : i32
    %add3A_242 = arith.constant 6 : i32
    %add3A_243 = arith.addi %mul3A_241, %add3A_242 : i32
    %lt3A_244 = arith.constant 125 : i32
    %lt3A_245 = arith.cmpi slt, %add3A_243, %lt3A_244 : i32
    %convert_element_type3A_246 = arith.extui %lt3A_245 : i1 to i32
    %cond3A_247 = arith.constant 0 : i32
    %cond3A_248 = arith.cmpi ne, %convert_element_type3A_246, %cond3A_247 : i32
    scf.if %cond3A_248 {
      %mul3A_258 = arith.constant 80 : i32
      %mul3A_259 = arith.muli %add3A_243, %mul3A_258 : i32
      "tpu.region"() ({
        %run_scoped3A = tpu.sem_alloc : memref<!tpu.dma_semaphore, #tpu.memory_space<semaphore_mem>>
        %dma_start3A_265 = arith.constant 0 : i32
        %dma_start3A_266 = arith.constant 0 : i32
        %dma_start3A_267 = tpu.memref_slice %arg14[%dma_start3A_265, %dma_start3A_266] : memref<128x128xf32, #tpu.memory_space<vmem>> -> memref<80x128xf32, #tpu.memory_space<vmem>>
        %dma_start3A_268 = arith.constant 0 : i32
        %dma_start3A_269 = tpu.memref_slice %arg17[%mul3A_259, %dma_start3A_268] : memref<10000x128xf32, #tpu.memory_space<vmem_shared>> -> memref<80x128xf32, #tpu.memory_space<vmem_shared>>
        %dma_start3A_270 = arith.constant 0 : i32
        %dma_start3A_271 = arith.constant 0 : i32
        %dma_start3A_272 = tpu.memref_slice %arg14[%dma_start3A_270, %dma_start3A_271] : memref<128x128xf32, #tpu.memory_space<vmem>> -> memref<80x128xf32, #tpu.memory_space<vmem>>
        %dma_start3A_273 = arith.constant 0 : i32
        %dma_start3A_274 = tpu.memref_slice %arg17[%mul3A_259, %dma_start3A_273] : memref<10000x128xf32, #tpu.memory_space<vmem_shared>> -> memref<80x128xf32, #tpu.memory_space<vmem_shared>>
        tpu.enqueue_dma source(%dma_start3A_274 : memref<80x128xf32, #tpu.memory_space<vmem_shared>>) target(%dma_start3A_272 : memref<80x128xf32, #tpu.memory_space<vmem>>) target_semaphore(%run_scoped3A : memref<!tpu.dma_semaphore, #tpu.memory_space<semaphore_mem>>)
        %dma_wait3A_275 = arith.constant 0 : i32
        %dma_wait3A_276 = arith.constant 0 : i32
        %dma_wait3A_277 = tpu.memref_slice %arg14[%dma_wait3A_275, %dma_wait3A_276] : memref<128x128xf32, #tpu.memory_space<vmem>> -> memref<80x128xf32, #tpu.memory_space<vmem>>
        %dma_wait3A_278 = arith.constant 0 : i32
        %dma_wait3A_279 = tpu.memref_slice %arg17[%mul3A_259, %dma_wait3A_278] : memref<10000x128xf32, #tpu.memory_space<vmem_shared>> -> memref<80x128xf32, #tpu.memory_space<vmem_shared>>
        %dma_wait3A_280 = arith.constant 0 : i32
        %dma_wait3A_281 = arith.constant 0 : i32
        %dma_wait3A_282 = tpu.memref_slice %arg14[%dma_wait3A_280, %dma_wait3A_281] : memref<128x128xf32, #tpu.memory_space<vmem>> -> memref<80x128xf32, #tpu.memory_space<vmem>>
        %dma_wait3A_283 = arith.constant 0 : i32
        %dma_wait3A_284 = tpu.memref_slice %arg17[%mul3A_259, %dma_wait3A_283] : memref<10000x128xf32, #tpu.memory_space<vmem_shared>> -> memref<80x128xf32, #tpu.memory_space<vmem_shared>>
        tpu.wait_dma2 semaphore(%run_scoped3A : memref<!tpu.dma_semaphore, #tpu.memory_space<semaphore_mem>>) src(%dma_wait3A_284 : memref<80x128xf32, #tpu.memory_space<vmem_shared>>) dst(%dma_wait3A_282 : memref<80x128xf32, #tpu.memory_space<vmem>>)
        tpu.yield
      }) : () -> ()
      %mul3A_260 = arith.constant 10000 : i32
      %mul3A_261 = arith.muli %arg0, %mul3A_260 : i32
      %mul3A_262 = arith.constant 80 : i32
      %mul3A_263 = arith.muli %add3A_243, %mul3A_262 : i32
      %add3A_264 = arith.addi %mul3A_261, %mul3A_263 : i32
      "tpu.region"() ({
        %run_scoped3A = tpu.sem_alloc : memref<!tpu.dma_semaphore, #tpu.memory_space<semaphore_mem>>
        %dma_start3A_265 = arith.constant 0 : i32
        %dma_start3A_266 = arith.constant 0 : i32
        %dma_start3A_267 = tpu.memref_slice %arg14[%dma_start3A_265, %dma_start3A_266] : memref<128x128xf32, #tpu.memory_space<vmem>> -> memref<80x128xf32, #tpu.memory_space<vmem>>
        %dma_start3A_268 = arith.constant 0 : i32
        %dma_start3A_269 = tpu.memref_slice %arg6[%add3A_264, %dma_start3A_268] : memref<20000x128xf32, #tpu.memory_space<hbm>> -> memref<80x128xf32, #tpu.memory_space<hbm>>
        %dma_start3A_270 = arith.constant 0 : i32
        %dma_start3A_271 = tpu.memref_slice %arg6[%add3A_264, %dma_start3A_270] : memref<20000x128xf32, #tpu.memory_space<hbm>> -> memref<80x128xf32, #tpu.memory_space<hbm>>
        %dma_start3A_272 = arith.constant 0 : i32
        %dma_start3A_273 = arith.constant 0 : i32
        %dma_start3A_274 = tpu.memref_slice %arg14[%dma_start3A_272, %dma_start3A_273] : memref<128x128xf32, #tpu.memory_space<vmem>> -> memref<80x128xf32, #tpu.memory_space<vmem>>
        tpu.enqueue_dma source(%dma_start3A_274 : memref<80x128xf32, #tpu.memory_space<vmem>>) target(%dma_start3A_271 : memref<80x128xf32, #tpu.memory_space<hbm>>) target_semaphore(%run_scoped3A : memref<!tpu.dma_semaphore, #tpu.memory_space<semaphore_mem>>)
        %dma_wait3A_275 = arith.constant 0 : i32
        %dma_wait3A_276 = arith.constant 0 : i32
        %dma_wait3A_277 = tpu.memref_slice %arg14[%dma_wait3A_275, %dma_wait3A_276] : memref<128x128xf32, #tpu.memory_space<vmem>> -> memref<80x128xf32, #tpu.memory_space<vmem>>
        %dma_wait3A_278 = arith.constant 0 : i32
        %dma_wait3A_279 = tpu.memref_slice %arg6[%add3A_264, %dma_wait3A_278] : memref<20000x128xf32, #tpu.memory_space<hbm>> -> memref<80x128xf32, #tpu.memory_space<hbm>>
        %dma_wait3A_280 = arith.constant 0 : i32
        %dma_wait3A_281 = tpu.memref_slice %arg6[%add3A_264, %dma_wait3A_280] : memref<20000x128xf32, #tpu.memory_space<hbm>> -> memref<80x128xf32, #tpu.memory_space<hbm>>
        %dma_wait3A_282 = arith.constant 0 : i32
        %dma_wait3A_283 = arith.constant 0 : i32
        %dma_wait3A_284 = tpu.memref_slice %arg14[%dma_wait3A_282, %dma_wait3A_283] : memref<128x128xf32, #tpu.memory_space<vmem>> -> memref<80x128xf32, #tpu.memory_space<vmem>>
        tpu.wait_dma2 semaphore(%run_scoped3A : memref<!tpu.dma_semaphore, #tpu.memory_space<semaphore_mem>>) src(%dma_wait3A_284 : memref<80x128xf32, #tpu.memory_space<vmem>>) dst(%dma_wait3A_281 : memref<80x128xf32, #tpu.memory_space<hbm>>)
        tpu.yield
      }) : () -> ()
    } else {
    }
    %mul3A_249 = arith.constant 8 : i32
    %mul3A_250 = arith.muli %arg1, %mul3A_249 : i32
    %add3A_251 = arith.constant 7 : i32
    %add3A_252 = arith.addi %mul3A_250, %add3A_251 : i32
    %lt3A_253 = arith.constant 125 : i32
    %lt3A_254 = arith.cmpi slt, %add3A_252, %lt3A_253 : i32
    %convert_element_type3A_255 = arith.extui %lt3A_254 : i1 to i32
    %cond3A_256 = arith.constant 0 : i32
    %cond3A_257 = arith.cmpi ne, %convert_element_type3A_255, %cond3A_256 : i32
    scf.if %cond3A_257 {
      %mul3A_258 = arith.constant 80 : i32
      %mul3A_259 = arith.muli %add3A_252, %mul3A_258 : i32
      "tpu.region"() ({
        %run_scoped3A = tpu.sem_alloc : memref<!tpu.dma_semaphore, #tpu.memory_space<semaphore_mem>>
        %dma_start3A_265 = arith.constant 0 : i32
        %dma_start3A_266 = arith.constant 0 : i32
        %dma_start3A_267 = tpu.memref_slice %arg14[%dma_start3A_265, %dma_start3A_266] : memref<128x128xf32, #tpu.memory_space<vmem>> -> memref<80x128xf32, #tpu.memory_space<vmem>>
        %dma_start3A_268 = arith.constant 0 : i32
        %dma_start3A_269 = tpu.memref_slice %arg17[%mul3A_259, %dma_start3A_268] : memref<10000x128xf32, #tpu.memory_space<vmem_shared>> -> memref<80x128xf32, #tpu.memory_space<vmem_shared>>
        %dma_start3A_270 = arith.constant 0 : i32
        %dma_start3A_271 = arith.constant 0 : i32
        %dma_start3A_272 = tpu.memref_slice %arg14[%dma_start3A_270, %dma_start3A_271] : memref<128x128xf32, #tpu.memory_space<vmem>> -> memref<80x128xf32, #tpu.memory_space<vmem>>
        %dma_start3A_273 = arith.constant 0 : i32
        %dma_start3A_274 = tpu.memref_slice %arg17[%mul3A_259, %dma_start3A_273] : memref<10000x128xf32, #tpu.memory_space<vmem_shared>> -> memref<80x128xf32, #tpu.memory_space<vmem_shared>>
        tpu.enqueue_dma source(%dma_start3A_274 : memref<80x128xf32, #tpu.memory_space<vmem_shared>>) target(%dma_start3A_272 : memref<80x128xf32, #tpu.memory_space<vmem>>) target_semaphore(%run_scoped3A : memref<!tpu.dma_semaphore, #tpu.memory_space<semaphore_mem>>)
        %dma_wait3A_275 = arith.constant 0 : i32
        %dma_wait3A_276 = arith.constant 0 : i32
        %dma_wait3A_277 = tpu.memref_slice %arg14[%dma_wait3A_275, %dma_wait3A_276] : memref<128x128xf32, #tpu.memory_space<vmem>> -> memref<80x128xf32, #tpu.memory_space<vmem>>
        %dma_wait3A_278 = arith.constant 0 : i32
        %dma_wait3A_279 = tpu.memref_slice %arg17[%mul3A_259, %dma_wait3A_278] : memref<10000x128xf32, #tpu.memory_space<vmem_shared>> -> memref<80x128xf32, #tpu.memory_space<vmem_shared>>
        %dma_wait3A_280 = arith.constant 0 : i32
        %dma_wait3A_281 = arith.constant 0 : i32
        %dma_wait3A_282 = tpu.memref_slice %arg14[%dma_wait3A_280, %dma_wait3A_281] : memref<128x128xf32, #tpu.memory_space<vmem>> -> memref<80x128xf32, #tpu.memory_space<vmem>>
        %dma_wait3A_283 = arith.constant 0 : i32
        %dma_wait3A_284 = tpu.memref_slice %arg17[%mul3A_259, %dma_wait3A_283] : memref<10000x128xf32, #tpu.memory_space<vmem_shared>> -> memref<80x128xf32, #tpu.memory_space<vmem_shared>>
        tpu.wait_dma2 semaphore(%run_scoped3A : memref<!tpu.dma_semaphore, #tpu.memory_space<semaphore_mem>>) src(%dma_wait3A_284 : memref<80x128xf32, #tpu.memory_space<vmem_shared>>) dst(%dma_wait3A_282 : memref<80x128xf32, #tpu.memory_space<vmem>>)
        tpu.yield
      }) : () -> ()
      %mul3A_260 = arith.constant 10000 : i32
      %mul3A_261 = arith.muli %arg0, %mul3A_260 : i32
      %mul3A_262 = arith.constant 80 : i32
      %mul3A_263 = arith.muli %add3A_252, %mul3A_262 : i32
      %add3A_264 = arith.addi %mul3A_261, %mul3A_263 : i32
      "tpu.region"() ({
        %run_scoped3A = tpu.sem_alloc : memref<!tpu.dma_semaphore, #tpu.memory_space<semaphore_mem>>
        %dma_start3A_265 = arith.constant 0 : i32
        %dma_start3A_266 = arith.constant 0 : i32
        %dma_start3A_267 = tpu.memref_slice %arg14[%dma_start3A_265, %dma_start3A_266] : memref<128x128xf32, #tpu.memory_space<vmem>> -> memref<80x128xf32, #tpu.memory_space<vmem>>
        %dma_start3A_268 = arith.constant 0 : i32
        %dma_start3A_269 = tpu.memref_slice %arg6[%add3A_264, %dma_start3A_268] : memref<20000x128xf32, #tpu.memory_space<hbm>> -> memref<80x128xf32, #tpu.memory_space<hbm>>
        %dma_start3A_270 = arith.constant 0 : i32
        %dma_start3A_271 = tpu.memref_slice %arg6[%add3A_264, %dma_start3A_270] : memref<20000x128xf32, #tpu.memory_space<hbm>> -> memref<80x128xf32, #tpu.memory_space<hbm>>
        %dma_start3A_272 = arith.constant 0 : i32
        %dma_start3A_273 = arith.constant 0 : i32
        %dma_start3A_274 = tpu.memref_slice %arg14[%dma_start3A_272, %dma_start3A_273] : memref<128x128xf32, #tpu.memory_space<vmem>> -> memref<80x128xf32, #tpu.memory_space<vmem>>
        tpu.enqueue_dma source(%dma_start3A_274 : memref<80x128xf32, #tpu.memory_space<vmem>>) target(%dma_start3A_271 : memref<80x128xf32, #tpu.memory_space<hbm>>) target_semaphore(%run_scoped3A : memref<!tpu.dma_semaphore, #tpu.memory_space<semaphore_mem>>)
        %dma_wait3A_275 = arith.constant 0 : i32
        %dma_wait3A_276 = arith.constant 0 : i32
        %dma_wait3A_277 = tpu.memref_slice %arg14[%dma_wait3A_275, %dma_wait3A_276] : memref<128x128xf32, #tpu.memory_space<vmem>> -> memref<80x128xf32, #tpu.memory_space<vmem>>
        %dma_wait3A_278 = arith.constant 0 : i32
        %dma_wait3A_279 = tpu.memref_slice %arg6[%add3A_264, %dma_wait3A_278] : memref<20000x128xf32, #tpu.memory_space<hbm>> -> memref<80x128xf32, #tpu.memory_space<hbm>>
        %dma_wait3A_280 = arith.constant 0 : i32
        %dma_wait3A_281 = tpu.memref_slice %arg6[%add3A_264, %dma_wait3A_280] : memref<20000x128xf32, #tpu.memory_space<hbm>> -> memref<80x128xf32, #tpu.memory_space<hbm>>
        %dma_wait3A_282 = arith.constant 0 : i32
        %dma_wait3A_283 = arith.constant 0 : i32
        %dma_wait3A_284 = tpu.memref_slice %arg14[%dma_wait3A_282, %dma_wait3A_283] : memref<128x128xf32, #tpu.memory_space<vmem>> -> memref<80x128xf32, #tpu.memory_space<vmem>>
        tpu.wait_dma2 semaphore(%run_scoped3A : memref<!tpu.dma_semaphore, #tpu.memory_space<semaphore_mem>>) src(%dma_wait3A_284 : memref<80x128xf32, #tpu.memory_space<vmem>>) dst(%dma_wait3A_281 : memref<80x128xf32, #tpu.memory_space<hbm>>)
        tpu.yield
      }) : () -> ()
    } else {
    }
    return
  }
}

module attributes {stable_mosaic.version = 14 : i64} {
  func.func @_p1_kernel(%arg0: i32, %arg1: memref<1000x128xf32, #tpu.memory_space<vmem>>, %arg2: memref<1000x128xf32, #tpu.memory_space<vmem>>, %arg3: memref<1000x128xf32, #tpu.memory_space<vmem>>, %arg4: memref<1000x128xf32, #tpu.memory_space<vmem>>, %arg5: memref<1000x16xf32, #tpu.memory_space<vmem>>) attributes {dimension_semantics = [#tpu.dimension_semantics<arbitrary>], iteration_bounds = array<i64: 10>, scalar_prefetch = 0 : i64, scratch_operands = 0 : i64, tpu.core_type = #tpu.core_type<tc>, window_params = [{transform_indices = @transform_0, window_bounds = array<i64: 1000, 128>}, {transform_indices = @transform_1, window_bounds = array<i64: 1000, 128>}, {transform_indices = @transform_2, window_bounds = array<i64: 1000, 128>}, {transform_indices = @transform_3, window_bounds = array<i64: 1000, 128>}, {transform_indices = @transform_4, window_bounds = array<i64: 1000, 16>}]} {
    %get3A = arith.constant 0 : index
    %get3A_0 = arith.constant 0 : index
    %get3A_1 = vector.load %arg1[%get3A, %get3A_0] : memref<1000x128xf32, #tpu.memory_space<vmem>>, vector<1000x128xf32>
    %slice3A = vector.extract_strided_slice %get3A_1 {offsets = [0, 0], sizes = [1000, 1], strides = [1, 1]} : vector<1000x128xf32> to vector<1000x1xf32>
    %get3A_2 = arith.constant 0 : index
    %get3A_3 = arith.constant 0 : index
    %get3A_4 = vector.load %arg2[%get3A_2, %get3A_3] : memref<1000x128xf32, #tpu.memory_space<vmem>>, vector<1000x128xf32>
    %slice3A_5 = vector.extract_strided_slice %get3A_4 {offsets = [0, 0], sizes = [1000, 1], strides = [1, 1]} : vector<1000x128xf32> to vector<1000x1xf32>
    %add3A = arith.addf %slice3A, %slice3A_5 : vector<1000x1xf32>
    %add3A_6 = arith.constant 1.000000e+00 : f32
    %add3A_7 = vector.broadcast %add3A_6 : f32 to vector<1000x1xf32>
    %add3A_8 = arith.addf %add3A, %add3A_7 : vector<1000x1xf32>
    %rsqrt3A = math.rsqrt %add3A_8 : vector<1000x1xf32>
    %get3A_9 = arith.constant 0 : index
    %get3A_10 = arith.constant 0 : index
    %get3A_11 = vector.load %arg3[%get3A_9, %get3A_10] : memref<1000x128xf32, #tpu.memory_space<vmem>>, vector<1000x128xf32>
    %mul3A = vector.broadcast %rsqrt3A : vector<1000x1xf32> to vector<1000x128xf32>
    %mul3A_12 = arith.mulf %get3A_11, %mul3A : vector<1000x128xf32>
    %swap3A = arith.constant 0 : index
    %swap3A_13 = arith.constant 0 : index
    %swap3A_14 = vector.load %arg4[%swap3A, %swap3A_13] : memref<1000x128xf32, #tpu.memory_space<vmem>>, vector<1000x128xf32>
    tpu.vector_store %arg4[%swap3A, %swap3A_13], %mul3A_12 {strides = array<i32>} : memref<1000x128xf32, #tpu.memory_space<vmem>>, vector<1000x128xf32>,
    %broadcast_in_dim3A = vector.shape_cast %rsqrt3A : vector<1000x1xf32> to vector<1000x1xf32>
    %broadcast_in_dim3A_15 = vector.broadcast %broadcast_in_dim3A : vector<1000x1xf32> to vector<1000x16xf32>
    %swap3A_16 = arith.constant 0 : index
    %swap3A_17 = arith.constant 0 : index
    %swap3A_18 = vector.load %arg5[%swap3A_16, %swap3A_17] : memref<1000x16xf32, #tpu.memory_space<vmem>>, vector<1000x16xf32>
    tpu.vector_store %arg5[%swap3A_16, %swap3A_17], %broadcast_in_dim3A_15 {strides = array<i32>} : memref<1000x16xf32, #tpu.memory_space<vmem>>, vector<1000x16xf32>,
    return
  }
  func.func @transform_0(%arg0: i32) -> (i32, i32) {
    %c0_i32 = arith.constant 0 : i32
    %c0_i32_0 = arith.constant 0 : i32
    return %arg0, %c0_i32 : i32, i32
  }
  func.func @transform_1(%arg0: i32) -> (i32, i32) {
    %c0_i32 = arith.constant 0 : i32
    %c0_i32_0 = arith.constant 0 : i32
    return %arg0, %c0_i32 : i32, i32
  }
  func.func @transform_2(%arg0: i32) -> (i32, i32) {
    %c0_i32 = arith.constant 0 : i32
    %c0_i32_0 = arith.constant 0 : i32
    return %arg0, %c0_i32 : i32, i32
  }
  func.func @transform_3(%arg0: i32) -> (i32, i32) {
    %c0_i32 = arith.constant 0 : i32
    %c0_i32_0 = arith.constant 0 : i32
    return %arg0, %c0_i32 : i32, i32
  }
  func.func @transform_4(%arg0: i32) -> (i32, i32) {
    %c0_i32 = arith.constant 0 : i32
    %c0_i32_0 = arith.constant 0 : i32
    return %arg0, %c0_i32 : i32, i32
  }
}

module attributes {stable_mosaic.version = 14 : i64} {
  func.func @_p2_kernel(%arg0: i32, %arg1: memref<1000x128xf32, #tpu.memory_space<vmem>>, %arg2: memref<1000x128xf32, #tpu.memory_space<vmem>>, %arg3: memref<1000x128xf32, #tpu.memory_space<vmem>>, %arg4: memref<1000x16xf32, #tpu.memory_space<vmem>>, %arg5: memref<128x256xf32, #tpu.memory_space<vmem>>, %arg6: memref<1x256xf32, #tpu.memory_space<vmem>>, %arg7: memref<1000x256xf32, #tpu.memory_space<vmem>>) attributes {dimension_semantics = [#tpu.dimension_semantics<arbitrary>], iteration_bounds = array<i64: 10>, scalar_prefetch = 0 : i64, scratch_operands = 0 : i64, tpu.core_type = #tpu.core_type<tc>, window_params = [{transform_indices = @transform_0, window_bounds = array<i64: 1000, 128>}, {transform_indices = @transform_1, window_bounds = array<i64: 1000, 128>}, {transform_indices = @transform_2, window_bounds = array<i64: 1000, 128>}, {transform_indices = @transform_3, window_bounds = array<i64: 1000, 16>}, {pipeline_mode = #tpu.pipeline_mode<synchronous>, transform_indices = @transform_4, window_bounds = array<i64: 128, 256>}, {pipeline_mode = #tpu.pipeline_mode<synchronous>, transform_indices = @transform_5, window_bounds = array<i64: 1, 256>}, {transform_indices = @transform_6, window_bounds = array<i64: 1000, 256>}]} {
    %get3A = arith.constant 0 : index
    %get3A_0 = arith.constant 0 : index
    %get3A_1 = vector.load %arg4[%get3A, %get3A_0] : memref<1000x16xf32, #tpu.memory_space<vmem>>, vector<1000x16xf32>
    %slice3A = vector.extract_strided_slice %get3A_1 {offsets = [0, 0], sizes = [1000, 1], strides = [1, 1]} : vector<1000x16xf32> to vector<1000x1xf32>
    %get3A_2 = arith.constant 0 : index
    %get3A_3 = arith.constant 0 : index
    %get3A_4 = vector.load %arg1[%get3A_2, %get3A_3] : memref<1000x128xf32, #tpu.memory_space<vmem>>, vector<1000x128xf32>
    %get3A_5 = arith.constant 0 : index
    %get3A_6 = arith.constant 0 : index
    %get3A_7 = vector.load %arg2[%get3A_5, %get3A_6] : memref<1000x128xf32, #tpu.memory_space<vmem>>, vector<1000x128xf32>
    %add3A = arith.addf %get3A_4, %get3A_7 : vector<1000x128xf32>
    %get3A_8 = arith.constant 0 : index
    %get3A_9 = arith.constant 0 : index
    %get3A_10 = vector.load %arg3[%get3A_8, %get3A_9] : memref<1000x128xf32, #tpu.memory_space<vmem>>, vector<1000x128xf32>
    %add3A_11 = arith.addf %add3A, %get3A_10 : vector<1000x128xf32>
    %mul3A = vector.broadcast %slice3A : vector<1000x1xf32> to vector<1000x128xf32>
    %mul3A_12 = arith.mulf %add3A_11, %mul3A : vector<1000x128xf32>
    %get3A_13 = arith.constant 0 : index
    %get3A_14 = arith.constant 0 : index
    %get3A_15 = vector.load %arg5[%get3A_13, %get3A_14] : memref<128x256xf32, #tpu.memory_space<vmem>>, vector<128x256xf32>
    %dot_general3A = arith.constant dense<0.000000e+00> : vector<1000x256xf32>
    %dot_general3A_16 = tpu.matmul %mul3A_12, %get3A_15, %dot_general3A {dimension_numbers = #tpu.dot_dimension_numbers<[1], [0], [0], [1], [0, 0, 1, 1], [], []>, transpose_lhs_hint = false} : vector<1000x128xf32>, vector<128x256xf32>, vector<1000x256xf32> -> vector<1000x256xf32>
    %get3A_17 = arith.constant 0 : index
    %get3A_18 = arith.constant 0 : index
    %get3A_19 = vector.load %arg6[%get3A_17, %get3A_18] : memref<1x256xf32, #tpu.memory_space<vmem>>, vector<1x256xf32>
    %add3A_20 = vector.broadcast %get3A_19 : vector<1x256xf32> to vector<1000x256xf32>
    %add3A_21 = arith.addf %dot_general3A_16, %add3A_20 : vector<1000x256xf32>
    %max3A = arith.constant 0.000000e+00 : f32
    %max3A_22 = vector.broadcast %max3A : f32 to vector<1000x256xf32>
    %max3A_23 = arith.maximumf %add3A_21, %max3A_22 : vector<1000x256xf32>
    %mul3A_24 = vector.broadcast %slice3A : vector<1000x1xf32> to vector<1000x256xf32>
    %mul3A_25 = arith.mulf %max3A_23, %mul3A_24 : vector<1000x256xf32>
    %swap3A = arith.constant 0 : index
    %swap3A_26 = arith.constant 0 : index
    %swap3A_27 = vector.load %arg7[%swap3A, %swap3A_26] : memref<1000x256xf32, #tpu.memory_space<vmem>>, vector<1000x256xf32>
    tpu.vector_store %arg7[%swap3A, %swap3A_26], %mul3A_25 {strides = array<i32>} : memref<1000x256xf32, #tpu.memory_space<vmem>>, vector<1000x256xf32>,
    return
  }
  func.func @transform_0(%arg0: i32) -> (i32, i32) {
    %c0_i32 = arith.constant 0 : i32
    %c0_i32_0 = arith.constant 0 : i32
    return %arg0, %c0_i32 : i32, i32
  }
  func.func @transform_1(%arg0: i32) -> (i32, i32) {
    %c0_i32 = arith.constant 0 : i32
    %c0_i32_0 = arith.constant 0 : i32
    return %arg0, %c0_i32 : i32, i32
  }
  func.func @transform_2(%arg0: i32) -> (i32, i32) {
    %c0_i32 = arith.constant 0 : i32
    %c0_i32_0 = arith.constant 0 : i32
    return %arg0, %c0_i32 : i32, i32
  }
  func.func @transform_3(%arg0: i32) -> (i32, i32) {
    %c0_i32 = arith.constant 0 : i32
    %c0_i32_0 = arith.constant 0 : i32
    return %arg0, %c0_i32 : i32, i32
  }
  func.func @transform_4(%arg0: i32) -> (i32, i32) {
    %c0_i32 = arith.constant 0 : i32
    %c0_i32_0 = arith.constant 0 : i32
    %c0_i32_1 = arith.constant 0 : i32
    return %c0_i32, %c0_i32_0 : i32, i32
  }
  func.func @transform_5(%arg0: i32) -> (i32, i32) {
    %c0_i32 = arith.constant 0 : i32
    %c0_i32_0 = arith.constant 0 : i32
    %c0_i32_1 = arith.constant 0 : i32
    return %c0_i32, %c0_i32_0 : i32, i32
  }
  func.func @transform_6(%arg0: i32) -> (i32, i32) {
    %c0_i32 = arith.constant 0 : i32
    %c0_i32_0 = arith.constant 0 : i32
    return %arg0, %c0_i32 : i32, i32
  }
}

module attributes {stable_mosaic.version = 14 : i64} {
  func.func @_p3_kernel(%arg0: i32, %arg1: memref<1000x128xf32, #tpu.memory_space<vmem>>, %arg2: memref<1000x128xf32, #tpu.memory_space<vmem>>, %arg3: memref<1000x256xf32, #tpu.memory_space<vmem>>, %arg4: memref<1000x16xf32, #tpu.memory_space<vmem>>, %arg5: memref<128x256xf32, #tpu.memory_space<vmem>>, %arg6: memref<128x256xf32, #tpu.memory_space<vmem>>, %arg7: memref<1x256xf32, #tpu.memory_space<vmem>>, %arg8: memref<256x128xf32, #tpu.memory_space<vmem>>, %arg9: memref<1x128xf32, #tpu.memory_space<vmem>>, %arg10: memref<128x16xf32, #tpu.memory_space<vmem>>, %arg11: memref<1x16xf32, #tpu.memory_space<vmem>>, %arg12: memref<1000x16xf32, #tpu.memory_space<vmem>>) attributes {dimension_semantics = [#tpu.dimension_semantics<arbitrary>], iteration_bounds = array<i64: 10>, scalar_prefetch = 0 : i64, scratch_operands = 0 : i64, tpu.core_type = #tpu.core_type<tc>, window_params = [{transform_indices = @transform_0, window_bounds = array<i64: 1000, 128>}, {transform_indices = @transform_1, window_bounds = array<i64: 1000, 128>}, {transform_indices = @transform_2, window_bounds = array<i64: 1000, 256>}, {transform_indices = @transform_3, window_bounds = array<i64: 1000, 16>}, {pipeline_mode = #tpu.pipeline_mode<synchronous>, transform_indices = @transform_4, window_bounds = array<i64: 128, 256>}, {pipeline_mode = #tpu.pipeline_mode<synchronous>, transform_indices = @transform_5, window_bounds = array<i64: 128, 256>}, {pipeline_mode = #tpu.pipeline_mode<synchronous>, transform_indices = @transform_6, window_bounds = array<i64: 1, 256>}, {pipeline_mode = #tpu.pipeline_mode<synchronous>, transform_indices = @transform_7, window_bounds = array<i64: 256, 128>}, {pipeline_mode = #tpu.pipeline_mode<synchronous>, transform_indices = @transform_8, window_bounds = array<i64: 1, 128>}, {pipeline_mode = #tpu.pipeline_mode<synchronous>, transform_indices = @transform_9, window_bounds = array<i64: 128, 16>}, {pipeline_mode = #tpu.pipeline_mode<synchronous>, transform_indices = @transform_10, window_bounds = array<i64: 1, 16>}, {transform_indices = @transform_11, window_bounds = array<i64: 1000, 16>}]} {
    %get3A = arith.constant 0 : index
    %get3A_0 = arith.constant 0 : index
    %get3A_1 = vector.load %arg4[%get3A, %get3A_0] : memref<1000x16xf32, #tpu.memory_space<vmem>>, vector<1000x16xf32>
    %slice3A = vector.extract_strided_slice %get3A_1 {offsets = [0, 0], sizes = [1000, 1], strides = [1, 1]} : vector<1000x16xf32> to vector<1000x1xf32>
    %get3A_2 = arith.constant 0 : index
    %get3A_3 = arith.constant 0 : index
    %get3A_4 = vector.load %arg3[%get3A_2, %get3A_3] : memref<1000x256xf32, #tpu.memory_space<vmem>>, vector<1000x256xf32>
    %get3A_5 = arith.constant 0 : index
    %get3A_6 = arith.constant 0 : index
    %get3A_7 = vector.load %arg1[%get3A_5, %get3A_6] : memref<1000x128xf32, #tpu.memory_space<vmem>>, vector<1000x128xf32>
    %slice3A_8 = vector.extract_strided_slice %get3A_4 {offsets = [0, 0], sizes = [1000, 128], strides = [1, 1]} : vector<1000x256xf32> to vector<1000x128xf32>
    %add3A = arith.addf %get3A_7, %slice3A_8 : vector<1000x128xf32>
    %mul3A = vector.broadcast %slice3A : vector<1000x1xf32> to vector<1000x128xf32>
    %mul3A_9 = arith.mulf %add3A, %mul3A : vector<1000x128xf32>
    %get3A_10 = arith.constant 0 : index
    %get3A_11 = arith.constant 0 : index
    %get3A_12 = vector.load %arg2[%get3A_10, %get3A_11] : memref<1000x128xf32, #tpu.memory_space<vmem>>, vector<1000x128xf32>
    %slice3A_13 = vector.extract_strided_slice %get3A_4 {offsets = [0, 128], sizes = [1000, 128], strides = [1, 1]} : vector<1000x256xf32> to vector<1000x128xf32>
    %add3A_14 = arith.addf %get3A_12, %slice3A_13 : vector<1000x128xf32>
    %mul3A_15 = vector.broadcast %slice3A : vector<1000x1xf32> to vector<1000x128xf32>
    %mul3A_16 = arith.mulf %add3A_14, %mul3A_15 : vector<1000x128xf32>
    %get3A_17 = arith.constant 0 : index
    %get3A_18 = arith.constant 0 : index
    %get3A_19 = vector.load %arg5[%get3A_17, %get3A_18] : memref<128x256xf32, #tpu.memory_space<vmem>>, vector<128x256xf32>
    %dot_general3A = arith.constant dense<0.000000e+00> : vector<1000x256xf32>
    %dot_general3A_20 = tpu.matmul %mul3A_9, %get3A_19, %dot_general3A {dimension_numbers = #tpu.dot_dimension_numbers<[1], [0], [0], [1], [0, 0, 1, 1], [], []>, transpose_lhs_hint = false} : vector<1000x128xf32>, vector<128x256xf32>, vector<1000x256xf32> -> vector<1000x256xf32>
    %get3A_21 = arith.constant 0 : index
    %get3A_22 = arith.constant 0 : index
    %get3A_23 = vector.load %arg6[%get3A_21, %get3A_22] : memref<128x256xf32, #tpu.memory_space<vmem>>, vector<128x256xf32>
    %dot_general3A_24 = arith.constant dense<0.000000e+00> : vector<1000x256xf32>
    %dot_general3A_25 = tpu.matmul %mul3A_16, %get3A_23, %dot_general3A_24 {dimension_numbers = #tpu.dot_dimension_numbers<[1], [0], [0], [1], [0, 0, 1, 1], [], []>, transpose_lhs_hint = false} : vector<1000x128xf32>, vector<128x256xf32>, vector<1000x256xf32> -> vector<1000x256xf32>
    %add3A_26 = arith.addf %dot_general3A_20, %dot_general3A_25 : vector<1000x256xf32>
    %get3A_27 = arith.constant 0 : index
    %get3A_28 = arith.constant 0 : index
    %get3A_29 = vector.load %arg7[%get3A_27, %get3A_28] : memref<1x256xf32, #tpu.memory_space<vmem>>, vector<1x256xf32>
    %add3A_30 = vector.broadcast %get3A_29 : vector<1x256xf32> to vector<1000x256xf32>
    %add3A_31 = arith.addf %add3A_26, %add3A_30 : vector<1000x256xf32>
    %max3A = arith.constant 0.000000e+00 : f32
    %max3A_32 = vector.broadcast %max3A : f32 to vector<1000x256xf32>
    %max3A_33 = arith.maximumf %add3A_31, %max3A_32 : vector<1000x256xf32>
    %get3A_34 = arith.constant 0 : index
    %get3A_35 = arith.constant 0 : index
    %get3A_36 = vector.load %arg8[%get3A_34, %get3A_35] : memref<256x128xf32, #tpu.memory_space<vmem>>, vector<256x128xf32>
    %dot_general3A_37 = arith.constant dense<0.000000e+00> : vector<1000x128xf32>
    %dot_general3A_38 = tpu.matmul %max3A_33, %get3A_36, %dot_general3A_37 {dimension_numbers = #tpu.dot_dimension_numbers<[1], [0], [0], [1], [0, 0, 1, 1], [], []>, transpose_lhs_hint = false} : vector<1000x256xf32>, vector<256x128xf32>, vector<1000x128xf32> -> vector<1000x128xf32>
    %get3A_39 = arith.constant 0 : index
    %get3A_40 = arith.constant 0 : index
    %get3A_41 = vector.load %arg9[%get3A_39, %get3A_40] : memref<1x128xf32, #tpu.memory_space<vmem>>, vector<1x128xf32>
    %add3A_42 = vector.broadcast %get3A_41 : vector<1x128xf32> to vector<1000x128xf32>
    %add3A_43 = arith.addf %dot_general3A_38, %add3A_42 : vector<1000x128xf32>
    %max3A_44 = arith.constant 0.000000e+00 : f32
    %max3A_45 = vector.broadcast %max3A_44 : f32 to vector<1000x128xf32>
    %max3A_46 = arith.maximumf %add3A_43, %max3A_45 : vector<1000x128xf32>
    %get3A_47 = arith.constant 0 : index
    %get3A_48 = arith.constant 0 : index
    %get3A_49 = vector.load %arg10[%get3A_47, %get3A_48] : memref<128x16xf32, #tpu.memory_space<vmem>>, vector<128x16xf32>
    %dot_general3A_50 = arith.constant dense<0.000000e+00> : vector<1000x16xf32>
    %dot_general3A_51 = tpu.matmul %max3A_46, %get3A_49, %dot_general3A_50 {dimension_numbers = #tpu.dot_dimension_numbers<[1], [0], [0], [1], [0, 0, 1, 1], [], []>, transpose_lhs_hint = false} : vector<1000x128xf32>, vector<128x16xf32>, vector<1000x16xf32> -> vector<1000x16xf32>
    %get3A_52 = arith.constant 0 : index
    %get3A_53 = arith.constant 0 : index
    %get3A_54 = vector.load %arg11[%get3A_52, %get3A_53] : memref<1x16xf32, #tpu.memory_space<vmem>>, vector<1x16xf32>
    %add3A_55 = vector.broadcast %get3A_54 : vector<1x16xf32> to vector<1000x16xf32>
    %add3A_56 = arith.addf %dot_general3A_51, %add3A_55 : vector<1000x16xf32>
    %swap3A = arith.constant 0 : index
    %swap3A_57 = arith.constant 0 : index
    %swap3A_58 = vector.load %arg12[%swap3A, %swap3A_57] : memref<1000x16xf32, #tpu.memory_space<vmem>>, vector<1000x16xf32>
    tpu.vector_store %arg12[%swap3A, %swap3A_57], %add3A_56 {strides = array<i32>} : memref<1000x16xf32, #tpu.memory_space<vmem>>, vector<1000x16xf32>,
    return
  }
  func.func @transform_0(%arg0: i32) -> (i32, i32) {
    %c0_i32 = arith.constant 0 : i32
    %c0_i32_0 = arith.constant 0 : i32
    return %arg0, %c0_i32 : i32, i32
  }
  func.func @transform_1(%arg0: i32) -> (i32, i32) {
    %c0_i32 = arith.constant 0 : i32
    %c0_i32_0 = arith.constant 0 : i32
    return %arg0, %c0_i32 : i32, i32
  }
  func.func @transform_2(%arg0: i32) -> (i32, i32) {
    %c0_i32 = arith.constant 0 : i32
    %c0_i32_0 = arith.constant 0 : i32
    return %arg0, %c0_i32 : i32, i32
  }
  func.func @transform_3(%arg0: i32) -> (i32, i32) {
    %c0_i32 = arith.constant 0 : i32
    %c0_i32_0 = arith.constant 0 : i32
    return %arg0, %c0_i32 : i32, i32
  }
  func.func @transform_4(%arg0: i32) -> (i32, i32) {
    %c0_i32 = arith.constant 0 : i32
    %c0_i32_0 = arith.constant 0 : i32
    %c0_i32_1 = arith.constant 0 : i32
    return %c0_i32, %c0_i32_0 : i32, i32
  }
  func.func @transform_5(%arg0: i32) -> (i32, i32) {
    %c0_i32 = arith.constant 0 : i32
    %c0_i32_0 = arith.constant 0 : i32
    %c0_i32_1 = arith.constant 0 : i32
    return %c0_i32, %c0_i32_0 : i32, i32
  }
  func.func @transform_6(%arg0: i32) -> (i32, i32) {
    %c0_i32 = arith.constant 0 : i32
    %c0_i32_0 = arith.constant 0 : i32
    %c0_i32_1 = arith.constant 0 : i32
    return %c0_i32, %c0_i32_0 : i32, i32
  }
  func.func @transform_7(%arg0: i32) -> (i32, i32) {
    %c0_i32 = arith.constant 0 : i32
    %c0_i32_0 = arith.constant 0 : i32
    %c0_i32_1 = arith.constant 0 : i32
    return %c0_i32, %c0_i32_0 : i32, i32
  }
  func.func @transform_8(%arg0: i32) -> (i32, i32) {
    %c0_i32 = arith.constant 0 : i32
    %c0_i32_0 = arith.constant 0 : i32
    %c0_i32_1 = arith.constant 0 : i32
    return %c0_i32, %c0_i32_0 : i32, i32
  }
  func.func @transform_9(%arg0: i32) -> (i32, i32) {
    %c0_i32 = arith.constant 0 : i32
    %c0_i32_0 = arith.constant 0 : i32
    %c0_i32_1 = arith.constant 0 : i32
    return %c0_i32, %c0_i32_0 : i32, i32
  }
  func.func @transform_10(%arg0: i32) -> (i32, i32) {
    %c0_i32 = arith.constant 0 : i32
    %c0_i32_0 = arith.constant 0 : i32
    %c0_i32_1 = arith.constant 0 : i32
    return %c0_i32, %c0_i32_0 : i32, i32
  }
  func.func @transform_11(%arg0: i32) -> (i32, i32) {
    %c0_i32 = arith.constant 0 : i32
    %c0_i32_0 = arith.constant 0 : i32
    return %arg0, %c0_i32 : i32, i32
  }
}

</mosaic_0001>

<sc_bundles>
// kernel: kernel.11.cloned.1.call-start
scs
__scs_entry_jumppad:
0x0: {  	(pc) =	sbr.rel $0x88, $3  }
0x1: {  	(tag) =	ssettag $0x0;
	lr =	simm.s32 $0x1  }
0x2: {  	[smem:$0x3F97] =	sst lr;
	_ =	strace $0xD0000000  }
0x3: {  	_ = 	snop  }
0x4: {  	_ = 	snop  }
0x5: {  	_ = 	snop  }
0x6: {  	_ = 	snop  }
0x7: {  	_ = 	snop  }
__scs_overlays_trampoline_lowered:
0x8: {  	[smem:$0x3FA6] =	sst s0  }
0x9: {  	[smem:$0x3FA7] =	sst s1  }
0xa: {  	[smem:$0x3FA8] =	sst s2  }
0xb: {  	[smem:$0x3FA9] =	sst s3  }
0xc: {  	[smem:$0x3FAA] =	sst s4  }
0xd: {  	[smem:$0x3FAB] =	sst s5  }
0xe: {  	[smem:$0x3FAC] =	sst s6  }
0xf: {  	[smem:$0x3FAD] =	sst s7  }
0x10: {  	[smem:$0x3FAE] =	sst s8  }
0x11: {  	[smem:$0x3FAF] =	sst s9;
	s0 =	simm.s32 @!p0 $0x0  }
0x12: {  	s1 =	sld [smem:$0x3F95];
	s0 =	simm.s32 @p0 $0x1  }
0x13: {  	[smem:$0x3FB0] =	sst s0;
	s0 =	simm.s32 @!p1 $0x0  }
0x14: {  	s2 =	sld [smem:$0x3F94];
	s0 =	simm.s32 @p1 $0x1  }
0x15: {  	[smem:$0x3FB1] =	sst s0;
	s0 =	simm.s32 @!p2 $0x0  }
0x16: {  	s3 =	sld [smem:$0x3FDB];
	s0 =	simm.s32 @p2 $0x1  }
0x17: {  	s4 =	simm.s32 $0x1BF5;
	[smem:$0x3FB3] =	sst s0  }
0x18: {  	s0 =	sld [smem:$0x3F96];
	_ =	swait.ge [sflag:s4], $0x0  }
0x19: {  	s7 =	sld [smem:$0x3F97]  }
0x1a: {  	s8 =	sadd.s32 $0xFFFFE003, lr  }
0x1b: {  	s9 =	sadd.s32 $0xFFFFFEF7, lr;
	s5 =	simm.s32 $0xFFFFFFFF;
	p2 =	slt.u32 s8, $0xFFFFF086  }
0x1c: {  	p1 =	slt.u32 s9, $0xF7A;
	s5 =	simm.s32 @!p2 $0x0  }
0x1d: {  	s5 =	simm.s32 @p1 $0x1;
	p0 =	seq.s32 s7, s2  }
0x1e: {  	s7 =	smul.u32 @!p0 $0xF7A, s2;
	p2 =	seq.s32 @!p0 s5, $0x0  }
0x1f: {  	s9 =	smul.u32 $0xF7A, s1;
	s8 =	simm.s32 @!p0 $0x1BF5;
	p2 =	por !p2, p0  }
0x20: {  	[sflag:s8] =	ssyncset.s32 @!p0 $0xFFFFF086;
	s6 =	sadd.s32 @!p0 s3, s7;
	s7 =	simm.s32 @!p0 $0x108  }
0x21: {  	s3 =	sadd.s32 s3, s9;
	s6 =	sadd.s32 @!p0 $0x88, s6;
	s7 =	simm.s32 @p2 $0x1082  }
0x22: {  	[simem:s7], [sflag:s8] =	dma.local @!p0 [hbm:s6], $0xF7A  }
0x23: {  	s9 =	sor.u32 $0xD0000000, s2;
	s6 =	simm.s32 $0x108;
	_ =	swait.ge @!p0 [sflag:s8], $0x0  }
0x24: {  	s3 =	sadd.s32 $0x88, s3;
	s6 =	simm.s32 @!p1 $0x1082;
	[sflag:s4] =	ssyncset.s32 $0xFFFFF086  }
0x25: {  	[simem:s6], [sflag:s4] =	dma.local [hbm:s3], $0xF7A  }
0x26: {  	[smem:$0x3F97] =	sst s1;
	(tag) =	ssettag s2;
	_ =	strace s9  }
0x27: {  	s1 =	sld [smem:$0x3FA7]  }
0x28: {  	s2 =	sld [smem:$0x3FA8]  }
0x29: {  	s4 =	sld [smem:$0x3FAA]  }
0x2a: {  	p0 =	seq.s32 s5, $0x0;
	s5 =	sld [smem:$0x3FAB]  }
0x2b: {  	s6 =	sld [smem:$0x3FAC]  }
0x2c: {  	s7 =	sld [smem:$0x3FAD]  }
0x2d: {  	s3 =	simm.s32 $0x108;
	s8 =	sld [smem:$0x3FAE]  }
0x2e: {  	s3 =	simm.s32 @!p0 $0x1082;
	s9 =	sld [smem:$0x3FAF]  }
0x2f: {  	lr =	sadd.s32 s0, s3;
	s0 =	sld [smem:$0x3FA6]  }
0x30: {  	s3 =	sld [smem:$0x3FA9]  }
0x31: {  	[smem:$0x3FB2] =	sst s10  }
0x32: {  	s10 =	sld [smem:$0x3FB0];
	_ =	sdelay $0x3  }
0x33: {  	p0 =	seq.s32 s10, $0x1;
	s10 =	sld [smem:$0x3FB2];
	_ =	sdelay $0x3  }
0x34: {  	[smem:$0x3FB2] =	sst s10  }
0x35: {  	s10 =	sld [smem:$0x3FB1];
	_ =	sdelay $0x3  }
0x36: {  	p1 =	seq.s32 s10, $0x1;
	s10 =	sld [smem:$0x3FB2];
	_ =	sdelay $0x3  }
0x37: {  	[smem:$0x3FB2] =	sst s10  }
0x38: {  	s10 =	sld [smem:$0x3FB3]  }
0x39: {  	_ = 	snop;
	(pc) =	sbr.ind lr, $3  }
0x3a: {  	_ = 	snop  }
0x3b: {  	_ = 	snop  }
0x3c: {  	p2 =	seq.s32 s10, $0x1;
	s10 =	sld [smem:$0x3FB2]  }
0x3d: {  	_ =	shalt  }
0x3e: {  	_ =	shalt  }
0x3f: {  	_ =	shalt  }
0x40: {  	_ =	shalt  }
0x41: {  	_ =	shalt  }
0x42: {  	_ =	shalt  }
0x43: {  	_ =	shalt  }
0x44: {  	_ =	shalt  }
0x45: {  	_ =	shalt  }
0x46: {  	_ =	shalt  }
0x47: {  	_ =	shalt  }
0x48: {  	_ =	shalt  }
0x49: {  	_ =	shalt  }
0x4a: {  	_ =	shalt  }
0x4b: {  	_ =	shalt  }
0x4c: {  	_ =	shalt  }
0x4d: {  	_ =	shalt  }
0x4e: {  	_ =	shalt  }
0x4f: {  	_ =	shalt  }
0x50: {  	_ =	shalt  }
0x51: {  	_ =	shalt  }
0x52: {  	_ =	shalt  }
0x53: {  	_ =	shalt  }
0x54: {  	_ =	shalt  }
0x55: {  	_ =	shalt  }
0x56: {  	_ =	shalt  }
0x57: {  	_ =	shalt  }
0x58: {  	_ =	shalt  }
0x59: {  	_ =	shalt  }
0x5a: {  	_ =	shalt  }
0x5b: {  	_ =	shalt  }
0x5c: {  	_ =	shalt  }
0x5d: {  	_ =	shalt  }
0x5e: {  	_ =	shalt  }
0x5f: {  	_ =	shalt  }
0x60: {  	_ =	shalt  }
0x61: {  	_ =	shalt  }
0x62: {  	_ =	shalt  }
0x63: {  	_ =	shalt  }
0x64: {  	_ =	shalt  }
0x65: {  	_ =	shalt  }
0x66: {  	_ =	shalt  }
0x67: {  	_ =	shalt  }
0x68: {  	_ =	shalt  }
0x69: {  	_ =	shalt  }
0x6a: {  	_ =	shalt  }
0x6b: {  	_ =	shalt  }
0x6c: {  	_ =	shalt  }
0x6d: {  	_ =	shalt  }
0x6e: {  	_ =	shalt  }
0x6f: {  	_ =	shalt  }
0x70: {  	_ =	shalt  }
0x71: {  	_ =	shalt  }
0x72: {  	_ =	shalt  }
0x73: {  	_ =	shalt  }
0x74: {  	_ =	shalt  }
0x75: {  	_ =	shalt  }
0x76: {  	_ =	shalt  }
0x77: {  	_ =	shalt  }
0x78: {  	_ =	shalt  }
0x79: {  	_ =	shalt  }
0x7a: {  	_ =	shalt  }
0x7b: {  	_ =	shalt  }
0x7c: {  	_ =	shalt  }
0x7d: {  	_ =	shalt  }
0x7e: {  	_ =	shalt  }
0x7f: {  	_ =	shalt  }
0x80: {  	_ =	shalt  }
0x81: {  	_ =	shalt  }
0x82: {  	_ =	shalt  }
0x83: {  	_ =	shalt  }
0x84: {  	_ =	shalt  }
0x85: {  	_ =	shalt  }
0x86: {  	_ =	shalt  }
0x87: {  	_ =	shalt  }
.Lfunc_end0:
.L_simem_size_0:
called_computation.1_lowered:
.L_overlay_start_0:
0x88: {  	s2 =	sld [smem:$0x3FD9]  }
0x89: {  	s3 =	sld [smem:$0x3FFE];
	_ =	sdelay $0x1  }
0x8a: {  	s1 =	srdreg.scid  }
0x8b: {  	s0 =	sand.u32 $0x1, s1  }
0x8c: {  	s16 =	sshll.u32 s0, $0xA;
	s2 =	sadd.s32 s3, s2  }
0x8d: {  	s2 =	sadd.s32 s2, s16  }
0x8e: {  	[smem:$0x3FBE] =	sst s2  }
0x8f: {  	_ = 	snop  }
0x90: {  	(tm) =	ssettm $0x1  }
0x91: {  	s17 =	sld [smem:$0x3FFB];
	_ =	sdelay $0x3  }
0x92: {  	_ =	strace s17  }
0x93: {  	s2 =	sld [smem:$0x3FFC];
	_ =	sdelay $0x3  }
0x94: {  	_ =	strace s2  }
0x95: {  	s2 =	sld [smem:$0x3FFD];
	_ =	sdelay $0x3  }
0x96: {  	_ =	strace s2  }
0x97: {  	_ =	strace $0x8FFFFFFF  }
0x98: {  	s18 =	sld [smem:$0x3FDB];
	_ =	sdelay $0x1  }
0x99: {  	s19 =	simm.s32 $_scs_section_size  }
0x9a: {  	s4 =	simm.s32 $_size__tile_overlayer_lowered;
	s5 =	simm.s32 $_tile_overlayer_lowered  }
0x9b: {  	s22 =	simm.s32 $0x1BFF;
	s21 =	sshll.u32 s5, $0x1;
	s2 =	sadd.s32 s19, s18  }
0x9c: {  	s6 =	simm.s32 $0x0;
	s20 =	sshll.u32 s4, $0x1;
	s4 =	sadd.s32 s21, s2  }
0x9d: {  	[timem:s6], [sflag:s22] =	dma.local [hbm:s4], s20  }
0x9e: {  	_ =	swait.ge [sflag:s22], s20  }
0x9f: {  	s3 =	ssub.s32 $0x0, s20;
	[sflag:s22] =	ssyncset.done $0x0  }
0xa0: {  	[sflag:s22] =	ssyncadd.s32 s3;
	_ =	sdelay $0x1  }
0xa1: {  	s23 =	simm.s32 $0x1B8B  }
0xa2: {  	_ =	swait.ge [sflag:s23], $0x1  }
0xa3: {  	[sflag:s23] =	ssyncset.done $0x0  }
0xa4: {  	s25 =	simm.s32 $0x1B8E;
	s24 =	sld [smem:$0x3FFE];
	[sflag:s23] =	ssyncadd.s32 $0xFFFFFFFF  }
0xa5: {  	s26 =	simm.s32 $execute0_lowered;
	[smem:$0x3FD2] =	sst s25  }
0xa6: {  	s4 =	sshll.u32 s26, $0x1;
	_ =	strace $0x80000049;
	[dreg:$0x1] =	wrdreg $0xFFFFFFFF  }
0xa7: {  	s28 =	simm.s32 $_size_execute0_lowered;
	s2 =	sadd.s32 s2, s4;
	[dreg:$0x0] =	wrdreg $0x0  }
0xa8: {  	s4 =	sshll.u32 s28, $0x1;
	[dreg:$0x2] =	wrdreg s2  }
0xa9: {  	[dreg:$0x3] =	wrdreg s4  }
0xaa: {  	[dreg:$0x4] =	wrdreg $0xC0  }
0xab: {  	_ =	task [dreg:s6], $0x5FFFF  }
0xac: {  	[dreg:$0x1] =	wrdreg $0xFFFFFFFF  }
0xad: {  	[dreg:$0x0] =	wrdreg $0x60  }
0xae: {  	[dreg:$0x2] =	wrdreg s24  }
0xaf: {  	[dreg:$0x3] =	wrdreg $0xC3000  }
0xb0: {  	[dreg:$0x4] =	wrdreg $0x9  }
0xb1: {  	_ =	task.clear_ibuf [dreg:s6], $0x5FFFF;
	_ =	strace $0x90000049  }
0xb2: {  	s29 =	simm.s32 $0x9;
	_ =	strace $0x8000004B  }
0xb3: {  	_ =	swait.ge [sflag:s29], $0x1  }
0xb4: {  	[sflag:s29] =	ssyncadd.s32 $0xFFFFFFFF  }
0xb5: {  	_ =	strace $0x9000004B  }
0xb6: {  	_ =	sfence  }
0xb7: {  	s30 =	sld [smem:$0x0];
	_ =	sdelay $0x2  }
0xb8: {  	s31 =	sshll.u32 s1, $0xD;
	s1 =	sshrl.u32 s1, $0x2  }
0xb9: {  	s3 =	sand.u32 $0x4000, s31;
	s1 =	sadd.s32 s1, s30  }
0xba: {  	s0 =	sor.u32 s3, s0;
	s1 =	sshll.u32 s1, $0x11  }
0xbb: {  	s0 =	sor.u32 s1, s0  }
0xbc: {  	s0 =	sadd.s32 $0x8F2B, s0  }
0xbd: {  	[sflag:s0] =	ssyncadd.remote.s32 $0x1  }
0xbe: {  	_ =	sfence.sel $0xFFFF  }
0xbf: {  	[dreg:$0x0] =	wrdreg $0xFFFFFFFF;
	(pc) =	sbr.abs _section_cstart, $3  }
0xc0: {  	[dreg:$0x1] =	wrdreg $0xFFFFFFFF  }
0xc1: {  	_ =	task.clear_ibuf [dreg:s6], $0x2FFFF;
	_ =	strace $0x9FFFFFFF  }
0xc2: {  	(tm) =	ssettm $0x7FFFFFFF  }
0xc3: {  	_ =	shalt  }
tec
execute0_lowered:
.L_overlay_start_1:
0x0: {  	(tag) =	ssettag $0x1  }
0x1: {  	s5 =	rddreg [dreg:$0x0]  }
0x2: {  	s1 =	rddreg [dreg:$0x1];
	s18 =	stileid.u32  }
0x3: {  	s3 =	simm.s32 $0x0;
	s0 =	srdreg.scid;
	s4 =	smul.u32 $0x2700, s18  }
0x4: {  	[smem:$0x7FF] =	sst s3;
	s2 =	sand.u32 $0x1, s0;
	s11 =	smul.u32 $0x280, s18  }
0x5: {  	s0 =	sadd.s32 $0x2800, s5;
	s8 =	sshll.u32 s18, $0x3;
	s6 =	smul.u32 $0x27100, s2  }
0x6: {  	s19 =	sshllo.u32 s18, $0x3;
	s9 =	smul.u32 $0x2710, s2;
	s10 =	sor.u32 $0x1, s8  }
0x7: {  	s18 =	sshll.u32 s18, $0x7;
	s14 =	sor.u32 $0x3, s8;
	s12 =	smul.u32 $0x50, s10  }
0x8: {  	_ =	strace $0x8000004A;
	s15 =	sor.u32 $0x4, s8;
	s17 =	smul.u32 $0x50, s14  }
0x9: {  	s7 =	ssub.s32 $0x2, s2;
	s16 =	sor.u32 $0x5, s8;
	s20 =	smul.u32 $0x50, s15  }
0xa: {  	s2 =	stileid.u32;
	p1 =	sgt.u32 s19, $0x7C;
	s23 =	smul.u32 $0x50, s16  }
0xb: {  	s22 =	sshrl.u32 s7, $0x1;
	s10 =	smul.u32 $0xA000, s10;
	p2 =	seq.s32 s2, $0xF  }
0xc: {  	p3 =	sgt.u32 s2, $0x1;
	s30 =	ssub.s32 s7, s22;
	s7 =	sor.u32 $0x2, s8  }
0xd: {  	s8 =	sor.u32 $0x6, s8;
	s4 =	sadd.s32 s4, s6;
	s22 =	smul.u32 $0x50, s19  }
0xe: {  	s6 =	sadd.s32 s18, s6;
	s11 =	sadd.s32 s11, s9;
	s13 =	smul.u32 $0x50, s7  }
0xf: {  	s12 =	sadd.s32 s9, s12;
	s21 =	smul.u32 $0x50, s8;
	s17 =	sadd.s32 s9, s17  }
0x10: {  	s20 =	sadd.s32 s9, s20;
	s18 =	sadd.s32 s9, s23;
	s23 =	sadd.s32 $0x100, s4  }
0x11: {  	s11 =	sshll.u32 s11, $0x4;
	s7 =	smul.u32 $0xA000, s7;
	p0 =	sgt.u32 s8, $0x7C  }
0x12: {  	s23 =	sshrl.u32 s23, $0x3;
	s26 =	sshll.u32 s17, $0x4;
	s17 =	sshll.u32 s18, $0x4  }
0x13: {  	s18 =	sor.u32 $0x80, s4;
	s13 =	sadd.s32 s9, s13;
	s21 =	sadd.s32 s9, s21  }
0x14: {  	s9 =	sadd.s32 s9, s22;
	s22 =	sadd.s32 $0x3DC00, s5;
	s24 =	sadd.s32 s23, s0  }
0x15: {  	[dreg:$0x3] =	wrdreg s24;
	s11 =	sadd.s32 s22, s11;
	s24 =	sshll.u32 s12, $0x4  }
0x16: {  	s25 =	sshll.u32 s13, $0x4;
	s12 =	sadd.s32 s22, s26;
	s13 =	sshll.u32 s20, $0x4  }
0x17: {  	s20 =	sshll.u32 s21, $0x4;
	s9 =	sshll.u32 s9, $0x4;
	[dreg:$0x5] =	wrdreg s11  }
0x18: {  	s11 =	sadd.s32 s22, s24;
	[dreg:$0x8] =	wrdreg s12;
	s9 =	sadd.s32 s22, s9  }
0x19: {  	s24 =	smul.u32 $0x50000, s2;
	s12 =	sadd.s32 $0xC600, s5;
	s2 =	simm.s32 $0x7  }
0x1a: {  	[dreg:$0x6] =	wrdreg s11;
	s11 =	sadd.s32 s22, s25;
	s25 =	sshrl.u32 s18, $0x3  }
0x1b: {  	[dreg:$0xc] =	wrdreg s9;
	s9 =	sshrl.u32 s10, $0x2;
	s10 =	smul.u32 $0xA000, s14  }
0x1c: {  	s14 =	smul.u32 $0xA000, s15;
	[dreg:$0x7] =	wrdreg s11;
	s11 =	sadd.s32 s22, s13  }
0x1d: {  	s21 =	sadd.s32 s25, s0;
	s13 =	sadd.s32 $0x16A00, s5;
	s5 =	sadd.s32 $0x16400, s5  }
0x1e: {  	s26 =	sshrl.u32 s24, $0x2;
	s24 =	smul.u32 $0xA000, s19;
	[dreg:$0x9] =	wrdreg s11  }
0x1f: {  	s31 =	sadd.s32 s25, s12;
	s25 =	simm.s32 $0x280;
	[dreg:$0x4] =	wrdreg s21  }
0x20: {  	s11 =	sadd.s32 s22, s17;
	[dreg:$0xd] =	wrdreg s5;
	s17 =	sadd.s32 s9, s1  }
0x21: {  	s15 =	sshrl.u32 s10, $0x2;
	s21 =	smul.u32 $0xA000, s16;
	s10 =	sshrl.u32 s6, $0x3  }
0x22: {  	s6 =	simm.s32 $0x1;
	[dreg:$0xa] =	wrdreg s11;
	s11 =	sadd.s32 s22, s20  }
0x23: {  	s20 =	sadd.s32 s26, s1;
	s16 =	sadd.s32 s15, s1;
	s22 =	smul.u32 $0xA000, s8  }
0x24: {  	s9 =	sshrl.u32 s24, $0x2;
	s8 =	simm.s32 $0x100;
	[dreg:$0x19] =	wrdreg s17  }
0x25: {  	[dreg:$0xb] =	wrdreg s11;
	s11 =	sshrl.u32 s7, $0x2;
	s7 =	sshrl.u32 s14, $0x2  }
0x26: {  	s26 =	sshrl.u32 s21, $0x2;
	s28 =	sadd.s32 s9, s1;
	s21 =	smax.u32 s30, $0x1  }
0x27: {  	s30 =	sadd.s32 s23, s12;
	s9 =	simm.s32 $0x8300;
	s23 =	simm.s32 $0x3  }
0x28: {  	[dreg:$0x12] =	wrdreg s16;
	s18 =	sadd.s32 s11, s1;
	s29 =	sadd.s32 s7, s1  }
0x29: {  	s5 =	sshrl.u32 s22, $0x2;
	s19 =	sadd.s32 s26, s1;
	[dreg:$0x16] =	wrdreg s21  }
0x2a: {  	s11 =	sshrl.u32 s4, $0x3;
	s22 =	sadd.s32 $0x180, s4;
	[dreg:$0x11] =	wrdreg s28  }
0x2b: {  	s4 =	simm.s32 $0x80;
	s7 =	simm.s32 $0x180;
	[dreg:$0x17] =	wrdreg s22  }
0x2c: {  	s21 =	simm.s32 $0x0;
	s26 =	sadd.s32 s5, s1;
	[dreg:$0xe] =	wrdreg s19  }
0x2d: {  	s5 =	sadd.s32 $0x4E00, s10;
	s14 =	sadd.s32 s12, s11;
	[dreg:$0xf] =	wrdreg s29  }
0x2e: {  	s24 =	sadd.s32 s11, s0;
	s10 =	simm.s32 $0x2;
	[dreg:$0x13] =	wrdreg s14  }
0x2f: {  	s11 =	simm.s32 $0x200;
	s0 =	sadd.s32 s0, s5;
	[dreg:$0x10] =	wrdreg s26  }
0x30: {  	s15 =	sadd.s32 s12, s5;
	s5 =	simm.s32 $0x4300;
	[dreg:$0x14] =	wrdreg s0  }
0x31: {  	s14 =	simm.s32 $0x4;
	[dreg:$0x15] =	wrdreg s15;
	s0 =	simm.s32 $0x300  }
.LBB2_1:
0x32: {  	[dreg:$0x18] =	wrdreg s21  }
0x33: {  	s15 =	rddreg [dreg:$0xd]  }
0x34: {  	[tilespmem:s0], [sflag:$0x7] =	stream.linear.gather [hbm4b:s15+s3], $0x2800, $0x38;
	[tilespmem:$0x1FB80] =	vst v63  }
0x35: {  	_ =	swait.ge [sflag:s2], $0x2800  }
0x36: {  	[sflag:s2] =	ssyncset.done $0x0  }
0x37: {  	[sflag:s2] =	ssyncadd.s32 $0xFFFFD800  }
0x38: {  	[spmem:s20] =	stream.linear.scatter [tilespmem:s0], [sflag:$0x7], $0x2800, $0x38;
	[tilespmem:$0x1FB80] =	vst v63  }
0x39: {  	_ =	swait.ge [sflag:s2], $0x2800  }
0x3a: {  	[sflag:s2] =	ssyncset.done $0x0  }
0x3b: {  	[sflag:s2] =	ssyncadd.s32 $0xFFFFD800  }
0x3c: {  	[spmem:s17] =	stream.linear.scatter [tilespmem:s0], [sflag:$0x7], $0x2800, $0x38;
	[tilespmem:$0x1FB80] =	vst v63  }
0x3d: {  	_ =	swait.ge [sflag:s2], $0x2800  }
0x3e: {  	[sflag:s2] =	ssyncset.done $0x0  }
0x3f: {  	[sflag:s2] =	ssyncadd.s32 $0xFFFFD800  }
0x40: {  	[spmem:s18] =	stream.linear.scatter [tilespmem:s0], [sflag:$0x7], $0x2800, $0x38;
	[tilespmem:$0x1FB80] =	vst v63  }
0x41: {  	_ =	swait.ge [sflag:s2], $0x2800  }
0x42: {  	[sflag:s2] =	ssyncset.done $0x0  }
0x43: {  	[sflag:s2] =	ssyncadd.s32 $0xFFFFD800  }
0x44: {  	[spmem:s16] =	stream.linear.scatter [tilespmem:s0], [sflag:$0x7], $0x2800, $0x38;
	[tilespmem:$0x1FB80] =	vst v63  }
0x45: {  	_ =	swait.ge [sflag:s2], $0x2800  }
0x46: {  	[sflag:s2] =	ssyncset.done $0x0  }
0x47: {  	s15 =	smov.u32 s29;
	[sflag:s2] =	ssyncadd.s32 $0xFFFFD800  }
0x48: {  	[spmem:s15] =	stream.linear.scatter [tilespmem:s0], [sflag:$0x7], $0x2800, $0x38;
	[tilespmem:$0x1FB80] =	vst v63  }
0x49: {  	_ =	swait.ge [sflag:s2], $0x2800  }
0x4a: {  	[sflag:s2] =	ssyncset.done $0x0  }
0x4b: {  	s15 =	simm.s32 @!p2 $0x300;
	[sflag:s2] =	ssyncadd.s32 $0xFFFFD800  }
0x4c: {  	[spmem:s19] =	stream.linear.scatter @!p2 [tilespmem:s15], [sflag:$0x7], $0x2800, $0x38;
	[tilespmem:$0x1FB80] =	vst v63  }
0x4d: {  	s15 =	simm.s32 @!p2 $0x7  }
0x4e: {  	_ =	swait.ge @!p2 [sflag:s15], $0x2800  }
0x4f: {  	[sflag:s15] =	ssyncset.done @!p2 $0x0  }
0x50: {  	[sflag:s15] =	ssyncadd.s32 @!p2 $0xFFFFD800;
	s15 =	simm.s32 @!p0 $0x300  }
0x51: {  	[spmem:s26] =	stream.linear.scatter @!p0 [tilespmem:s15], [sflag:$0x7], $0x2800, $0x38;
	[tilespmem:$0x1FB80] =	vst v63  }
0x52: {  	s15 =	simm.s32 @!p0 $0x7  }
0x53: {  	_ =	swait.ge @!p0 [sflag:s15], $0x2800  }
0x54: {  	[sflag:s15] =	ssyncset.done @!p0 $0x0  }
0x55: {  	[sflag:s15] =	ssyncadd.s32 @!p0 $0xFFFFD800;
	s15 =	simm.s32 @!p1 $0x300  }
0x56: {  	[spmem:s28] =	stream.linear.scatter @!p1 [tilespmem:s15], [sflag:$0x7], $0x2800, $0x38;
	[tilespmem:$0x1FB80] =	vst v63  }
0x57: {  	s15 =	simm.s32 @!p1 $0x7  }
0x58: {  	_ =	swait.ge @!p1 [sflag:s15], $0x2800  }
0x59: {  	[sflag:s15] =	ssyncset.done @!p1 $0x0  }
0x5a: {  	[sflag:s15] =	ssyncadd.s32 @!p1 $0xFFFFD800  }
0x5b: {  	[bflag:$0x0] =	sbarrier.arrive $0xFFFF  }
0x5c: {  	s22 =	smov.u32 s20;
	s20 =	rddreg [dreg:$0x13]  }
0x5d: {  	[tilespmem:s3], [sflag:$0x7] =	stream.linear.gather [hbm4b:s20+s3], $0x80, $0x38;
	[tilespmem:$0x1FB80] =	vst v63  }
0x5e: {  	_ =	swait.ge [sflag:s2], $0x80  }
0x5f: {  	[sflag:s2] =	ssyncset.done $0x0  }
0x60: {  	[sflag:s2] =	ssyncadd.s32 $0xFFFFFF80  }
0x61: {  	[tilespmem:s0], [sflag:$0x1] =	stream.indirect.gather [hbm4b:s13+s4], $0x80, s3, s4, $0xb8;
	[tilespmem:$0x1FB80] =	vst v63  }
0x62: {  	s26 =	sadd.s32 $0x0, s31  }
0x63: {  	[tilespmem:s4], [sflag:$0x7] =	stream.linear.gather [hbm4b:s26+s3], $0x80, $0x38;
	[tilespmem:$0x1FB80] =	vst v63  }
0x64: {  	_ =	swait.ge [sflag:s2], $0x80  }
0x65: {  	p4 =	por $0x1, $0x1;
	[sflag:s2] =	ssyncset.done $0x0  }
0x66: {  	s15 =	simm.s32 @!p4 $0x5;
	[sflag:s2] =	ssyncadd.s32 $0xFFFFFF80  }
0x67: {  	_ =	swait.ge @!p4 [sflag:s15], $0x4000  }
0x68: {  	[sflag:s15] =	ssyncset.done @!p4 $0x0  }
0x69: {  	[sflag:s15] =	ssyncadd.s32 @!p4 $0xFFFFC000  }
0x6a: {  	[tilespmem:s5], [sflag:$0x2] =	stream.indirect.gather [hbm4b:s13+s4], $0x80, s4, s4, $0xb8;
	[tilespmem:$0x1FB80] =	vst v63  }
0x6b: {  	_ =	swait.ge [sflag:s6], $0x4000  }
0x6c: {  	[sflag:s6] =	ssyncset.done $0x0  }
0x6d: {  	s16 =	sadd.s32 $0x0, s24;
	[sflag:s6] =	ssyncadd.s32 $0xFFFFC000  }
0x6e: {  	[tilespmem:s7], [sflag:$0x7] =	stream.linear.gather [hbm4b:s16+s3], $0x80, $0x38;
	[tilespmem:$0x1FB80] =	vst v63  }
0x6f: {  	_ =	swait.ge [sflag:s2], $0x80  }
0x70: {  	[sflag:s2] =	ssyncset.done $0x0  }
0x71: {  	[sflag:s2] =	ssyncadd.s32 $0xFFFFFF80  }
0x72: {  	[spmem:s1] =	stream.indirect.scatter.add.f32 [tilespmem:s0], [sflag:$0x4], $0x80, s7, s4, $0xb8;
	[tilespmem:$0x1FB80] =	vst v63  }
0x73: {  	s29 =	smov.u32 s17;
	s17 =	sadd.s32 $0x0, s30  }
0x74: {  	[tilespmem:s8], [sflag:$0x7] =	stream.linear.gather [hbm4b:s17+s3], $0x80, $0x38;
	[tilespmem:$0x1FB80] =	vst v63  }
0x75: {  	_ =	swait.ge [sflag:s2], $0x80  }
0x76: {  	[sflag:s2] =	ssyncset.done $0x0  }
0x77: {  	s15 =	simm.s32 @!p4 $0x6;
	[sflag:s2] =	ssyncadd.s32 $0xFFFFFF80  }
0x78: {  	_ =	swait.ge @!p4 [sflag:s15], $0x4000  }
0x79: {  	[sflag:s15] =	ssyncset.done @!p4 $0x0  }
0x7a: {  	[sflag:s15] =	ssyncadd.s32 @!p4 $0xFFFFC000  }
0x7b: {  	[tilespmem:s9], [sflag:$0x3] =	stream.indirect.gather [hbm4b:s13+s4], $0x80, s8, s4, $0xb8;
	[tilespmem:$0x1FB80] =	vst v63  }
0x7c: {  	_ =	swait.ge [sflag:s10], $0x4000  }
0x7d: {  	s21 =	smov.u32 s18;
	s18 =	rddreg [dreg:$0x4];
	[sflag:s10] =	ssyncset.done $0x0  }
0x7e: {  	[sflag:s10] =	ssyncadd.s32 $0xFFFFC000;
	s15 =	sadd.s32 $0x0, s18  }
0x7f: {  	[tilespmem:s11], [sflag:$0x7] =	stream.linear.gather [hbm4b:s15+s3], $0x80, $0x38;
	[tilespmem:$0x1FB80] =	vst v63  }
0x80: {  	_ =	swait.ge [sflag:s2], $0x80  }
0x81: {  	[sflag:s2] =	ssyncset.done $0x0;
	s19 =	rddreg [dreg:$0x17]  }
0x82: {  	[sflag:s2] =	ssyncadd.s32 $0xFFFFFF80;
	s20 =	sshrl.u32 s19, $0x3  }
0x83: {  	[spmem:s1] =	stream.indirect.scatter.add.f32 [tilespmem:s5], [sflag:$0x5], $0x80, s11, s4, $0xb8;
	[tilespmem:$0x1FB80] =	vst v63  }
0x84: {  	s15 =	sadd.s32 s12, s20  }
0x85: {  	[tilespmem:s3], [sflag:$0x7] =	stream.linear.gather [hbm4b:s15+s3], $0x80, $0x38;
	[tilespmem:$0x1FB80] =	vst v63  }
0x86: {  	_ =	swait.ge [sflag:s2], $0x80  }
0x87: {  	[sflag:s2] =	ssyncset.done $0x0  }
0x88: {  	[sflag:s2] =	ssyncadd.s32 $0xFFFFFF80  }
0x89: {  	_ =	swait.ge [sflag:s14], $0x4000  }
0x8a: {  	[sflag:s14] =	ssyncset.done $0x0  }
0x8b: {  	[sflag:s14] =	ssyncadd.s32 $0xFFFFC000  }
0x8c: {  	[tilespmem:s0], [sflag:$0x1] =	stream.indirect.gather [hbm4b:s13+s4], $0x80, s3, s4, $0xb8;
	[tilespmem:$0x1FB80] =	vst v63  }
0x8d: {  	_ =	swait.ge [sflag:s23], $0x4000  }
0x8e: {  	s26 =	rddreg [dreg:$0x3];
	[sflag:s23] =	ssyncset.done $0x0  }
0x8f: {  	[sflag:s23] =	ssyncadd.s32 $0xFFFFC000;
	s15 =	sadd.s32 $0x0, s26  }
0x90: {  	[tilespmem:s25], [sflag:$0x7] =	stream.linear.gather [hbm4b:s15+s3], $0x80, $0x38;
	[tilespmem:$0x1FB80] =	vst v63  }
0x91: {  	_ =	swait.ge [sflag:s2], $0x80  }
0x92: {  	[sflag:s2] =	ssyncset.done $0x0  }
0x93: {  	s28 =	simm.s32 $0x30;
	s15 =	sadd.s32 $0x180, s19;
	[sflag:s2] =	ssyncadd.s32 $0xFFFFFF80  }
.LBB2_2:
0x94: {  	[spmem:s1] =	stream.indirect.scatter.add.f32 [tilespmem:s9], [sflag:$0x6], $0x80, s25, s4, $0xb8;
	[tilespmem:$0x1FB80] =	vst v63  }
0x95: {  	s17 =	sadd.s32 s28, s31  }
0x96: {  	[tilespmem:s4], [sflag:$0x7] =	stream.linear.gather [hbm4b:s17+s3], $0x80, $0x38;
	[tilespmem:$0x1FB80] =	vst v63  }
0x97: {  	s16 =	smov.u32 s28;
	_ =	swait.ge [sflag:s2], $0x80  }
0x98: {  	p5 =	seq.s32 s16, $0x0;
	[sflag:s2] =	ssyncset.done $0x0  }
0x99: {  	s17 =	simm.s32 @!p5 $0x5;
	[sflag:s2] =	ssyncadd.s32 $0xFFFFFF80  }
0x9a: {  	_ =	swait.ge @!p5 [sflag:s17], $0x4000  }
0x9b: {  	[sflag:s17] =	ssyncset.done @!p5 $0x0  }
0x9c: {  	[sflag:s17] =	ssyncadd.s32 @!p5 $0xFFFFC000  }
0x9d: {  	[tilespmem:s5], [sflag:$0x2] =	stream.indirect.gather [hbm4b:s13+s4], $0x80, s4, s4, $0xb8;
	[tilespmem:$0x1FB80] =	vst v63  }
0x9e: {  	_ =	swait.ge [sflag:s6], $0x4000  }
0x9f: {  	[sflag:s6] =	ssyncset.done $0x0  }
0xa0: {  	s26 =	sadd.s32 s16, s24;
	[sflag:s6] =	ssyncadd.s32 $0xFFFFC000  }
0xa1: {  	[tilespmem:s7], [sflag:$0x7] =	stream.linear.gather [hbm4b:s26+s3], $0x80, $0x38;
	[tilespmem:$0x1FB80] =	vst v63  }
0xa2: {  	_ =	swait.ge [sflag:s2], $0x80  }
0xa3: {  	[sflag:s2] =	ssyncset.done $0x0  }
0xa4: {  	[sflag:s2] =	ssyncadd.s32 $0xFFFFFF80  }
0xa5: {  	[spmem:s1] =	stream.indirect.scatter.add.f32 [tilespmem:s0], [sflag:$0x4], $0x80, s7, s4, $0xb8;
	[tilespmem:$0x1FB80] =	vst v63  }
0xa6: {  	s18 =	sadd.s32 s16, s30  }
0xa7: {  	[tilespmem:s8], [sflag:$0x7] =	stream.linear.gather [hbm4b:s18+s3], $0x80, $0x38;
	[tilespmem:$0x1FB80] =	vst v63  }
0xa8: {  	_ =	swait.ge [sflag:s2], $0x80  }
0xa9: {  	[sflag:s2] =	ssyncset.done $0x0  }
0xaa: {  	s17 =	simm.s32 @!p5 $0x6;
	[sflag:s2] =	ssyncadd.s32 $0xFFFFFF80  }
0xab: {  	_ =	swait.ge @!p5 [sflag:s17], $0x4000  }
0xac: {  	[sflag:s17] =	ssyncset.done @!p5 $0x0  }
0xad: {  	[sflag:s17] =	ssyncadd.s32 @!p5 $0xFFFFC000  }
0xae: {  	[tilespmem:s9], [sflag:$0x3] =	stream.indirect.gather [hbm4b:s13+s4], $0x80, s8, s4, $0xb8;
	[tilespmem:$0x1FB80] =	vst v63  }
0xaf: {  	_ =	swait.ge [sflag:s10], $0x4000  }
0xb0: {  	s19 =	rddreg [dreg:$0x4];
	[sflag:s10] =	ssyncset.done $0x0  }
0xb1: {  	[sflag:s10] =	ssyncadd.s32 $0xFFFFC000;
	s17 =	sadd.s32 s16, s19  }
0xb2: {  	[tilespmem:s11], [sflag:$0x7] =	stream.linear.gather [hbm4b:s17+s3], $0x80, $0x38;
	[tilespmem:$0x1FB80] =	vst v63  }
0xb3: {  	_ =	swait.ge [sflag:s2], $0x80  }
0xb4: {  	[sflag:s2] =	ssyncset.done $0x0  }
0xb5: {  	s20 =	sshrl.u32 s15, $0x3;
	[sflag:s2] =	ssyncadd.s32 $0xFFFFFF80  }
0xb6: {  	[spmem:s1] =	stream.indirect.scatter.add.f32 [tilespmem:s5], [sflag:$0x5], $0x80, s11, s4, $0xb8;
	[tilespmem:$0x1FB80] =	vst v63  }
0xb7: {  	s17 =	sadd.s32 s12, s20  }
0xb8: {  	[tilespmem:s3], [sflag:$0x7] =	stream.linear.gather [hbm4b:s17+s3], $0x80, $0x38;
	[tilespmem:$0x1FB80] =	vst v63  }
0xb9: {  	_ =	swait.ge [sflag:s2], $0x80  }
0xba: {  	[sflag:s2] =	ssyncset.done $0x0  }
0xbb: {  	[sflag:s2] =	ssyncadd.s32 $0xFFFFFF80  }
0xbc: {  	_ =	swait.ge [sflag:s14], $0x4000  }
0xbd: {  	[sflag:s14] =	ssyncset.done $0x0  }
0xbe: {  	[sflag:s14] =	ssyncadd.s32 $0xFFFFC000  }
0xbf: {  	[tilespmem:s0], [sflag:$0x1] =	stream.indirect.gather [hbm4b:s13+s4], $0x80, s3, s4, $0xb8;
	[tilespmem:$0x1FB80] =	vst v63  }
0xc0: {  	s28 =	sadd.s32 $0x30, s28;
	_ =	swait.ge [sflag:s23], $0x4000  }
0xc1: {  	p4 =	sne.s32 s28, $0x4E0;
	s26 =	rddreg [dreg:$0x3];
	[sflag:s23] =	ssyncset.done $0x0  }
.Ltmp0:
0xc2: {  	[sflag:s23] =	ssyncadd.s32 $0xFFFFC000;
	s16 =	sadd.s32 s16, s26;
	(pc) =	sbr.rel @p4 .LBB2_2-.Ltmp0, $4  }
0xc3: {  	[tilespmem:s25], [sflag:$0x7] =	stream.linear.gather [hbm4b:s16+s3], $0x80, $0x38;
	[tilespmem:$0x1FB80] =	vst v63  }
0xc4: {  	_ =	swait.ge [sflag:s2], $0x80  }
0xc5: {  	[sflag:s2] =	ssyncset.done $0x0  }
0xc6: {  	s15 =	sadd.s32 $0x180, s15;
	[sflag:s2] =	ssyncadd.s32 $0xFFFFFF80  }
0xc7: {  	[spmem:s1] =	stream.indirect.scatter.add.f32 [tilespmem:s9], [sflag:$0x6], $0x80, s25, s4, $0xb8;
	[tilespmem:$0x1FB80] =	vst v63  }
0xc8: {  	_ =	swait.ge [sflag:s6], $0x4000  }
0xc9: {  	[sflag:s6] =	ssyncset.done $0x0  }
0xca: {  	s15 =	simm.s32 $0x5;
	[sflag:s6] =	ssyncadd.s32 $0xFFFFC000  }
0xcb: {  	_ =	swait.ge [sflag:s15], $0x4000  }
0xcc: {  	[sflag:s15] =	ssyncset.done $0x0  }
0xcd: {  	s26 =	simm.s32 $0x6;
	[sflag:s15] =	ssyncadd.s32 $0xFFFFC000  }
0xce: {  	_ =	swait.ge [sflag:s26], $0x4000  }
0xcf: {  	[sflag:s26] =	ssyncset.done $0x0  }
0xd0: {  	s15 =	simm.s32 @!p3 $0x0;
	s16 =	rddreg [dreg:$0x15];
	[sflag:s26] =	ssyncadd.s32 $0xFFFFC000  }
0xd1: {  	[tilespmem:s15], [sflag:$0x7] =	stream.linear.gather @!p3 [hbm4b:s16+s15], $0x80, $0x38;
	[tilespmem:$0x1FB80] =	vst v63  }
0xd2: {  	s16 =	simm.s32 @!p3 $0x7  }
0xd3: {  	_ =	swait.ge @!p3 [sflag:s16], $0x80  }
0xd4: {  	[sflag:s16] =	ssyncset.done @!p3 $0x0  }
0xd5: {  	s17 =	simm.s32 @!p3 $0x80;
	s28 =	simm.s32 @!p3 $0x300;
	[sflag:s16] =	ssyncadd.s32 @!p3 $0xFFFFFF80  }
0xd6: {  	[tilespmem:s28], [sflag:$0x7] =	stream.indirect.gather @!p3 [hbm4b:s13+s17], $0x80, s15, s17, $0xb8;
	[tilespmem:$0x1FB80] =	vst v63  }
0xd7: {  	_ =	swait.ge @!p3 [sflag:s16], $0x4000  }
0xd8: {  	[sflag:s16] =	ssyncset.done @!p3 $0x0  }
0xd9: {  	s18 =	simm.s32 @!p3 $0x180;
	s19 =	rddreg [dreg:$0x14];
	[sflag:s16] =	ssyncadd.s32 @!p3 $0xFFFFC000  }
0xda: {  	[tilespmem:s18], [sflag:$0x7] =	stream.linear.gather @!p3 [hbm4b:s19+s15], $0x80, $0x38;
	[tilespmem:$0x1FB80] =	vst v63  }
0xdb: {  	_ =	swait.ge @!p3 [sflag:s16], $0x80  }
0xdc: {  	[sflag:s16] =	ssyncset.done @!p3 $0x0  }
0xdd: {  	[sflag:s16] =	ssyncadd.s32 @!p3 $0xFFFFFF80  }
0xde: {  	[spmem:s1] =	stream.indirect.scatter.add.f32 @!p3 [tilespmem:s28], [sflag:$0x7], $0x80, s18, s17, $0xb8;
	[tilespmem:$0x1FB80] =	vst v63  }
0xdf: {  	_ =	swait.ge @!p3 [sflag:s16], $0x4000  }
0xe0: {  	[sflag:s16] =	ssyncset.done @!p3 $0x0  }
0xe1: {  	[sflag:s16] =	ssyncadd.s32 @!p3 $0xFFFFC000  }
0xe2: {  	[bflag:$0x0] =	sbarrier.arrive $0xFFFF  }
0xe3: {  	[tilespmem:s0], [sflag:$0x7] =	stream.linear.gather [spmem:s22], $0x2800, $0x38;
	[tilespmem:$0x1FB80] =	vst v63  }
0xe4: {  	_ =	swait.ge [sflag:s2], $0x2800  }
0xe5: {  	[sflag:s2] =	ssyncset.done $0x0  }
0xe6: {  	s16 =	rddreg [dreg:$0x5];
	[sflag:s2] =	ssyncadd.s32 $0xFFFFD800  }
0xe7: {  	[hbm4b:s16+s3] =	stream.linear.scatter [tilespmem:s0], [sflag:$0x7], $0x2800, $0x38;
	[tilespmem:$0x1FB80] =	vst v63  }
0xe8: {  	_ =	swait.ge [sflag:s2], $0x2800  }
0xe9: {  	[sflag:s2] =	ssyncset.done $0x0  }
0xea: {  	[sflag:s2] =	ssyncadd.s32 $0xFFFFD800  }
0xeb: {  	[tilespmem:s0], [sflag:$0x7] =	stream.linear.gather [spmem:s29], $0x2800, $0x38;
	[tilespmem:$0x1FB80] =	vst v63  }
0xec: {  	_ =	swait.ge [sflag:s2], $0x2800  }
0xed: {  	[sflag:s2] =	ssyncset.done $0x0  }
0xee: {  	s17 =	rddreg [dreg:$0x6];
	[sflag:s2] =	ssyncadd.s32 $0xFFFFD800  }
0xef: {  	[hbm4b:s17+s3] =	stream.linear.scatter [tilespmem:s0], [sflag:$0x7], $0x2800, $0x38;
	[tilespmem:$0x1FB80] =	vst v63  }
0xf0: {  	_ =	swait.ge [sflag:s2], $0x2800  }
0xf1: {  	[sflag:s2] =	ssyncset.done $0x0  }
0xf2: {  	[sflag:s2] =	ssyncadd.s32 $0xFFFFD800  }
0xf3: {  	[tilespmem:s0], [sflag:$0x7] =	stream.linear.gather [spmem:s21], $0x2800, $0x38;
	[tilespmem:$0x1FB80] =	vst v63  }
0xf4: {  	_ =	swait.ge [sflag:s2], $0x2800  }
0xf5: {  	[sflag:s2] =	ssyncset.done $0x0  }
0xf6: {  	s18 =	rddreg [dreg:$0x7];
	[sflag:s2] =	ssyncadd.s32 $0xFFFFD800  }
0xf7: {  	[hbm4b:s18+s3] =	stream.linear.scatter [tilespmem:s0], [sflag:$0x7], $0x2800, $0x38;
	[tilespmem:$0x1FB80] =	vst v63  }
0xf8: {  	_ =	swait.ge [sflag:s2], $0x2800  }
0xf9: {  	[sflag:s2] =	ssyncset.done $0x0  }
0xfa: {  	s20 =	smov.u32 s22;
	s22 =	rddreg [dreg:$0x12];
	[sflag:s2] =	ssyncadd.s32 $0xFFFFD800  }
0xfb: {  	[tilespmem:s0], [sflag:$0x7] =	stream.linear.gather [spmem:s22], $0x2800, $0x38;
	[tilespmem:$0x1FB80] =	vst v63  }
0xfc: {  	_ =	swait.ge [sflag:s2], $0x2800  }
0xfd: {  	[sflag:s2] =	ssyncset.done $0x0  }
0xfe: {  	s19 =	rddreg [dreg:$0x8];
	[sflag:s2] =	ssyncadd.s32 $0xFFFFD800  }
0xff: {  	[hbm4b:s19+s3] =	stream.linear.scatter [tilespmem:s0], [sflag:$0x7], $0x2800, $0x38;
	[tilespmem:$0x1FB80] =	vst v63  }
0x100: {  	_ =	swait.ge [sflag:s2], $0x2800  }
0x101: {  	[sflag:s2] =	ssyncset.done $0x0  }
0x102: {  	s29 =	rddreg [dreg:$0xf];
	[sflag:s2] =	ssyncadd.s32 $0xFFFFD800  }
0x103: {  	[tilespmem:s0], [sflag:$0x7] =	stream.linear.gather [spmem:s29], $0x2800, $0x38;
	[tilespmem:$0x1FB80] =	vst v63  }
0x104: {  	_ =	swait.ge [sflag:s2], $0x2800  }
0x105: {  	[sflag:s2] =	ssyncset.done $0x0  }
0x106: {  	s26 =	rddreg [dreg:$0x9];
	[sflag:s2] =	ssyncadd.s32 $0xFFFFD800  }
0x107: {  	[hbm4b:s26+s3] =	stream.linear.scatter [tilespmem:s0], [sflag:$0x7], $0x2800, $0x38;
	[tilespmem:$0x1FB80] =	vst v63  }
0x108: {  	_ =	swait.ge [sflag:s2], $0x2800  }
0x109: {  	s15 =	simm.s32 @!p2 $0x300;
	[sflag:s2] =	ssyncset.done $0x0  }
0x10a: {  	s16 =	simm.s32 @!p2 $0x7;
	s19 =	rddreg [dreg:$0xe];
	[sflag:s2] =	ssyncadd.s32 $0xFFFFD800  }
0x10b: {  	[tilespmem:s15], [sflag:$0x7] =	stream.linear.gather @!p2 [spmem:s19], $0x2800, $0x38;
	[tilespmem:$0x1FB80] =	vst v63  }
0x10c: {  	_ =	swait.ge @!p2 [sflag:s16], $0x2800  }
0x10d: {  	[sflag:s16] =	ssyncset.done @!p2 $0x0  }
0x10e: {  	s17 =	simm.s32 @!p2 $0x0;
	s18 =	rddreg [dreg:$0xa];
	[sflag:s16] =	ssyncadd.s32 @!p2 $0xFFFFD800  }
0x10f: {  	[hbm4b:s18+s17] =	stream.linear.scatter @!p2 [tilespmem:s15], [sflag:$0x7], $0x2800, $0x38;
	[tilespmem:$0x1FB80] =	vst v63  }
0x110: {  	_ =	swait.ge @!p2 [sflag:s16], $0x2800  }
0x111: {  	s15 =	simm.s32 @!p0 $0x300;
	[sflag:s16] =	ssyncset.done @!p2 $0x0  }
0x112: {  	s26 =	rddreg [dreg:$0x10];
	[sflag:s16] =	ssyncadd.s32 @!p2 $0xFFFFD800;
	s16 =	simm.s32 @!p0 $0x7  }
0x113: {  	[tilespmem:s15], [sflag:$0x7] =	stream.linear.gather @!p0 [spmem:s26], $0x2800, $0x38;
	[tilespmem:$0x1FB80] =	vst v63  }
0x114: {  	_ =	swait.ge @!p0 [sflag:s16], $0x2800  }
0x115: {  	[sflag:s16] =	ssyncset.done @!p0 $0x0  }
0x116: {  	s17 =	simm.s32 @!p0 $0x0;
	s18 =	rddreg [dreg:$0xb];
	[sflag:s16] =	ssyncadd.s32 @!p0 $0xFFFFD800  }
0x117: {  	[hbm4b:s18+s17] =	stream.linear.scatter @!p0 [tilespmem:s15], [sflag:$0x7], $0x2800, $0x38;
	[tilespmem:$0x1FB80] =	vst v63  }
0x118: {  	_ =	swait.ge @!p0 [sflag:s16], $0x2800  }
0x119: {  	s15 =	simm.s32 @!p1 $0x300;
	[sflag:s16] =	ssyncset.done @!p0 $0x0  }
0x11a: {  	s28 =	rddreg [dreg:$0x11];
	[sflag:s16] =	ssyncadd.s32 @!p0 $0xFFFFD800;
	s16 =	simm.s32 @!p1 $0x7  }
0x11b: {  	[tilespmem:s15], [sflag:$0x7] =	stream.linear.gather @!p1 [spmem:s28], $0x2800, $0x38;
	[tilespmem:$0x1FB80] =	vst v63  }
0x11c: {  	_ =	swait.ge @!p1 [sflag:s16], $0x2800  }
0x11d: {  	[sflag:s16] =	ssyncset.done @!p1 $0x0  }
0x11e: {  	s17 =	simm.s32 @!p1 $0x0;
	s18 =	rddreg [dreg:$0xc];
	[sflag:s16] =	ssyncadd.s32 @!p1 $0xFFFFD800  }
0x11f: {  	[hbm4b:s18+s17] =	stream.linear.scatter @!p1 [tilespmem:s15], [sflag:$0x7], $0x2800, $0x38;
	[tilespmem:$0x1FB80] =	vst v63  }
0x120: {  	s17 =	rddreg [dreg:$0x19];
	_ =	swait.ge @!p1 [sflag:s16], $0x2800  }
0x121: {  	s15 =	rddreg [dreg:$0x18]  }
0x122: {  	s18 =	smov.u32 s21;
	s21 =	sadd.s32 $0x1, s15;
	s15 =	rddreg [dreg:$0x16]  }
0x123: {  	p4 =	sne.s32 s21, s15  }
.Ltmp1:
0x124: {  	_ = 	snop;
	(pc) =	sbr.rel @p4 .LBB2_1-.Ltmp1, $3  }
0x125: {  	_ =	sdelay $0x1  }
0x126: {  	[sflag:s16] =	ssyncset.done @!p1 $0x0  }
0x127: {  	[sflag:s16] =	ssyncadd.s32 @!p1 $0xFFFFD800;
	s16 =	smov.u32 s22  }
0x128: {  	_ =	sfence.sel $0x180000  }
0x129: {  	[bflag:$0x0] =	sbarrier.arrive $0xFFFF  }
0x12a: {  	_ =	strace $0x9000004A  }
0x12b: {  	s0 =	stileid.u32;
	[bflag:$0x2] =	sbarrier.arrive $0xFFFF  }
0x12c: {  	p0 =	sne.s32 s0, $0x0;
	s0 =	rddreg [dreg:$0x2]  }
0x12d: {  	s0 =	sadd.s32 @!p0 $0x100000, s0  }
0x12e: {  	[sflag:s0] =	ssyncadd.tile.s32 @!p0 $0x1;
	_ =	shalt  }
.Lfunc_end2:
_tile_overlayer_lowered:
.L_overlay_start_2:
0x12f: {  	(tag) =	ssettag $0x2  }
0x130: {  	s0 =	rddreg [dreg:$0x0];
	s2 =	stileid.u32  }
0x131: {  	s1 =	rddreg [dreg:$0x1];
	p0 =	sne.s32 s2, $0x0  }
0x132: {  	s3 =	rddreg [dreg:$0x2];
	[bflag:$0x3] =	sbarrier.arrive $0xFFFF;
	s2 =	simm.s32 @!p0 $0x1C07  }
0x133: {  	[timem:s3], [sflag:s2] =	dma.local @!p0 [hbm:s0], s1  }
0x134: {  	s0 =	simm.s32 @!p0 $0x7  }
0x135: {  	_ =	swait.ge @!p0 [sflag:s0], s1  }
0x136: {  	s1 =	ssub.s32 @!p0 $0x0, s1;
	[sflag:s0] =	ssyncset.done @!p0 $0x0  }
0x137: {  	[sflag:s0] =	ssyncadd.s32 @!p0 s1  }
0x138: {  	[bflag:$0x3] =	sbarrier.arrive $0xFFFF  }
0x139: {  	_ =	shalt  }

// kernel: kernel.14.cloned.1.call-start
scs
__scs_entry_jumppad:
0x0: {  	(pc) =	sbr.rel $0x88, $3  }
0x1: {  	(tag) =	ssettag $0x0;
	lr =	simm.s32 $0x1  }
0x2: {  	[smem:$0x3F97] =	sst lr;
	_ =	strace $0xD0000000  }
0x3: {  	_ = 	snop  }
0x4: {  	_ = 	snop  }
0x5: {  	_ = 	snop  }
0x6: {  	_ = 	snop  }
0x7: {  	_ = 	snop  }
__scs_overlays_trampoline_lowered:
0x8: {  	[smem:$0x3FA6] =	sst s0  }
0x9: {  	[smem:$0x3FA7] =	sst s1  }
0xa: {  	[smem:$0x3FA8] =	sst s2  }
0xb: {  	[smem:$0x3FA9] =	sst s3  }
0xc: {  	[smem:$0x3FAA] =	sst s4  }
0xd: {  	[smem:$0x3FAB] =	sst s5  }
0xe: {  	[smem:$0x3FAC] =	sst s6  }
0xf: {  	[smem:$0x3FAD] =	sst s7  }
0x10: {  	[smem:$0x3FAE] =	sst s8  }
0x11: {  	[smem:$0x3FAF] =	sst s9;
	s0 =	simm.s32 @!p0 $0x0  }
0x12: {  	s1 =	sld [smem:$0x3F95];
	s0 =	simm.s32 @p0 $0x1  }
0x13: {  	[smem:$0x3FB0] =	sst s0;
	s0 =	simm.s32 @!p1 $0x0  }
0x14: {  	s2 =	sld [smem:$0x3F94];
	s0 =	simm.s32 @p1 $0x1  }
0x15: {  	[smem:$0x3FB1] =	sst s0;
	s0 =	simm.s32 @!p2 $0x0  }
0x16: {  	s3 =	sld [smem:$0x3FDB];
	s0 =	simm.s32 @p2 $0x1  }
0x17: {  	s4 =	simm.s32 $0x1BF5;
	[smem:$0x3FB3] =	sst s0  }
0x18: {  	s0 =	sld [smem:$0x3F96];
	_ =	swait.ge [sflag:s4], $0x0  }
0x19: {  	s7 =	sld [smem:$0x3F97]  }
0x1a: {  	s8 =	sadd.s32 $0xFFFFE003, lr  }
0x1b: {  	s9 =	sadd.s32 $0xFFFFFEF7, lr;
	s5 =	simm.s32 $0xFFFFFFFF;
	p2 =	slt.u32 s8, $0xFFFFF086  }
0x1c: {  	p1 =	slt.u32 s9, $0xF7A;
	s5 =	simm.s32 @!p2 $0x0  }
0x1d: {  	s5 =	simm.s32 @p1 $0x1;
	p0 =	seq.s32 s7, s2  }
0x1e: {  	s7 =	smul.u32 @!p0 $0xF7A, s2;
	p2 =	seq.s32 @!p0 s5, $0x0  }
0x1f: {  	s9 =	smul.u32 $0xF7A, s1;
	s8 =	simm.s32 @!p0 $0x1BF5;
	p2 =	por !p2, p0  }
0x20: {  	[sflag:s8] =	ssyncset.s32 @!p0 $0xFFFFF086;
	s6 =	sadd.s32 @!p0 s3, s7;
	s7 =	simm.s32 @!p0 $0x108  }
0x21: {  	s3 =	sadd.s32 s3, s9;
	s6 =	sadd.s32 @!p0 $0x88, s6;
	s7 =	simm.s32 @p2 $0x1082  }
0x22: {  	[simem:s7], [sflag:s8] =	dma.local @!p0 [hbm:s6], $0xF7A  }
0x23: {  	s9 =	sor.u32 $0xD0000000, s2;
	s6 =	simm.s32 $0x108;
	_ =	swait.ge @!p0 [sflag:s8], $0x0  }
0x24: {  	s3 =	sadd.s32 $0x88, s3;
	s6 =	simm.s32 @!p1 $0x1082;
	[sflag:s4] =	ssyncset.s32 $0xFFFFF086  }
0x25: {  	[simem:s6], [sflag:s4] =	dma.local [hbm:s3], $0xF7A  }
0x26: {  	[smem:$0x3F97] =	sst s1;
	(tag) =	ssettag s2;
	_ =	strace s9  }
0x27: {  	s1 =	sld [smem:$0x3FA7]  }
0x28: {  	s2 =	sld [smem:$0x3FA8]  }
0x29: {  	s4 =	sld [smem:$0x3FAA]  }
0x2a: {  	p0 =	seq.s32 s5, $0x0;
	s5 =	sld [smem:$0x3FAB]  }
0x2b: {  	s6 =	sld [smem:$0x3FAC]  }
0x2c: {  	s7 =	sld [smem:$0x3FAD]  }
0x2d: {  	s3 =	simm.s32 $0x108;
	s8 =	sld [smem:$0x3FAE]  }
0x2e: {  	s3 =	simm.s32 @!p0 $0x1082;
	s9 =	sld [smem:$0x3FAF]  }
0x2f: {  	lr =	sadd.s32 s0, s3;
	s0 =	sld [smem:$0x3FA6]  }
0x30: {  	s3 =	sld [smem:$0x3FA9]  }
0x31: {  	[smem:$0x3FB2] =	sst s10  }
0x32: {  	s10 =	sld [smem:$0x3FB0];
	_ =	sdelay $0x3  }
0x33: {  	p0 =	seq.s32 s10, $0x1;
	s10 =	sld [smem:$0x3FB2];
	_ =	sdelay $0x3  }
0x34: {  	[smem:$0x3FB2] =	sst s10  }
0x35: {  	s10 =	sld [smem:$0x3FB1];
	_ =	sdelay $0x3  }
0x36: {  	p1 =	seq.s32 s10, $0x1;
	s10 =	sld [smem:$0x3FB2];
	_ =	sdelay $0x3  }
0x37: {  	[smem:$0x3FB2] =	sst s10  }
0x38: {  	s10 =	sld [smem:$0x3FB3]  }
0x39: {  	_ = 	snop;
	(pc) =	sbr.ind lr, $3  }
0x3a: {  	_ = 	snop  }
0x3b: {  	_ = 	snop  }
0x3c: {  	p2 =	seq.s32 s10, $0x1;
	s10 =	sld [smem:$0x3FB2]  }
0x3d: {  	_ =	shalt  }
0x3e: {  	_ =	shalt  }
0x3f: {  	_ =	shalt  }
0x40: {  	_ =	shalt  }
0x41: {  	_ =	shalt  }
0x42: {  	_ =	shalt  }
0x43: {  	_ =	shalt  }
0x44: {  	_ =	shalt  }
0x45: {  	_ =	shalt  }
0x46: {  	_ =	shalt  }
0x47: {  	_ =	shalt  }
0x48: {  	_ =	shalt  }
0x49: {  	_ =	shalt  }
0x4a: {  	_ =	shalt  }
0x4b: {  	_ =	shalt  }
0x4c: {  	_ =	shalt  }
0x4d: {  	_ =	shalt  }
0x4e: {  	_ =	shalt  }
0x4f: {  	_ =	shalt  }
0x50: {  	_ =	shalt  }
0x51: {  	_ =	shalt  }
0x52: {  	_ =	shalt  }
0x53: {  	_ =	shalt  }
0x54: {  	_ =	shalt  }
0x55: {  	_ =	shalt  }
0x56: {  	_ =	shalt  }
0x57: {  	_ =	shalt  }
0x58: {  	_ =	shalt  }
0x59: {  	_ =	shalt  }
0x5a: {  	_ =	shalt  }
0x5b: {  	_ =	shalt  }
0x5c: {  	_ =	shalt  }
0x5d: {  	_ =	shalt  }
0x5e: {  	_ =	shalt  }
0x5f: {  	_ =	shalt  }
0x60: {  	_ =	shalt  }
0x61: {  	_ =	shalt  }
0x62: {  	_ =	shalt  }
0x63: {  	_ =	shalt  }
0x64: {  	_ =	shalt  }
0x65: {  	_ =	shalt  }
0x66: {  	_ =	shalt  }
0x67: {  	_ =	shalt  }
0x68: {  	_ =	shalt  }
0x69: {  	_ =	shalt  }
0x6a: {  	_ =	shalt  }
0x6b: {  	_ =	shalt  }
0x6c: {  	_ =	shalt  }
0x6d: {  	_ =	shalt  }
0x6e: {  	_ =	shalt  }
0x6f: {  	_ =	shalt  }
0x70: {  	_ =	shalt  }
0x71: {  	_ =	shalt  }
0x72: {  	_ =	shalt  }
0x73: {  	_ =	shalt  }
0x74: {  	_ =	shalt  }
0x75: {  	_ =	shalt  }
0x76: {  	_ =	shalt  }
0x77: {  	_ =	shalt  }
0x78: {  	_ =	shalt  }
0x79: {  	_ =	shalt  }
0x7a: {  	_ =	shalt  }
0x7b: {  	_ =	shalt  }
0x7c: {  	_ =	shalt  }
0x7d: {  	_ =	shalt  }
0x7e: {  	_ =	shalt  }
0x7f: {  	_ =	shalt  }
0x80: {  	_ =	shalt  }
0x81: {  	_ =	shalt  }
0x82: {  	_ =	shalt  }
0x83: {  	_ =	shalt  }
0x84: {  	_ =	shalt  }
0x85: {  	_ =	shalt  }
0x86: {  	_ =	shalt  }
0x87: {  	_ =	shalt  }
.Lfunc_end0:
.L_simem_size_0:
called_computation.2_lowered:
.L_overlay_start_0:
0x88: {  	s2 =	sld [smem:$0x3FD9]  }
0x89: {  	s3 =	sld [smem:$0x3FFE];
	_ =	sdelay $0x1  }
0x8a: {  	s1 =	srdreg.scid  }
0x8b: {  	s0 =	sand.u32 $0x1, s1  }
0x8c: {  	s16 =	sshll.u32 s0, $0xA;
	s2 =	sadd.s32 s3, s2  }
0x8d: {  	s2 =	sadd.s32 s2, s16  }
0x8e: {  	[smem:$0x3FBE] =	sst s2  }
0x8f: {  	_ = 	snop  }
0x90: {  	(tm) =	ssettm $0x1  }
0x91: {  	s17 =	sld [smem:$0x3FFB];
	_ =	sdelay $0x3  }
0x92: {  	_ =	strace s17  }
0x93: {  	s2 =	sld [smem:$0x3FFC];
	_ =	sdelay $0x3  }
0x94: {  	_ =	strace s2  }
0x95: {  	s2 =	sld [smem:$0x3FFD];
	_ =	sdelay $0x3  }
0x96: {  	_ =	strace s2  }
0x97: {  	_ =	strace $0x8FFFFFFF  }
0x98: {  	s18 =	sld [smem:$0x3FDB];
	_ =	sdelay $0x1  }
0x99: {  	s19 =	simm.s32 $_scs_section_size  }
0x9a: {  	s4 =	simm.s32 $_size__tile_overlayer_lowered;
	s5 =	simm.s32 $_tile_overlayer_lowered  }
0x9b: {  	s22 =	simm.s32 $0x1BFF;
	s21 =	sshll.u32 s5, $0x1;
	s2 =	sadd.s32 s19, s18  }
0x9c: {  	s6 =	simm.s32 $0x0;
	s20 =	sshll.u32 s4, $0x1;
	s4 =	sadd.s32 s21, s2  }
0x9d: {  	[timem:s6], [sflag:s22] =	dma.local [hbm:s4], s20  }
0x9e: {  	_ =	swait.ge [sflag:s22], s20  }
0x9f: {  	s3 =	ssub.s32 $0x0, s20;
	[sflag:s22] =	ssyncset.done $0x0  }
0xa0: {  	[sflag:s22] =	ssyncadd.s32 s3;
	_ =	sdelay $0x1  }
0xa1: {  	s23 =	simm.s32 $0x1B8B  }
0xa2: {  	_ =	swait.ge [sflag:s23], $0x1  }
0xa3: {  	[sflag:s23] =	ssyncset.done $0x0  }
0xa4: {  	s25 =	simm.s32 $0x1B8E;
	s24 =	sld [smem:$0x3FFE];
	[sflag:s23] =	ssyncadd.s32 $0xFFFFFFFF  }
0xa5: {  	s26 =	simm.s32 $execute0_lowered;
	[smem:$0x3FD2] =	sst s25  }
0xa6: {  	s4 =	sshll.u32 s26, $0x1;
	_ =	strace $0x8000004C;
	[dreg:$0x1] =	wrdreg $0xFFFFFFFF  }
0xa7: {  	s28 =	simm.s32 $_size_execute0_lowered;
	s2 =	sadd.s32 s2, s4;
	[dreg:$0x0] =	wrdreg $0x0  }
0xa8: {  	s4 =	sshll.u32 s28, $0x1;
	[dreg:$0x2] =	wrdreg s2  }
0xa9: {  	[dreg:$0x3] =	wrdreg s4  }
0xaa: {  	[dreg:$0x4] =	wrdreg $0xC0  }
0xab: {  	_ =	task [dreg:s6], $0x5FFFF  }
0xac: {  	[dreg:$0x1] =	wrdreg $0xFFFFFFFF  }
0xad: {  	[dreg:$0x0] =	wrdreg $0x60  }
0xae: {  	[dreg:$0x2] =	wrdreg s24  }
0xaf: {  	[dreg:$0x3] =	wrdreg $0xC3800  }
0xb0: {  	[dreg:$0x4] =	wrdreg $0x9  }
0xb1: {  	_ =	task.clear_ibuf [dreg:s6], $0x5FFFF;
	_ =	strace $0x9000004C  }
0xb2: {  	s29 =	simm.s32 $0x9;
	_ =	strace $0x8000004E  }
0xb3: {  	_ =	swait.ge [sflag:s29], $0x1  }
0xb4: {  	[sflag:s29] =	ssyncadd.s32 $0xFFFFFFFF  }
0xb5: {  	_ =	strace $0x9000004E  }
0xb6: {  	_ =	sfence  }
0xb7: {  	s30 =	sld [smem:$0x0];
	_ =	sdelay $0x2  }
0xb8: {  	s31 =	sshll.u32 s1, $0xD;
	s1 =	sshrl.u32 s1, $0x2  }
0xb9: {  	s3 =	sand.u32 $0x4000, s31;
	s1 =	sadd.s32 s1, s30  }
0xba: {  	s0 =	sor.u32 s3, s0;
	s1 =	sshll.u32 s1, $0x11  }
0xbb: {  	s0 =	sor.u32 s1, s0  }
0xbc: {  	s0 =	sadd.s32 $0x8F2B, s0  }
0xbd: {  	[sflag:s0] =	ssyncadd.remote.s32 $0x1  }
0xbe: {  	_ =	sfence.sel $0xFFFF  }
0xbf: {  	[dreg:$0x0] =	wrdreg $0xFFFFFFFF;
	(pc) =	sbr.abs _section_cstart, $3  }
0xc0: {  	[dreg:$0x1] =	wrdreg $0xFFFFFFFF  }
0xc1: {  	_ =	task.clear_ibuf [dreg:s6], $0x2FFFF;
	_ =	strace $0x9FFFFFFF  }
0xc2: {  	(tm) =	ssettm $0x7FFFFFFF  }
0xc3: {  	_ =	shalt  }
tec
execute0_lowered:
.L_overlay_start_1:
0x0: {  	(tag) =	ssettag $0x1  }
0x1: {  	s2 =	rddreg [dreg:$0x0];
	s0 =	simm.s32 $0x0;
	s1 =	srdreg.scid  }
0x2: {  	s28 =	stileid.u32;
	s29 =	simm.s32 $0x380;
	s30 =	simm.s32 $0x7  }
0x3: {  	s31 =	simm.s32 $0x80;
	[smem:$0x7FF] =	sst s0;
	s4 =	sadd.s32 $0xC600, s2  }
0x4: {  	s12 =	sand.u32 $0x1, s1;
	s5 =	sadd.s32 $0x2800, s2;
	s9 =	smul.u32 $0x4E00, s28  }
0x5: {  	s6 =	sadd.s32 $0xB2E00, s2;
	s7 =	sshll.u32 s28, $0x3;
	s14 =	smul.u32 $0x280, s28  }
0x6: {  	s15 =	sshll.u32 s28, $0x4;
	p2 =	seq.s32 s28, $0xF;
	p3 =	sgt.u32 s28, $0x3  }
0x7: {  	s1 =	ssub.s32 $0x2, s12;
	s8 =	sor.u32 $0x1, s7;
	s13 =	smul.u32 $0x2710, s12  }
0x8: {  	s10 =	sor.u32 $0x2, s7;
	s11 =	sor.u32 $0x3, s7;
	s17 =	smul.u32 $0x50, s8  }
0x9: {  	s18 =	sor.u32 $0x4, s7;
	s19 =	sor.u32 $0x5, s7;
	s22 =	smul.u32 $0x50, s11  }
0xa: {  	s7 =	sor.u32 $0x6, s7;
	s15 =	sor.u32 $0x9C00, s15;
	s24 =	smul.u32 $0x50, s18  }
0xb: {  	s3 =	sshrl.u32 s1, $0x1;
	s9 =	sshrl.u32 s9, $0x3;
	s26 =	smul.u32 $0x50, s19  }
0xc: {  	p0 =	sgt.u32 s7, $0x7C;
	s1 =	ssub.s32 s1, s3;
	s9 =	sadd.s32 s4, s9  }
0xd: {  	s3 =	sshllo.u32 s28, $0x3;
	s16 =	sadd.s32 s14, s13;
	[dreg:$0x3] =	wrdreg s9  }
0xe: {  	s9 =	sshll.u32 s16, $0x4;
	s16 =	smul.u32 $0x50, s10;
	s20 =	sadd.s32 s13, s17  }
0xf: {  	s25 =	sadd.s32 s13, s22;
	s14 =	sadd.s32 s13, s24;
	s17 =	smul.u32 $0x50, s7  }
0x10: {  	s22 =	smul.u32 $0x9C0, s28;
	s24 =	sadd.s32 s5, s15;
	p1 =	sgt.u32 s3, $0x7C  }
0x11: {  	s9 =	sadd.s32 s6, s9;
	[dreg:$0xd] =	wrdreg s24;
	s24 =	smul.u32 $0xA000, s7  }
0x12: {  	[dreg:$0x4] =	wrdreg s9;
	s9 =	sshll.u32 s20, $0x4;
	s20 =	smul.u32 $0x50, s3  }
0x13: {  	s21 =	sadd.s32 s13, s16;
	s16 =	sadd.s32 s13, s26;
	s26 =	smul.u32 $0xA000, s8  }
0x14: {  	s1 =	smax.u32 s1, $0x1;
	s14 =	sshll.u32 s14, $0x4;
	s8 =	smul.u32 $0xA000, s10  }
0x15: {  	s7 =	simm.s32 $0x280;
	s14 =	sadd.s32 s6, s14;
	s10 =	smul.u32 $0xA000, s11  }
0x16: {  	s3 =	smul.u32 $0xA000, s3;
	s9 =	sadd.s32 s6, s9;
	s23 =	sshll.u32 s21, $0x4  }
0x17: {  	[dreg:$0x8] =	wrdreg s14;
	s16 =	sshll.u32 s16, $0x4;
	s21 =	sadd.s32 s13, s17  }
0x18: {  	s14 =	sadd.s32 s22, s5;
	s17 =	sadd.s32 $0x64C00, s2;
	s2 =	sadd.s32 $0x16400, s2  }
0x19: {  	s5 =	simm.s32 $0x8380;
	[dreg:$0x5] =	wrdreg s9;
	s9 =	sadd.s32 s6, s23  }
0x1a: {  	s13 =	sadd.s32 s13, s20;
	s23 =	sadd.s32 s4, s15;
	s15 =	rddreg [dreg:$0x1]  }
0x1b: {  	s20 =	smul.u32 $0xA000, s18;
	[dreg:$0x6] =	wrdreg s9;
	s9 =	sshll.u32 s25, $0x4  }
0x1c: {  	[dreg:$0xc] =	wrdreg s23;
	s25 =	smul.u32 $0x50000, s28;
	s9 =	sadd.s32 s6, s9  }
0x1d: {  	s13 =	sshll.u32 s13, $0x4;
	s23 =	smul.u32 $0xA000, s19;
	[dreg:$0x7] =	wrdreg s9  }
0x1e: {  	s9 =	sadd.s32 s6, s16;
	s16 =	sadd.s32 s22, s4;
	s22 =	sshrl.u32 s10, $0x2  }
0x1f: {  	s4 =	sshrl.u32 s20, $0x2;
	s10 =	simm.s32 $0x100;
	[dreg:$0x9] =	wrdreg s9  }
0x20: {  	s9 =	sshll.u32 s21, $0x4;
	s19 =	sadd.s32 s22, s15;
	s20 =	sadd.s32 s4, s15  }
0x21: {  	s4 =	simm.s32 $0x180;
	s9 =	sadd.s32 s6, s9;
	s6 =	sadd.s32 s6, s13  }
0x22: {  	s13 =	sshrl.u32 s8, $0x2;
	s8 =	simm.s32 $0x4;
	[dreg:$0xa] =	wrdreg s9  }
0x23: {  	[dreg:$0xb] =	wrdreg s6;
	s6 =	sshrl.u32 s25, $0x2;
	s9 =	sshrl.u32 s26, $0x2  }
0x24: {  	s13 =	sadd.s32 s13, s15;
	s25 =	sshrl.u32 s23, $0x2;
	s26 =	sshrl.u32 s3, $0x2  }
0x25: {  	s3 =	simm.s32 $0x200;
	_ =	strace $0x8000004D;
	[dreg:$0xe] =	wrdreg s2  }
0x26: {  	s21 =	sadd.s32 s6, s15;
	s11 =	sadd.s32 s9, s15;
	s2 =	sshrl.u32 s24, $0x2  }
0x27: {  	s22 =	sadd.s32 s25, s15;
	s18 =	sadd.s32 s26, s15;
	[dreg:$0x13] =	wrdreg s1  }
0x28: {  	s1 =	simm.s32 $0x4380;
	s6 =	simm.s32 $0x2;
	[dreg:$0x10] =	wrdreg s20  }
0x29: {  	s9 =	simm.s32 $0x3;
	s25 =	simm.s32 $0x0;
	[dreg:$0xf] =	wrdreg s22  }
0x2a: {  	s23 =	sadd.s32 s2, s15;
	s28 =	smov.u32 s11;
	[dreg:$0x12] =	wrdreg s18  }
0x2b: {  	v0 =	vmov s12;
	s2 =	simm.s32 $0x1;
	s11 =	simm.s32 $0x300;
	[dreg:$0x11] =	wrdreg s23  }
.LBB2_1:
0x2c: {  	[dreg:$0x14] =	wrdreg s25  }
0x2d: {  	s12 =	rddreg [dreg:$0xe]  }
0x2e: {  	[tilespmem:s29], [sflag:$0x7] =	stream.linear.gather [hbm4b:s12+s0], $0x2800, $0x38;
	[tilespmem:$0x1FC00] =	vst v63  }
0x2f: {  	_ =	swait.ge [sflag:s30], $0x2800  }
0x30: {  	[sflag:s30] =	ssyncset.done $0x0  }
0x31: {  	[sflag:s30] =	ssyncadd.s32 $0xFFFFD800  }
0x32: {  	[spmem:s21] =	stream.linear.scatter [tilespmem:s29], [sflag:$0x7], $0x2800, $0x38;
	[tilespmem:$0x1FC00] =	vst v63  }
0x33: {  	_ =	swait.ge [sflag:s30], $0x2800  }
0x34: {  	[sflag:s30] =	ssyncset.done $0x0  }
0x35: {  	[sflag:s30] =	ssyncadd.s32 $0xFFFFD800  }
0x36: {  	[spmem:s28] =	stream.linear.scatter [tilespmem:s29], [sflag:$0x7], $0x2800, $0x38;
	[tilespmem:$0x1FC00] =	vst v63  }
0x37: {  	_ =	swait.ge [sflag:s30], $0x2800  }
0x38: {  	[sflag:s30] =	ssyncset.done $0x0  }
0x39: {  	[sflag:s30] =	ssyncadd.s32 $0xFFFFD800  }
0x3a: {  	[spmem:s13] =	stream.linear.scatter [tilespmem:s29], [sflag:$0x7], $0x2800, $0x38;
	[tilespmem:$0x1FC00] =	vst v63  }
0x3b: {  	_ =	swait.ge [sflag:s30], $0x2800  }
0x3c: {  	[sflag:s30] =	ssyncset.done $0x0  }
0x3d: {  	[sflag:s30] =	ssyncadd.s32 $0xFFFFD800  }
0x3e: {  	[spmem:s19] =	stream.linear.scatter [tilespmem:s29], [sflag:$0x7], $0x2800, $0x38;
	[tilespmem:$0x1FC00] =	vst v63  }
0x3f: {  	_ =	swait.ge [sflag:s30], $0x2800  }
0x40: {  	[sflag:s30] =	ssyncset.done $0x0  }
0x41: {  	[sflag:s30] =	ssyncadd.s32 $0xFFFFD800  }
0x42: {  	[spmem:s20] =	stream.linear.scatter [tilespmem:s29], [sflag:$0x7], $0x2800, $0x38;
	[tilespmem:$0x1FC00] =	vst v63  }
0x43: {  	_ =	swait.ge [sflag:s30], $0x2800  }
0x44: {  	[sflag:s30] =	ssyncset.done $0x0  }
0x45: {  	s12 =	simm.s32 @!p2 $0x380;
	[sflag:s30] =	ssyncadd.s32 $0xFFFFD800  }
0x46: {  	[spmem:s22] =	stream.linear.scatter @!p2 [tilespmem:s12], [sflag:$0x7], $0x2800, $0x38;
	[tilespmem:$0x1FC00] =	vst v63  }
0x47: {  	s12 =	simm.s32 @!p2 $0x7  }
0x48: {  	_ =	swait.ge @!p2 [sflag:s12], $0x2800  }
0x49: {  	s26 =	smov.u32 s21;
	[sflag:s12] =	ssyncset.done @!p2 $0x0  }
0x4a: {  	s21 =	smov.u32 s23;
	[sflag:s12] =	ssyncadd.s32 @!p2 $0xFFFFD800;
	s12 =	simm.s32 @!p0 $0x380  }
0x4b: {  	[spmem:s21] =	stream.linear.scatter @!p0 [tilespmem:s12], [sflag:$0x7], $0x2800, $0x38;
	[tilespmem:$0x1FC00] =	vst v63  }
0x4c: {  	s12 =	simm.s32 @!p0 $0x7  }
0x4d: {  	_ =	swait.ge @!p0 [sflag:s12], $0x2800  }
0x4e: {  	[sflag:s12] =	ssyncset.done @!p0 $0x0  }
0x4f: {  	[sflag:s12] =	ssyncadd.s32 @!p0 $0xFFFFD800;
	s12 =	simm.s32 @!p1 $0x380  }
0x50: {  	[spmem:s18] =	stream.linear.scatter @!p1 [tilespmem:s12], [sflag:$0x7], $0x2800, $0x38;
	[tilespmem:$0x1FC00] =	vst v63  }
0x51: {  	s12 =	simm.s32 @!p1 $0x7  }
0x52: {  	_ =	swait.ge @!p1 [sflag:s12], $0x2800  }
0x53: {  	[sflag:s12] =	ssyncset.done @!p1 $0x0  }
0x54: {  	[sflag:s12] =	ssyncadd.s32 @!p1 $0xFFFFD800  }
0x55: {  	[bflag:$0x0] =	sbarrier.arrive $0xFFFF  }
0x56: {  	s18 =	rddreg [dreg:$0x3]  }
0x57: {  	[tilespmem:s0], [sflag:$0x7] =	stream.linear.gather [hbm4b:s18+s0], $0x80, $0x38;
	[tilespmem:$0x1FC00] =	vst v63  }
0x58: {  	_ =	swait.ge [sflag:s30], $0x80  }
0x59: {  	[sflag:s30] =	ssyncset.done $0x0  }
0x5a: {  	[sflag:s30] =	ssyncadd.s32 $0xFFFFFF80  }
0x5b: {  	v1 =	vld [tilespmem:$0x0]  }
0x5c: {  	v2 =	vld [tilespmem:$0x10]  }
0x5d: {  	v3 =	vld [tilespmem:$0x20]  }
0x5e: {  	v4 =	vld [tilespmem:$0x30]  }
0x5f: {  	v5 =	vld [tilespmem:$0x40]  }
0x60: {  	v6 =	vld [tilespmem:$0x50];
	v1 =	vshll.u32 v1, $0x1  }
0x61: {  	v7 =	vld [tilespmem:$0x60];
	v2 =	vshll.u32 v2, $0x1;
	v1 =	vor.u32 v0, v1  }
0x62: {  	[tilespmem:$0x80] =	vst v1;
	v1 =	vor.u32 v0, v2;
	v2 =	vshll.u32 v3, $0x1;
	v3 =	vld [tilespmem:$0x70]  }
0x63: {  	[tilespmem:$0x90] =	vst v1;
	v1 =	vor.u32 v0, v2;
	v2 =	vshll.u32 v4, $0x1  }
0x64: {  	[tilespmem:$0xA0] =	vst v1;
	v1 =	vor.u32 v0, v2;
	v2 =	vshll.u32 v5, $0x1  }
0x65: {  	[tilespmem:$0xB0] =	vst v1;
	v1 =	vor.u32 v0, v2;
	v2 =	vshll.u32 v6, $0x1  }
0x66: {  	[tilespmem:$0xC0] =	vst v1;
	v1 =	vor.u32 v0, v2;
	v2 =	vshll.u32 v7, $0x1  }
0x67: {  	[tilespmem:$0xD0] =	vst v1;
	v1 =	vor.u32 v0, v2;
	v2 =	vshll.u32 v3, $0x1  }
0x68: {  	[tilespmem:$0xE0] =	vst v1;
	v1 =	vor.u32 v0, v2  }
0x69: {  	s25 =	smov.u32 s19;
	s19 =	sadd.s32 $0x0, s16;
	[tilespmem:$0xF0] =	vst v1  }
0x6a: {  	[tilespmem:s29], [sflag:$0x1] =	stream.indirect.gather [hbm4b:s17+s31], $0x80, s31, s31, $0xb8;
	[tilespmem:$0x1FC00] =	vst v63  }
0x6b: {  	s20 =	sadd.s32 $0x10, s19  }
0x6c: {  	[tilespmem:s0], [sflag:$0x7] =	stream.linear.gather [hbm4b:s20+s0], $0x80, $0x38;
	[tilespmem:$0x1FC00] =	vst v63  }
0x6d: {  	_ =	swait.ge [sflag:s30], $0x80  }
0x6e: {  	[sflag:s30] =	ssyncset.done $0x0  }
0x6f: {  	[sflag:s30] =	ssyncadd.s32 $0xFFFFFF80  }
0x70: {  	v1 =	vld [tilespmem:$0x70]  }
0x71: {  	v2 =	vld [tilespmem:$0x60]  }
0x72: {  	v3 =	vld [tilespmem:$0x30]  }
0x73: {  	v4 =	vld [tilespmem:$0x10]  }
0x74: {  	v5 =	vld [tilespmem:$0x20]  }
0x75: {  	v6 =	vld [tilespmem:$0x50];
	v1 =	vshll.u32 v1, $0x1  }
0x76: {  	v7 =	vld [tilespmem:$0x0];
	v2 =	vshll.u32 v2, $0x1;
	v1 =	vor.u32 v0, v1  }
0x77: {  	v8 =	vld [tilespmem:$0x40];
	v3 =	vshll.u32 v3, $0x1;
	v2 =	vor.u32 v0, v2;
	[tilespmem:$0x170] =	vst v1  }
0x78: {  	v3 =	vor.u32 v0, v3;
	v1 =	vshll.u32 v4, $0x1;
	[tilespmem:$0x160] =	vst v2  }
0x79: {  	v2 =	vshll.u32 v5, $0x1;
	[tilespmem:$0x130] =	vst v3;
	v1 =	vor.u32 v0, v1  }
0x7a: {  	[tilespmem:$0x110] =	vst v1;
	v1 =	vor.u32 v0, v2;
	v2 =	vshll.u32 v6, $0x1  }
0x7b: {  	v3 =	vshll.u32 v7, $0x1;
	[tilespmem:$0x120] =	vst v1;
	v1 =	vor.u32 v0, v2  }
0x7c: {  	v2 =	vor.u32 v0, v3;
	v3 =	vshll.u32 v8, $0x1;
	[tilespmem:$0x150] =	vst v1  }
0x7d: {  	p4 =	por $0x1, $0x1;
	[tilespmem:$0x100] =	vst v2;
	v1 =	vor.u32 v0, v3  }
0x7e: {  	s24 =	smov.u32 s13;
	s13 =	simm.s32 @!p4 $0x5;
	[tilespmem:$0x140] =	vst v1  }
0x7f: {  	_ =	swait.ge @!p4 [sflag:s13], $0x4000  }
0x80: {  	[sflag:s13] =	ssyncset.done @!p4 $0x0  }
0x81: {  	[sflag:s13] =	ssyncadd.s32 @!p4 $0xFFFFC000  }
0x82: {  	[tilespmem:s1], [sflag:$0x2] =	stream.indirect.gather [hbm4b:s17+s31], $0x80, s10, s31, $0xb8;
	[tilespmem:$0x1FC00] =	vst v63  }
0x83: {  	_ =	swait.ge [sflag:s2], $0x4000  }
0x84: {  	[sflag:s2] =	ssyncset.done $0x0  }
0x85: {  	s23 =	smov.u32 s28;
	s28 =	sadd.s32 $0x0, s14;
	[sflag:s2] =	ssyncadd.s32 $0xFFFFC000  }
0x86: {  	[tilespmem:s3], [sflag:$0x7] =	stream.linear.gather [hbm4b:s28+s0], $0x80, $0x38;
	[tilespmem:$0x1FC00] =	vst v63  }
0x87: {  	_ =	swait.ge [sflag:s30], $0x80  }
0x88: {  	[sflag:s30] =	ssyncset.done $0x0  }
0x89: {  	[sflag:s30] =	ssyncadd.s32 $0xFFFFFF80  }
0x8a: {  	[spmem:s15] =	stream.indirect.scatter.add.f32 [tilespmem:s29], [sflag:$0x4], $0x80, s3, s31, $0xb8;
	[tilespmem:$0x1FC00] =	vst v63  }
0x8b: {  	s21 =	sadd.s32 $0x20, s19  }
0x8c: {  	[tilespmem:s0], [sflag:$0x7] =	stream.linear.gather [hbm4b:s21+s0], $0x80, $0x38;
	[tilespmem:$0x1FC00] =	vst v63  }
0x8d: {  	_ =	swait.ge [sflag:s30], $0x80  }
0x8e: {  	[sflag:s30] =	ssyncset.done $0x0  }
0x8f: {  	[sflag:s30] =	ssyncadd.s32 $0xFFFFFF80  }
0x90: {  	v1 =	vld [tilespmem:$0x0]  }
0x91: {  	v2 =	vld [tilespmem:$0x50]  }
0x92: {  	v3 =	vld [tilespmem:$0x20]  }
0x93: {  	v4 =	vld [tilespmem:$0x10]  }
0x94: {  	v5 =	vld [tilespmem:$0x40]  }
0x95: {  	v6 =	vld [tilespmem:$0x60];
	v1 =	vshll.u32 v1, $0x1  }
0x96: {  	v7 =	vld [tilespmem:$0x30];
	v2 =	vshll.u32 v2, $0x1;
	v1 =	vor.u32 v0, v1  }
0x97: {  	v2 =	vor.u32 v0, v2;
	[tilespmem:$0x180] =	vst v1;
	v1 =	vshll.u32 v3, $0x1;
	v3 =	vld [tilespmem:$0x70]  }
0x98: {  	v4 =	vshll.u32 v4, $0x1;
	[tilespmem:$0x1D0] =	vst v2;
	v1 =	vor.u32 v0, v1  }
0x99: {  	v2 =	vor.u32 v0, v4;
	[tilespmem:$0x1A0] =	vst v1;
	v1 =	vshll.u32 v5, $0x1  }
0x9a: {  	[tilespmem:$0x190] =	vst v2;
	v2 =	vshll.u32 v6, $0x1;
	v1 =	vor.u32 v0, v1  }
0x9b: {  	v4 =	vshll.u32 v7, $0x1;
	[tilespmem:$0x1C0] =	vst v1;
	v1 =	vor.u32 v0, v2  }
0x9c: {  	v2 =	vor.u32 v0, v4;
	[tilespmem:$0x1E0] =	vst v1;
	v1 =	vshll.u32 v3, $0x1  }
0x9d: {  	[tilespmem:$0x1B0] =	vst v2;
	v1 =	vor.u32 v0, v1  }
0x9e: {  	s13 =	simm.s32 @!p4 $0x6;
	[tilespmem:$0x1F0] =	vst v1  }
0x9f: {  	_ =	swait.ge @!p4 [sflag:s13], $0x4000  }
0xa0: {  	[sflag:s13] =	ssyncset.done @!p4 $0x0  }
0xa1: {  	[sflag:s13] =	ssyncadd.s32 @!p4 $0xFFFFC000  }
0xa2: {  	[tilespmem:s5], [sflag:$0x3] =	stream.indirect.gather [hbm4b:s17+s31], $0x80, s4, s31, $0xb8;
	[tilespmem:$0x1FC00] =	vst v63  }
0xa3: {  	_ =	swait.ge [sflag:s6], $0x4000  }
0xa4: {  	[sflag:s6] =	ssyncset.done $0x0  }
0xa5: {  	s22 =	sadd.s32 $0x10, s28;
	[sflag:s6] =	ssyncadd.s32 $0xFFFFC000  }
0xa6: {  	[tilespmem:s7], [sflag:$0x7] =	stream.linear.gather [hbm4b:s22+s0], $0x80, $0x38;
	[tilespmem:$0x1FC00] =	vst v63  }
0xa7: {  	_ =	swait.ge [sflag:s30], $0x80  }
0xa8: {  	[sflag:s30] =	ssyncset.done $0x0  }
0xa9: {  	[sflag:s30] =	ssyncadd.s32 $0xFFFFFF80  }
0xaa: {  	[spmem:s15] =	stream.indirect.scatter.add.f32 [tilespmem:s1], [sflag:$0x5], $0x80, s7, s31, $0xb8;
	[tilespmem:$0x1FC00] =	vst v63  }
0xab: {  	s12 =	sadd.s32 $0x30, s19  }
0xac: {  	[tilespmem:s0], [sflag:$0x7] =	stream.linear.gather [hbm4b:s12+s0], $0x80, $0x38;
	[tilespmem:$0x1FC00] =	vst v63  }
0xad: {  	_ =	swait.ge [sflag:s30], $0x80  }
0xae: {  	[sflag:s30] =	ssyncset.done $0x0  }
0xaf: {  	[sflag:s30] =	ssyncadd.s32 $0xFFFFFF80  }
0xb0: {  	v3 =	vld [tilespmem:$0x60]  }
0xb1: {  	v4 =	vld [tilespmem:$0x10]  }
0xb2: {  	v2 =	vld [tilespmem:$0x20]  }
0xb3: {  	s12 =	simm.s32 $0x30;
	v1 =	vld [tilespmem:$0x30]  }
.LBB2_2:
0xb4: {  	v5 =	vld [tilespmem:$0x40];
	s19 =	smov.u32 s12;
	s12 =	sadd.s32 $0x30, s12  }
0xb5: {  	p4 =	sne.s32 s12, $0x9C0;
	v6 =	vld [tilespmem:$0x50];
	v3 =	vshll.u32 v3, $0x1  }
0xb6: {  	v4 =	vshll.u32 v4, $0x1;
	v3 =	vor.u32 v0, v3;
	v7 =	vld [tilespmem:$0x70]  }
0xb7: {  	v8 =	vld [tilespmem:$0x0];
	v4 =	vor.u32 v0, v4;
	v2 =	vshll.u32 v2, $0x1;
	[tilespmem:$0xE0] =	vst v3  }
0xb8: {  	[tilespmem:$0x90] =	vst v4;
	v2 =	vor.u32 v0, v2;
	v1 =	vshll.u32 v1, $0x1  }
0xb9: {  	[tilespmem:$0xA0] =	vst v2;
	v1 =	vor.u32 v0, v1;
	v2 =	vshll.u32 v5, $0x1  }
0xba: {  	[tilespmem:$0xB0] =	vst v1;
	v1 =	vor.u32 v0, v2;
	v2 =	vshll.u32 v6, $0x1  }
0xbb: {  	[tilespmem:$0xC0] =	vst v1;
	v1 =	vor.u32 v0, v2;
	v2 =	vshll.u32 v7, $0x1  }
0xbc: {  	v3 =	vshll.u32 v8, $0x1;
	[tilespmem:$0xD0] =	vst v1;
	v1 =	vor.u32 v0, v2  }
0xbd: {  	v2 =	vor.u32 v0, v3;
	[tilespmem:$0xF0] =	vst v1  }
0xbe: {  	[tilespmem:$0x80] =	vst v2  }
0xbf: {  	_ =	swait.ge [sflag:s8], $0x4000  }
0xc0: {  	[sflag:s8] =	ssyncset.done $0x0  }
0xc1: {  	[sflag:s8] =	ssyncadd.s32 $0xFFFFC000  }
0xc2: {  	[tilespmem:s29], [sflag:$0x1] =	stream.indirect.gather [hbm4b:s17+s31], $0x80, s31, s31, $0xb8;
	[tilespmem:$0x1FC00] =	vst v63  }
0xc3: {  	_ =	swait.ge [sflag:s9], $0x4000  }
0xc4: {  	[sflag:s9] =	ssyncset.done $0x0  }
0xc5: {  	s13 =	sadd.s32 $0x20, s28;
	[sflag:s9] =	ssyncadd.s32 $0xFFFFC000  }
0xc6: {  	[tilespmem:s11], [sflag:$0x7] =	stream.linear.gather [hbm4b:s13+s0], $0x80, $0x38;
	[tilespmem:$0x1FC00] =	vst v63  }
0xc7: {  	_ =	swait.ge [sflag:s30], $0x80  }
0xc8: {  	[sflag:s30] =	ssyncset.done $0x0  }
0xc9: {  	[sflag:s30] =	ssyncadd.s32 $0xFFFFFF80  }
0xca: {  	[spmem:s15] =	stream.indirect.scatter.add.f32 [tilespmem:s5], [sflag:$0x6], $0x80, s11, s31, $0xb8;
	[tilespmem:$0x1FC00] =	vst v63  }
0xcb: {  	s13 =	sadd.s32 s19, s16  }
0xcc: {  	s28 =	sadd.s32 $0x10, s13  }
0xcd: {  	[tilespmem:s0], [sflag:$0x7] =	stream.linear.gather [hbm4b:s28+s0], $0x80, $0x38;
	[tilespmem:$0x1FC00] =	vst v63  }
0xce: {  	_ =	swait.ge [sflag:s30], $0x80  }
0xcf: {  	[sflag:s30] =	ssyncset.done $0x0  }
0xd0: {  	[sflag:s30] =	ssyncadd.s32 $0xFFFFFF80  }
0xd1: {  	v1 =	vld [tilespmem:$0x70]  }
0xd2: {  	v2 =	vld [tilespmem:$0x60]  }
0xd3: {  	v3 =	vld [tilespmem:$0x30]  }
0xd4: {  	v4 =	vld [tilespmem:$0x10]  }
0xd5: {  	v5 =	vld [tilespmem:$0x20]  }
0xd6: {  	v6 =	vld [tilespmem:$0x50];
	v1 =	vshll.u32 v1, $0x1  }
0xd7: {  	v7 =	vld [tilespmem:$0x0];
	v2 =	vshll.u32 v2, $0x1;
	v1 =	vor.u32 v0, v1  }
0xd8: {  	v3 =	vshll.u32 v3, $0x1;
	v8 =	vld [tilespmem:$0x40];
	v2 =	vor.u32 v0, v2;
	[tilespmem:$0x170] =	vst v1  }
0xd9: {  	v1 =	vshll.u32 v4, $0x1;
	v3 =	vor.u32 v0, v3;
	[tilespmem:$0x160] =	vst v2  }
0xda: {  	v1 =	vor.u32 v0, v1;
	v2 =	vshll.u32 v5, $0x1;
	[tilespmem:$0x130] =	vst v3  }
0xdb: {  	[tilespmem:$0x110] =	vst v1;
	v1 =	vor.u32 v0, v2;
	v2 =	vshll.u32 v6, $0x1  }
0xdc: {  	v3 =	vshll.u32 v7, $0x1;
	[tilespmem:$0x120] =	vst v1;
	v1 =	vor.u32 v0, v2  }
0xdd: {  	v2 =	vor.u32 v0, v3;
	v3 =	vshll.u32 v8, $0x1;
	[tilespmem:$0x150] =	vst v1  }
0xde: {  	p5 =	seq.s32 s19, $0x0;
	[tilespmem:$0x100] =	vst v2;
	v1 =	vor.u32 v0, v3  }
0xdf: {  	s28 =	simm.s32 @!p5 $0x5;
	[tilespmem:$0x140] =	vst v1  }
0xe0: {  	_ =	swait.ge @!p5 [sflag:s28], $0x4000  }
0xe1: {  	[sflag:s28] =	ssyncset.done @!p5 $0x0  }
0xe2: {  	[sflag:s28] =	ssyncadd.s32 @!p5 $0xFFFFC000  }
0xe3: {  	[tilespmem:s1], [sflag:$0x2] =	stream.indirect.gather [hbm4b:s17+s31], $0x80, s10, s31, $0xb8;
	[tilespmem:$0x1FC00] =	vst v63  }
0xe4: {  	_ =	swait.ge [sflag:s2], $0x4000  }
0xe5: {  	[sflag:s2] =	ssyncset.done $0x0  }
0xe6: {  	s28 =	sadd.s32 s19, s14;
	[sflag:s2] =	ssyncadd.s32 $0xFFFFC000  }
0xe7: {  	[tilespmem:s3], [sflag:$0x7] =	stream.linear.gather [hbm4b:s28+s0], $0x80, $0x38;
	[tilespmem:$0x1FC00] =	vst v63  }
0xe8: {  	_ =	swait.ge [sflag:s30], $0x80  }
0xe9: {  	[sflag:s30] =	ssyncset.done $0x0  }
0xea: {  	[sflag:s30] =	ssyncadd.s32 $0xFFFFFF80  }
0xeb: {  	[spmem:s15] =	stream.indirect.scatter.add.f32 [tilespmem:s29], [sflag:$0x4], $0x80, s3, s31, $0xb8;
	[tilespmem:$0x1FC00] =	vst v63  }
0xec: {  	s19 =	sadd.s32 $0x20, s13  }
0xed: {  	[tilespmem:s0], [sflag:$0x7] =	stream.linear.gather [hbm4b:s19+s0], $0x80, $0x38;
	[tilespmem:$0x1FC00] =	vst v63  }
0xee: {  	_ =	swait.ge [sflag:s30], $0x80  }
0xef: {  	[sflag:s30] =	ssyncset.done $0x0  }
0xf0: {  	[sflag:s30] =	ssyncadd.s32 $0xFFFFFF80  }
0xf1: {  	v1 =	vld [tilespmem:$0x0]  }
0xf2: {  	v2 =	vld [tilespmem:$0x50]  }
0xf3: {  	v3 =	vld [tilespmem:$0x20]  }
0xf4: {  	v4 =	vld [tilespmem:$0x10]  }
0xf5: {  	v5 =	vld [tilespmem:$0x40]  }
0xf6: {  	v1 =	vshll.u32 v1, $0x1;
	v6 =	vld [tilespmem:$0x60]  }
0xf7: {  	v1 =	vor.u32 v0, v1;
	v7 =	vld [tilespmem:$0x30];
	v2 =	vshll.u32 v2, $0x1  }
0xf8: {  	[tilespmem:$0x180] =	vst v1;
	v1 =	vshll.u32 v3, $0x1;
	v2 =	vor.u32 v0, v2;
	v3 =	vld [tilespmem:$0x70]  }
0xf9: {  	v4 =	vshll.u32 v4, $0x1;
	v1 =	vor.u32 v0, v1;
	[tilespmem:$0x1D0] =	vst v2  }
0xfa: {  	v2 =	vor.u32 v0, v4;
	[tilespmem:$0x1A0] =	vst v1;
	v1 =	vshll.u32 v5, $0x1  }
0xfb: {  	[tilespmem:$0x190] =	vst v2;
	v1 =	vor.u32 v0, v1;
	v2 =	vshll.u32 v6, $0x1  }
0xfc: {  	v4 =	vshll.u32 v7, $0x1;
	[tilespmem:$0x1C0] =	vst v1;
	v1 =	vor.u32 v0, v2  }
0xfd: {  	v2 =	vor.u32 v0, v4;
	[tilespmem:$0x1E0] =	vst v1;
	v1 =	vshll.u32 v3, $0x1  }
0xfe: {  	[tilespmem:$0x1B0] =	vst v2;
	v1 =	vor.u32 v0, v1  }
0xff: {  	s19 =	simm.s32 @!p5 $0x6;
	[tilespmem:$0x1F0] =	vst v1  }
0x100: {  	_ =	swait.ge @!p5 [sflag:s19], $0x4000  }
0x101: {  	[sflag:s19] =	ssyncset.done @!p5 $0x0  }
0x102: {  	[sflag:s19] =	ssyncadd.s32 @!p5 $0xFFFFC000  }
0x103: {  	[tilespmem:s5], [sflag:$0x3] =	stream.indirect.gather [hbm4b:s17+s31], $0x80, s4, s31, $0xb8;
	[tilespmem:$0x1FC00] =	vst v63  }
0x104: {  	_ =	swait.ge [sflag:s6], $0x4000  }
0x105: {  	[sflag:s6] =	ssyncset.done $0x0  }
0x106: {  	s19 =	sadd.s32 $0x10, s28;
	[sflag:s6] =	ssyncadd.s32 $0xFFFFC000  }
0x107: {  	[tilespmem:s7], [sflag:$0x7] =	stream.linear.gather [hbm4b:s19+s0], $0x80, $0x38;
	[tilespmem:$0x1FC00] =	vst v63  }
0x108: {  	_ =	swait.ge [sflag:s30], $0x80  }
0x109: {  	[sflag:s30] =	ssyncset.done $0x0  }
0x10a: {  	[sflag:s30] =	ssyncadd.s32 $0xFFFFFF80  }
0x10b: {  	[spmem:s15] =	stream.indirect.scatter.add.f32 [tilespmem:s1], [sflag:$0x5], $0x80, s7, s31, $0xb8;
	[tilespmem:$0x1FC00] =	vst v63  }
0x10c: {  	s13 =	sadd.s32 $0x30, s13  }
0x10d: {  	[tilespmem:s0], [sflag:$0x7] =	stream.linear.gather [hbm4b:s13+s0], $0x80, $0x38;
	[tilespmem:$0x1FC00] =	vst v63  }
0x10e: {  	_ =	swait.ge [sflag:s30], $0x80  }
0x10f: {  	[sflag:s30] =	ssyncset.done $0x0  }
.Ltmp0:
0x110: {  	[sflag:s30] =	ssyncadd.s32 $0xFFFFFF80;
	(pc) =	sbr.rel @p4 .LBB2_2-.Ltmp0, $4  }
0x111: {  	v3 =	vld [tilespmem:$0x60]  }
0x112: {  	v4 =	vld [tilespmem:$0x10]  }
0x113: {  	v2 =	vld [tilespmem:$0x20]  }
0x114: {  	v1 =	vld [tilespmem:$0x30]  }
0x115: {  	v5 =	vld [tilespmem:$0x40]  }
0x116: {  	v6 =	vld [tilespmem:$0x50];
	v3 =	vshll.u32 v3, $0x1  }
0x117: {  	v7 =	vld [tilespmem:$0x70];
	v4 =	vshll.u32 v4, $0x1;
	v3 =	vor.u32 v0, v3  }
0x118: {  	v8 =	vld [tilespmem:$0x0];
	v4 =	vor.u32 v0, v4;
	v2 =	vshll.u32 v2, $0x1;
	[tilespmem:$0xE0] =	vst v3  }
0x119: {  	[tilespmem:$0x90] =	vst v4;
	v2 =	vor.u32 v0, v2;
	v1 =	vshll.u32 v1, $0x1  }
0x11a: {  	[tilespmem:$0xA0] =	vst v2;
	v1 =	vor.u32 v0, v1;
	v2 =	vshll.u32 v5, $0x1  }
0x11b: {  	[tilespmem:$0xB0] =	vst v1;
	v1 =	vor.u32 v0, v2;
	v2 =	vshll.u32 v6, $0x1  }
0x11c: {  	[tilespmem:$0xC0] =	vst v1;
	v1 =	vor.u32 v0, v2;
	v2 =	vshll.u32 v7, $0x1  }
0x11d: {  	v3 =	vshll.u32 v8, $0x1;
	[tilespmem:$0xD0] =	vst v1;
	v1 =	vor.u32 v0, v2  }
0x11e: {  	v2 =	vor.u32 v0, v3;
	[tilespmem:$0xF0] =	vst v1  }
0x11f: {  	[tilespmem:$0x80] =	vst v2  }
0x120: {  	_ =	swait.ge [sflag:s8], $0x4000  }
0x121: {  	[sflag:s8] =	ssyncset.done $0x0  }
0x122: {  	[sflag:s8] =	ssyncadd.s32 $0xFFFFC000  }
0x123: {  	[tilespmem:s29], [sflag:$0x1] =	stream.indirect.gather [hbm4b:s17+s31], $0x80, s31, s31, $0xb8;
	[tilespmem:$0x1FC00] =	vst v63  }
0x124: {  	_ =	swait.ge [sflag:s9], $0x4000  }
0x125: {  	[sflag:s9] =	ssyncset.done $0x0  }
0x126: {  	s12 =	sadd.s32 $0x20, s28;
	[sflag:s9] =	ssyncadd.s32 $0xFFFFC000  }
0x127: {  	[tilespmem:s11], [sflag:$0x7] =	stream.linear.gather [hbm4b:s12+s0], $0x80, $0x38;
	[tilespmem:$0x1FC00] =	vst v63  }
0x128: {  	_ =	swait.ge [sflag:s30], $0x80  }
0x129: {  	[sflag:s30] =	ssyncset.done $0x0  }
0x12a: {  	[sflag:s30] =	ssyncadd.s32 $0xFFFFFF80  }
0x12b: {  	[spmem:s15] =	stream.indirect.scatter.add.f32 [tilespmem:s5], [sflag:$0x6], $0x80, s11, s31, $0xb8;
	[tilespmem:$0x1FC00] =	vst v63  }
0x12c: {  	_ =	swait.ge [sflag:s2], $0x4000  }
0x12d: {  	[sflag:s2] =	ssyncset.done $0x0  }
0x12e: {  	s22 =	simm.s32 $0x5;
	[sflag:s2] =	ssyncadd.s32 $0xFFFFC000  }
0x12f: {  	_ =	swait.ge [sflag:s22], $0x4000  }
0x130: {  	[sflag:s22] =	ssyncset.done $0x0  }
0x131: {  	s13 =	simm.s32 $0x6;
	[sflag:s22] =	ssyncadd.s32 $0xFFFFC000  }
0x132: {  	_ =	swait.ge [sflag:s13], $0x4000  }
0x133: {  	[sflag:s13] =	ssyncset.done $0x0  }
0x134: {  	s12 =	simm.s32 @!p3 $0x0;
	[sflag:s13] =	ssyncadd.s32 $0xFFFFC000;
	s13 =	rddreg [dreg:$0xc]  }
0x135: {  	[tilespmem:s12], [sflag:$0x7] =	stream.linear.gather @!p3 [hbm4b:s13+s12], $0x80, $0x38;
	[tilespmem:$0x1FC00] =	vst v63  }
0x136: {  	s13 =	simm.s32 @!p3 $0x7  }
0x137: {  	_ =	swait.ge @!p3 [sflag:s13], $0x80  }
0x138: {  	[sflag:s13] =	ssyncset.done @!p3 $0x0  }
0x139: {  	[sflag:s13] =	ssyncadd.s32 @!p3 $0xFFFFFF80  }
0x13a: {  	v1 =	vld @!p3 [tilespmem:$0x0]  }
0x13b: {  	v2 =	vld @!p3 [tilespmem:$0x10]  }
0x13c: {  	v3 =	vld @!p3 [tilespmem:$0x20]  }
0x13d: {  	v4 =	vld @!p3 [tilespmem:$0x30]  }
0x13e: {  	v5 =	vld @!p3 [tilespmem:$0x40]  }
0x13f: {  	v6 =	vld @!p3 [tilespmem:$0x50];
	v1 =	vshll.u32 @!p3 v1, $0x1  }
0x140: {  	v7 =	vld @!p3 [tilespmem:$0x60];
	v2 =	vshll.u32 @!p3 v2, $0x1;
	v1 =	vor.u32 @!p3 v0, v1  }
0x141: {  	[tilespmem:$0x80] =	vst @!p3 v1;
	v1 =	vor.u32 @!p3 v0, v2;
	v2 =	vshll.u32 @!p3 v3, $0x1;
	v3 =	vld @!p3 [tilespmem:$0x70]  }
0x142: {  	[tilespmem:$0x90] =	vst @!p3 v1;
	v1 =	vor.u32 @!p3 v0, v2;
	v2 =	vshll.u32 @!p3 v4, $0x1  }
0x143: {  	[tilespmem:$0xA0] =	vst @!p3 v1;
	v1 =	vor.u32 @!p3 v0, v2;
	v2 =	vshll.u32 @!p3 v5, $0x1  }
0x144: {  	[tilespmem:$0xB0] =	vst @!p3 v1;
	v1 =	vor.u32 @!p3 v0, v2;
	v2 =	vshll.u32 @!p3 v6, $0x1  }
0x145: {  	[tilespmem:$0xC0] =	vst @!p3 v1;
	v1 =	vor.u32 @!p3 v0, v2;
	v2 =	vshll.u32 @!p3 v7, $0x1  }
0x146: {  	[tilespmem:$0xD0] =	vst @!p3 v1;
	v1 =	vor.u32 @!p3 v0, v2;
	v2 =	vshll.u32 @!p3 v3, $0x1  }
0x147: {  	[tilespmem:$0xE0] =	vst @!p3 v1;
	v1 =	vor.u32 @!p3 v0, v2  }
0x148: {  	s19 =	simm.s32 @!p3 $0x80;
	s28 =	simm.s32 @!p3 $0x380;
	[tilespmem:$0xF0] =	vst @!p3 v1  }
0x149: {  	[tilespmem:s28], [sflag:$0x7] =	stream.indirect.gather @!p3 [hbm4b:s17+s19], $0x80, s19, s19, $0xb8;
	[tilespmem:$0x1FC00] =	vst v63  }
0x14a: {  	_ =	swait.ge @!p3 [sflag:s13], $0x4000  }
0x14b: {  	[sflag:s13] =	ssyncset.done @!p3 $0x0  }
0x14c: {  	s20 =	simm.s32 @!p3 $0x200;
	s21 =	rddreg [dreg:$0xd];
	[sflag:s13] =	ssyncadd.s32 @!p3 $0xFFFFC000  }
0x14d: {  	[tilespmem:s20], [sflag:$0x7] =	stream.linear.gather @!p3 [hbm4b:s21+s12], $0x80, $0x38;
	[tilespmem:$0x1FC00] =	vst v63  }
0x14e: {  	_ =	swait.ge @!p3 [sflag:s13], $0x80  }
0x14f: {  	[sflag:s13] =	ssyncset.done @!p3 $0x0  }
0x150: {  	[sflag:s13] =	ssyncadd.s32 @!p3 $0xFFFFFF80  }
0x151: {  	[spmem:s15] =	stream.indirect.scatter.add.f32 @!p3 [tilespmem:s28], [sflag:$0x7], $0x80, s20, s19, $0xb8;
	[tilespmem:$0x1FC00] =	vst v63  }
0x152: {  	_ =	swait.ge @!p3 [sflag:s13], $0x4000  }
0x153: {  	[sflag:s13] =	ssyncset.done @!p3 $0x0  }
0x154: {  	[sflag:s13] =	ssyncadd.s32 @!p3 $0xFFFFC000  }
0x155: {  	[bflag:$0x0] =	sbarrier.arrive $0xFFFF  }
0x156: {  	[tilespmem:s29], [sflag:$0x7] =	stream.linear.gather [spmem:s26], $0x2800, $0x38;
	[tilespmem:$0x1FC00] =	vst v63  }
0x157: {  	_ =	swait.ge [sflag:s30], $0x2800  }
0x158: {  	[sflag:s30] =	ssyncset.done $0x0  }
0x159: {  	s18 =	rddreg [dreg:$0x4];
	[sflag:s30] =	ssyncadd.s32 $0xFFFFD800  }
0x15a: {  	[hbm4b:s18+s0] =	stream.linear.scatter [tilespmem:s29], [sflag:$0x7], $0x2800, $0x38;
	[tilespmem:$0x1FC00] =	vst v63  }
0x15b: {  	_ =	swait.ge [sflag:s30], $0x2800  }
0x15c: {  	[sflag:s30] =	ssyncset.done $0x0  }
0x15d: {  	[sflag:s30] =	ssyncadd.s32 $0xFFFFD800  }
0x15e: {  	[tilespmem:s29], [sflag:$0x7] =	stream.linear.gather [spmem:s23], $0x2800, $0x38;
	[tilespmem:$0x1FC00] =	vst v63  }
0x15f: {  	_ =	swait.ge [sflag:s30], $0x2800  }
0x160: {  	[sflag:s30] =	ssyncset.done $0x0  }
0x161: {  	s19 =	rddreg [dreg:$0x5];
	[sflag:s30] =	ssyncadd.s32 $0xFFFFD800  }
0x162: {  	[hbm4b:s19+s0] =	stream.linear.scatter [tilespmem:s29], [sflag:$0x7], $0x2800, $0x38;
	[tilespmem:$0x1FC00] =	vst v63  }
0x163: {  	_ =	swait.ge [sflag:s30], $0x2800  }
0x164: {  	[sflag:s30] =	ssyncset.done $0x0  }
0x165: {  	[sflag:s30] =	ssyncadd.s32 $0xFFFFD800  }
0x166: {  	[tilespmem:s29], [sflag:$0x7] =	stream.linear.gather [spmem:s24], $0x2800, $0x38;
	[tilespmem:$0x1FC00] =	vst v63  }
0x167: {  	_ =	swait.ge [sflag:s30], $0x2800  }
0x168: {  	[sflag:s30] =	ssyncset.done $0x0  }
0x169: {  	s20 =	rddreg [dreg:$0x6];
	[sflag:s30] =	ssyncadd.s32 $0xFFFFD800  }
0x16a: {  	[hbm4b:s20+s0] =	stream.linear.scatter [tilespmem:s29], [sflag:$0x7], $0x2800, $0x38;
	[tilespmem:$0x1FC00] =	vst v63  }
0x16b: {  	_ =	swait.ge [sflag:s30], $0x2800  }
0x16c: {  	[sflag:s30] =	ssyncset.done $0x0  }
0x16d: {  	[sflag:s30] =	ssyncadd.s32 $0xFFFFD800  }
0x16e: {  	[tilespmem:s29], [sflag:$0x7] =	stream.linear.gather [spmem:s25], $0x2800, $0x38;
	[tilespmem:$0x1FC00] =	vst v63  }
0x16f: {  	_ =	swait.ge [sflag:s30], $0x2800  }
0x170: {  	[sflag:s30] =	ssyncset.done $0x0  }
0x171: {  	s22 =	rddreg [dreg:$0x7];
	[sflag:s30] =	ssyncadd.s32 $0xFFFFD800  }
0x172: {  	[hbm4b:s22+s0] =	stream.linear.scatter [tilespmem:s29], [sflag:$0x7], $0x2800, $0x38;
	[tilespmem:$0x1FC00] =	vst v63  }
0x173: {  	_ =	swait.ge [sflag:s30], $0x2800  }
0x174: {  	[sflag:s30] =	ssyncset.done $0x0  }
0x175: {  	s21 =	smov.u32 s26;
	s26 =	rddreg [dreg:$0x10];
	[sflag:s30] =	ssyncadd.s32 $0xFFFFD800  }
0x176: {  	[tilespmem:s29], [sflag:$0x7] =	stream.linear.gather [spmem:s26], $0x2800, $0x38;
	[tilespmem:$0x1FC00] =	vst v63  }
0x177: {  	_ =	swait.ge [sflag:s30], $0x2800  }
0x178: {  	[sflag:s30] =	ssyncset.done $0x0  }
0x179: {  	s28 =	smov.u32 s23;
	s23 =	rddreg [dreg:$0x8];
	[sflag:s30] =	ssyncadd.s32 $0xFFFFD800  }
0x17a: {  	[hbm4b:s23+s0] =	stream.linear.scatter [tilespmem:s29], [sflag:$0x7], $0x2800, $0x38;
	[tilespmem:$0x1FC00] =	vst v63  }
0x17b: {  	_ =	swait.ge [sflag:s30], $0x2800  }
0x17c: {  	s12 =	simm.s32 @!p2 $0x380;
	[sflag:s30] =	ssyncset.done $0x0  }
0x17d: {  	s13 =	simm.s32 @!p2 $0x7;
	s22 =	rddreg [dreg:$0xf];
	[sflag:s30] =	ssyncadd.s32 $0xFFFFD800  }
0x17e: {  	[tilespmem:s12], [sflag:$0x7] =	stream.linear.gather @!p2 [spmem:s22], $0x2800, $0x38;
	[tilespmem:$0x1FC00] =	vst v63  }
0x17f: {  	_ =	swait.ge @!p2 [sflag:s13], $0x2800  }
0x180: {  	[sflag:s13] =	ssyncset.done @!p2 $0x0  }
0x181: {  	s19 =	simm.s32 @!p2 $0x0;
	s20 =	rddreg [dreg:$0x9];
	[sflag:s13] =	ssyncadd.s32 @!p2 $0xFFFFD800  }
0x182: {  	[hbm4b:s20+s19] =	stream.linear.scatter @!p2 [tilespmem:s12], [sflag:$0x7], $0x2800, $0x38;
	[tilespmem:$0x1FC00] =	vst v63  }
0x183: {  	_ =	swait.ge @!p2 [sflag:s13], $0x2800  }
0x184: {  	s12 =	simm.s32 @!p0 $0x380;
	[sflag:s13] =	ssyncset.done @!p2 $0x0  }
0x185: {  	s23 =	rddreg [dreg:$0x11];
	[sflag:s13] =	ssyncadd.s32 @!p2 $0xFFFFD800;
	s13 =	simm.s32 @!p0 $0x7  }
0x186: {  	[tilespmem:s12], [sflag:$0x7] =	stream.linear.gather @!p0 [spmem:s23], $0x2800, $0x38;
	[tilespmem:$0x1FC00] =	vst v63  }
0x187: {  	_ =	swait.ge @!p0 [sflag:s13], $0x2800  }
0x188: {  	[sflag:s13] =	ssyncset.done @!p0 $0x0  }
0x189: {  	s19 =	simm.s32 @!p0 $0x0;
	s20 =	rddreg [dreg:$0xa];
	[sflag:s13] =	ssyncadd.s32 @!p0 $0xFFFFD800  }
0x18a: {  	[hbm4b:s20+s19] =	stream.linear.scatter @!p0 [tilespmem:s12], [sflag:$0x7], $0x2800, $0x38;
	[tilespmem:$0x1FC00] =	vst v63  }
0x18b: {  	_ =	swait.ge @!p0 [sflag:s13], $0x2800  }
0x18c: {  	s12 =	simm.s32 @!p1 $0x380;
	[sflag:s13] =	ssyncset.done @!p0 $0x0  }
0x18d: {  	s18 =	rddreg [dreg:$0x12];
	[sflag:s13] =	ssyncadd.s32 @!p0 $0xFFFFD800;
	s13 =	simm.s32 @!p1 $0x7  }
0x18e: {  	[tilespmem:s12], [sflag:$0x7] =	stream.linear.gather @!p1 [spmem:s18], $0x2800, $0x38;
	[tilespmem:$0x1FC00] =	vst v63  }
0x18f: {  	_ =	swait.ge @!p1 [sflag:s13], $0x2800  }
0x190: {  	[sflag:s13] =	ssyncset.done @!p1 $0x0  }
0x191: {  	s19 =	simm.s32 @!p1 $0x0;
	s20 =	rddreg [dreg:$0xb];
	[sflag:s13] =	ssyncadd.s32 @!p1 $0xFFFFD800  }
0x192: {  	[hbm4b:s20+s19] =	stream.linear.scatter @!p1 [tilespmem:s12], [sflag:$0x7], $0x2800, $0x38;
	[tilespmem:$0x1FC00] =	vst v63  }
0x193: {  	_ =	swait.ge @!p1 [sflag:s13], $0x2800  }
0x194: {  	s20 =	smov.u32 s26;
	s12 =	rddreg [dreg:$0x14]  }
0x195: {  	s19 =	smov.u32 s25;
	s26 =	rddreg [dreg:$0x13];
	s25 =	sadd.s32 $0x1, s12  }
0x196: {  	p4 =	sne.s32 s25, s26  }
.Ltmp1:
0x197: {  	_ = 	snop;
	(pc) =	sbr.rel @p4 .LBB2_1-.Ltmp1, $3  }
0x198: {  	_ =	sdelay $0x1  }
0x199: {  	[sflag:s13] =	ssyncset.done @!p1 $0x0  }
0x19a: {  	[sflag:s13] =	ssyncadd.s32 @!p1 $0xFFFFD800;
	s13 =	smov.u32 s24  }
0x19b: {  	_ =	sfence.sel $0x180000  }
0x19c: {  	[bflag:$0x0] =	sbarrier.arrive $0xFFFF  }
0x19d: {  	_ =	strace $0x9000004D  }
0x19e: {  	s0 =	stileid.u32;
	[bflag:$0x2] =	sbarrier.arrive $0xFFFF  }
0x19f: {  	p0 =	sne.s32 s0, $0x0;
	s0 =	rddreg [dreg:$0x2]  }
0x1a0: {  	s0 =	sadd.s32 @!p0 $0x100000, s0  }
0x1a1: {  	[sflag:s0] =	ssyncadd.tile.s32 @!p0 $0x1;
	_ =	shalt  }
.Lfunc_end2:
_tile_overlayer_lowered:
.L_overlay_start_2:
0x1a2: {  	(tag) =	ssettag $0x2  }
0x1a3: {  	s0 =	rddreg [dreg:$0x0];
	s2 =	stileid.u32  }
0x1a4: {  	s1 =	rddreg [dreg:$0x1];
	p0 =	sne.s32 s2, $0x0  }
0x1a5: {  	s3 =	rddreg [dreg:$0x2];
	[bflag:$0x3] =	sbarrier.arrive $0xFFFF;
	s2 =	simm.s32 @!p0 $0x1C07  }
0x1a6: {  	[timem:s3], [sflag:s2] =	dma.local @!p0 [hbm:s0], s1  }
0x1a7: {  	s0 =	simm.s32 @!p0 $0x7  }
0x1a8: {  	_ =	swait.ge @!p0 [sflag:s0], s1  }
0x1a9: {  	s1 =	ssub.s32 @!p0 $0x0, s1;
	[sflag:s0] =	ssyncset.done @!p0 $0x0  }
0x1aa: {  	[sflag:s0] =	ssyncadd.s32 @!p0 s1  }
0x1ab: {  	[bflag:$0x3] =	sbarrier.arrive $0xFFFF  }
0x1ac: {  	_ =	shalt  }

// kernel: kernel.8.cloned.1.call-start
scs
__scs_entry_jumppad:
0x0: {  	(pc) =	sbr.rel $0x88, $3  }
0x1: {  	(tag) =	ssettag $0x0;
	lr =	simm.s32 $0x1  }
0x2: {  	[smem:$0x3F97] =	sst lr;
	_ =	strace $0xD0000000  }
0x3: {  	_ = 	snop  }
0x4: {  	_ = 	snop  }
0x5: {  	_ = 	snop  }
0x6: {  	_ = 	snop  }
0x7: {  	_ = 	snop  }
__scs_overlays_trampoline_lowered:
0x8: {  	[smem:$0x3FA6] =	sst s0  }
0x9: {  	[smem:$0x3FA7] =	sst s1  }
0xa: {  	[smem:$0x3FA8] =	sst s2  }
0xb: {  	[smem:$0x3FA9] =	sst s3  }
0xc: {  	[smem:$0x3FAA] =	sst s4  }
0xd: {  	[smem:$0x3FAB] =	sst s5  }
0xe: {  	[smem:$0x3FAC] =	sst s6  }
0xf: {  	[smem:$0x3FAD] =	sst s7  }
0x10: {  	[smem:$0x3FAE] =	sst s8  }
0x11: {  	[smem:$0x3FAF] =	sst s9;
	s0 =	simm.s32 @!p0 $0x0  }
0x12: {  	s1 =	sld [smem:$0x3F95];
	s0 =	simm.s32 @p0 $0x1  }
0x13: {  	[smem:$0x3FB0] =	sst s0;
	s0 =	simm.s32 @!p1 $0x0  }
0x14: {  	s2 =	sld [smem:$0x3F94];
	s0 =	simm.s32 @p1 $0x1  }
0x15: {  	[smem:$0x3FB1] =	sst s0;
	s0 =	simm.s32 @!p2 $0x0  }
0x16: {  	s3 =	sld [smem:$0x3FDB];
	s0 =	simm.s32 @p2 $0x1  }
0x17: {  	s4 =	simm.s32 $0x1BF5;
	[smem:$0x3FB3] =	sst s0  }
0x18: {  	s0 =	sld [smem:$0x3F96];
	_ =	swait.ge [sflag:s4], $0x0  }
0x19: {  	s7 =	sld [smem:$0x3F97]  }
0x1a: {  	s8 =	sadd.s32 $0xFFFFE003, lr  }
0x1b: {  	s9 =	sadd.s32 $0xFFFFFEF7, lr;
	s5 =	simm.s32 $0xFFFFFFFF;
	p2 =	slt.u32 s8, $0xFFFFF086  }
0x1c: {  	p1 =	slt.u32 s9, $0xF7A;
	s5 =	simm.s32 @!p2 $0x0  }
0x1d: {  	s5 =	simm.s32 @p1 $0x1;
	p0 =	seq.s32 s7, s2  }
0x1e: {  	s7 =	smul.u32 @!p0 $0xF7A, s2;
	p2 =	seq.s32 @!p0 s5, $0x0  }
0x1f: {  	s9 =	smul.u32 $0xF7A, s1;
	s8 =	simm.s32 @!p0 $0x1BF5;
	p2 =	por !p2, p0  }
0x20: {  	[sflag:s8] =	ssyncset.s32 @!p0 $0xFFFFF086;
	s6 =	sadd.s32 @!p0 s3, s7;
	s7 =	simm.s32 @!p0 $0x108  }
0x21: {  	s3 =	sadd.s32 s3, s9;
	s6 =	sadd.s32 @!p0 $0x88, s6;
	s7 =	simm.s32 @p2 $0x1082  }
0x22: {  	[simem:s7], [sflag:s8] =	dma.local @!p0 [hbm:s6], $0xF7A  }
0x23: {  	s9 =	sor.u32 $0xD0000000, s2;
	s6 =	simm.s32 $0x108;
	_ =	swait.ge @!p0 [sflag:s8], $0x0  }
0x24: {  	s3 =	sadd.s32 $0x88, s3;
	s6 =	simm.s32 @!p1 $0x1082;
	[sflag:s4] =	ssyncset.s32 $0xFFFFF086  }
0x25: {  	[simem:s6], [sflag:s4] =	dma.local [hbm:s3], $0xF7A  }
0x26: {  	[smem:$0x3F97] =	sst s1;
	(tag) =	ssettag s2;
	_ =	strace s9  }
0x27: {  	s1 =	sld [smem:$0x3FA7]  }
0x28: {  	s2 =	sld [smem:$0x3FA8]  }
0x29: {  	s4 =	sld [smem:$0x3FAA]  }
0x2a: {  	p0 =	seq.s32 s5, $0x0;
	s5 =	sld [smem:$0x3FAB]  }
0x2b: {  	s6 =	sld [smem:$0x3FAC]  }
0x2c: {  	s7 =	sld [smem:$0x3FAD]  }
0x2d: {  	s3 =	simm.s32 $0x108;
	s8 =	sld [smem:$0x3FAE]  }
0x2e: {  	s3 =	simm.s32 @!p0 $0x1082;
	s9 =	sld [smem:$0x3FAF]  }
0x2f: {  	lr =	sadd.s32 s0, s3;
	s0 =	sld [smem:$0x3FA6]  }
0x30: {  	s3 =	sld [smem:$0x3FA9]  }
0x31: {  	[smem:$0x3FB2] =	sst s10  }
0x32: {  	s10 =	sld [smem:$0x3FB0];
	_ =	sdelay $0x3  }
0x33: {  	p0 =	seq.s32 s10, $0x1;
	s10 =	sld [smem:$0x3FB2];
	_ =	sdelay $0x3  }
0x34: {  	[smem:$0x3FB2] =	sst s10  }
0x35: {  	s10 =	sld [smem:$0x3FB1];
	_ =	sdelay $0x3  }
0x36: {  	p1 =	seq.s32 s10, $0x1;
	s10 =	sld [smem:$0x3FB2];
	_ =	sdelay $0x3  }
0x37: {  	[smem:$0x3FB2] =	sst s10  }
0x38: {  	s10 =	sld [smem:$0x3FB3]  }
0x39: {  	_ = 	snop;
	(pc) =	sbr.ind lr, $3  }
0x3a: {  	_ = 	snop  }
0x3b: {  	_ = 	snop  }
0x3c: {  	p2 =	seq.s32 s10, $0x1;
	s10 =	sld [smem:$0x3FB2]  }
0x3d: {  	_ =	shalt  }
0x3e: {  	_ =	shalt  }
0x3f: {  	_ =	shalt  }
0x40: {  	_ =	shalt  }
0x41: {  	_ =	shalt  }
0x42: {  	_ =	shalt  }
0x43: {  	_ =	shalt  }
0x44: {  	_ =	shalt  }
0x45: {  	_ =	shalt  }
0x46: {  	_ =	shalt  }
0x47: {  	_ =	shalt  }
0x48: {  	_ =	shalt  }
0x49: {  	_ =	shalt  }
0x4a: {  	_ =	shalt  }
0x4b: {  	_ =	shalt  }
0x4c: {  	_ =	shalt  }
0x4d: {  	_ =	shalt  }
0x4e: {  	_ =	shalt  }
0x4f: {  	_ =	shalt  }
0x50: {  	_ =	shalt  }
0x51: {  	_ =	shalt  }
0x52: {  	_ =	shalt  }
0x53: {  	_ =	shalt  }
0x54: {  	_ =	shalt  }
0x55: {  	_ =	shalt  }
0x56: {  	_ =	shalt  }
0x57: {  	_ =	shalt  }
0x58: {  	_ =	shalt  }
0x59: {  	_ =	shalt  }
0x5a: {  	_ =	shalt  }
0x5b: {  	_ =	shalt  }
0x5c: {  	_ =	shalt  }
0x5d: {  	_ =	shalt  }
0x5e: {  	_ =	shalt  }
0x5f: {  	_ =	shalt  }
0x60: {  	_ =	shalt  }
0x61: {  	_ =	shalt  }
0x62: {  	_ =	shalt  }
0x63: {  	_ =	shalt  }
0x64: {  	_ =	shalt  }
0x65: {  	_ =	shalt  }
0x66: {  	_ =	shalt  }
0x67: {  	_ =	shalt  }
0x68: {  	_ =	shalt  }
0x69: {  	_ =	shalt  }
0x6a: {  	_ =	shalt  }
0x6b: {  	_ =	shalt  }
0x6c: {  	_ =	shalt  }
0x6d: {  	_ =	shalt  }
0x6e: {  	_ =	shalt  }
0x6f: {  	_ =	shalt  }
0x70: {  	_ =	shalt  }
0x71: {  	_ =	shalt  }
0x72: {  	_ =	shalt  }
0x73: {  	_ =	shalt  }
0x74: {  	_ =	shalt  }
0x75: {  	_ =	shalt  }
0x76: {  	_ =	shalt  }
0x77: {  	_ =	shalt  }
0x78: {  	_ =	shalt  }
0x79: {  	_ =	shalt  }
0x7a: {  	_ =	shalt  }
0x7b: {  	_ =	shalt  }
0x7c: {  	_ =	shalt  }
0x7d: {  	_ =	shalt  }
0x7e: {  	_ =	shalt  }
0x7f: {  	_ =	shalt  }
0x80: {  	_ =	shalt  }
0x81: {  	_ =	shalt  }
0x82: {  	_ =	shalt  }
0x83: {  	_ =	shalt  }
0x84: {  	_ =	shalt  }
0x85: {  	_ =	shalt  }
0x86: {  	_ =	shalt  }
0x87: {  	_ =	shalt  }
.Lfunc_end0:
.L_simem_size_0:
called_computation_lowered:
.L_overlay_start_0:
0x88: {  	s2 =	sld [smem:$0x3FD9]  }
0x89: {  	s3 =	sld [smem:$0x3FFE];
	_ =	sdelay $0x1  }
0x8a: {  	s1 =	srdreg.scid  }
0x8b: {  	s0 =	sand.u32 $0x1, s1  }
0x8c: {  	s17 =	sshll.u32 s0, $0xA;
	s2 =	sadd.s32 s3, s2  }
0x8d: {  	s2 =	sadd.s32 s2, s17  }
0x8e: {  	[smem:$0x3FBE] =	sst s2  }
0x8f: {  	_ = 	snop  }
0x90: {  	s2 =	sld [smem:$0x3FD0];
	(tm) =	ssettm $0x1  }
0x91: {  	s18 =	sld [smem:$0x3FFB];
	_ =	sdelay $0x3  }
0x92: {  	_ =	strace s18  }
0x93: {  	s3 =	sld [smem:$0x3FFC];
	_ =	sdelay $0x3  }
0x94: {  	_ =	strace s3  }
0x95: {  	s3 =	sld [smem:$0x3FFD];
	_ =	sdelay $0x3  }
0x96: {  	_ =	strace s3  }
0x97: {  	_ =	strace $0x8FFFFFFF  }
0x98: {  	s19 =	sld [smem:$0x3FDB];
	_ =	sdelay $0x1  }
0x99: {  	s4 =	simm.s32 $_scs_section_size  }
0x9a: {  	s5 =	simm.s32 $_size__tile_overlayer_lowered;
	s6 =	simm.s32 $_tile_overlayer_lowered  }
0x9b: {  	s22 =	simm.s32 $0x1BFF;
	s21 =	sshll.u32 s6, $0x1;
	s3 =	sadd.s32 s4, s19  }
0x9c: {  	s7 =	simm.s32 $0x0;
	s20 =	sshll.u32 s5, $0x1;
	s5 =	sadd.s32 s21, s3  }
0x9d: {  	[timem:s7], [sflag:s22] =	dma.local [hbm:s5], s20  }
0x9e: {  	_ =	swait.ge [sflag:s22], s20  }
0x9f: {  	s4 =	ssub.s32 $0x0, s20;
	[sflag:s22] =	ssyncset.done $0x0  }
0xa0: {  	[sflag:s22] =	ssyncadd.s32 s4;
	_ =	sdelay $0x1  }
0xa1: {  	s23 =	simm.s32 $0x1B8B  }
0xa2: {  	_ =	swait.ge [sflag:s23], $0x1  }
0xa3: {  	[sflag:s23] =	ssyncset.done $0x0  }
0xa4: {  	s25 =	simm.s32 $0x1B8E;
	s24 =	sld [smem:$0x3FFE];
	[sflag:s23] =	ssyncadd.s32 $0xFFFFFFFF  }
0xa5: {  	s26 =	simm.s32 $execute0_lowered;
	[smem:$0x3FD2] =	sst s25  }
0xa6: {  	s5 =	sshll.u32 s26, $0x1;
	_ =	strace $0x80000046;
	[dreg:$0x1] =	wrdreg $0xFFFFFFFF  }
0xa7: {  	s28 =	simm.s32 $_size_execute0_lowered;
	s3 =	sadd.s32 s3, s5;
	[dreg:$0x0] =	wrdreg $0x0  }
0xa8: {  	s5 =	sshll.u32 s28, $0x1;
	[dreg:$0x2] =	wrdreg s3  }
0xa9: {  	[dreg:$0x3] =	wrdreg s5  }
0xaa: {  	[dreg:$0x4] =	wrdreg $0xC0  }
0xab: {  	_ =	task [dreg:s7], $0x5FFFF  }
0xac: {  	[dreg:$0x1] =	wrdreg $0xFFFFFFFF  }
0xad: {  	[dreg:$0x0] =	wrdreg $0x60  }
0xae: {  	[dreg:$0x2] =	wrdreg s24  }
0xaf: {  	[dreg:$0x3] =	wrdreg s2  }
0xb0: {  	[dreg:$0x4] =	wrdreg $0x69800  }
0xb1: {  	[dreg:$0x5] =	wrdreg $0x9  }
0xb2: {  	_ =	task.clear_ibuf [dreg:s7], $0x6FFFF;
	_ =	strace $0x90000046  }
0xb3: {  	s29 =	simm.s32 $0x9;
	_ =	strace $0x80000048  }
0xb4: {  	_ =	swait.ge [sflag:s29], $0x1  }
0xb5: {  	[sflag:s29] =	ssyncadd.s32 $0xFFFFFFFF  }
0xb6: {  	_ =	strace $0x90000048  }
0xb7: {  	_ =	sfence  }
0xb8: {  	s30 =	sld [smem:$0x0];
	_ =	sdelay $0x2  }
0xb9: {  	s31 =	sshll.u32 s1, $0xD;
	s1 =	sshrl.u32 s1, $0x2  }
0xba: {  	s3 =	sand.u32 $0x4000, s31;
	s1 =	sadd.s32 s1, s30  }
0xbb: {  	s0 =	sor.u32 s3, s0;
	s1 =	sshll.u32 s1, $0x11  }
0xbc: {  	s0 =	sor.u32 s1, s0  }
0xbd: {  	s0 =	sadd.s32 $0x8F2B, s0  }
0xbe: {  	[sflag:s0] =	ssyncadd.remote.s32 $0x1  }
0xbf: {  	_ =	sfence.sel $0xFFFF  }
0xc0: {  	[dreg:$0x0] =	wrdreg $0xFFFFFFFF;
	(pc) =	sbr.abs _section_cstart, $3  }
0xc1: {  	[dreg:$0x1] =	wrdreg $0xFFFFFFFF  }
0xc2: {  	_ =	task.clear_ibuf [dreg:s7], $0x2FFFF;
	_ =	strace $0x9FFFFFFF  }
0xc3: {  	(tm) =	ssettm $0x7FFFFFFF  }
tec
execute0_lowered:
.L_overlay_start_1:
0x0: {  	(tag) =	ssettag $0x1  }
0x1: {  	s23 =	stileid.u32  }
0x2: {  	s0 =	srdreg.scid;
	s6 =	smul.u32 $0x2700, s23  }
0x3: {  	s0 =	sand.u32 $0x1, s0;
	s11 =	smul.u32 $0x280, s23  }
0x4: {  	s3 =	rddreg [dreg:$0x0];
	s5 =	smul.u32 $0x27100, s0  }
0x5: {  	s7 =	sshll.u32 s23, $0x3;
	s20 =	sshllo.u32 s23, $0x3;
	s8 =	smul.u32 $0x2710, s0  }
0x6: {  	s2 =	rddreg [dreg:$0x2];
	s10 =	sor.u32 $0x1, s7;
	s26 =	smul.u32 $0x50, s20  }
0x7: {  	s4 =	simm.s32 $0x0;
	s12 =	sor.u32 $0x2, s7;
	s13 =	smul.u32 $0x50, s10  }
0x8: {  	[smem:$0x7FF] =	sst s4;
	s16 =	sor.u32 $0x3, s7;
	s14 =	smul.u32 $0x50, s12  }
0x9: {  	s9 =	sadd.s32 $0x16A00, s3;
	s17 =	sor.u32 $0x4, s7;
	s15 =	smul.u32 $0x50, s16  }
0xa: {  	s21 =	sshll.u32 s23, $0x7;
	s19 =	sor.u32 $0x5, s7;
	s18 =	smul.u32 $0x50, s17  }
0xb: {  	p2 =	seq.s32 s23, $0xF;
	s7 =	sor.u32 $0x6, s7;
	s22 =	smul.u32 $0x50, s19  }
0xc: {  	p3 =	sgt.u32 s23, $0x1;
	_ =	strace $0x80000047;
	s25 =	smul.u32 $0x50, s7  }
0xd: {  	s0 =	ssub.s32 $0x2, s0;
	p1 =	sgt.u32 s20, $0x7C;
	s10 =	smul.u32 $0xA000, s10  }
0xe: {  	s1 =	sshrl.u32 s0, $0x1;
	s12 =	smul.u32 $0xA000, s12;
	p0 =	sgt.u32 s7, $0x7C  }
0xf: {  	s1 =	ssub.s32 s0, s1;
	s0 =	sadd.s32 s6, s5;
	s5 =	sadd.s32 s21, s5  }
0x10: {  	s11 =	sadd.s32 s11, s8;
	s21 =	smul.u32 $0x50000, s23;
	s13 =	sadd.s32 s8, s13  }
0x11: {  	s14 =	sadd.s32 s8, s14;
	s15 =	sadd.s32 s8, s15;
	s18 =	sadd.s32 s8, s18  }
0x12: {  	s22 =	sadd.s32 s8, s22;
	s6 =	sadd.s32 s8, s25;
	s8 =	sadd.s32 s8, s26  }
0x13: {  	s11 =	sshll.u32 s11, $0x4;
	s5 =	sshrl.u32 s5, $0x3;
	s30 =	sadd.s32 $0x180, s0  }
0x14: {  	s13 =	sshll.u32 s13, $0x4;
	s11 =	sadd.s32 s9, s11;
	s14 =	sshll.u32 s14, $0x4  }
0x15: {  	s15 =	sshll.u32 s15, $0x4;
	s18 =	sshll.u32 s18, $0x4;
	s26 =	sshll.u32 s22, $0x4  }
0x16: {  	s6 =	sshll.u32 s6, $0x4;
	[dreg:$0x4] =	wrdreg s11;
	s13 =	sadd.s32 s9, s13  }
0x17: {  	s8 =	sshll.u32 s8, $0x4;
	s11 =	sadd.s32 s9, s14;
	[dreg:$0x5] =	wrdreg s13  }
0x18: {  	s24 =	sadd.s32 s9, s15;
	s25 =	sadd.s32 s9, s18;
	[dreg:$0x6] =	wrdreg s11  }
0x19: {  	s6 =	sadd.s32 s9, s6;
	s14 =	smul.u32 $0xA000, s16;
	[dreg:$0x7] =	wrdreg s24  }
0x1a: {  	s18 =	sshrl.u32 s10, $0x2;
	s10 =	sadd.s32 $0x280, s0;
	[dreg:$0x8] =	wrdreg s25  }
0x1b: {  	s11 =	sadd.s32 s9, s26;
	[dreg:$0xa] =	wrdreg s6;
	s9 =	sadd.s32 s9, s8  }
0x1c: {  	s13 =	sadd.s32 $0x2800, s3;
	s3 =	sadd.s32 $0x16400, s3;
	s24 =	smul.u32 $0xA000, s19  }
0x1d: {  	s8 =	sshrl.u32 s12, $0x2;
	s16 =	sadd.s32 s18, s2;
	s25 =	smul.u32 $0xA000, s7  }
0x1e: {  	s26 =	smul.u32 $0xA000, s20;
	s12 =	sshrl.u32 s10, $0x3;
	[dreg:$0x9] =	wrdreg s11  }
0x1f: {  	s10 =	simm.s32 $0x0;
	[dreg:$0xb] =	wrdreg s9;
	s11 =	sshrl.u32 s21, $0x2  }
0x20: {  	[dreg:$0xc] =	wrdreg s3;
	s21 =	smul.u32 $0xA000, s17;
	s17 =	sadd.s32 s8, s2  }
0x21: {  	s3 =	sshrl.u32 s14, $0x2;
	s5 =	sadd.s32 s13, s5;
	s8 =	sshrl.u32 s0, $0x3  }
0x22: {  	s9 =	sor.u32 $0x80, s0;
	s28 =	sadd.s32 s12, s13;
	s15 =	sadd.s32 s11, s2  }
0x23: {  	s18 =	sadd.s32 s3, s2;
	s6 =	sshrl.u32 s24, $0x2;
	s3 =	sshrl.u32 s25, $0x2  }
0x24: {  	s7 =	sadd.s32 $0x4E00, s5;
	s24 =	smax.u32 s1, $0x1;
	s25 =	sadd.s32 s13, s8  }
0x25: {  	s1 =	sshrl.u32 s9, $0x3;
	s11 =	sadd.s32 $0x200, s0;
	s0 =	simm.s32 $0x4180  }
0x26: {  	s5 =	simm.s32 $0x80;
	s8 =	simm.s32 $0x2;
	s9 =	simm.s32 $0x3  }
0x27: {  	s22 =	sshrl.u32 s21, $0x2;
	s20 =	sadd.s32 s6, s2;
	s21 =	sadd.s32 s3, s2  }
0x28: {  	s6 =	sshrl.u32 s26, $0x2;
	[dreg:$0xd] =	wrdreg s7;
	s26 =	sadd.s32 s13, s1  }
0x29: {  	s14 =	sshrl.u32 s11, $0x3;
	s31 =	sadd.s32 $0x20, s25;
	s3 =	simm.s32 $0x4  }
0x2a: {  	s1 =	simm.s32 $0x180;
	s7 =	simm.s32 $0x1;
	s19 =	sadd.s32 s22, s2  }
0x2b: {  	s22 =	sadd.s32 s6, s2;
	s29 =	sadd.s32 s14, s13;
	s6 =	simm.s32 $0x100  }
.LBB2_1:
0x2c: {  	s11 =	rddreg [dreg:$0xc]  }
0x2d: {  	[tilespmem:s0], [sflag:$0x4] =	stream.linear.gather [hbm4b:s11+s4], $0x2800, $0x38;
	[tilespmem:$0x1A200] =	vst v63  }
0x2e: {  	_ =	swait.ge [sflag:s3], $0x2800  }
0x2f: {  	[sflag:s3] =	ssyncset.done $0x0  }
0x30: {  	[sflag:s3] =	ssyncadd.s32 $0xFFFFD800  }
0x31: {  	[spmem:s15] =	stream.linear.scatter [tilespmem:s0], [sflag:$0x4], $0x2800, $0x38;
	[tilespmem:$0x1A200] =	vst v63  }
0x32: {  	_ =	swait.ge [sflag:s3], $0x2800  }
0x33: {  	[sflag:s3] =	ssyncset.done $0x0  }
0x34: {  	[sflag:s3] =	ssyncadd.s32 $0xFFFFD800  }
0x35: {  	[spmem:s16] =	stream.linear.scatter [tilespmem:s0], [sflag:$0x4], $0x2800, $0x38;
	[tilespmem:$0x1A200] =	vst v63  }
0x36: {  	_ =	swait.ge [sflag:s3], $0x2800  }
0x37: {  	[sflag:s3] =	ssyncset.done $0x0  }
0x38: {  	[sflag:s3] =	ssyncadd.s32 $0xFFFFD800  }
0x39: {  	[spmem:s17] =	stream.linear.scatter [tilespmem:s0], [sflag:$0x4], $0x2800, $0x38;
	[tilespmem:$0x1A200] =	vst v63  }
0x3a: {  	_ =	swait.ge [sflag:s3], $0x2800  }
0x3b: {  	[sflag:s3] =	ssyncset.done $0x0  }
0x3c: {  	[sflag:s3] =	ssyncadd.s32 $0xFFFFD800  }
0x3d: {  	[spmem:s18] =	stream.linear.scatter [tilespmem:s0], [sflag:$0x4], $0x2800, $0x38;
	[tilespmem:$0x1A200] =	vst v63  }
0x3e: {  	_ =	swait.ge [sflag:s3], $0x2800  }
0x3f: {  	[sflag:s3] =	ssyncset.done $0x0  }
0x40: {  	[sflag:s3] =	ssyncadd.s32 $0xFFFFD800  }
0x41: {  	[spmem:s19] =	stream.linear.scatter [tilespmem:s0], [sflag:$0x4], $0x2800, $0x38;
	[tilespmem:$0x1A200] =	vst v63  }
0x42: {  	_ =	swait.ge [sflag:s3], $0x2800  }
0x43: {  	[sflag:s3] =	ssyncset.done $0x0  }
0x44: {  	s11 =	simm.s32 @!p2 $0x4180;
	[sflag:s3] =	ssyncadd.s32 $0xFFFFD800  }
0x45: {  	[spmem:s20] =	stream.linear.scatter @!p2 [tilespmem:s11], [sflag:$0x4], $0x2800, $0x38;
	[tilespmem:$0x1A200] =	vst v63  }
0x46: {  	s11 =	simm.s32 @!p2 $0x4  }
0x47: {  	_ =	swait.ge @!p2 [sflag:s11], $0x2800  }
0x48: {  	[sflag:s11] =	ssyncset.done @!p2 $0x0  }
0x49: {  	[sflag:s11] =	ssyncadd.s32 @!p2 $0xFFFFD800;
	s11 =	simm.s32 @!p0 $0x4180  }
0x4a: {  	[spmem:s21] =	stream.linear.scatter @!p0 [tilespmem:s11], [sflag:$0x4], $0x2800, $0x38;
	[tilespmem:$0x1A200] =	vst v63  }
0x4b: {  	s11 =	simm.s32 @!p0 $0x4  }
0x4c: {  	_ =	swait.ge @!p0 [sflag:s11], $0x2800  }
0x4d: {  	[sflag:s11] =	ssyncset.done @!p0 $0x0  }
0x4e: {  	[sflag:s11] =	ssyncadd.s32 @!p0 $0xFFFFD800;
	s11 =	simm.s32 @!p1 $0x4180  }
0x4f: {  	[spmem:s22] =	stream.linear.scatter @!p1 [tilespmem:s11], [sflag:$0x4], $0x2800, $0x38;
	[tilespmem:$0x1A200] =	vst v63  }
0x50: {  	s11 =	simm.s32 @!p1 $0x4  }
0x51: {  	_ =	swait.ge @!p1 [sflag:s11], $0x2800  }
0x52: {  	[sflag:s11] =	ssyncset.done @!p1 $0x0  }
0x53: {  	[sflag:s11] =	ssyncadd.s32 @!p1 $0xFFFFD800  }
0x54: {  	s11 =	rddreg [dreg:$0x1]  }
0x55: {  	[tilespmem:s1], [sflag:$0x4] =	stream.linear.gather [hbm4b:s11+s4], $0x4000, $0x38;
	[tilespmem:$0x1A200] =	vst v63  }
0x56: {  	_ =	swait.ge [sflag:s3], $0x4000  }
0x57: {  	[sflag:s3] =	ssyncset.done $0x0  }
0x58: {  	[sflag:s3] =	ssyncadd.s32 $0xFFFFC000  }
0x59: {  	[bflag:$0x0] =	sbarrier.arrive $0xFFFF  }
0x5a: {  	[tilespmem:s4], [sflag:$0x4] =	stream.linear.gather [hbm4b:s25+s4], $0x80, $0x38;
	[tilespmem:$0x1A200] =	vst v63  }
0x5b: {  	_ =	swait.ge [sflag:s3], $0x80  }
0x5c: {  	[sflag:s3] =	ssyncset.done $0x0  }
0x5d: {  	[sflag:s3] =	ssyncadd.s32 $0xFFFFFF80  }
0x5e: {  	[spmem:s2] =	stream.indirect.scatter.add.f32 [tilespmem:s1], [sflag:$0x1], $0x80, s4, s5, $0xb8;
	[tilespmem:$0x1A200] =	vst v63  }
0x5f: {  	_ = 	snop  }
0x60: {  	[tilespmem:s5], [sflag:$0x4] =	stream.linear.gather [hbm4b:s26+s4], $0x80, $0x38;
	[tilespmem:$0x1A200] =	vst v63  }
0x61: {  	_ =	swait.ge [sflag:s3], $0x80  }
0x62: {  	[sflag:s3] =	ssyncset.done $0x0  }
0x63: {  	[sflag:s3] =	ssyncadd.s32 $0xFFFFFF80  }
0x64: {  	[spmem:s2] =	stream.indirect.scatter.add.f32 [tilespmem:s1], [sflag:$0x2], $0x80, s5, s5, $0xb8;
	[tilespmem:$0x1A200] =	vst v63  }
0x65: {  	_ = 	snop  }
0x66: {  	[tilespmem:s6], [sflag:$0x4] =	stream.linear.gather [hbm4b:s31+s4], $0x80, $0x38;
	[tilespmem:$0x1A200] =	vst v63  }
0x67: {  	_ =	swait.ge [sflag:s3], $0x80  }
0x68: {  	[sflag:s3] =	ssyncset.done $0x0  }
0x69: {  	[sflag:s3] =	ssyncadd.s32 $0xFFFFFF80  }
0x6a: {  	[spmem:s2] =	stream.indirect.scatter.add.f32 [tilespmem:s1], [sflag:$0x3], $0x80, s6, s5, $0xb8;
	[tilespmem:$0x1A200] =	vst v63  }
0x6b: {  	_ =	swait.ge [sflag:s7], $0x4000  }
0x6c: {  	s12 =	sshrl.u32 s30, $0x3;
	[sflag:s7] =	ssyncset.done $0x0  }
0x6d: {  	s11 =	sadd.s32 s13, s12;
	[sflag:s7] =	ssyncadd.s32 $0xFFFFC000  }
0x6e: {  	[tilespmem:s4], [sflag:$0x4] =	stream.linear.gather [hbm4b:s11+s4], $0x80, $0x38;
	[tilespmem:$0x1A200] =	vst v63  }
0x6f: {  	_ =	swait.ge [sflag:s3], $0x80  }
0x70: {  	[sflag:s3] =	ssyncset.done $0x0  }
0x71: {  	[sflag:s3] =	ssyncadd.s32 $0xFFFFFF80  }
0x72: {  	[spmem:s2] =	stream.indirect.scatter.add.f32 [tilespmem:s1], [sflag:$0x1], $0x80, s4, s5, $0xb8;
	[tilespmem:$0x1A200] =	vst v63  }
0x73: {  	_ =	swait.ge [sflag:s8], $0x4000  }
0x74: {  	[sflag:s8] =	ssyncset.done $0x0  }
0x75: {  	s14 =	sadd.s32 $0x0, s29;
	[sflag:s8] =	ssyncadd.s32 $0xFFFFC000  }
0x76: {  	[tilespmem:s5], [sflag:$0x4] =	stream.linear.gather [hbm4b:s14+s4], $0x80, $0x38;
	[tilespmem:$0x1A200] =	vst v63  }
0x77: {  	_ =	swait.ge [sflag:s3], $0x80  }
0x78: {  	[sflag:s3] =	ssyncset.done $0x0  }
0x79: {  	[sflag:s3] =	ssyncadd.s32 $0xFFFFFF80  }
0x7a: {  	[spmem:s2] =	stream.indirect.scatter.add.f32 [tilespmem:s1], [sflag:$0x2], $0x80, s5, s5, $0xb8;
	[tilespmem:$0x1A200] =	vst v63  }
0x7b: {  	_ =	swait.ge [sflag:s9], $0x4000  }
0x7c: {  	[sflag:s9] =	ssyncset.done $0x0  }
0x7d: {  	s23 =	sadd.s32 $0x0, s28;
	[sflag:s9] =	ssyncadd.s32 $0xFFFFC000  }
0x7e: {  	[tilespmem:s6], [sflag:$0x4] =	stream.linear.gather [hbm4b:s23+s4], $0x80, $0x38;
	[tilespmem:$0x1A200] =	vst v63  }
0x7f: {  	_ =	swait.ge [sflag:s3], $0x80  }
0x80: {  	[sflag:s3] =	ssyncset.done $0x0  }
0x81: {  	s12 =	sadd.s32 $0x180, s30;
	s11 =	simm.s32 $0x30;
	[sflag:s3] =	ssyncadd.s32 $0xFFFFFF80  }
.LBB2_2:
0x82: {  	[spmem:s2] =	stream.indirect.scatter.add.f32 [tilespmem:s1], [sflag:$0x3], $0x80, s6, s5, $0xb8;
	[tilespmem:$0x1A200] =	vst v63  }
0x83: {  	s14 =	smov.u32 s11  }
0x84: {  	p4 =	sne.s32 s11, $0x480;
	s11 =	sadd.s32 $0x30, s11;
	_ =	swait.ge [sflag:s7], $0x4000  }
0x85: {  	s23 =	sshrl.u32 s12, $0x3;
	[sflag:s7] =	ssyncset.done $0x0  }
0x86: {  	s23 =	sadd.s32 s13, s23;
	[sflag:s7] =	ssyncadd.s32 $0xFFFFC000  }
0x87: {  	[tilespmem:s4], [sflag:$0x4] =	stream.linear.gather [hbm4b:s23+s4], $0x80, $0x38;
	[tilespmem:$0x1A200] =	vst v63  }
0x88: {  	_ =	swait.ge [sflag:s3], $0x80  }
0x89: {  	[sflag:s3] =	ssyncset.done $0x0  }
0x8a: {  	[sflag:s3] =	ssyncadd.s32 $0xFFFFFF80  }
0x8b: {  	[spmem:s2] =	stream.indirect.scatter.add.f32 [tilespmem:s1], [sflag:$0x1], $0x80, s4, s5, $0xb8;
	[tilespmem:$0x1A200] =	vst v63  }
0x8c: {  	_ =	swait.ge [sflag:s8], $0x4000  }
0x8d: {  	[sflag:s8] =	ssyncset.done $0x0  }
0x8e: {  	s23 =	sadd.s32 s14, s29;
	[sflag:s8] =	ssyncadd.s32 $0xFFFFC000  }
0x8f: {  	[tilespmem:s5], [sflag:$0x4] =	stream.linear.gather [hbm4b:s23+s4], $0x80, $0x38;
	[tilespmem:$0x1A200] =	vst v63  }
0x90: {  	_ =	swait.ge [sflag:s3], $0x80  }
0x91: {  	[sflag:s3] =	ssyncset.done $0x0  }
0x92: {  	[sflag:s3] =	ssyncadd.s32 $0xFFFFFF80  }
0x93: {  	[spmem:s2] =	stream.indirect.scatter.add.f32 [tilespmem:s1], [sflag:$0x2], $0x80, s5, s5, $0xb8;
	[tilespmem:$0x1A200] =	vst v63  }
0x94: {  	_ =	swait.ge [sflag:s9], $0x4000  }
0x95: {  	[sflag:s9] =	ssyncset.done $0x0  }
.Ltmp0:
0x96: {  	s14 =	sadd.s32 s14, s28;
	[sflag:s9] =	ssyncadd.s32 $0xFFFFC000;
	(pc) =	sbr.rel @p4 .LBB2_2-.Ltmp0, $4  }
0x97: {  	[tilespmem:s6], [sflag:$0x4] =	stream.linear.gather [hbm4b:s14+s4], $0x80, $0x38;
	[tilespmem:$0x1A200] =	vst v63  }
0x98: {  	_ =	swait.ge [sflag:s3], $0x80  }
0x99: {  	[sflag:s3] =	ssyncset.done $0x0  }
0x9a: {  	s12 =	sadd.s32 $0x180, s12;
	[sflag:s3] =	ssyncadd.s32 $0xFFFFFF80  }
0x9b: {  	[spmem:s2] =	stream.indirect.scatter.add.f32 [tilespmem:s1], [sflag:$0x3], $0x80, s6, s5, $0xb8;
	[tilespmem:$0x1A200] =	vst v63  }
0x9c: {  	s11 =	simm.s32 @!p3 $0x1  }
0x9d: {  	_ =	swait.ge @!p3 [sflag:s11], $0x4000  }
0x9e: {  	[sflag:s11] =	ssyncset.done @!p3 $0x0  }
0x9f: {  	s12 =	rddreg [dreg:$0xd];
	[sflag:s11] =	ssyncadd.s32 @!p3 $0xFFFFC000;
	s11 =	simm.s32 @!p3 $0x0  }
0xa0: {  	[tilespmem:s11], [sflag:$0x4] =	stream.linear.gather @!p3 [hbm4b:s12+s11], $0x80, $0x38;
	[tilespmem:$0x1A200] =	vst v63  }
0xa1: {  	s12 =	simm.s32 @!p3 $0x4  }
0xa2: {  	_ =	swait.ge @!p3 [sflag:s12], $0x80  }
0xa3: {  	[sflag:s12] =	ssyncset.done @!p3 $0x0  }
0xa4: {  	s14 =	simm.s32 @!p3 $0x180;
	[sflag:s12] =	ssyncadd.s32 @!p3 $0xFFFFFF80;
	s12 =	simm.s32 @!p3 $0x80  }
0xa5: {  	[spmem:s2] =	stream.indirect.scatter.add.f32 @!p3 [tilespmem:s14], [sflag:$0x1], $0x80, s11, s12, $0xb8;
	[tilespmem:$0x1A200] =	vst v63  }
0xa6: {  	_ =	swait.ge [sflag:s7], $0x4000  }
0xa7: {  	[sflag:s7] =	ssyncset.done $0x0  }
0xa8: {  	[sflag:s7] =	ssyncadd.s32 $0xFFFFC000  }
0xa9: {  	_ =	swait.ge [sflag:s8], $0x4000  }
0xaa: {  	[sflag:s8] =	ssyncset.done $0x0  }
0xab: {  	[sflag:s8] =	ssyncadd.s32 $0xFFFFC000  }
0xac: {  	_ =	swait.ge [sflag:s9], $0x4000  }
0xad: {  	[sflag:s9] =	ssyncset.done $0x0  }
0xae: {  	[sflag:s9] =	ssyncadd.s32 $0xFFFFC000  }
0xaf: {  	[bflag:$0x0] =	sbarrier.arrive $0xFFFF  }
0xb0: {  	[tilespmem:s0], [sflag:$0x4] =	stream.linear.gather [spmem:s15], $0x2800, $0x38;
	[tilespmem:$0x1A200] =	vst v63  }
0xb1: {  	_ =	swait.ge [sflag:s3], $0x2800  }
0xb2: {  	[sflag:s3] =	ssyncset.done $0x0  }
0xb3: {  	s14 =	rddreg [dreg:$0x4];
	[sflag:s3] =	ssyncadd.s32 $0xFFFFD800  }
0xb4: {  	[hbm4b:s14+s4] =	stream.linear.scatter [tilespmem:s0], [sflag:$0x4], $0x2800, $0x38;
	[tilespmem:$0x1A200] =	vst v63  }
0xb5: {  	_ =	swait.ge [sflag:s3], $0x2800  }
0xb6: {  	[sflag:s3] =	ssyncset.done $0x0  }
0xb7: {  	[sflag:s3] =	ssyncadd.s32 $0xFFFFD800  }
0xb8: {  	[tilespmem:s0], [sflag:$0x4] =	stream.linear.gather [spmem:s16], $0x2800, $0x38;
	[tilespmem:$0x1A200] =	vst v63  }
0xb9: {  	_ =	swait.ge [sflag:s3], $0x2800  }
0xba: {  	[sflag:s3] =	ssyncset.done $0x0  }
0xbb: {  	s23 =	rddreg [dreg:$0x5];
	[sflag:s3] =	ssyncadd.s32 $0xFFFFD800  }
0xbc: {  	[hbm4b:s23+s4] =	stream.linear.scatter [tilespmem:s0], [sflag:$0x4], $0x2800, $0x38;
	[tilespmem:$0x1A200] =	vst v63  }
0xbd: {  	_ =	swait.ge [sflag:s3], $0x2800  }
0xbe: {  	[sflag:s3] =	ssyncset.done $0x0  }
0xbf: {  	[sflag:s3] =	ssyncadd.s32 $0xFFFFD800  }
0xc0: {  	[tilespmem:s0], [sflag:$0x4] =	stream.linear.gather [spmem:s17], $0x2800, $0x38;
	[tilespmem:$0x1A200] =	vst v63  }
0xc1: {  	_ =	swait.ge [sflag:s3], $0x2800  }
0xc2: {  	[sflag:s3] =	ssyncset.done $0x0  }
0xc3: {  	s12 =	rddreg [dreg:$0x6];
	[sflag:s3] =	ssyncadd.s32 $0xFFFFD800  }
0xc4: {  	[hbm4b:s12+s4] =	stream.linear.scatter [tilespmem:s0], [sflag:$0x4], $0x2800, $0x38;
	[tilespmem:$0x1A200] =	vst v63  }
0xc5: {  	_ =	swait.ge [sflag:s3], $0x2800  }
0xc6: {  	[sflag:s3] =	ssyncset.done $0x0  }
0xc7: {  	[sflag:s3] =	ssyncadd.s32 $0xFFFFD800  }
0xc8: {  	[tilespmem:s0], [sflag:$0x4] =	stream.linear.gather [spmem:s18], $0x2800, $0x38;
	[tilespmem:$0x1A200] =	vst v63  }
0xc9: {  	_ =	swait.ge [sflag:s3], $0x2800  }
0xca: {  	[sflag:s3] =	ssyncset.done $0x0  }
0xcb: {  	s14 =	rddreg [dreg:$0x7];
	[sflag:s3] =	ssyncadd.s32 $0xFFFFD800  }
0xcc: {  	[hbm4b:s14+s4] =	stream.linear.scatter [tilespmem:s0], [sflag:$0x4], $0x2800, $0x38;
	[tilespmem:$0x1A200] =	vst v63  }
0xcd: {  	_ =	swait.ge [sflag:s3], $0x2800  }
0xce: {  	[sflag:s3] =	ssyncset.done $0x0  }
0xcf: {  	[sflag:s3] =	ssyncadd.s32 $0xFFFFD800  }
0xd0: {  	[tilespmem:s0], [sflag:$0x4] =	stream.linear.gather [spmem:s19], $0x2800, $0x38;
	[tilespmem:$0x1A200] =	vst v63  }
0xd1: {  	_ =	swait.ge [sflag:s3], $0x2800  }
0xd2: {  	[sflag:s3] =	ssyncset.done $0x0  }
0xd3: {  	s23 =	rddreg [dreg:$0x8];
	[sflag:s3] =	ssyncadd.s32 $0xFFFFD800  }
0xd4: {  	[hbm4b:s23+s4] =	stream.linear.scatter [tilespmem:s0], [sflag:$0x4], $0x2800, $0x38;
	[tilespmem:$0x1A200] =	vst v63  }
0xd5: {  	_ =	swait.ge [sflag:s3], $0x2800  }
0xd6: {  	[sflag:s3] =	ssyncset.done $0x0  }
0xd7: {  	s11 =	simm.s32 @!p2 $0x4180;
	s12 =	simm.s32 @!p2 $0x4;
	[sflag:s3] =	ssyncadd.s32 $0xFFFFD800  }
0xd8: {  	[tilespmem:s11], [sflag:$0x4] =	stream.linear.gather @!p2 [spmem:s20], $0x2800, $0x38;
	[tilespmem:$0x1A200] =	vst v63  }
0xd9: {  	_ =	swait.ge @!p2 [sflag:s12], $0x2800  }
0xda: {  	[sflag:s12] =	ssyncset.done @!p2 $0x0  }
0xdb: {  	s14 =	simm.s32 @!p2 $0x0;
	s23 =	rddreg [dreg:$0x9];
	[sflag:s12] =	ssyncadd.s32 @!p2 $0xFFFFD800  }
0xdc: {  	[hbm4b:s23+s14] =	stream.linear.scatter @!p2 [tilespmem:s11], [sflag:$0x4], $0x2800, $0x38;
	[tilespmem:$0x1A200] =	vst v63  }
0xdd: {  	_ =	swait.ge @!p2 [sflag:s12], $0x2800  }
0xde: {  	[sflag:s12] =	ssyncset.done @!p2 $0x0  }
0xdf: {  	s11 =	simm.s32 @!p0 $0x4180;
	[sflag:s12] =	ssyncadd.s32 @!p2 $0xFFFFD800;
	s12 =	simm.s32 @!p0 $0x4  }
0xe0: {  	[tilespmem:s11], [sflag:$0x4] =	stream.linear.gather @!p0 [spmem:s21], $0x2800, $0x38;
	[tilespmem:$0x1A200] =	vst v63  }
0xe1: {  	_ =	swait.ge @!p0 [sflag:s12], $0x2800  }
0xe2: {  	[sflag:s12] =	ssyncset.done @!p0 $0x0  }
0xe3: {  	s14 =	simm.s32 @!p0 $0x0;
	s23 =	rddreg [dreg:$0xa];
	[sflag:s12] =	ssyncadd.s32 @!p0 $0xFFFFD800  }
0xe4: {  	[hbm4b:s23+s14] =	stream.linear.scatter @!p0 [tilespmem:s11], [sflag:$0x4], $0x2800, $0x38;
	[tilespmem:$0x1A200] =	vst v63  }
0xe5: {  	_ =	swait.ge @!p0 [sflag:s12], $0x2800  }
0xe6: {  	[sflag:s12] =	ssyncset.done @!p0 $0x0  }
0xe7: {  	s11 =	simm.s32 @!p1 $0x4180;
	[sflag:s12] =	ssyncadd.s32 @!p0 $0xFFFFD800;
	s12 =	simm.s32 @!p1 $0x4  }
0xe8: {  	[tilespmem:s11], [sflag:$0x4] =	stream.linear.gather @!p1 [spmem:s22], $0x2800, $0x38;
	[tilespmem:$0x1A200] =	vst v63  }
0xe9: {  	s10 =	sadd.s32 $0x1, s10;
	_ =	swait.ge @!p1 [sflag:s12], $0x2800  }
0xea: {  	p4 =	sne.s32 s10, s24;
	s14 =	simm.s32 @!p1 $0x0;
	[sflag:s12] =	ssyncset.done @!p1 $0x0  }
.Ltmp1:
0xeb: {  	s23 =	rddreg [dreg:$0xb];
	[sflag:s12] =	ssyncadd.s32 @!p1 $0xFFFFD800;
	(pc) =	sbr.rel @p4 .LBB2_1-.Ltmp1, $4  }
0xec: {  	[hbm4b:s23+s14] =	stream.linear.scatter @!p1 [tilespmem:s11], [sflag:$0x4], $0x2800, $0x38;
	[tilespmem:$0x1A200] =	vst v63  }
0xed: {  	_ =	swait.ge @!p1 [sflag:s12], $0x2800  }
0xee: {  	[sflag:s12] =	ssyncset.done @!p1 $0x0  }
0xef: {  	[sflag:s12] =	ssyncadd.s32 @!p1 $0xFFFFD800  }
0xf0: {  	_ =	sfence.sel $0x180000  }
0xf1: {  	[bflag:$0x0] =	sbarrier.arrive $0xFFFF  }
0xf2: {  	_ =	strace $0x90000047  }
0xf3: {  	s0 =	stileid.u32;
	[bflag:$0x2] =	sbarrier.arrive $0xFFFF  }
0xf4: {  	p0 =	sne.s32 s0, $0x0;
	s0 =	rddreg [dreg:$0x3]  }
0xf5: {  	s0 =	sadd.s32 @!p0 $0x100000, s0  }
0xf6: {  	[sflag:s0] =	ssyncadd.tile.s32 @!p0 $0x1;
	_ =	shalt  }
.Lfunc_end2:
_tile_overlayer_lowered:
.L_overlay_start_2:
0xf7: {  	(tag) =	ssettag $0x2  }
0xf8: {  	s0 =	rddreg [dreg:$0x0];
	s2 =	stileid.u32  }
0xf9: {  	s1 =	rddreg [dreg:$0x1];
	p0 =	sne.s32 s2, $0x0  }
0xfa: {  	s3 =	rddreg [dreg:$0x2];
	[bflag:$0x3] =	sbarrier.arrive $0xFFFF;
	s2 =	simm.s32 @!p0 $0x1C04  }
0xfb: {  	[timem:s3], [sflag:s2] =	dma.local @!p0 [hbm:s0], s1  }
0xfc: {  	s0 =	simm.s32 @!p0 $0x4  }
0xfd: {  	_ =	swait.ge @!p0 [sflag:s0], s1  }
0xfe: {  	s1 =	ssub.s32 @!p0 $0x0, s1;
	[sflag:s0] =	ssyncset.done @!p0 $0x0  }
0xff: {  	[sflag:s0] =	ssyncadd.s32 @!p0 s1  }
0x100: {  	[bflag:$0x3] =	sbarrier.arrive $0xFFFF  }
0x101: {  	_ =	shalt  }

</sc_bundles>
